<compile_context>
chip_gen: v7x
topology: tpu7x:2x2x1
jax: 0.10.2.dev20260603
libtpu: 0.0.44.dev20260713+nightly
codegen_flags: <defaults>
</compile_context>

<pallas_src>
import functools

import jax
import jax.numpy as jnp
from jax import lax
from jax.experimental import pallas as pl
from jax.experimental.pallas import tpu as pltpu
from jax.experimental.pallas import tpu_sc as plsc

NC = 2
NS = 16
NW = NC * NS
C = 128
GRP = 32


def _fill(ref, n, value):
    def body(i, _):
        ref[pl.ds(i * 16, 16)] = jnp.full((16,), value, jnp.float32)
        return 0
    lax.fori_loop(0, n // 16, body, 0)


def _fill2d(ref, rows, cols, value):
    def body(i, _):
        r = i // (cols // 16)
        c = i % (cols // 16)
        ref[r, pl.ds(c * 16, 16)] = jnp.full((16,), value, jnp.float32)
        return 0
    lax.fori_loop(0, rows * (cols // 16), body, 0)


def _sc_degree(edge3, np_rows, base, rem):
    rows_per_tile = np_rows // NS
    full_groups, tail = base // GRP, base % GRP
    mesh = plsc.VectorSubcoreMesh(core_axis_name="c", subcore_axis_name="s")

    @functools.partial(
        pl.kernel,
        out_type=jax.ShapeDtypeStruct((NC, np_rows), jnp.float32),
        mesh=mesh,
        scratch_types=[
            pltpu.VMEM_SHARED((np_rows,), jnp.float32),
            pltpu.VMEM((GRP, 2, C), jnp.int32),
            pltpu.VMEM((C,), jnp.float32),
            pltpu.VMEM((rows_per_tile,), jnp.float32),
        ],
    )
    def deg_kernel(edge_hbm, out_hbm, acc, idx_v, ones_v, zeros_v):
        cid = lax.axis_index("c")
        sid = lax.axis_index("s")
        wid = cid * NS + sid
        start = base * wid + jnp.minimum(wid, rem)
        _fill(ones_v, C, 1.0)
        _fill(zeros_v, rows_per_tile, 0.0)
        pltpu.sync_copy(zeros_v, acc.at[pl.ds(sid * rows_per_tile, rows_per_tile)])
        plsc.subcore_barrier()

        def run(nchunks):
            def chunk(j, _):
                pltpu.sync_copy(ones_v, acc.at[idx_v.at[j, 1]], add=True)
                return 0
            lax.fori_loop(0, nchunks, chunk, 0)

        def group(gi, _):
            pltpu.sync_copy(edge_hbm.at[pl.ds(start + gi * GRP, GRP)], idx_v)
            run(GRP)
            return 0
        lax.fori_loop(0, full_groups, group, 0)
        if tail:
            pltpu.sync_copy(
                edge_hbm.at[pl.ds(start + full_groups * GRP, tail)],
                idx_v.at[pl.ds(0, tail)])
            run(tail)
        if rem:
            @pl.when(wid < rem)
            def _():
                pltpu.sync_copy(edge_hbm.at[pl.ds(start + base, 1)],
                                idx_v.at[pl.ds(0, 1)])
                pltpu.sync_copy(ones_v, acc.at[idx_v.at[0, 1]], add=True)
        plsc.subcore_barrier()
        pltpu.sync_copy(acc.at[pl.ds(sid * rows_per_tile, rows_per_tile)],
                        out_hbm.at[cid, pl.ds(sid * rows_per_tile, rows_per_tile)])

    return deg_kernel(edge3)


def _sc_aggregate(g, edge3, np_rows, base, rem, d):
    rows_per_tile = np_rows // NS
    full_groups, tail = base // GRP, base % GRP
    mesh = plsc.VectorSubcoreMesh(core_axis_name="c", subcore_axis_name="s")

    @functools.partial(
        pl.kernel,
        out_type=jax.ShapeDtypeStruct((NC, np_rows, d), jnp.float32),
        mesh=mesh,
        scratch_types=[
            pltpu.VMEM_SHARED((np_rows, d), jnp.float32),
            pltpu.VMEM((2, GRP, 2, C), jnp.int32),
            pltpu.VMEM((2, C, d), jnp.float32),
            pltpu.SemaphoreType.DMA,
            pltpu.SemaphoreType.DMA,
            pltpu.SemaphoreType.DMA,
        ],
    )
    def agg_kernel(g_hbm, edge_hbm, out_hbm, acc, idx_v, rows_v,
                   sem0, sem1, sem_i):
        cid = lax.axis_index("c")
        sid = lax.axis_index("s")
        wid = cid * NS + sid
        start = base * wid + jnp.minimum(wid, rem)

        _fill2d(rows_v.at[0], C, d, 0.0)
        zfull = rows_per_tile // C
        ztail = rows_per_tile - zfull * C
        for k in range(zfull):
            pltpu.async_copy(rows_v.at[0],
                             acc.at[pl.ds(sid * rows_per_tile + k * C, C)],
                             sem_i)
        if ztail:
            pltpu.async_copy(
                rows_v.at[0].at[pl.ds(0, ztail)],
                acc.at[pl.ds(sid * rows_per_tile + zfull * C, ztail)], sem_i)
        for k in range(zfull):
            pltpu.make_async_copy(
                rows_v.at[0],
                acc.at[pl.ds(sid * rows_per_tile + k * C, C)],
                sem_i).wait()
        if ztail:
            pltpu.make_async_copy(
                rows_v.at[0].at[pl.ds(0, ztail)],
                acc.at[pl.ds(sid * rows_per_tile + zfull * C, ztail)],
                sem_i).wait()
        plsc.subcore_barrier()

        def wait_gather(buf, sem):
            pltpu.make_async_copy(g_hbm.at[pl.ds(0, C)], buf, sem).wait()

        def pairs(iv, npairs):
            pltpu.async_copy(g_hbm.at[iv.at[0, 0]], rows_v.at[0], sem0)

            def pair(t, _):
                pltpu.async_copy(g_hbm.at[iv.at[2 * t + 1, 0]], rows_v.at[1],
                                 sem1)
                wait_gather(rows_v.at[0], sem0)
                pltpu.sync_copy(rows_v.at[0], acc.at[iv.at[2 * t, 1]],
                                add=True)

                @pl.when(t + 1 < npairs)
                def _():
                    pltpu.async_copy(g_hbm.at[iv.at[2 * t + 2, 0]],
                                     rows_v.at[0], sem0)
                wait_gather(rows_v.at[1], sem1)
                pltpu.sync_copy(rows_v.at[1], acc.at[iv.at[2 * t + 1, 1]],
                                add=True)
                return 0
            lax.fori_loop(0, npairs, pair, 0)

        pltpu.sync_copy(edge_hbm.at[pl.ds(start, GRP)], idx_v.at[0])

        def group(gi, _):
            s = gi % 2
            iv = idx_v.at[s]

            @pl.when(gi > 0)
            def _():
                pltpu.make_async_copy(edge_hbm.at[pl.ds(0, GRP)], iv,
                                      sem_i).wait()

            @pl.when(gi + 1 < full_groups)
            def _():
                pltpu.async_copy(
                    edge_hbm.at[pl.ds(start + (gi + 1) * GRP, GRP)],
                    idx_v.at[1 - s], sem_i)
            if tail:
                @pl.when(gi + 1 == full_groups)
                def _():
                    pltpu.async_copy(
                        edge_hbm.at[pl.ds(start + full_groups * GRP, tail)],
                        idx_v.at[1 - s].at[pl.ds(0, tail)], sem_i)
            pairs(iv, GRP // 2)
            return 0
        lax.fori_loop(0, full_groups, group, 0)

        if tail:
            s = full_groups % 2
            iv = idx_v.at[s]
            if full_groups:
                pltpu.make_async_copy(edge_hbm.at[pl.ds(0, tail)],
                                      iv.at[pl.ds(0, tail)], sem_i).wait()
            else:
                pltpu.sync_copy(edge_hbm.at[pl.ds(start, tail)],
                                iv.at[pl.ds(0, tail)])
            pairs(iv, tail // 2)
            if tail % 2:
                pltpu.async_copy(g_hbm.at[iv.at[tail - 1, 0]], rows_v.at[0],
                                 sem0)
                wait_gather(rows_v.at[0], sem0)
                pltpu.sync_copy(rows_v.at[0], acc.at[iv.at[tail - 1, 1]],
                                add=True)
        if rem:
            @pl.when(wid < rem)
            def _():
                pltpu.sync_copy(edge_hbm.at[pl.ds(start + base, 1)],
                                idx_v.at[0].at[pl.ds(0, 1)])
                pltpu.async_copy(g_hbm.at[idx_v.at[0, 0, 0]], rows_v.at[0],
                                 sem0)
                wait_gather(rows_v.at[0], sem0)
                pltpu.sync_copy(rows_v.at[0], acc.at[idx_v.at[0, 0, 1]],
                                add=True)
        plsc.subcore_barrier()
        pltpu.sync_copy(acc.at[pl.ds(sid * rows_per_tile, rows_per_tile)],
                        out_hbm.at[cid, pl.ds(sid * rows_per_tile, rows_per_tile)])

    return agg_kernel(g, edge3)


def _tc_matmul(x, w0, n, blk):
    din, dh = w0.shape

    def body(x_ref, w_ref, h_ref):
        h_ref[...] = jnp.dot(x_ref[...], w_ref[...],
                             preferred_element_type=jnp.float32)

    grid = (n // blk,)
    return pl.pallas_call(
        body,
        grid=grid,
        in_specs=[
            pl.BlockSpec((blk, din), lambda i: (i, 0)),
            pl.BlockSpec((din, dh), lambda i: (0, 0)),
        ],
        out_specs=pl.BlockSpec((blk, dh), lambda i: (i, 0)),
        out_shape=jax.ShapeDtypeStruct((n, dh), jnp.float32),
    )(x, w0)


def _tc_scale(degsum, h0, n, blk):
    dh = h0.shape[1]

    def body(deg_ref, h_ref, dinv_ref, g_ref):
        dv = lax.rsqrt(deg_ref[...] + 1.0)
        dinv_ref[...] = dv
        g_ref[...] = h_ref[...] * dv

    grid = (n // blk,)
    return pl.pallas_call(
        body,
        grid=grid,
        in_specs=[
            pl.BlockSpec((blk, 1), lambda i: (i, 0)),
            pl.BlockSpec((blk, dh), lambda i: (i, 0)),
        ],
        out_specs=[
            pl.BlockSpec((blk, 1), lambda i: (i, 0)),
            pl.BlockSpec((blk, dh), lambda i: (i, 0)),
        ],
        out_shape=[
            jax.ShapeDtypeStruct((n, 1), jnp.float32),
            jax.ShapeDtypeStruct((n, dh), jnp.float32),
        ],
    )(degsum, h0)


def _tc_mid(aggp, g, dinv, b, w, n, blk):
    d, dn = w.shape

    def body(aggp_ref, g_ref, dinv_ref, b_ref, w_ref, out_ref):
        s = aggp_ref[0] + aggp_ref[1] + g_ref[...]
        dv = dinv_ref[...]
        h = jnp.maximum(s * dv + b_ref[...][None, :], 0.0)
        out_ref[...] = jnp.dot(h, w_ref[...],
                               preferred_element_type=jnp.float32) * dv

    grid = (n // blk,)
    return pl.pallas_call(
        body,
        grid=grid,
        in_specs=[
            pl.BlockSpec((NC, blk, d), lambda i: (0, i, 0)),
            pl.BlockSpec((blk, d), lambda i: (i, 0)),
            pl.BlockSpec((blk, 1), lambda i: (i, 0)),
            pl.BlockSpec((d,), lambda i: (0,)),
            pl.BlockSpec((d, dn), lambda i: (0, 0)),
        ],
        out_specs=pl.BlockSpec((blk, dn), lambda i: (i, 0)),
        out_shape=jax.ShapeDtypeStruct((n, dn), jnp.float32),
    )(aggp, g, dinv, b, w)


def _tc_final(aggp, g, dinv, b, n, blk):
    d = g.shape[1]
    dout = b.shape[0]

    def body(aggp_ref, g_ref, dinv_ref, b_ref, out_ref):
        s = aggp_ref[0] + aggp_ref[1] + g_ref[...]
        v = (s * dinv_ref[...])[:, :dout] + b_ref[...][None, :]
        m = jnp.max(v, axis=-1, keepdims=True)
        e = v - m
        out_ref[...] = e - jnp.log(jnp.sum(jnp.exp(e), axis=-1, keepdims=True))

    grid = (n // blk,)
    return pl.pallas_call(
        body,
        grid=grid,
        in_specs=[
            pl.BlockSpec((NC, blk, d), lambda i: (0, i, 0)),
            pl.BlockSpec((blk, d), lambda i: (i, 0)),
            pl.BlockSpec((blk, 1), lambda i: (i, 0)),
            pl.BlockSpec((dout,), lambda i: (0,)),
        ],
        out_specs=pl.BlockSpec((blk, dout), lambda i: (i, 0)),
        out_shape=jax.ShapeDtypeStruct((n, dout), jnp.float32),
    )(aggp, g, dinv, b)


def kernel(x, edge_index, W0, b0, W1, b1, W2, b2):
    n, din = x.shape
    e = edge_index.shape[1]

    np_deg = ((n + 128 * NS - 1) // (128 * NS)) * (128 * NS)
    np_rows = ((n + 8 * NS - 1) // (8 * NS)) * (8 * NS)
    n_trash = np_rows - n

    e_chunks = e // C
    base, rem = e_chunks // NW, e_chunks % NW
    edge3 = edge_index.reshape(2, e_chunks, C).transpose(1, 0, 2)

    blk = 5000
    degp = _sc_degree(edge3, np_deg, base, rem)
    degsum = (degp[0] + degp[1]).reshape(np_deg, 1)
    dinv, g0 = _tc_scale(degsum, _tc_matmul(x, W0, n, blk), n, blk)
    a0 = _sc_aggregate(g0, edge3, np_rows, base, rem, W0.shape[1])
    g1 = _tc_mid(a0, g0, dinv, b0, W1, n, blk)
    a1 = _sc_aggregate(g1, edge3, np_rows, base, rem, W1.shape[1])
    W2p = jnp.pad(W2, ((0, 0), (0, 128 - W2.shape[1])))
    g2 = _tc_mid(a1, g1, dinv, b1, W2p, n, blk)
    a2 = _sc_aggregate(g2, edge3, np_rows, base, rem, W2p.shape[1])
    return _tc_final(a2, g2, dinv, b2, n, blk)

# --- scband reference (transcript-rebuilt; emitter-appended) ---
"""Pipeline reference for scband-gcn-24257975287859 (READ-ONLY COPY).

The authoritative reference and input builder live on the scoring server;
editing this copy changes nothing except your own understanding.
"""

import jax, jax.numpy as jnp
import numpy as np

N = 10000
E = 320000
DIN = 128
DH = 128
DOUT = 64


def glorot(key, shape):
    fan_in, fan_out = shape[0], shape[1]
    limit = float(np.sqrt(6.0 / (fan_in + fan_out)))
    return jax.random.uniform(key, shape, dtype=jnp.float32, minval=-limit, maxval=limit)


def gcn_conv(x, edge_index, W, b):
    # PyG GCNConv with normalize=True: add self-loops, sym-normalize, linear, scatter-add, bias
    n = x.shape[0]
    src = edge_index[0]
    dst = edge_index[1]
    loop = jnp.arange(n, dtype=src.dtype)
    src = jnp.concatenate([src, loop])
    dst = jnp.concatenate([dst, loop])
    ones = jnp.ones(src.shape[0], dtype=x.dtype)
    deg = jax.ops.segment_sum(ones, dst, num_segments=n)
    dinv = jnp.where(deg > 0, deg ** -0.5, 0.0)
    norm = dinv[src] * dinv[dst]
    h = x @ W
    msg = h[src] * norm[:, None]
    out = jax.ops.segment_sum(msg, dst, num_segments=n)
    return out + b


def setup_inputs(seed: int = 0) -> dict:
    key = jax.random.key(seed)
    ks = jax.random.split(key, 8)
    x = jax.random.normal(ks[0], (N, DIN), dtype=jnp.float32)
    edge_index = jax.random.randint(ks[1], (2, E), 0, N, dtype=jnp.int32)
    W0 = glorot(ks[2], (DIN, DH))
    b0 = jnp.zeros((DH,), dtype=jnp.float32)
    W1 = glorot(ks[3], (DH, DH))
    b1 = jnp.zeros((DH,), dtype=jnp.float32)
    W2 = glorot(ks[4], (DH, DOUT))
    b2 = jnp.zeros((DOUT,), dtype=jnp.float32)
    return {"x": x, "edge_index": edge_index, "W0": W0, "b0": b0, "W1": W1, "b1": b1, "W2": W2, "b2": b2}


def reference(x, edge_index, W0, b0, W1, b1, W2, b2):
    # eval mode: dropout is identity
    h = jax.nn.relu(gcn_conv(x, edge_index, W0, b0))
    h = jax.nn.relu(gcn_conv(h, edge_index, W1, b1))
    h = gcn_conv(h, edge_index, W2, b2)
    return jax.nn.log_softmax(h, axis=-1)

if __name__ == "__main__":
    import jax
    _d = setup_inputs()
    print(jax.jit(kernel)(*tuple(_d.values())))

</pallas_src>

<mosaic_0001>
#map = affine_map<(d0, d1) -> (0, 0)>
#map1 = affine_map<(d0, d1) -> (0, 0, 0)>
module attributes {stable_mosaic.version = 14 : i64} {
  func.func @agg_kernel(%arg0: i32, %arg1: i32, %arg2: memref<10000x128xf32, #tpu.memory_space<hbm>>, %arg3: memref<2500x2x128xi32, #tpu.memory_space<hbm>>, %arg4: memref<2x10112x128xf32, #tpu.memory_space<hbm>>, %arg5: memref<10112x128xf32, #tpu.memory_space<vmem_shared>>, %arg6: memref<2x32x2x128xi32, #tpu.memory_space<vmem>>, %arg7: memref<2x128x128xf32, #tpu.memory_space<vmem>>, %arg8: memref<!tpu.dma_semaphore, #tpu.memory_space<semaphore_mem>>, %arg9: memref<!tpu.dma_semaphore, #tpu.memory_space<semaphore_mem>>, %arg10: memref<!tpu.dma_semaphore, #tpu.memory_space<semaphore_mem>>) attributes {dimension_semantics = [#tpu.dimension_semantics<core_parallel>, #tpu.dimension_semantics<subcore_parallel>], iteration_bounds = array<i64: 2, 16>, scalar_prefetch = 0 : i64, scratch_operands = 6 : i64, tpu.core_type = #tpu.core_type<sc_vector_subcore>, window_params = [{transform_indices = #map}, {transform_indices = #map1}, {transform_indices = #map1}]} {
    %mul3A = arith.constant 16 : i32
    %mul3A_0 = arith.muli %arg0, %mul3A : i32
    %add3A = arith.addi %mul3A_0, %arg1 : i32
    %mul3A_1 = arith.constant 78 : i32
    %mul3A_2 = arith.muli %mul3A_1, %add3A : i32
    %min3A = arith.constant 4 : i32
    %min3A_3 = arith.minsi %add3A, %min3A : i32
    %add3A_4 = arith.addi %mul3A_2, %min3A_3 : i32
    %scan3A = arith.constant 0 : i32
    %scan3A_5 = arith.constant 0 : i32
    %scan3A_6 = arith.constant 0 : i32
    %scan3A_7 = arith.constant 1024 : i32
    %scan3A_8 = arith.addi %scan3A_6, %scan3A_7 : i32
    %scan3A_9 = arith.constant 1 : i32
    %scan3A_10 = scf.for %scan3A_260 = %scan3A_6 to %scan3A_8 step %scan3A_9 iter_args(%scan3A_261 = %scan3A_5) -> (i32)  : i32 {
      %jit3A = arith.constant 8 : i32
      %div3A = arith.divsi %scan3A_260, %jit3A : i32
      %sign3A = arith.constant 0 : i32
      %sign3A_262 = arith.cmpi sgt, %scan3A_260, %sign3A : i32
      %sign3A_263 = arith.extui %sign3A_262 : i1 to i32
      %sign3A_264 = arith.constant 0 : i32
      %sign3A_265 = arith.cmpi slt, %scan3A_260, %sign3A_264 : i32
      %sign3A_266 = arith.extui %sign3A_265 : i1 to i32
      %sign3A_267 = arith.subi %sign3A_263, %sign3A_266 : i32
      %sign3A_268 = arith.constant 0 : i32
      %sign3A_269 = arith.cmpi sgt, %jit3A, %sign3A_268 : i32
      %sign3A_270 = arith.extui %sign3A_269 : i1 to i32
      %sign3A_271 = arith.constant 0 : i32
      %sign3A_272 = arith.cmpi slt, %jit3A, %sign3A_271 : i32
      %sign3A_273 = arith.extui %sign3A_272 : i1 to i32
      %sign3A_274 = arith.subi %sign3A_270, %sign3A_273 : i32
      %ne3A = arith.cmpi ne, %sign3A_267, %sign3A_274 : i32
      %rem3A = arith.remsi %scan3A_260, %jit3A : i32
      %ne3A_275 = arith.constant 0 : i32
      %ne3A_276 = arith.cmpi ne, %rem3A, %ne3A_275 : i32
      %and3A = arith.andi %ne3A, %ne3A_276 : i1
      %sub3A = arith.constant 1 : i32
      %sub3A_277 = arith.subi %div3A, %sub3A : i32
      %select_n3A = arith.select %and3A, %sub3A_277, %div3A : i32
      %jit3A_278 = arith.constant 8 : i32
      %eq3A = arith.constant 0 : i32
      %eq3A_279 = arith.cmpi eq, %jit3A_278, %eq3A : i32
      %jit3A_280 = arith.constant 1 : i32
      %select_n3A_281 = arith.select %eq3A_279, %jit3A_280, %jit3A_278 : i32
      %rem3A_282 = arith.remsi %scan3A_260, %select_n3A_281 : i32
      %ne3A_283 = arith.constant 0 : i32
      %ne3A_284 = arith.cmpi ne, %rem3A_282, %ne3A_283 : i32
      %lt3A_285 = arith.constant 0 : i32
      %lt3A_286 = arith.cmpi slt, %rem3A_282, %lt3A_285 : i32
      %lt3A_287 = arith.constant 0 : i32
      %lt3A_288 = arith.cmpi slt, %select_n3A_281, %lt3A_287 : i32
      %ne3A_289 = arith.xori %lt3A_286, %lt3A_288 : i1
      %and3A_290 = arith.andi %ne3A_289, %ne3A_284 : i1
      %add3A_291 = arith.addi %rem3A_282, %select_n3A_281 : i32
      %select_n3A_292 = arith.select %and3A_290, %add3A_291, %rem3A_282 : i32
      %broadcast_in_dim3A = arith.constant 0.000000e+00 : f32
      %broadcast_in_dim3A_293 = vector.broadcast %broadcast_in_dim3A : f32 to vector<16xf32>
      %mul3A_294 = arith.constant 16 : i32
      %mul3A_295 = arith.muli %select_n3A_292, %mul3A_294 : i32
      %swap3A = arith.constant 0 : i32
      %swap3A_296 = arith.constant 0 : i32
      %swap3A_297 = tpu.memref_slice %arg7[%scan3A, %swap3A, %swap3A_296] : memref<2x128x128xf32, #tpu.memory_space<vmem>> -> memref<1x128x128xf32, #tpu.memory_space<vmem>>
      %swap3A_298 = tpu.memref_squeeze %swap3A_297 : memref<1x128x128xf32, #tpu.memory_space<vmem>> -> memref<128x128xf32, #tpu.memory_space<vmem>>
      %swap3A_299 = arith.index_cast %select_n3A : i32 to index
      %swap3A_300 = arith.index_cast %mul3A_295 : i32 to index
      %swap3A_301 = tpu.vector_load %swap3A_298[%swap3A_299, %swap3A_300] {strides = array<i32>} : memref<128x128xf32, #tpu.memory_space<vmem>>, vector<1x16xf32>,
      %swap3A_302 = vector.shape_cast %swap3A_301 : vector<1x16xf32> to vector<16xf32>
      %swap3A_303 = vector.shape_cast %broadcast_in_dim3A_293 : vector<16xf32> to vector<1x16xf32>
      tpu.vector_store %swap3A_298[%swap3A_299, %swap3A_300], %swap3A_303 {strides = array<i32>} : memref<128x128xf32, #tpu.memory_space<vmem>>, vector<1x16xf32>,
      %scan3A_304 = arith.constant 0 : i32
      scf.yield %scan3A_304 : i32
    }
    %scan3A_11 = arith.constant 1024 : i32
    %mul3A_12 = arith.constant 632 : i32
    %mul3A_13 = arith.muli %arg1, %mul3A_12 : i32
    %add3A_14 = arith.constant 0 : i32
    %add3A_15 = arith.addi %mul3A_13, %add3A_14 : i32
    %dma_start3A = arith.constant 0 : i32
    %dma_start3A_16 = arith.constant 0 : i32
    %dma_start3A_17 = arith.constant 0 : i32
    %dma_start3A_18 = tpu.memref_slice %arg7[%dma_start3A, %dma_start3A_16, %dma_start3A_17] : memref<2x128x128xf32, #tpu.memory_space<vmem>> -> memref<1x128x128xf32, #tpu.memory_space<vmem>>
    %dma_start3A_19 = tpu.memref_squeeze %dma_start3A_18 : memref<1x128x128xf32, #tpu.memory_space<vmem>> -> memref<128x128xf32, #tpu.memory_space<vmem>>
    %dma_start3A_20 = arith.constant 0 : i32
    %dma_start3A_21 = tpu.memref_slice %arg5[%add3A_15, %dma_start3A_20] : memref<10112x128xf32, #tpu.memory_space<vmem_shared>> -> memref<128x128xf32, #tpu.memory_space<vmem_shared>>
    %dma_start3A_22 = arith.constant 0 : i32
    %dma_start3A_23 = tpu.memref_slice %arg5[%add3A_15, %dma_start3A_22] : memref<10112x128xf32, #tpu.memory_space<vmem_shared>> -> memref<128x128xf32, #tpu.memory_space<vmem_shared>>
    %dma_start3A_24 = arith.constant 0 : i32
    %dma_start3A_25 = arith.constant 0 : i32
    %dma_start3A_26 = tpu.memref_slice %arg7[%dma_start3A, %dma_start3A_24, %dma_start3A_25] : memref<2x128x128xf32, #tpu.memory_space<vmem>> -> memref<1x128x128xf32, #tpu.memory_space<vmem>>
    %dma_start3A_27 = tpu.memref_squeeze %dma_start3A_26 : memref<1x128x128xf32, #tpu.memory_space<vmem>> -> memref<128x128xf32, #tpu.memory_space<vmem>>
    tpu.enqueue_dma source(%dma_start3A_27 : memref<128x128xf32, #tpu.memory_space<vmem>>) target(%dma_start3A_23 : memref<128x128xf32, #tpu.memory_space<vmem_shared>>) target_semaphore(%arg10 : memref<!tpu.dma_semaphore, #tpu.memory_space<semaphore_mem>>)
    %mul3A_28 = arith.constant 632 : i32
    %mul3A_29 = arith.muli %arg1, %mul3A_28 : i32
    %add3A_30 = arith.constant 128 : i32
    %add3A_31 = arith.addi %mul3A_29, %add3A_30 : i32
    %dma_start3A_32 = arith.constant 0 : i32
    %dma_start3A_33 = arith.constant 0 : i32
    %dma_start3A_34 = arith.constant 0 : i32
    %dma_start3A_35 = tpu.memref_slice %arg7[%dma_start3A_32, %dma_start3A_33, %dma_start3A_34] : memref<2x128x128xf32, #tpu.memory_space<vmem>> -> memref<1x128x128xf32, #tpu.memory_space<vmem>>
    %dma_start3A_36 = tpu.memref_squeeze %dma_start3A_35 : memref<1x128x128xf32, #tpu.memory_space<vmem>> -> memref<128x128xf32, #tpu.memory_space<vmem>>
    %dma_start3A_37 = arith.constant 0 : i32
    %dma_start3A_38 = tpu.memref_slice %arg5[%add3A_31, %dma_start3A_37] : memref<10112x128xf32, #tpu.memory_space<vmem_shared>> -> memref<128x128xf32, #tpu.memory_space<vmem_shared>>
    %dma_start3A_39 = arith.constant 0 : i32
    %dma_start3A_40 = tpu.memref_slice %arg5[%add3A_31, %dma_start3A_39] : memref<10112x128xf32, #tpu.memory_space<vmem_shared>> -> memref<128x128xf32, #tpu.memory_space<vmem_shared>>
    %dma_start3A_41 = arith.constant 0 : i32
    %dma_start3A_42 = arith.constant 0 : i32
    %dma_start3A_43 = tpu.memref_slice %arg7[%dma_start3A_32, %dma_start3A_41, %dma_start3A_42] : memref<2x128x128xf32, #tpu.memory_space<vmem>> -> memref<1x128x128xf32, #tpu.memory_space<vmem>>
    %dma_start3A_44 = tpu.memref_squeeze %dma_start3A_43 : memref<1x128x128xf32, #tpu.memory_space<vmem>> -> memref<128x128xf32, #tpu.memory_space<vmem>>
    tpu.enqueue_dma source(%dma_start3A_44 : memref<128x128xf32, #tpu.memory_space<vmem>>) target(%dma_start3A_40 : memref<128x128xf32, #tpu.memory_space<vmem_shared>>) target_semaphore(%arg10 : memref<!tpu.dma_semaphore, #tpu.memory_space<semaphore_mem>>)
    %mul3A_45 = arith.constant 632 : i32
    %mul3A_46 = arith.muli %arg1, %mul3A_45 : i32
    %add3A_47 = arith.constant 256 : i32
    %add3A_48 = arith.addi %mul3A_46, %add3A_47 : i32
    %dma_start3A_49 = arith.constant 0 : i32
    %dma_start3A_50 = arith.constant 0 : i32
    %dma_start3A_51 = arith.constant 0 : i32
    %dma_start3A_52 = tpu.memref_slice %arg7[%dma_start3A_49, %dma_start3A_50, %dma_start3A_51] : memref<2x128x128xf32, #tpu.memory_space<vmem>> -> memref<1x128x128xf32, #tpu.memory_space<vmem>>
    %dma_start3A_53 = tpu.memref_squeeze %dma_start3A_52 : memref<1x128x128xf32, #tpu.memory_space<vmem>> -> memref<128x128xf32, #tpu.memory_space<vmem>>
    %dma_start3A_54 = arith.constant 0 : i32
    %dma_start3A_55 = tpu.memref_slice %arg5[%add3A_48, %dma_start3A_54] : memref<10112x128xf32, #tpu.memory_space<vmem_shared>> -> memref<128x128xf32, #tpu.memory_space<vmem_shared>>
    %dma_start3A_56 = arith.constant 0 : i32
    %dma_start3A_57 = tpu.memref_slice %arg5[%add3A_48, %dma_start3A_56] : memref<10112x128xf32, #tpu.memory_space<vmem_shared>> -> memref<128x128xf32, #tpu.memory_space<vmem_shared>>
    %dma_start3A_58 = arith.constant 0 : i32
    %dma_start3A_59 = arith.constant 0 : i32
    %dma_start3A_60 = tpu.memref_slice %arg7[%dma_start3A_49, %dma_start3A_58, %dma_start3A_59] : memref<2x128x128xf32, #tpu.memory_space<vmem>> -> memref<1x128x128xf32, #tpu.memory_space<vmem>>
    %dma_start3A_61 = tpu.memref_squeeze %dma_start3A_60 : memref<1x128x128xf32, #tpu.memory_space<vmem>> -> memref<128x128xf32, #tpu.memory_space<vmem>>
    tpu.enqueue_dma source(%dma_start3A_61 : memref<128x128xf32, #tpu.memory_space<vmem>>) target(%dma_start3A_57 : memref<128x128xf32, #tpu.memory_space<vmem_shared>>) target_semaphore(%arg10 : memref<!tpu.dma_semaphore, #tpu.memory_space<semaphore_mem>>)
    %mul3A_62 = arith.constant 632 : i32
    %mul3A_63 = arith.muli %arg1, %mul3A_62 : i32
    %add3A_64 = arith.constant 384 : i32
    %add3A_65 = arith.addi %mul3A_63, %add3A_64 : i32
    %dma_start3A_66 = arith.constant 0 : i32
    %dma_start3A_67 = arith.constant 0 : i32
    %dma_start3A_68 = arith.constant 0 : i32
    %dma_start3A_69 = tpu.memref_slice %arg7[%dma_start3A_66, %dma_start3A_67, %dma_start3A_68] : memref<2x128x128xf32, #tpu.memory_space<vmem>> -> memref<1x128x128xf32, #tpu.memory_space<vmem>>
    %dma_start3A_70 = tpu.memref_squeeze %dma_start3A_69 : memref<1x128x128xf32, #tpu.memory_space<vmem>> -> memref<128x128xf32, #tpu.memory_space<vmem>>
    %dma_start3A_71 = arith.constant 0 : i32
    %dma_start3A_72 = tpu.memref_slice %arg5[%add3A_65, %dma_start3A_71] : memref<10112x128xf32, #tpu.memory_space<vmem_shared>> -> memref<128x128xf32, #tpu.memory_space<vmem_shared>>
    %dma_start3A_73 = arith.constant 0 : i32
    %dma_start3A_74 = tpu.memref_slice %arg5[%add3A_65, %dma_start3A_73] : memref<10112x128xf32, #tpu.memory_space<vmem_shared>> -> memref<128x128xf32, #tpu.memory_space<vmem_shared>>
    %dma_start3A_75 = arith.constant 0 : i32
    %dma_start3A_76 = arith.constant 0 : i32
    %dma_start3A_77 = tpu.memref_slice %arg7[%dma_start3A_66, %dma_start3A_75, %dma_start3A_76] : memref<2x128x128xf32, #tpu.memory_space<vmem>> -> memref<1x128x128xf32, #tpu.memory_space<vmem>>
    %dma_start3A_78 = tpu.memref_squeeze %dma_start3A_77 : memref<1x128x128xf32, #tpu.memory_space<vmem>> -> memref<128x128xf32, #tpu.memory_space<vmem>>
    tpu.enqueue_dma source(%dma_start3A_78 : memref<128x128xf32, #tpu.memory_space<vmem>>) target(%dma_start3A_74 : memref<128x128xf32, #tpu.memory_space<vmem_shared>>) target_semaphore(%arg10 : memref<!tpu.dma_semaphore, #tpu.memory_space<semaphore_mem>>)
    %mul3A_79 = arith.constant 632 : i32
    %mul3A_80 = arith.muli %arg1, %mul3A_79 : i32
    %add3A_81 = arith.constant 512 : i32
    %add3A_82 = arith.addi %mul3A_80, %add3A_81 : i32
    %dma_start3A_83 = arith.constant 0 : i32
    %dma_start3A_84 = arith.constant 0 : i32
    %dma_start3A_85 = arith.constant 0 : i32
    %dma_start3A_86 = tpu.memref_slice %arg7[%dma_start3A_83, %dma_start3A_84, %dma_start3A_85] : memref<2x128x128xf32, #tpu.memory_space<vmem>> -> memref<1x128x128xf32, #tpu.memory_space<vmem>>
    %dma_start3A_87 = tpu.memref_squeeze %dma_start3A_86 : memref<1x128x128xf32, #tpu.memory_space<vmem>> -> memref<128x128xf32, #tpu.memory_space<vmem>>
    %dma_start3A_88 = arith.constant 0 : i32
    %dma_start3A_89 = arith.constant 0 : i32
    %dma_start3A_90 = tpu.memref_slice %dma_start3A_87[%dma_start3A_88, %dma_start3A_89] : memref<128x128xf32, #tpu.memory_space<vmem>> -> memref<120x128xf32, #tpu.memory_space<vmem>>
    %dma_start3A_91 = arith.constant 0 : i32
    %dma_start3A_92 = tpu.memref_slice %arg5[%add3A_82, %dma_start3A_91] : memref<10112x128xf32, #tpu.memory_space<vmem_shared>> -> memref<120x128xf32, #tpu.memory_space<vmem_shared>>
    %dma_start3A_93 = arith.constant 0 : i32
    %dma_start3A_94 = tpu.memref_slice %arg5[%add3A_82, %dma_start3A_93] : memref<10112x128xf32, #tpu.memory_space<vmem_shared>> -> memref<120x128xf32, #tpu.memory_space<vmem_shared>>
    %dma_start3A_95 = arith.constant 0 : i32
    %dma_start3A_96 = arith.constant 0 : i32
    %dma_start3A_97 = tpu.memref_slice %arg7[%dma_start3A_83, %dma_start3A_95, %dma_start3A_96] : memref<2x128x128xf32, #tpu.memory_space<vmem>> -> memref<1x128x128xf32, #tpu.memory_space<vmem>>
    %dma_start3A_98 = tpu.memref_squeeze %dma_start3A_97 : memref<1x128x128xf32, #tpu.memory_space<vmem>> -> memref<128x128xf32, #tpu.memory_space<vmem>>
    %dma_start3A_99 = arith.constant 0 : i32
    %dma_start3A_100 = arith.constant 0 : i32
    %dma_start3A_101 = tpu.memref_slice %dma_start3A_98[%dma_start3A_99, %dma_start3A_100] : memref<128x128xf32, #tpu.memory_space<vmem>> -> memref<120x128xf32, #tpu.memory_space<vmem>>
    tpu.enqueue_dma source(%dma_start3A_101 : memref<120x128xf32, #tpu.memory_space<vmem>>) target(%dma_start3A_94 : memref<120x128xf32, #tpu.memory_space<vmem_shared>>) target_semaphore(%arg10 : memref<!tpu.dma_semaphore, #tpu.memory_space<semaphore_mem>>)
    %mul3A_102 = arith.constant 632 : i32
    %mul3A_103 = arith.muli %arg1, %mul3A_102 : i32
    %add3A_104 = arith.constant 0 : i32
    %add3A_105 = arith.addi %mul3A_103, %add3A_104 : i32
    %dma_wait3A = arith.constant 0 : i32
    %dma_wait3A_106 = arith.constant 0 : i32
    %dma_wait3A_107 = arith.constant 0 : i32
    %dma_wait3A_108 = tpu.memref_slice %arg7[%dma_wait3A, %dma_wait3A_106, %dma_wait3A_107] : memref<2x128x128xf32, #tpu.memory_space<vmem>> -> memref<1x128x128xf32, #tpu.memory_space<vmem>>
    %dma_wait3A_109 = tpu.memref_squeeze %dma_wait3A_108 : memref<1x128x128xf32, #tpu.memory_space<vmem>> -> memref<128x128xf32, #tpu.memory_space<vmem>>
    %dma_wait3A_110 = arith.constant 0 : i32
    %dma_wait3A_111 = tpu.memref_slice %arg5[%add3A_105, %dma_wait3A_110] : memref<10112x128xf32, #tpu.memory_space<vmem_shared>> -> memref<128x128xf32, #tpu.memory_space<vmem_shared>>
    %dma_wait3A_112 = arith.constant 0 : i32
    %dma_wait3A_113 = tpu.memref_slice %arg5[%add3A_105, %dma_wait3A_112] : memref<10112x128xf32, #tpu.memory_space<vmem_shared>> -> memref<128x128xf32, #tpu.memory_space<vmem_shared>>
    %dma_wait3A_114 = arith.constant 0 : i32
    %dma_wait3A_115 = arith.constant 0 : i32
    %dma_wait3A_116 = tpu.memref_slice %arg7[%dma_wait3A, %dma_wait3A_114, %dma_wait3A_115] : memref<2x128x128xf32, #tpu.memory_space<vmem>> -> memref<1x128x128xf32, #tpu.memory_space<vmem>>
    %dma_wait3A_117 = tpu.memref_squeeze %dma_wait3A_116 : memref<1x128x128xf32, #tpu.memory_space<vmem>> -> memref<128x128xf32, #tpu.memory_space<vmem>>
    tpu.wait_dma2 semaphore(%arg10 : memref<!tpu.dma_semaphore, #tpu.memory_space<semaphore_mem>>) src(%dma_wait3A_117 : memref<128x128xf32, #tpu.memory_space<vmem>>) dst(%dma_wait3A_113 : memref<128x128xf32, #tpu.memory_space<vmem_shared>>)
    %mul3A_118 = arith.constant 632 : i32
    %mul3A_119 = arith.muli %arg1, %mul3A_118 : i32
    %add3A_120 = arith.constant 128 : i32
    %add3A_121 = arith.addi %mul3A_119, %add3A_120 : i32
    %dma_wait3A_122 = arith.constant 0 : i32
    %dma_wait3A_123 = arith.constant 0 : i32
    %dma_wait3A_124 = arith.constant 0 : i32
    %dma_wait3A_125 = tpu.memref_slice %arg7[%dma_wait3A_122, %dma_wait3A_123, %dma_wait3A_124] : memref<2x128x128xf32, #tpu.memory_space<vmem>> -> memref<1x128x128xf32, #tpu.memory_space<vmem>>
    %dma_wait3A_126 = tpu.memref_squeeze %dma_wait3A_125 : memref<1x128x128xf32, #tpu.memory_space<vmem>> -> memref<128x128xf32, #tpu.memory_space<vmem>>
    %dma_wait3A_127 = arith.constant 0 : i32
    %dma_wait3A_128 = tpu.memref_slice %arg5[%add3A_121, %dma_wait3A_127] : memref<10112x128xf32, #tpu.memory_space<vmem_shared>> -> memref<128x128xf32, #tpu.memory_space<vmem_shared>>
    %dma_wait3A_129 = arith.constant 0 : i32
    %dma_wait3A_130 = tpu.memref_slice %arg5[%add3A_121, %dma_wait3A_129] : memref<10112x128xf32, #tpu.memory_space<vmem_shared>> -> memref<128x128xf32, #tpu.memory_space<vmem_shared>>
    %dma_wait3A_131 = arith.constant 0 : i32
    %dma_wait3A_132 = arith.constant 0 : i32
    %dma_wait3A_133 = tpu.memref_slice %arg7[%dma_wait3A_122, %dma_wait3A_131, %dma_wait3A_132] : memref<2x128x128xf32, #tpu.memory_space<vmem>> -> memref<1x128x128xf32, #tpu.memory_space<vmem>>
    %dma_wait3A_134 = tpu.memref_squeeze %dma_wait3A_133 : memref<1x128x128xf32, #tpu.memory_space<vmem>> -> memref<128x128xf32, #tpu.memory_space<vmem>>
    tpu.wait_dma2 semaphore(%arg10 : memref<!tpu.dma_semaphore, #tpu.memory_space<semaphore_mem>>) src(%dma_wait3A_134 : memref<128x128xf32, #tpu.memory_space<vmem>>) dst(%dma_wait3A_130 : memref<128x128xf32, #tpu.memory_space<vmem_shared>>)
    %mul3A_135 = arith.constant 632 : i32
    %mul3A_136 = arith.muli %arg1, %mul3A_135 : i32
    %add3A_137 = arith.constant 256 : i32
    %add3A_138 = arith.addi %mul3A_136, %add3A_137 : i32
    %dma_wait3A_139 = arith.constant 0 : i32
    %dma_wait3A_140 = arith.constant 0 : i32
    %dma_wait3A_141 = arith.constant 0 : i32
    %dma_wait3A_142 = tpu.memref_slice %arg7[%dma_wait3A_139, %dma_wait3A_140, %dma_wait3A_141] : memref<2x128x128xf32, #tpu.memory_space<vmem>> -> memref<1x128x128xf32, #tpu.memory_space<vmem>>
    %dma_wait3A_143 = tpu.memref_squeeze %dma_wait3A_142 : memref<1x128x128xf32, #tpu.memory_space<vmem>> -> memref<128x128xf32, #tpu.memory_space<vmem>>
    %dma_wait3A_144 = arith.constant 0 : i32
    %dma_wait3A_145 = tpu.memref_slice %arg5[%add3A_138, %dma_wait3A_144] : memref<10112x128xf32, #tpu.memory_space<vmem_shared>> -> memref<128x128xf32, #tpu.memory_space<vmem_shared>>
    %dma_wait3A_146 = arith.constant 0 : i32
    %dma_wait3A_147 = tpu.memref_slice %arg5[%add3A_138, %dma_wait3A_146] : memref<10112x128xf32, #tpu.memory_space<vmem_shared>> -> memref<128x128xf32, #tpu.memory_space<vmem_shared>>
    %dma_wait3A_148 = arith.constant 0 : i32
    %dma_wait3A_149 = arith.constant 0 : i32
    %dma_wait3A_150 = tpu.memref_slice %arg7[%dma_wait3A_139, %dma_wait3A_148, %dma_wait3A_149] : memref<2x128x128xf32, #tpu.memory_space<vmem>> -> memref<1x128x128xf32, #tpu.memory_space<vmem>>
    %dma_wait3A_151 = tpu.memref_squeeze %dma_wait3A_150 : memref<1x128x128xf32, #tpu.memory_space<vmem>> -> memref<128x128xf32, #tpu.memory_space<vmem>>
    tpu.wait_dma2 semaphore(%arg10 : memref<!tpu.dma_semaphore, #tpu.memory_space<semaphore_mem>>) src(%dma_wait3A_151 : memref<128x128xf32, #tpu.memory_space<vmem>>) dst(%dma_wait3A_147 : memref<128x128xf32, #tpu.memory_space<vmem_shared>>)
    %mul3A_152 = arith.constant 632 : i32
    %mul3A_153 = arith.muli %arg1, %mul3A_152 : i32
    %add3A_154 = arith.constant 384 : i32
    %add3A_155 = arith.addi %mul3A_153, %add3A_154 : i32
    %dma_wait3A_156 = arith.constant 0 : i32
    %dma_wait3A_157 = arith.constant 0 : i32
    %dma_wait3A_158 = arith.constant 0 : i32
    %dma_wait3A_159 = tpu.memref_slice %arg7[%dma_wait3A_156, %dma_wait3A_157, %dma_wait3A_158] : memref<2x128x128xf32, #tpu.memory_space<vmem>> -> memref<1x128x128xf32, #tpu.memory_space<vmem>>
    %dma_wait3A_160 = tpu.memref_squeeze %dma_wait3A_159 : memref<1x128x128xf32, #tpu.memory_space<vmem>> -> memref<128x128xf32, #tpu.memory_space<vmem>>
    %dma_wait3A_161 = arith.constant 0 : i32
    %dma_wait3A_162 = tpu.memref_slice %arg5[%add3A_155, %dma_wait3A_161] : memref<10112x128xf32, #tpu.memory_space<vmem_shared>> -> memref<128x128xf32, #tpu.memory_space<vmem_shared>>
    %dma_wait3A_163 = arith.constant 0 : i32
    %dma_wait3A_164 = tpu.memref_slice %arg5[%add3A_155, %dma_wait3A_163] : memref<10112x128xf32, #tpu.memory_space<vmem_shared>> -> memref<128x128xf32, #tpu.memory_space<vmem_shared>>
    %dma_wait3A_165 = arith.constant 0 : i32
    %dma_wait3A_166 = arith.constant 0 : i32
    %dma_wait3A_167 = tpu.memref_slice %arg7[%dma_wait3A_156, %dma_wait3A_165, %dma_wait3A_166] : memref<2x128x128xf32, #tpu.memory_space<vmem>> -> memref<1x128x128xf32, #tpu.memory_space<vmem>>
    %dma_wait3A_168 = tpu.memref_squeeze %dma_wait3A_167 : memref<1x128x128xf32, #tpu.memory_space<vmem>> -> memref<128x128xf32, #tpu.memory_space<vmem>>
    tpu.wait_dma2 semaphore(%arg10 : memref<!tpu.dma_semaphore, #tpu.memory_space<semaphore_mem>>) src(%dma_wait3A_168 : memref<128x128xf32, #tpu.memory_space<vmem>>) dst(%dma_wait3A_164 : memref<128x128xf32, #tpu.memory_space<vmem_shared>>)
    %mul3A_169 = arith.constant 632 : i32
    %mul3A_170 = arith.muli %arg1, %mul3A_169 : i32
    %add3A_171 = arith.constant 512 : i32
    %add3A_172 = arith.addi %mul3A_170, %add3A_171 : i32
    %dma_wait3A_173 = arith.constant 0 : i32
    %dma_wait3A_174 = arith.constant 0 : i32
    %dma_wait3A_175 = arith.constant 0 : i32
    %dma_wait3A_176 = tpu.memref_slice %arg7[%dma_wait3A_173, %dma_wait3A_174, %dma_wait3A_175] : memref<2x128x128xf32, #tpu.memory_space<vmem>> -> memref<1x128x128xf32, #tpu.memory_space<vmem>>
    %dma_wait3A_177 = tpu.memref_squeeze %dma_wait3A_176 : memref<1x128x128xf32, #tpu.memory_space<vmem>> -> memref<128x128xf32, #tpu.memory_space<vmem>>
    %dma_wait3A_178 = arith.constant 0 : i32
    %dma_wait3A_179 = arith.constant 0 : i32
    %dma_wait3A_180 = tpu.memref_slice %dma_wait3A_177[%dma_wait3A_178, %dma_wait3A_179] : memref<128x128xf32, #tpu.memory_space<vmem>> -> memref<120x128xf32, #tpu.memory_space<vmem>>
    %dma_wait3A_181 = arith.constant 0 : i32
    %dma_wait3A_182 = tpu.memref_slice %arg5[%add3A_172, %dma_wait3A_181] : memref<10112x128xf32, #tpu.memory_space<vmem_shared>> -> memref<120x128xf32, #tpu.memory_space<vmem_shared>>
    %dma_wait3A_183 = arith.constant 0 : i32
    %dma_wait3A_184 = tpu.memref_slice %arg5[%add3A_172, %dma_wait3A_183] : memref<10112x128xf32, #tpu.memory_space<vmem_shared>> -> memref<120x128xf32, #tpu.memory_space<vmem_shared>>
    %dma_wait3A_185 = arith.constant 0 : i32
    %dma_wait3A_186 = arith.constant 0 : i32
    %dma_wait3A_187 = tpu.memref_slice %arg7[%dma_wait3A_173, %dma_wait3A_185, %dma_wait3A_186] : memref<2x128x128xf32, #tpu.memory_space<vmem>> -> memref<1x128x128xf32, #tpu.memory_space<vmem>>
    %dma_wait3A_188 = tpu.memref_squeeze %dma_wait3A_187 : memref<1x128x128xf32, #tpu.memory_space<vmem>> -> memref<128x128xf32, #tpu.memory_space<vmem>>
    %dma_wait3A_189 = arith.constant 0 : i32
    %dma_wait3A_190 = arith.constant 0 : i32
    %dma_wait3A_191 = tpu.memref_slice %dma_wait3A_188[%dma_wait3A_189, %dma_wait3A_190] : memref<128x128xf32, #tpu.memory_space<vmem>> -> memref<120x128xf32, #tpu.memory_space<vmem>>
    tpu.wait_dma2 semaphore(%arg10 : memref<!tpu.dma_semaphore, #tpu.memory_space<semaphore_mem>>) src(%dma_wait3A_191 : memref<120x128xf32, #tpu.memory_space<vmem>>) dst(%dma_wait3A_184 : memref<120x128xf32, #tpu.memory_space<vmem_shared>>)
    %barrier3A = arith.constant 0 : index
    tpu.barrier barrier_id(%barrier3A)
    %run_scoped3A = arith.constant 0 : i32
    "tpu.region"() ({
      %run_scoped3A_260 = tpu.sem_alloc : memref<!tpu.dma_semaphore, #tpu.memory_space<semaphore_mem>>
      %dma_start3A_261 = arith.constant 0 : i32
      %dma_start3A_262 = arith.constant 0 : i32
      %dma_start3A_263 = arith.constant 0 : i32
      %dma_start3A_264 = tpu.memref_slice %arg6[%run_scoped3A, %dma_start3A_261, %dma_start3A_262, %dma_start3A_263] : memref<2x32x2x128xi32, #tpu.memory_space<vmem>> -> memref<1x32x2x128xi32, #tpu.memory_space<vmem>>
      %dma_start3A_265 = tpu.memref_squeeze %dma_start3A_264 : memref<1x32x2x128xi32, #tpu.memory_space<vmem>> -> memref<32x2x128xi32, #tpu.memory_space<vmem>>
      %dma_start3A_266 = arith.constant 0 : i32
      %dma_start3A_267 = arith.constant 0 : i32
      %dma_start3A_268 = tpu.memref_slice %arg3[%add3A_4, %dma_start3A_266, %dma_start3A_267] : memref<2500x2x128xi32, #tpu.memory_space<hbm>> -> memref<32x2x128xi32, #tpu.memory_space<hbm>>
      %dma_start3A_269 = arith.constant 0 : i32
      %dma_start3A_270 = arith.constant 0 : i32
      %dma_start3A_271 = arith.constant 0 : i32
      %dma_start3A_272 = tpu.memref_slice %arg6[%run_scoped3A, %dma_start3A_269, %dma_start3A_270, %dma_start3A_271] : memref<2x32x2x128xi32, #tpu.memory_space<vmem>> -> memref<1x32x2x128xi32, #tpu.memory_space<vmem>>
      %dma_start3A_273 = tpu.memref_squeeze %dma_start3A_272 : memref<1x32x2x128xi32, #tpu.memory_space<vmem>> -> memref<32x2x128xi32, #tpu.memory_space<vmem>>
      %dma_start3A_274 = arith.constant 0 : i32
      %dma_start3A_275 = arith.constant 0 : i32
      %dma_start3A_276 = tpu.memref_slice %arg3[%add3A_4, %dma_start3A_274, %dma_start3A_275] : memref<2500x2x128xi32, #tpu.memory_space<hbm>> -> memref<32x2x128xi32, #tpu.memory_space<hbm>>
      tpu.enqueue_dma source(%dma_start3A_276 : memref<32x2x128xi32, #tpu.memory_space<hbm>>) target(%dma_start3A_273 : memref<32x2x128xi32, #tpu.memory_space<vmem>>) target_semaphore(%run_scoped3A_260 : memref<!tpu.dma_semaphore, #tpu.memory_space<semaphore_mem>>)
      %dma_wait3A_277 = arith.constant 0 : i32
      %dma_wait3A_278 = arith.constant 0 : i32
      %dma_wait3A_279 = arith.constant 0 : i32
      %dma_wait3A_280 = tpu.memref_slice %arg6[%run_scoped3A, %dma_wait3A_277, %dma_wait3A_278, %dma_wait3A_279] : memref<2x32x2x128xi32, #tpu.memory_space<vmem>> -> memref<1x32x2x128xi32, #tpu.memory_space<vmem>>
      %dma_wait3A_281 = tpu.memref_squeeze %dma_wait3A_280 : memref<1x32x2x128xi32, #tpu.memory_space<vmem>> -> memref<32x2x128xi32, #tpu.memory_space<vmem>>
      %dma_wait3A_282 = arith.constant 0 : i32
      %dma_wait3A_283 = arith.constant 0 : i32
      %dma_wait3A_284 = tpu.memref_slice %arg3[%add3A_4, %dma_wait3A_282, %dma_wait3A_283] : memref<2500x2x128xi32, #tpu.memory_space<hbm>> -> memref<32x2x128xi32, #tpu.memory_space<hbm>>
      %dma_wait3A_285 = arith.constant 0 : i32
      %dma_wait3A_286 = arith.constant 0 : i32
      %dma_wait3A_287 = arith.constant 0 : i32
      %dma_wait3A_288 = tpu.memref_slice %arg6[%run_scoped3A, %dma_wait3A_285, %dma_wait3A_286, %dma_wait3A_287] : memref<2x32x2x128xi32, #tpu.memory_space<vmem>> -> memref<1x32x2x128xi32, #tpu.memory_space<vmem>>
      %dma_wait3A_289 = tpu.memref_squeeze %dma_wait3A_288 : memref<1x32x2x128xi32, #tpu.memory_space<vmem>> -> memref<32x2x128xi32, #tpu.memory_space<vmem>>
      %dma_wait3A_290 = arith.constant 0 : i32
      %dma_wait3A_291 = arith.constant 0 : i32
      %dma_wait3A_292 = tpu.memref_slice %arg3[%add3A_4, %dma_wait3A_290, %dma_wait3A_291] : memref<2500x2x128xi32, #tpu.memory_space<hbm>> -> memref<32x2x128xi32, #tpu.memory_space<hbm>>
      tpu.wait_dma2 semaphore(%run_scoped3A_260 : memref<!tpu.dma_semaphore, #tpu.memory_space<semaphore_mem>>) src(%dma_wait3A_292 : memref<32x2x128xi32, #tpu.memory_space<hbm>>) dst(%dma_wait3A_289 : memref<32x2x128xi32, #tpu.memory_space<vmem>>)
      tpu.yield
    }) : () -> ()
    %scan3A_192 = arith.constant 0 : i32
    %scan3A_193 = arith.constant 0 : i32
    %scan3A_194 = arith.constant 2 : i32
    %scan3A_195 = arith.addi %scan3A_193, %scan3A_194 : i32
    %scan3A_196 = arith.constant 1 : i32
    %scan3A_197 = scf.for %scan3A_260 = %scan3A_193 to %scan3A_195 step %scan3A_196 iter_args(%scan3A_261 = %scan3A_192) -> (i32)  : i32 {
      %jit3A = arith.constant 2 : i32
      %eq3A = arith.constant 0 : i32
      %eq3A_262 = arith.cmpi eq, %jit3A, %eq3A : i32
      %jit3A_263 = arith.constant 1 : i32
      %select_n3A = arith.select %eq3A_262, %jit3A_263, %jit3A : i32
      %rem3A = arith.remsi %scan3A_260, %select_n3A : i32
      %ne3A = arith.constant 0 : i32
      %ne3A_264 = arith.cmpi ne, %rem3A, %ne3A : i32
      %lt3A_265 = arith.constant 0 : i32
      %lt3A_266 = arith.cmpi slt, %rem3A, %lt3A_265 : i32
      %lt3A_267 = arith.constant 0 : i32
      %lt3A_268 = arith.cmpi slt, %select_n3A, %lt3A_267 : i32
      %ne3A_269 = arith.xori %lt3A_266, %lt3A_268 : i1
      %and3A = arith.andi %ne3A_269, %ne3A_264 : i1
      %add3A_270 = arith.addi %rem3A, %select_n3A : i32
      %select_n3A_271 = arith.select %and3A, %add3A_270, %rem3A : i32
      %gt3A = arith.constant 0 : i32
      %gt3A_272 = arith.cmpi sgt, %scan3A_260, %gt3A : i32
      %convert_element_type3A_273 = arith.extui %gt3A_272 : i1 to i32
      %cond3A_274 = arith.constant 0 : i32
      %cond3A_275 = arith.cmpi ne, %convert_element_type3A_273, %cond3A_274 : i32
      scf.if %cond3A_275 {
        %dma_wait3A_316 = arith.constant 0 : i32
        %dma_wait3A_317 = arith.constant 0 : i32
        %dma_wait3A_318 = arith.constant 0 : i32
        %dma_wait3A_319 = tpu.memref_slice %arg6[%select_n3A_271, %dma_wait3A_316, %dma_wait3A_317, %dma_wait3A_318] : memref<2x32x2x128xi32, #tpu.memory_space<vmem>> -> memref<1x32x2x128xi32, #tpu.memory_space<vmem>>
        %dma_wait3A_320 = tpu.memref_squeeze %dma_wait3A_319 : memref<1x32x2x128xi32, #tpu.memory_space<vmem>> -> memref<32x2x128xi32, #tpu.memory_space<vmem>>
        %dma_wait3A_321 = arith.constant 0 : i32
        %dma_wait3A_322 = arith.constant 0 : i32
        %dma_wait3A_323 = arith.constant 0 : i32
        %dma_wait3A_324 = tpu.memref_slice %arg3[%dma_wait3A_321, %dma_wait3A_322, %dma_wait3A_323] : memref<2500x2x128xi32, #tpu.memory_space<hbm>> -> memref<32x2x128xi32, #tpu.memory_space<hbm>>
        %dma_wait3A_325 = arith.constant 0 : i32
        %dma_wait3A_326 = arith.constant 0 : i32
        %dma_wait3A_327 = arith.constant 0 : i32
        %dma_wait3A_328 = tpu.memref_slice %arg6[%select_n3A_271, %dma_wait3A_325, %dma_wait3A_326, %dma_wait3A_327] : memref<2x32x2x128xi32, #tpu.memory_space<vmem>> -> memref<1x32x2x128xi32, #tpu.memory_space<vmem>>
        %dma_wait3A_329 = tpu.memref_squeeze %dma_wait3A_328 : memref<1x32x2x128xi32, #tpu.memory_space<vmem>> -> memref<32x2x128xi32, #tpu.memory_space<vmem>>
        %dma_wait3A_330 = arith.constant 0 : i32
        %dma_wait3A_331 = arith.constant 0 : i32
        %dma_wait3A_332 = arith.constant 0 : i32
        %dma_wait3A_333 = tpu.memref_slice %arg3[%dma_wait3A_330, %dma_wait3A_331, %dma_wait3A_332] : memref<2500x2x128xi32, #tpu.memory_space<hbm>> -> memref<32x2x128xi32, #tpu.memory_space<hbm>>
        tpu.wait_dma2 semaphore(%arg10 : memref<!tpu.dma_semaphore, #tpu.memory_space<semaphore_mem>>) src(%dma_wait3A_333 : memref<32x2x128xi32, #tpu.memory_space<hbm>>) dst(%dma_wait3A_329 : memref<32x2x128xi32, #tpu.memory_space<vmem>>)
      } else {
      }
      %add3A_276 = arith.constant 1 : i32
      %add3A_277 = arith.addi %scan3A_260, %add3A_276 : i32
      %lt3A_278 = arith.constant 2 : i32
      %lt3A_279 = arith.cmpi slt, %add3A_277, %lt3A_278 : i32
      %convert_element_type3A_280 = arith.extui %lt3A_279 : i1 to i32
      %cond3A_281 = arith.constant 0 : i32
      %cond3A_282 = arith.cmpi ne, %convert_element_type3A_280, %cond3A_281 : i32
      scf.if %cond3A_282 {
        %add3A_316 = arith.constant 1 : i32
        %add3A_317 = arith.addi %scan3A_260, %add3A_316 : i32
        %mul3A_318 = arith.constant 32 : i32
        %mul3A_319 = arith.muli %add3A_317, %mul3A_318 : i32
        %add3A_320 = arith.addi %add3A_4, %mul3A_319 : i32
        %sub3A = arith.constant 1 : i32
        %sub3A_321 = arith.subi %sub3A, %select_n3A_271 : i32
        %dma_start3A_322 = arith.constant 0 : i32
        %dma_start3A_323 = arith.constant 0 : i32
        %dma_start3A_324 = arith.constant 0 : i32
        %dma_start3A_325 = tpu.memref_slice %arg6[%sub3A_321, %dma_start3A_322, %dma_start3A_323, %dma_start3A_324] : memref<2x32x2x128xi32, #tpu.memory_space<vmem>> -> memref<1x32x2x128xi32, #tpu.memory_space<vmem>>
        %dma_start3A_326 = tpu.memref_squeeze %dma_start3A_325 : memref<1x32x2x128xi32, #tpu.memory_space<vmem>> -> memref<32x2x128xi32, #tpu.memory_space<vmem>>
        %dma_start3A_327 = arith.constant 0 : i32
        %dma_start3A_328 = arith.constant 0 : i32
        %dma_start3A_329 = tpu.memref_slice %arg3[%add3A_320, %dma_start3A_327, %dma_start3A_328] : memref<2500x2x128xi32, #tpu.memory_space<hbm>> -> memref<32x2x128xi32, #tpu.memory_space<hbm>>
        %dma_start3A_330 = arith.constant 0 : i32
        %dma_start3A_331 = arith.constant 0 : i32
        %dma_start3A_332 = arith.constant 0 : i32
        %dma_start3A_333 = tpu.memref_slice %arg6[%sub3A_321, %dma_start3A_330, %dma_start3A_331, %dma_start3A_332] : memref<2x32x2x128xi32, #tpu.memory_space<vmem>> -> memref<1x32x2x128xi32, #tpu.memory_space<vmem>>
        %dma_start3A_334 = tpu.memref_squeeze %dma_start3A_333 : memref<1x32x2x128xi32, #tpu.memory_space<vmem>> -> memref<32x2x128xi32, #tpu.memory_space<vmem>>
        %dma_start3A_335 = arith.constant 0 : i32
        %dma_start3A_336 = arith.constant 0 : i32
        %dma_start3A_337 = tpu.memref_slice %arg3[%add3A_320, %dma_start3A_335, %dma_start3A_336] : memref<2500x2x128xi32, #tpu.memory_space<hbm>> -> memref<32x2x128xi32, #tpu.memory_space<hbm>>
        tpu.enqueue_dma source(%dma_start3A_337 : memref<32x2x128xi32, #tpu.memory_space<hbm>>) target(%dma_start3A_334 : memref<32x2x128xi32, #tpu.memory_space<vmem>>) target_semaphore(%arg10 : memref<!tpu.dma_semaphore, #tpu.memory_space<semaphore_mem>>)
      } else {
      }
      %add3A_283 = arith.constant 1 : i32
      %add3A_284 = arith.addi %scan3A_260, %add3A_283 : i32
      %eq3A_285 = arith.constant 2 : i32
      %eq3A_286 = arith.cmpi eq, %add3A_284, %eq3A_285 : i32
      %convert_element_type3A_287 = arith.extui %eq3A_286 : i1 to i32
      %cond3A_288 = arith.constant 0 : i32
      %cond3A_289 = arith.cmpi ne, %convert_element_type3A_287, %cond3A_288 : i32
      scf.if %cond3A_289 {
        %add3A_316 = arith.constant 64 : i32
        %add3A_317 = arith.addi %add3A_4, %add3A_316 : i32
        %sub3A = arith.constant 1 : i32
        %sub3A_318 = arith.subi %sub3A, %select_n3A_271 : i32
        %dma_start3A_319 = arith.constant 0 : i32
        %dma_start3A_320 = arith.constant 0 : i32
        %dma_start3A_321 = arith.constant 0 : i32
        %dma_start3A_322 = tpu.memref_slice %arg6[%sub3A_318, %dma_start3A_319, %dma_start3A_320, %dma_start3A_321] : memref<2x32x2x128xi32, #tpu.memory_space<vmem>> -> memref<1x32x2x128xi32, #tpu.memory_space<vmem>>
        %dma_start3A_323 = tpu.memref_squeeze %dma_start3A_322 : memref<1x32x2x128xi32, #tpu.memory_space<vmem>> -> memref<32x2x128xi32, #tpu.memory_space<vmem>>
        %dma_start3A_324 = arith.constant 0 : i32
        %dma_start3A_325 = arith.constant 0 : i32
        %dma_start3A_326 = arith.constant 0 : i32
        %dma_start3A_327 = tpu.memref_slice %dma_start3A_323[%dma_start3A_324, %dma_start3A_325, %dma_start3A_326] : memref<32x2x128xi32, #tpu.memory_space<vmem>> -> memref<14x2x128xi32, #tpu.memory_space<vmem>>
        %dma_start3A_328 = arith.constant 0 : i32
        %dma_start3A_329 = arith.constant 0 : i32
        %dma_start3A_330 = tpu.memref_slice %arg3[%add3A_317, %dma_start3A_328, %dma_start3A_329] : memref<2500x2x128xi32, #tpu.memory_space<hbm>> -> memref<14x2x128xi32, #tpu.memory_space<hbm>>
        %dma_start3A_331 = arith.constant 0 : i32
        %dma_start3A_332 = arith.constant 0 : i32
        %dma_start3A_333 = arith.constant 0 : i32
        %dma_start3A_334 = tpu.memref_slice %arg6[%sub3A_318, %dma_start3A_331, %dma_start3A_332, %dma_start3A_333] : memref<2x32x2x128xi32, #tpu.memory_space<vmem>> -> memref<1x32x2x128xi32, #tpu.memory_space<vmem>>
        %dma_start3A_335 = tpu.memref_squeeze %dma_start3A_334 : memref<1x32x2x128xi32, #tpu.memory_space<vmem>> -> memref<32x2x128xi32, #tpu.memory_space<vmem>>
        %dma_start3A_336 = arith.constant 0 : i32
        %dma_start3A_337 = arith.constant 0 : i32
        %dma_start3A_338 = arith.constant 0 : i32
        %dma_start3A_339 = tpu.memref_slice %dma_start3A_335[%dma_start3A_336, %dma_start3A_337, %dma_start3A_338] : memref<32x2x128xi32, #tpu.memory_space<vmem>> -> memref<14x2x128xi32, #tpu.memory_space<vmem>>
        %dma_start3A_340 = arith.constant 0 : i32
        %dma_start3A_341 = arith.constant 0 : i32
        %dma_start3A_342 = tpu.memref_slice %arg3[%add3A_317, %dma_start3A_340, %dma_start3A_341] : memref<2500x2x128xi32, #tpu.memory_space<hbm>> -> memref<14x2x128xi32, #tpu.memory_space<hbm>>
        tpu.enqueue_dma source(%dma_start3A_342 : memref<14x2x128xi32, #tpu.memory_space<hbm>>) target(%dma_start3A_339 : memref<14x2x128xi32, #tpu.memory_space<vmem>>) target_semaphore(%arg10 : memref<!tpu.dma_semaphore, #tpu.memory_space<semaphore_mem>>)
      } else {
      }
      %dma_start3A_290 = arith.constant 0 : i32
      %dma_start3A_291 = arith.constant 0 : i32
      %dma_start3A_292 = arith.constant 0 : i32
      %dma_start3A_293 = arith.constant 0 : i32
      %dma_start3A_294 = arith.constant 0 : i32
      %dma_start3A_295 = tpu.memref_slice %arg7[%dma_start3A_292, %dma_start3A_293, %dma_start3A_294] : memref<2x128x128xf32, #tpu.memory_space<vmem>> -> memref<1x128x128xf32, #tpu.memory_space<vmem>>
      %dma_start3A_296 = tpu.memref_squeeze %dma_start3A_295 : memref<1x128x128xf32, #tpu.memory_space<vmem>> -> memref<128x128xf32, #tpu.memory_space<vmem>>
      %dma_start3A_297 = arith.constant 0 : i32
      %dma_start3A_298 = arith.constant 0 : i32
      %dma_start3A_299 = arith.constant 0 : i32
      %dma_start3A_300 = tpu.memref_slice %arg6[%select_n3A_271, %dma_start3A_297, %dma_start3A_298, %dma_start3A_299] : memref<2x32x2x128xi32, #tpu.memory_space<vmem>> -> memref<1x32x2x128xi32, #tpu.memory_space<vmem>>
      %dma_start3A_301 = tpu.memref_squeeze %dma_start3A_300 : memref<1x32x2x128xi32, #tpu.memory_space<vmem>> -> memref<32x2x128xi32, #tpu.memory_space<vmem>>
      %dma_start3A_302 = arith.constant 0 : i32
      %dma_start3A_303 = tpu.memref_slice %dma_start3A_301[%dma_start3A_290, %dma_start3A_291, %dma_start3A_302] : memref<32x2x128xi32, #tpu.memory_space<vmem>> -> memref<1x1x128xi32, #tpu.memory_space<vmem>>
      %dma_start3A_304 = tpu.memref_squeeze %dma_start3A_303 : memref<1x1x128xi32, #tpu.memory_space<vmem>> -> memref<128xi32, #tpu.memory_space<vmem>>
      %dma_start3A_305 = arith.constant 0 : i32
      %dma_start3A_306 = arith.constant 0 : i32
      %dma_start3A_307 = tpu.memref_slice %arg2[%dma_start3A_305, %dma_start3A_306] : memref<10000x128xf32, #tpu.memory_space<hbm>> -> memref<10000x128xf32, #tpu.memory_space<hbm>>
      tpu.enqueue_indirect_dma source(%dma_start3A_307 : memref<10000x128xf32, #tpu.memory_space<hbm>>) target(%dma_start3A_296 : memref<128x128xf32, #tpu.memory_space<vmem>>) offsets(%dma_start3A_304 : memref<128xi32, #tpu.memory_space<vmem>>) semaphore(%arg8 : memref<!tpu.dma_semaphore, #tpu.memory_space<semaphore_mem>>)
      %scan3A_308 = arith.constant 0 : i32
      %scan3A_309 = arith.constant 0 : i32
      %scan3A_310 = arith.constant 16 : i32
      %scan3A_311 = arith.addi %scan3A_309, %scan3A_310 : i32
      %scan3A_312 = arith.constant 1 : i32
      %scan3A_313 = scf.for %scan3A_316 = %scan3A_309 to %scan3A_311 step %scan3A_312 iter_args(%scan3A_317 = %scan3A_308) -> (i32)  : i32 {
        %mul3A_318 = arith.constant 2 : i32
        %mul3A_319 = arith.muli %mul3A_318, %scan3A_316 : i32
        %add3A_320 = arith.constant 1 : i32
        %add3A_321 = arith.addi %mul3A_319, %add3A_320 : i32
        %dma_start3A_322 = arith.constant 0 : i32
        %dma_start3A_323 = arith.constant 1 : i32
        %dma_start3A_324 = arith.constant 0 : i32
        %dma_start3A_325 = arith.constant 0 : i32
        %dma_start3A_326 = tpu.memref_slice %arg7[%dma_start3A_323, %dma_start3A_324, %dma_start3A_325] : memref<2x128x128xf32, #tpu.memory_space<vmem>> -> memref<1x128x128xf32, #tpu.memory_space<vmem>>
        %dma_start3A_327 = tpu.memref_squeeze %dma_start3A_326 : memref<1x128x128xf32, #tpu.memory_space<vmem>> -> memref<128x128xf32, #tpu.memory_space<vmem>>
        %dma_start3A_328 = arith.constant 0 : i32
        %dma_start3A_329 = arith.constant 0 : i32
        %dma_start3A_330 = arith.constant 0 : i32
        %dma_start3A_331 = tpu.memref_slice %arg6[%select_n3A_271, %dma_start3A_328, %dma_start3A_329, %dma_start3A_330] : memref<2x32x2x128xi32, #tpu.memory_space<vmem>> -> memref<1x32x2x128xi32, #tpu.memory_space<vmem>>
        %dma_start3A_332 = tpu.memref_squeeze %dma_start3A_331 : memref<1x32x2x128xi32, #tpu.memory_space<vmem>> -> memref<32x2x128xi32, #tpu.memory_space<vmem>>
        %dma_start3A_333 = arith.constant 0 : i32
        %dma_start3A_334 = tpu.memref_slice %dma_start3A_332[%add3A_321, %dma_start3A_322, %dma_start3A_333] : memref<32x2x128xi32, #tpu.memory_space<vmem>> -> memref<1x1x128xi32, #tpu.memory_space<vmem>>
        %dma_start3A_335 = tpu.memref_squeeze %dma_start3A_334 : memref<1x1x128xi32, #tpu.memory_space<vmem>> -> memref<128xi32, #tpu.memory_space<vmem>>
        %dma_start3A_336 = arith.constant 0 : i32
        %dma_start3A_337 = arith.constant 0 : i32
        %dma_start3A_338 = tpu.memref_slice %arg2[%dma_start3A_336, %dma_start3A_337] : memref<10000x128xf32, #tpu.memory_space<hbm>> -> memref<10000x128xf32, #tpu.memory_space<hbm>>
        tpu.enqueue_indirect_dma source(%dma_start3A_338 : memref<10000x128xf32, #tpu.memory_space<hbm>>) target(%dma_start3A_327 : memref<128x128xf32, #tpu.memory_space<vmem>>) offsets(%dma_start3A_335 : memref<128xi32, #tpu.memory_space<vmem>>) semaphore(%arg9 : memref<!tpu.dma_semaphore, #tpu.memory_space<semaphore_mem>>)
        %dma_wait3A_339 = arith.constant 0 : i32
        %dma_wait3A_340 = arith.constant 0 : i32
        %dma_wait3A_341 = arith.constant 0 : i32
        %dma_wait3A_342 = tpu.memref_slice %arg7[%dma_wait3A_339, %dma_wait3A_340, %dma_wait3A_341] : memref<2x128x128xf32, #tpu.memory_space<vmem>> -> memref<1x128x128xf32, #tpu.memory_space<vmem>>
        %dma_wait3A_343 = tpu.memref_squeeze %dma_wait3A_342 : memref<1x128x128xf32, #tpu.memory_space<vmem>> -> memref<128x128xf32, #tpu.memory_space<vmem>>
        %dma_wait3A_344 = arith.constant 0 : i32
        %dma_wait3A_345 = arith.constant 0 : i32
        %dma_wait3A_346 = tpu.memref_slice %arg2[%dma_wait3A_344, %dma_wait3A_345] : memref<10000x128xf32, #tpu.memory_space<hbm>> -> memref<128x128xf32, #tpu.memory_space<hbm>>
        %dma_wait3A_347 = arith.constant 0 : i32
        %dma_wait3A_348 = arith.constant 0 : i32
        %dma_wait3A_349 = tpu.memref_slice %arg7[%dma_wait3A_339, %dma_wait3A_347, %dma_wait3A_348] : memref<2x128x128xf32, #tpu.memory_space<vmem>> -> memref<1x128x128xf32, #tpu.memory_space<vmem>>
        %dma_wait3A_350 = tpu.memref_squeeze %dma_wait3A_349 : memref<1x128x128xf32, #tpu.memory_space<vmem>> -> memref<128x128xf32, #tpu.memory_space<vmem>>
        %dma_wait3A_351 = arith.constant 0 : i32
        %dma_wait3A_352 = arith.constant 0 : i32
        %dma_wait3A_353 = tpu.memref_slice %arg2[%dma_wait3A_351, %dma_wait3A_352] : memref<10000x128xf32, #tpu.memory_space<hbm>> -> memref<128x128xf32, #tpu.memory_space<hbm>>
        tpu.wait_dma2 semaphore(%arg8 : memref<!tpu.dma_semaphore, #tpu.memory_space<semaphore_mem>>) src(%dma_wait3A_353 : memref<128x128xf32, #tpu.memory_space<hbm>>) dst(%dma_wait3A_350 : memref<128x128xf32, #tpu.memory_space<vmem>>)
        %mul3A_354 = arith.constant 2 : i32
        %mul3A_355 = arith.muli %mul3A_354, %scan3A_316 : i32
        %run_scoped3A_356 = arith.constant 0 : i32
        %run_scoped3A_357 = arith.constant 1 : i32
        "tpu.region"() ({
          %run_scoped3A_387 = tpu.sem_alloc : memref<!tpu.dma_semaphore, #tpu.memory_space<semaphore_mem>>
          %dma_start3A_388 = arith.constant 0 : i32
          %dma_start3A_389 = arith.constant 0 : i32
          %dma_start3A_390 = tpu.memref_slice %arg7[%run_scoped3A_356, %dma_start3A_388, %dma_start3A_389] : memref<2x128x128xf32, #tpu.memory_space<vmem>> -> memref<1x128x128xf32, #tpu.memory_space<vmem>>
          %dma_start3A_391 = tpu.memref_squeeze %dma_start3A_390 : memref<1x128x128xf32, #tpu.memory_space<vmem>> -> memref<128x128xf32, #tpu.memory_space<vmem>>
          %dma_start3A_392 = arith.constant 0 : i32
          %dma_start3A_393 = arith.constant 0 : i32
          %dma_start3A_394 = arith.constant 0 : i32
          %dma_start3A_395 = tpu.memref_slice %arg6[%select_n3A_271, %dma_start3A_392, %dma_start3A_393, %dma_start3A_394] : memref<2x32x2x128xi32, #tpu.memory_space<vmem>> -> memref<1x32x2x128xi32, #tpu.memory_space<vmem>>
          %dma_start3A_396 = tpu.memref_squeeze %dma_start3A_395 : memref<1x32x2x128xi32, #tpu.memory_space<vmem>> -> memref<32x2x128xi32, #tpu.memory_space<vmem>>
          %dma_start3A_397 = arith.constant 0 : i32
          %dma_start3A_398 = tpu.memref_slice %dma_start3A_396[%mul3A_355, %run_scoped3A_357, %dma_start3A_397] : memref<32x2x128xi32, #tpu.memory_space<vmem>> -> memref<1x1x128xi32, #tpu.memory_space<vmem>>
          %dma_start3A_399 = tpu.memref_squeeze %dma_start3A_398 : memref<1x1x128xi32, #tpu.memory_space<vmem>> -> memref<128xi32, #tpu.memory_space<vmem>>
          %dma_start3A_400 = arith.constant 0 : i32
          %dma_start3A_401 = arith.constant 0 : i32
          %dma_start3A_402 = tpu.memref_slice %arg5[%dma_start3A_400, %dma_start3A_401] : memref<10112x128xf32, #tpu.memory_space<vmem_shared>> -> memref<10112x128xf32, #tpu.memory_space<vmem_shared>>
          tpu.enqueue_indirect_dma source(%dma_start3A_391 : memref<128x128xf32, #tpu.memory_space<vmem>>) target(%dma_start3A_402 : memref<10112x128xf32, #tpu.memory_space<vmem_shared>>) offsets(%dma_start3A_399 : memref<128xi32, #tpu.memory_space<vmem>>) semaphore(%run_scoped3A_387 : memref<!tpu.dma_semaphore, #tpu.memory_space<semaphore_mem>>) {add = true}
          %dma_wait3A_403 = arith.constant 0 : i32
          %dma_wait3A_404 = arith.constant 0 : i32
          %dma_wait3A_405 = tpu.memref_slice %arg7[%run_scoped3A_356, %dma_wait3A_403, %dma_wait3A_404] : memref<2x128x128xf32, #tpu.memory_space<vmem>> -> memref<1x128x128xf32, #tpu.memory_space<vmem>>
          %dma_wait3A_406 = tpu.memref_squeeze %dma_wait3A_405 : memref<1x128x128xf32, #tpu.memory_space<vmem>> -> memref<128x128xf32, #tpu.memory_space<vmem>>
          %dma_wait3A_407 = arith.constant 0 : i32
          %dma_wait3A_408 = arith.constant 0 : i32
          %dma_wait3A_409 = arith.constant 0 : i32
          %dma_wait3A_410 = tpu.memref_slice %arg6[%select_n3A_271, %dma_wait3A_407, %dma_wait3A_408, %dma_wait3A_409] : memref<2x32x2x128xi32, #tpu.memory_space<vmem>> -> memref<1x32x2x128xi32, #tpu.memory_space<vmem>>
          %dma_wait3A_411 = tpu.memref_squeeze %dma_wait3A_410 : memref<1x32x2x128xi32, #tpu.memory_space<vmem>> -> memref<32x2x128xi32, #tpu.memory_space<vmem>>
          %dma_wait3A_412 = arith.constant 0 : i32
          %dma_wait3A_413 = tpu.memref_slice %dma_wait3A_411[%mul3A_355, %run_scoped3A_357, %dma_wait3A_412] : memref<32x2x128xi32, #tpu.memory_space<vmem>> -> memref<1x1x128xi32, #tpu.memory_space<vmem>>
          %dma_wait3A_414 = tpu.memref_squeeze %dma_wait3A_413 : memref<1x1x128xi32, #tpu.memory_space<vmem>> -> memref<128xi32, #tpu.memory_space<vmem>>
          %dma_wait3A_415 = arith.constant 0 : i32
          %dma_wait3A_416 = arith.constant 0 : i32
          %dma_wait3A_417 = tpu.memref_slice %arg5[%dma_wait3A_415, %dma_wait3A_416] : memref<10112x128xf32, #tpu.memory_space<vmem_shared>> -> memref<10112x128xf32, #tpu.memory_space<vmem_shared>>
          tpu.wait_indirect_dma semaphore(%run_scoped3A_387 : memref<!tpu.dma_semaphore, #tpu.memory_space<semaphore_mem>>) src(%dma_wait3A_406 : memref<128x128xf32, #tpu.memory_space<vmem>>) dst(%dma_wait3A_417 : memref<10112x128xf32, #tpu.memory_space<vmem_shared>>)
          tpu.yield
        }) : () -> ()
        %add3A_358 = arith.constant 1 : i32
        %add3A_359 = arith.addi %scan3A_316, %add3A_358 : i32
        %lt3A_360 = arith.constant 16 : i32
        %lt3A_361 = arith.cmpi slt, %add3A_359, %lt3A_360 : i32
        %convert_element_type3A_362 = arith.extui %lt3A_361 : i1 to i32
        %cond3A_363 = arith.constant 0 : i32
        %cond3A_364 = arith.cmpi ne, %convert_element_type3A_362, %cond3A_363 : i32
        scf.if %cond3A_364 {
          %mul3A_387 = arith.constant 2 : i32
          %mul3A_388 = arith.muli %mul3A_387, %scan3A_316 : i32
          %add3A_389 = arith.constant 2 : i32
          %add3A_390 = arith.addi %mul3A_388, %add3A_389 : i32
          %dma_start3A_391 = arith.constant 0 : i32
          %dma_start3A_392 = arith.constant 0 : i32
          %dma_start3A_393 = arith.constant 0 : i32
          %dma_start3A_394 = arith.constant 0 : i32
          %dma_start3A_395 = tpu.memref_slice %arg7[%dma_start3A_392, %dma_start3A_393, %dma_start3A_394] : memref<2x128x128xf32, #tpu.memory_space<vmem>> -> memref<1x128x128xf32, #tpu.memory_space<vmem>>
          %dma_start3A_396 = tpu.memref_squeeze %dma_start3A_395 : memref<1x128x128xf32, #tpu.memory_space<vmem>> -> memref<128x128xf32, #tpu.memory_space<vmem>>
          %dma_start3A_397 = arith.constant 0 : i32
          %dma_start3A_398 = arith.constant 0 : i32
          %dma_start3A_399 = arith.constant 0 : i32
          %dma_start3A_400 = tpu.memref_slice %arg6[%select_n3A_271, %dma_start3A_397, %dma_start3A_398, %dma_start3A_399] : memref<2x32x2x128xi32, #tpu.memory_space<vmem>> -> memref<1x32x2x128xi32, #tpu.memory_space<vmem>>
          %dma_start3A_401 = tpu.memref_squeeze %dma_start3A_400 : memref<1x32x2x128xi32, #tpu.memory_space<vmem>> -> memref<32x2x128xi32, #tpu.memory_space<vmem>>
          %dma_start3A_402 = arith.constant 0 : i32
          %dma_start3A_403 = tpu.memref_slice %dma_start3A_401[%add3A_390, %dma_start3A_391, %dma_start3A_402] : memref<32x2x128xi32, #tpu.memory_space<vmem>> -> memref<1x1x128xi32, #tpu.memory_space<vmem>>
          %dma_start3A_404 = tpu.memref_squeeze %dma_start3A_403 : memref<1x1x128xi32, #tpu.memory_space<vmem>> -> memref<128xi32, #tpu.memory_space<vmem>>
          %dma_start3A_405 = arith.constant 0 : i32
          %dma_start3A_406 = arith.constant 0 : i32
          %dma_start3A_407 = tpu.memref_slice %arg2[%dma_start3A_405, %dma_start3A_406] : memref<10000x128xf32, #tpu.memory_space<hbm>> -> memref<10000x128xf32, #tpu.memory_space<hbm>>
          tpu.enqueue_indirect_dma source(%dma_start3A_407 : memref<10000x128xf32, #tpu.memory_space<hbm>>) target(%dma_start3A_396 : memref<128x128xf32, #tpu.memory_space<vmem>>) offsets(%dma_start3A_404 : memref<128xi32, #tpu.memory_space<vmem>>) semaphore(%arg8 : memref<!tpu.dma_semaphore, #tpu.memory_space<semaphore_mem>>)
        } else {
        }
        %dma_wait3A_365 = arith.constant 1 : i32
        %dma_wait3A_366 = arith.constant 0 : i32
        %dma_wait3A_367 = arith.constant 0 : i32
        %dma_wait3A_368 = tpu.memref_slice %arg7[%dma_wait3A_365, %dma_wait3A_366, %dma_wait3A_367] : memref<2x128x128xf32, #tpu.memory_space<vmem>> -> memref<1x128x128xf32, #tpu.memory_space<vmem>>
        %dma_wait3A_369 = tpu.memref_squeeze %dma_wait3A_368 : memref<1x128x128xf32, #tpu.memory_space<vmem>> -> memref<128x128xf32, #tpu.memory_space<vmem>>
        %dma_wait3A_370 = arith.constant 0 : i32
        %dma_wait3A_371 = arith.constant 0 : i32
        %dma_wait3A_372 = tpu.memref_slice %arg2[%dma_wait3A_370, %dma_wait3A_371] : memref<10000x128xf32, #tpu.memory_space<hbm>> -> memref<128x128xf32, #tpu.memory_space<hbm>>
        %dma_wait3A_373 = arith.constant 0 : i32
        %dma_wait3A_374 = arith.constant 0 : i32
        %dma_wait3A_375 = tpu.memref_slice %arg7[%dma_wait3A_365, %dma_wait3A_373, %dma_wait3A_374] : memref<2x128x128xf32, #tpu.memory_space<vmem>> -> memref<1x128x128xf32, #tpu.memory_space<vmem>>
        %dma_wait3A_376 = tpu.memref_squeeze %dma_wait3A_375 : memref<1x128x128xf32, #tpu.memory_space<vmem>> -> memref<128x128xf32, #tpu.memory_space<vmem>>
        %dma_wait3A_377 = arith.constant 0 : i32
        %dma_wait3A_378 = arith.constant 0 : i32
        %dma_wait3A_379 = tpu.memref_slice %arg2[%dma_wait3A_377, %dma_wait3A_378] : memref<10000x128xf32, #tpu.memory_space<hbm>> -> memref<128x128xf32, #tpu.memory_space<hbm>>
        tpu.wait_dma2 semaphore(%arg9 : memref<!tpu.dma_semaphore, #tpu.memory_space<semaphore_mem>>) src(%dma_wait3A_379 : memref<128x128xf32, #tpu.memory_space<hbm>>) dst(%dma_wait3A_376 : memref<128x128xf32, #tpu.memory_space<vmem>>)
        %mul3A_380 = arith.constant 2 : i32
        %mul3A_381 = arith.muli %mul3A_380, %scan3A_316 : i32
        %add3A_382 = arith.constant 1 : i32
        %add3A_383 = arith.addi %mul3A_381, %add3A_382 : i32
        %run_scoped3A_384 = arith.constant 1 : i32
        %run_scoped3A_385 = arith.constant 1 : i32
        "tpu.region"() ({
          %run_scoped3A_387 = tpu.sem_alloc : memref<!tpu.dma_semaphore, #tpu.memory_space<semaphore_mem>>
          %dma_start3A_388 = arith.constant 0 : i32
          %dma_start3A_389 = arith.constant 0 : i32
          %dma_start3A_390 = tpu.memref_slice %arg7[%run_scoped3A_384, %dma_start3A_388, %dma_start3A_389] : memref<2x128x128xf32, #tpu.memory_space<vmem>> -> memref<1x128x128xf32, #tpu.memory_space<vmem>>
          %dma_start3A_391 = tpu.memref_squeeze %dma_start3A_390 : memref<1x128x128xf32, #tpu.memory_space<vmem>> -> memref<128x128xf32, #tpu.memory_space<vmem>>
          %dma_start3A_392 = arith.constant 0 : i32
          %dma_start3A_393 = arith.constant 0 : i32
          %dma_start3A_394 = arith.constant 0 : i32
          %dma_start3A_395 = tpu.memref_slice %arg6[%select_n3A_271, %dma_start3A_392, %dma_start3A_393, %dma_start3A_394] : memref<2x32x2x128xi32, #tpu.memory_space<vmem>> -> memref<1x32x2x128xi32, #tpu.memory_space<vmem>>
          %dma_start3A_396 = tpu.memref_squeeze %dma_start3A_395 : memref<1x32x2x128xi32, #tpu.memory_space<vmem>> -> memref<32x2x128xi32, #tpu.memory_space<vmem>>
          %dma_start3A_397 = arith.constant 0 : i32
          %dma_start3A_398 = tpu.memref_slice %dma_start3A_396[%add3A_383, %run_scoped3A_385, %dma_start3A_397] : memref<32x2x128xi32, #tpu.memory_space<vmem>> -> memref<1x1x128xi32, #tpu.memory_space<vmem>>
          %dma_start3A_399 = tpu.memref_squeeze %dma_start3A_398 : memref<1x1x128xi32, #tpu.memory_space<vmem>> -> memref<128xi32, #tpu.memory_space<vmem>>
          %dma_start3A_400 = arith.constant 0 : i32
          %dma_start3A_401 = arith.constant 0 : i32
          %dma_start3A_402 = tpu.memref_slice %arg5[%dma_start3A_400, %dma_start3A_401] : memref<10112x128xf32, #tpu.memory_space<vmem_shared>> -> memref<10112x128xf32, #tpu.memory_space<vmem_shared>>
          tpu.enqueue_indirect_dma source(%dma_start3A_391 : memref<128x128xf32, #tpu.memory_space<vmem>>) target(%dma_start3A_402 : memref<10112x128xf32, #tpu.memory_space<vmem_shared>>) offsets(%dma_start3A_399 : memref<128xi32, #tpu.memory_space<vmem>>) semaphore(%run_scoped3A_387 : memref<!tpu.dma_semaphore, #tpu.memory_space<semaphore_mem>>) {add = true}
          %dma_wait3A_403 = arith.constant 0 : i32
          %dma_wait3A_404 = arith.constant 0 : i32
          %dma_wait3A_405 = tpu.memref_slice %arg7[%run_scoped3A_384, %dma_wait3A_403, %dma_wait3A_404] : memref<2x128x128xf32, #tpu.memory_space<vmem>> -> memref<1x128x128xf32, #tpu.memory_space<vmem>>
          %dma_wait3A_406 = tpu.memref_squeeze %dma_wait3A_405 : memref<1x128x128xf32, #tpu.memory_space<vmem>> -> memref<128x128xf32, #tpu.memory_space<vmem>>
          %dma_wait3A_407 = arith.constant 0 : i32
          %dma_wait3A_408 = arith.constant 0 : i32
          %dma_wait3A_409 = arith.constant 0 : i32
          %dma_wait3A_410 = tpu.memref_slice %arg6[%select_n3A_271, %dma_wait3A_407, %dma_wait3A_408, %dma_wait3A_409] : memref<2x32x2x128xi32, #tpu.memory_space<vmem>> -> memref<1x32x2x128xi32, #tpu.memory_space<vmem>>
          %dma_wait3A_411 = tpu.memref_squeeze %dma_wait3A_410 : memref<1x32x2x128xi32, #tpu.memory_space<vmem>> -> memref<32x2x128xi32, #tpu.memory_space<vmem>>
          %dma_wait3A_412 = arith.constant 0 : i32
          %dma_wait3A_413 = tpu.memref_slice %dma_wait3A_411[%add3A_383, %run_scoped3A_385, %dma_wait3A_412] : memref<32x2x128xi32, #tpu.memory_space<vmem>> -> memref<1x1x128xi32, #tpu.memory_space<vmem>>
          %dma_wait3A_414 = tpu.memref_squeeze %dma_wait3A_413 : memref<1x1x128xi32, #tpu.memory_space<vmem>> -> memref<128xi32, #tpu.memory_space<vmem>>
          %dma_wait3A_415 = arith.constant 0 : i32
          %dma_wait3A_416 = arith.constant 0 : i32
          %dma_wait3A_417 = tpu.memref_slice %arg5[%dma_wait3A_415, %dma_wait3A_416] : memref<10112x128xf32, #tpu.memory_space<vmem_shared>> -> memref<10112x128xf32, #tpu.memory_space<vmem_shared>>
          tpu.wait_indirect_dma semaphore(%run_scoped3A_387 : memref<!tpu.dma_semaphore, #tpu.memory_space<semaphore_mem>>) src(%dma_wait3A_406 : memref<128x128xf32, #tpu.memory_space<vmem>>) dst(%dma_wait3A_417 : memref<10112x128xf32, #tpu.memory_space<vmem_shared>>)
          tpu.yield
        }) : () -> ()
        %scan3A_386 = arith.constant 0 : i32
        scf.yield %scan3A_386 : i32
      }
      %scan3A_314 = arith.constant 16 : i32
      %scan3A_315 = arith.constant 0 : i32
      scf.yield %scan3A_315 : i32
    }
    %scan3A_198 = arith.constant 2 : i32
    %dma_wait3A_199 = arith.constant 0 : i32
    %dma_wait3A_200 = arith.constant 0 : i32
    %dma_wait3A_201 = arith.constant 0 : i32
    %dma_wait3A_202 = arith.constant 0 : i32
    %dma_wait3A_203 = tpu.memref_slice %arg6[%dma_wait3A_199, %dma_wait3A_200, %dma_wait3A_201, %dma_wait3A_202] : memref<2x32x2x128xi32, #tpu.memory_space<vmem>> -> memref<1x32x2x128xi32, #tpu.memory_space<vmem>>
    %dma_wait3A_204 = tpu.memref_squeeze %dma_wait3A_203 : memref<1x32x2x128xi32, #tpu.memory_space<vmem>> -> memref<32x2x128xi32, #tpu.memory_space<vmem>>
    %dma_wait3A_205 = arith.constant 0 : i32
    %dma_wait3A_206 = arith.constant 0 : i32
    %dma_wait3A_207 = arith.constant 0 : i32
    %dma_wait3A_208 = tpu.memref_slice %dma_wait3A_204[%dma_wait3A_205, %dma_wait3A_206, %dma_wait3A_207] : memref<32x2x128xi32, #tpu.memory_space<vmem>> -> memref<14x2x128xi32, #tpu.memory_space<vmem>>
    %dma_wait3A_209 = arith.constant 0 : i32
    %dma_wait3A_210 = arith.constant 0 : i32
    %dma_wait3A_211 = arith.constant 0 : i32
    %dma_wait3A_212 = tpu.memref_slice %arg3[%dma_wait3A_209, %dma_wait3A_210, %dma_wait3A_211] : memref<2500x2x128xi32, #tpu.memory_space<hbm>> -> memref<14x2x128xi32, #tpu.memory_space<hbm>>
    %dma_wait3A_213 = arith.constant 0 : i32
    %dma_wait3A_214 = arith.constant 0 : i32
    %dma_wait3A_215 = arith.constant 0 : i32
    %dma_wait3A_216 = tpu.memref_slice %arg6[%dma_wait3A_199, %dma_wait3A_213, %dma_wait3A_214, %dma_wait3A_215] : memref<2x32x2x128xi32, #tpu.memory_space<vmem>> -> memref<1x32x2x128xi32, #tpu.memory_space<vmem>>
    %dma_wait3A_217 = tpu.memref_squeeze %dma_wait3A_216 : memref<1x32x2x128xi32, #tpu.memory_space<vmem>> -> memref<32x2x128xi32, #tpu.memory_space<vmem>>
    %dma_wait3A_218 = arith.constant 0 : i32
    %dma_wait3A_219 = arith.constant 0 : i32
    %dma_wait3A_220 = arith.constant 0 : i32
    %dma_wait3A_221 = tpu.memref_slice %dma_wait3A_217[%dma_wait3A_218, %dma_wait3A_219, %dma_wait3A_220] : memref<32x2x128xi32, #tpu.memory_space<vmem>> -> memref<14x2x128xi32, #tpu.memory_space<vmem>>
    %dma_wait3A_222 = arith.constant 0 : i32
    %dma_wait3A_223 = arith.constant 0 : i32
    %dma_wait3A_224 = arith.constant 0 : i32
    %dma_wait3A_225 = tpu.memref_slice %arg3[%dma_wait3A_222, %dma_wait3A_223, %dma_wait3A_224] : memref<2500x2x128xi32, #tpu.memory_space<hbm>> -> memref<14x2x128xi32, #tpu.memory_space<hbm>>
    tpu.wait_dma2 semaphore(%arg10 : memref<!tpu.dma_semaphore, #tpu.memory_space<semaphore_mem>>) src(%dma_wait3A_225 : memref<14x2x128xi32, #tpu.memory_space<hbm>>) dst(%dma_wait3A_221 : memref<14x2x128xi32, #tpu.memory_space<vmem>>)
    %dma_start3A_226 = arith.constant 0 : i32
    %dma_start3A_227 = arith.constant 0 : i32
    %dma_start3A_228 = arith.constant 0 : i32
    %dma_start3A_229 = arith.constant 0 : i32
    %dma_start3A_230 = arith.constant 0 : i32
    %dma_start3A_231 = arith.constant 0 : i32
    %dma_start3A_232 = tpu.memref_slice %arg7[%dma_start3A_229, %dma_start3A_230, %dma_start3A_231] : memref<2x128x128xf32, #tpu.memory_space<vmem>> -> memref<1x128x128xf32, #tpu.memory_space<vmem>>
    %dma_start3A_233 = tpu.memref_squeeze %dma_start3A_232 : memref<1x128x128xf32, #tpu.memory_space<vmem>> -> memref<128x128xf32, #tpu.memory_space<vmem>>
    %dma_start3A_234 = arith.constant 0 : i32
    %dma_start3A_235 = arith.constant 0 : i32
    %dma_start3A_236 = arith.constant 0 : i32
    %dma_start3A_237 = tpu.memref_slice %arg6[%dma_start3A_226, %dma_start3A_234, %dma_start3A_235, %dma_start3A_236] : memref<2x32x2x128xi32, #tpu.memory_space<vmem>> -> memref<1x32x2x128xi32, #tpu.memory_space<vmem>>
    %dma_start3A_238 = tpu.memref_squeeze %dma_start3A_237 : memref<1x32x2x128xi32, #tpu.memory_space<vmem>> -> memref<32x2x128xi32, #tpu.memory_space<vmem>>
    %dma_start3A_239 = arith.constant 0 : i32
    %dma_start3A_240 = tpu.memref_slice %dma_start3A_238[%dma_start3A_227, %dma_start3A_228, %dma_start3A_239] : memref<32x2x128xi32, #tpu.memory_space<vmem>> -> memref<1x1x128xi32, #tpu.memory_space<vmem>>
    %dma_start3A_241 = tpu.memref_squeeze %dma_start3A_240 : memref<1x1x128xi32, #tpu.memory_space<vmem>> -> memref<128xi32, #tpu.memory_space<vmem>>
    %dma_start3A_242 = arith.constant 0 : i32
    %dma_start3A_243 = arith.constant 0 : i32
    %dma_start3A_244 = tpu.memref_slice %arg2[%dma_start3A_242, %dma_start3A_243] : memref<10000x128xf32, #tpu.memory_space<hbm>> -> memref<10000x128xf32, #tpu.memory_space<hbm>>
    tpu.enqueue_indirect_dma source(%dma_start3A_244 : memref<10000x128xf32, #tpu.memory_space<hbm>>) target(%dma_start3A_233 : memref<128x128xf32, #tpu.memory_space<vmem>>) offsets(%dma_start3A_241 : memref<128xi32, #tpu.memory_space<vmem>>) semaphore(%arg8 : memref<!tpu.dma_semaphore, #tpu.memory_space<semaphore_mem>>)
    %scan3A_245 = arith.constant 0 : i32
    %scan3A_246 = arith.constant 0 : i32
    %scan3A_247 = arith.constant 0 : i32
    %scan3A_248 = arith.constant 7 : i32
    %scan3A_249 = arith.addi %scan3A_247, %scan3A_248 : i32
    %scan3A_250 = arith.constant 1 : i32
    %scan3A_251 = scf.for %scan3A_260 = %scan3A_247 to %scan3A_249 step %scan3A_250 iter_args(%scan3A_261 = %scan3A_246) -> (i32)  : i32 {
      %mul3A_262 = arith.constant 2 : i32
      %mul3A_263 = arith.muli %mul3A_262, %scan3A_260 : i32
      %add3A_264 = arith.constant 1 : i32
      %add3A_265 = arith.addi %mul3A_263, %add3A_264 : i32
      %dma_start3A_266 = arith.constant 0 : i32
      %dma_start3A_267 = arith.constant 1 : i32
      %dma_start3A_268 = arith.constant 0 : i32
      %dma_start3A_269 = arith.constant 0 : i32
      %dma_start3A_270 = tpu.memref_slice %arg7[%dma_start3A_267, %dma_start3A_268, %dma_start3A_269] : memref<2x128x128xf32, #tpu.memory_space<vmem>> -> memref<1x128x128xf32, #tpu.memory_space<vmem>>
      %dma_start3A_271 = tpu.memref_squeeze %dma_start3A_270 : memref<1x128x128xf32, #tpu.memory_space<vmem>> -> memref<128x128xf32, #tpu.memory_space<vmem>>
      %dma_start3A_272 = arith.constant 0 : i32
      %dma_start3A_273 = arith.constant 0 : i32
      %dma_start3A_274 = arith.constant 0 : i32
      %dma_start3A_275 = tpu.memref_slice %arg6[%scan3A_245, %dma_start3A_272, %dma_start3A_273, %dma_start3A_274] : memref<2x32x2x128xi32, #tpu.memory_space<vmem>> -> memref<1x32x2x128xi32, #tpu.memory_space<vmem>>
      %dma_start3A_276 = tpu.memref_squeeze %dma_start3A_275 : memref<1x32x2x128xi32, #tpu.memory_space<vmem>> -> memref<32x2x128xi32, #tpu.memory_space<vmem>>
      %dma_start3A_277 = arith.constant 0 : i32
      %dma_start3A_278 = tpu.memref_slice %dma_start3A_276[%add3A_265, %dma_start3A_266, %dma_start3A_277] : memref<32x2x128xi32, #tpu.memory_space<vmem>> -> memref<1x1x128xi32, #tpu.memory_space<vmem>>
      %dma_start3A_279 = tpu.memref_squeeze %dma_start3A_278 : memref<1x1x128xi32, #tpu.memory_space<vmem>> -> memref<128xi32, #tpu.memory_space<vmem>>
      %dma_start3A_280 = arith.constant 0 : i32
      %dma_start3A_281 = arith.constant 0 : i32
      %dma_start3A_282 = tpu.memref_slice %arg2[%dma_start3A_280, %dma_start3A_281] : memref<10000x128xf32, #tpu.memory_space<hbm>> -> memref<10000x128xf32, #tpu.memory_space<hbm>>
      tpu.enqueue_indirect_dma source(%dma_start3A_282 : memref<10000x128xf32, #tpu.memory_space<hbm>>) target(%dma_start3A_271 : memref<128x128xf32, #tpu.memory_space<vmem>>) offsets(%dma_start3A_279 : memref<128xi32, #tpu.memory_space<vmem>>) semaphore(%arg9 : memref<!tpu.dma_semaphore, #tpu.memory_space<semaphore_mem>>)
      %dma_wait3A_283 = arith.constant 0 : i32
      %dma_wait3A_284 = arith.constant 0 : i32
      %dma_wait3A_285 = arith.constant 0 : i32
      %dma_wait3A_286 = tpu.memref_slice %arg7[%dma_wait3A_283, %dma_wait3A_284, %dma_wait3A_285] : memref<2x128x128xf32, #tpu.memory_space<vmem>> -> memref<1x128x128xf32, #tpu.memory_space<vmem>>
      %dma_wait3A_287 = tpu.memref_squeeze %dma_wait3A_286 : memref<1x128x128xf32, #tpu.memory_space<vmem>> -> memref<128x128xf32, #tpu.memory_space<vmem>>
      %dma_wait3A_288 = arith.constant 0 : i32
      %dma_wait3A_289 = arith.constant 0 : i32
      %dma_wait3A_290 = tpu.memref_slice %arg2[%dma_wait3A_288, %dma_wait3A_289] : memref<10000x128xf32, #tpu.memory_space<hbm>> -> memref<128x128xf32, #tpu.memory_space<hbm>>
      %dma_wait3A_291 = arith.constant 0 : i32
      %dma_wait3A_292 = arith.constant 0 : i32
      %dma_wait3A_293 = tpu.memref_slice %arg7[%dma_wait3A_283, %dma_wait3A_291, %dma_wait3A_292] : memref<2x128x128xf32, #tpu.memory_space<vmem>> -> memref<1x128x128xf32, #tpu.memory_space<vmem>>
      %dma_wait3A_294 = tpu.memref_squeeze %dma_wait3A_293 : memref<1x128x128xf32, #tpu.memory_space<vmem>> -> memref<128x128xf32, #tpu.memory_space<vmem>>
      %dma_wait3A_295 = arith.constant 0 : i32
      %dma_wait3A_296 = arith.constant 0 : i32
      %dma_wait3A_297 = tpu.memref_slice %arg2[%dma_wait3A_295, %dma_wait3A_296] : memref<10000x128xf32, #tpu.memory_space<hbm>> -> memref<128x128xf32, #tpu.memory_space<hbm>>
      tpu.wait_dma2 semaphore(%arg8 : memref<!tpu.dma_semaphore, #tpu.memory_space<semaphore_mem>>) src(%dma_wait3A_297 : memref<128x128xf32, #tpu.memory_space<hbm>>) dst(%dma_wait3A_294 : memref<128x128xf32, #tpu.memory_space<vmem>>)
      %mul3A_298 = arith.constant 2 : i32
      %mul3A_299 = arith.muli %mul3A_298, %scan3A_260 : i32
      %run_scoped3A_300 = arith.constant 0 : i32
      %run_scoped3A_301 = arith.constant 1 : i32
      "tpu.region"() ({
        %run_scoped3A_331 = tpu.sem_alloc : memref<!tpu.dma_semaphore, #tpu.memory_space<semaphore_mem>>
        %dma_start3A_332 = arith.constant 0 : i32
        %dma_start3A_333 = arith.constant 0 : i32
        %dma_start3A_334 = tpu.memref_slice %arg7[%run_scoped3A_300, %dma_start3A_332, %dma_start3A_333] : memref<2x128x128xf32, #tpu.memory_space<vmem>> -> memref<1x128x128xf32, #tpu.memory_space<vmem>>
        %dma_start3A_335 = tpu.memref_squeeze %dma_start3A_334 : memref<1x128x128xf32, #tpu.memory_space<vmem>> -> memref<128x128xf32, #tpu.memory_space<vmem>>
        %dma_start3A_336 = arith.constant 0 : i32
        %dma_start3A_337 = arith.constant 0 : i32
        %dma_start3A_338 = arith.constant 0 : i32
        %dma_start3A_339 = tpu.memref_slice %arg6[%scan3A_245, %dma_start3A_336, %dma_start3A_337, %dma_start3A_338] : memref<2x32x2x128xi32, #tpu.memory_space<vmem>> -> memref<1x32x2x128xi32, #tpu.memory_space<vmem>>
        %dma_start3A_340 = tpu.memref_squeeze %dma_start3A_339 : memref<1x32x2x128xi32, #tpu.memory_space<vmem>> -> memref<32x2x128xi32, #tpu.memory_space<vmem>>
        %dma_start3A_341 = arith.constant 0 : i32
        %dma_start3A_342 = tpu.memref_slice %dma_start3A_340[%mul3A_299, %run_scoped3A_301, %dma_start3A_341] : memref<32x2x128xi32, #tpu.memory_space<vmem>> -> memref<1x1x128xi32, #tpu.memory_space<vmem>>
        %dma_start3A_343 = tpu.memref_squeeze %dma_start3A_342 : memref<1x1x128xi32, #tpu.memory_space<vmem>> -> memref<128xi32, #tpu.memory_space<vmem>>
        %dma_start3A_344 = arith.constant 0 : i32
        %dma_start3A_345 = arith.constant 0 : i32
        %dma_start3A_346 = tpu.memref_slice %arg5[%dma_start3A_344, %dma_start3A_345] : memref<10112x128xf32, #tpu.memory_space<vmem_shared>> -> memref<10112x128xf32, #tpu.memory_space<vmem_shared>>
        tpu.enqueue_indirect_dma source(%dma_start3A_335 : memref<128x128xf32, #tpu.memory_space<vmem>>) target(%dma_start3A_346 : memref<10112x128xf32, #tpu.memory_space<vmem_shared>>) offsets(%dma_start3A_343 : memref<128xi32, #tpu.memory_space<vmem>>) semaphore(%run_scoped3A_331 : memref<!tpu.dma_semaphore, #tpu.memory_space<semaphore_mem>>) {add = true}
        %dma_wait3A_347 = arith.constant 0 : i32
        %dma_wait3A_348 = arith.constant 0 : i32
        %dma_wait3A_349 = tpu.memref_slice %arg7[%run_scoped3A_300, %dma_wait3A_347, %dma_wait3A_348] : memref<2x128x128xf32, #tpu.memory_space<vmem>> -> memref<1x128x128xf32, #tpu.memory_space<vmem>>
        %dma_wait3A_350 = tpu.memref_squeeze %dma_wait3A_349 : memref<1x128x128xf32, #tpu.memory_space<vmem>> -> memref<128x128xf32, #tpu.memory_space<vmem>>
        %dma_wait3A_351 = arith.constant 0 : i32
        %dma_wait3A_352 = arith.constant 0 : i32
        %dma_wait3A_353 = arith.constant 0 : i32
        %dma_wait3A_354 = tpu.memref_slice %arg6[%scan3A_245, %dma_wait3A_351, %dma_wait3A_352, %dma_wait3A_353] : memref<2x32x2x128xi32, #tpu.memory_space<vmem>> -> memref<1x32x2x128xi32, #tpu.memory_space<vmem>>
        %dma_wait3A_355 = tpu.memref_squeeze %dma_wait3A_354 : memref<1x32x2x128xi32, #tpu.memory_space<vmem>> -> memref<32x2x128xi32, #tpu.memory_space<vmem>>
        %dma_wait3A_356 = arith.constant 0 : i32
        %dma_wait3A_357 = tpu.memref_slice %dma_wait3A_355[%mul3A_299, %run_scoped3A_301, %dma_wait3A_356] : memref<32x2x128xi32, #tpu.memory_space<vmem>> -> memref<1x1x128xi32, #tpu.memory_space<vmem>>
        %dma_wait3A_358 = tpu.memref_squeeze %dma_wait3A_357 : memref<1x1x128xi32, #tpu.memory_space<vmem>> -> memref<128xi32, #tpu.memory_space<vmem>>
        %dma_wait3A_359 = arith.constant 0 : i32
        %dma_wait3A_360 = arith.constant 0 : i32
        %dma_wait3A_361 = tpu.memref_slice %arg5[%dma_wait3A_359, %dma_wait3A_360] : memref<10112x128xf32, #tpu.memory_space<vmem_shared>> -> memref<10112x128xf32, #tpu.memory_space<vmem_shared>>
        tpu.wait_indirect_dma semaphore(%run_scoped3A_331 : memref<!tpu.dma_semaphore, #tpu.memory_space<semaphore_mem>>) src(%dma_wait3A_350 : memref<128x128xf32, #tpu.memory_space<vmem>>) dst(%dma_wait3A_361 : memref<10112x128xf32, #tpu.memory_space<vmem_shared>>)
        tpu.yield
      }) : () -> ()
      %add3A_302 = arith.constant 1 : i32
      %add3A_303 = arith.addi %scan3A_260, %add3A_302 : i32
      %lt3A_304 = arith.constant 7 : i32
      %lt3A_305 = arith.cmpi slt, %add3A_303, %lt3A_304 : i32
      %convert_element_type3A_306 = arith.extui %lt3A_305 : i1 to i32
      %cond3A_307 = arith.constant 0 : i32
      %cond3A_308 = arith.cmpi ne, %convert_element_type3A_306, %cond3A_307 : i32
      scf.if %cond3A_308 {
        %mul3A_331 = arith.constant 2 : i32
        %mul3A_332 = arith.muli %mul3A_331, %scan3A_260 : i32
        %add3A_333 = arith.constant 2 : i32
        %add3A_334 = arith.addi %mul3A_332, %add3A_333 : i32
        %dma_start3A_335 = arith.constant 0 : i32
        %dma_start3A_336 = arith.constant 0 : i32
        %dma_start3A_337 = arith.constant 0 : i32
        %dma_start3A_338 = arith.constant 0 : i32
        %dma_start3A_339 = tpu.memref_slice %arg7[%dma_start3A_336, %dma_start3A_337, %dma_start3A_338] : memref<2x128x128xf32, #tpu.memory_space<vmem>> -> memref<1x128x128xf32, #tpu.memory_space<vmem>>
        %dma_start3A_340 = tpu.memref_squeeze %dma_start3A_339 : memref<1x128x128xf32, #tpu.memory_space<vmem>> -> memref<128x128xf32, #tpu.memory_space<vmem>>
        %dma_start3A_341 = arith.constant 0 : i32
        %dma_start3A_342 = arith.constant 0 : i32
        %dma_start3A_343 = arith.constant 0 : i32
        %dma_start3A_344 = tpu.memref_slice %arg6[%scan3A_245, %dma_start3A_341, %dma_start3A_342, %dma_start3A_343] : memref<2x32x2x128xi32, #tpu.memory_space<vmem>> -> memref<1x32x2x128xi32, #tpu.memory_space<vmem>>
        %dma_start3A_345 = tpu.memref_squeeze %dma_start3A_344 : memref<1x32x2x128xi32, #tpu.memory_space<vmem>> -> memref<32x2x128xi32, #tpu.memory_space<vmem>>
        %dma_start3A_346 = arith.constant 0 : i32
        %dma_start3A_347 = tpu.memref_slice %dma_start3A_345[%add3A_334, %dma_start3A_335, %dma_start3A_346] : memref<32x2x128xi32, #tpu.memory_space<vmem>> -> memref<1x1x128xi32, #tpu.memory_space<vmem>>
        %dma_start3A_348 = tpu.memref_squeeze %dma_start3A_347 : memref<1x1x128xi32, #tpu.memory_space<vmem>> -> memref<128xi32, #tpu.memory_space<vmem>>
        %dma_start3A_349 = arith.constant 0 : i32
        %dma_start3A_350 = arith.constant 0 : i32
        %dma_start3A_351 = tpu.memref_slice %arg2[%dma_start3A_349, %dma_start3A_350] : memref<10000x128xf32, #tpu.memory_space<hbm>> -> memref<10000x128xf32, #tpu.memory_space<hbm>>
        tpu.enqueue_indirect_dma source(%dma_start3A_351 : memref<10000x128xf32, #tpu.memory_space<hbm>>) target(%dma_start3A_340 : memref<128x128xf32, #tpu.memory_space<vmem>>) offsets(%dma_start3A_348 : memref<128xi32, #tpu.memory_space<vmem>>) semaphore(%arg8 : memref<!tpu.dma_semaphore, #tpu.memory_space<semaphore_mem>>)
      } else {
      }
      %dma_wait3A_309 = arith.constant 1 : i32
      %dma_wait3A_310 = arith.constant 0 : i32
      %dma_wait3A_311 = arith.constant 0 : i32
      %dma_wait3A_312 = tpu.memref_slice %arg7[%dma_wait3A_309, %dma_wait3A_310, %dma_wait3A_311] : memref<2x128x128xf32, #tpu.memory_space<vmem>> -> memref<1x128x128xf32, #tpu.memory_space<vmem>>
      %dma_wait3A_313 = tpu.memref_squeeze %dma_wait3A_312 : memref<1x128x128xf32, #tpu.memory_space<vmem>> -> memref<128x128xf32, #tpu.memory_space<vmem>>
      %dma_wait3A_314 = arith.constant 0 : i32
      %dma_wait3A_315 = arith.constant 0 : i32
      %dma_wait3A_316 = tpu.memref_slice %arg2[%dma_wait3A_314, %dma_wait3A_315] : memref<10000x128xf32, #tpu.memory_space<hbm>> -> memref<128x128xf32, #tpu.memory_space<hbm>>
      %dma_wait3A_317 = arith.constant 0 : i32
      %dma_wait3A_318 = arith.constant 0 : i32
      %dma_wait3A_319 = tpu.memref_slice %arg7[%dma_wait3A_309, %dma_wait3A_317, %dma_wait3A_318] : memref<2x128x128xf32, #tpu.memory_space<vmem>> -> memref<1x128x128xf32, #tpu.memory_space<vmem>>
      %dma_wait3A_320 = tpu.memref_squeeze %dma_wait3A_319 : memref<1x128x128xf32, #tpu.memory_space<vmem>> -> memref<128x128xf32, #tpu.memory_space<vmem>>
      %dma_wait3A_321 = arith.constant 0 : i32
      %dma_wait3A_322 = arith.constant 0 : i32
      %dma_wait3A_323 = tpu.memref_slice %arg2[%dma_wait3A_321, %dma_wait3A_322] : memref<10000x128xf32, #tpu.memory_space<hbm>> -> memref<128x128xf32, #tpu.memory_space<hbm>>
      tpu.wait_dma2 semaphore(%arg9 : memref<!tpu.dma_semaphore, #tpu.memory_space<semaphore_mem>>) src(%dma_wait3A_323 : memref<128x128xf32, #tpu.memory_space<hbm>>) dst(%dma_wait3A_320 : memref<128x128xf32, #tpu.memory_space<vmem>>)
      %mul3A_324 = arith.constant 2 : i32
      %mul3A_325 = arith.muli %mul3A_324, %scan3A_260 : i32
      %add3A_326 = arith.constant 1 : i32
      %add3A_327 = arith.addi %mul3A_325, %add3A_326 : i32
      %run_scoped3A_328 = arith.constant 1 : i32
      %run_scoped3A_329 = arith.constant 1 : i32
      "tpu.region"() ({
        %run_scoped3A_331 = tpu.sem_alloc : memref<!tpu.dma_semaphore, #tpu.memory_space<semaphore_mem>>
        %dma_start3A_332 = arith.constant 0 : i32
        %dma_start3A_333 = arith.constant 0 : i32
        %dma_start3A_334 = tpu.memref_slice %arg7[%run_scoped3A_328, %dma_start3A_332, %dma_start3A_333] : memref<2x128x128xf32, #tpu.memory_space<vmem>> -> memref<1x128x128xf32, #tpu.memory_space<vmem>>
        %dma_start3A_335 = tpu.memref_squeeze %dma_start3A_334 : memref<1x128x128xf32, #tpu.memory_space<vmem>> -> memref<128x128xf32, #tpu.memory_space<vmem>>
        %dma_start3A_336 = arith.constant 0 : i32
        %dma_start3A_337 = arith.constant 0 : i32
        %dma_start3A_338 = arith.constant 0 : i32
        %dma_start3A_339 = tpu.memref_slice %arg6[%scan3A_245, %dma_start3A_336, %dma_start3A_337, %dma_start3A_338] : memref<2x32x2x128xi32, #tpu.memory_space<vmem>> -> memref<1x32x2x128xi32, #tpu.memory_space<vmem>>
        %dma_start3A_340 = tpu.memref_squeeze %dma_start3A_339 : memref<1x32x2x128xi32, #tpu.memory_space<vmem>> -> memref<32x2x128xi32, #tpu.memory_space<vmem>>
        %dma_start3A_341 = arith.constant 0 : i32
        %dma_start3A_342 = tpu.memref_slice %dma_start3A_340[%add3A_327, %run_scoped3A_329, %dma_start3A_341] : memref<32x2x128xi32, #tpu.memory_space<vmem>> -> memref<1x1x128xi32, #tpu.memory_space<vmem>>
        %dma_start3A_343 = tpu.memref_squeeze %dma_start3A_342 : memref<1x1x128xi32, #tpu.memory_space<vmem>> -> memref<128xi32, #tpu.memory_space<vmem>>
        %dma_start3A_344 = arith.constant 0 : i32
        %dma_start3A_345 = arith.constant 0 : i32
        %dma_start3A_346 = tpu.memref_slice %arg5[%dma_start3A_344, %dma_start3A_345] : memref<10112x128xf32, #tpu.memory_space<vmem_shared>> -> memref<10112x128xf32, #tpu.memory_space<vmem_shared>>
        tpu.enqueue_indirect_dma source(%dma_start3A_335 : memref<128x128xf32, #tpu.memory_space<vmem>>) target(%dma_start3A_346 : memref<10112x128xf32, #tpu.memory_space<vmem_shared>>) offsets(%dma_start3A_343 : memref<128xi32, #tpu.memory_space<vmem>>) semaphore(%run_scoped3A_331 : memref<!tpu.dma_semaphore, #tpu.memory_space<semaphore_mem>>) {add = true}
        %dma_wait3A_347 = arith.constant 0 : i32
        %dma_wait3A_348 = arith.constant 0 : i32
        %dma_wait3A_349 = tpu.memref_slice %arg7[%run_scoped3A_328, %dma_wait3A_347, %dma_wait3A_348] : memref<2x128x128xf32, #tpu.memory_space<vmem>> -> memref<1x128x128xf32, #tpu.memory_space<vmem>>
        %dma_wait3A_350 = tpu.memref_squeeze %dma_wait3A_349 : memref<1x128x128xf32, #tpu.memory_space<vmem>> -> memref<128x128xf32, #tpu.memory_space<vmem>>
        %dma_wait3A_351 = arith.constant 0 : i32
        %dma_wait3A_352 = arith.constant 0 : i32
        %dma_wait3A_353 = arith.constant 0 : i32
        %dma_wait3A_354 = tpu.memref_slice %arg6[%scan3A_245, %dma_wait3A_351, %dma_wait3A_352, %dma_wait3A_353] : memref<2x32x2x128xi32, #tpu.memory_space<vmem>> -> memref<1x32x2x128xi32, #tpu.memory_space<vmem>>
        %dma_wait3A_355 = tpu.memref_squeeze %dma_wait3A_354 : memref<1x32x2x128xi32, #tpu.memory_space<vmem>> -> memref<32x2x128xi32, #tpu.memory_space<vmem>>
        %dma_wait3A_356 = arith.constant 0 : i32
        %dma_wait3A_357 = tpu.memref_slice %dma_wait3A_355[%add3A_327, %run_scoped3A_329, %dma_wait3A_356] : memref<32x2x128xi32, #tpu.memory_space<vmem>> -> memref<1x1x128xi32, #tpu.memory_space<vmem>>
        %dma_wait3A_358 = tpu.memref_squeeze %dma_wait3A_357 : memref<1x1x128xi32, #tpu.memory_space<vmem>> -> memref<128xi32, #tpu.memory_space<vmem>>
        %dma_wait3A_359 = arith.constant 0 : i32
        %dma_wait3A_360 = arith.constant 0 : i32
        %dma_wait3A_361 = tpu.memref_slice %arg5[%dma_wait3A_359, %dma_wait3A_360] : memref<10112x128xf32, #tpu.memory_space<vmem_shared>> -> memref<10112x128xf32, #tpu.memory_space<vmem_shared>>
        tpu.wait_indirect_dma semaphore(%run_scoped3A_331 : memref<!tpu.dma_semaphore, #tpu.memory_space<semaphore_mem>>) src(%dma_wait3A_350 : memref<128x128xf32, #tpu.memory_space<vmem>>) dst(%dma_wait3A_361 : memref<10112x128xf32, #tpu.memory_space<vmem_shared>>)
        tpu.yield
      }) : () -> ()
      %scan3A_330 = arith.constant 0 : i32
      scf.yield %scan3A_330 : i32
    }
    %scan3A_252 = arith.constant 7 : i32
    %lt3A = arith.constant 4 : i32
    %lt3A_253 = arith.cmpi slt, %add3A, %lt3A : i32
    %convert_element_type3A = arith.extui %lt3A_253 : i1 to i32
    %cond3A = arith.constant 0 : i32
    %cond3A_254 = arith.cmpi ne, %convert_element_type3A, %cond3A : i32
    scf.if %cond3A_254 {
      %add3A_260 = arith.constant 78 : i32
      %add3A_261 = arith.addi %add3A_4, %add3A_260 : i32
      %run_scoped3A_262 = arith.constant 0 : i32
      "tpu.region"() ({
        %run_scoped3A_296 = tpu.sem_alloc : memref<!tpu.dma_semaphore, #tpu.memory_space<semaphore_mem>>
        %dma_start3A_297 = arith.constant 0 : i32
        %dma_start3A_298 = arith.constant 0 : i32
        %dma_start3A_299 = arith.constant 0 : i32
        %dma_start3A_300 = tpu.memref_slice %arg6[%run_scoped3A_262, %dma_start3A_297, %dma_start3A_298, %dma_start3A_299] : memref<2x32x2x128xi32, #tpu.memory_space<vmem>> -> memref<1x32x2x128xi32, #tpu.memory_space<vmem>>
        %dma_start3A_301 = tpu.memref_squeeze %dma_start3A_300 : memref<1x32x2x128xi32, #tpu.memory_space<vmem>> -> memref<32x2x128xi32, #tpu.memory_space<vmem>>
        %dma_start3A_302 = arith.constant 0 : i32
        %dma_start3A_303 = arith.constant 0 : i32
        %dma_start3A_304 = arith.constant 0 : i32
        %dma_start3A_305 = tpu.memref_slice %dma_start3A_301[%dma_start3A_302, %dma_start3A_303, %dma_start3A_304] : memref<32x2x128xi32, #tpu.memory_space<vmem>> -> memref<1x2x128xi32, #tpu.memory_space<vmem>>
        %dma_start3A_306 = arith.constant 0 : i32
        %dma_start3A_307 = arith.constant 0 : i32
        %dma_start3A_308 = tpu.memref_slice %arg3[%add3A_261, %dma_start3A_306, %dma_start3A_307] : memref<2500x2x128xi32, #tpu.memory_space<hbm>> -> memref<1x2x128xi32, #tpu.memory_space<hbm>>
        %dma_start3A_309 = arith.constant 0 : i32
        %dma_start3A_310 = arith.constant 0 : i32
        %dma_start3A_311 = arith.constant 0 : i32
        %dma_start3A_312 = tpu.memref_slice %arg6[%run_scoped3A_262, %dma_start3A_309, %dma_start3A_310, %dma_start3A_311] : memref<2x32x2x128xi32, #tpu.memory_space<vmem>> -> memref<1x32x2x128xi32, #tpu.memory_space<vmem>>
        %dma_start3A_313 = tpu.memref_squeeze %dma_start3A_312 : memref<1x32x2x128xi32, #tpu.memory_space<vmem>> -> memref<32x2x128xi32, #tpu.memory_space<vmem>>
        %dma_start3A_314 = arith.constant 0 : i32
        %dma_start3A_315 = arith.constant 0 : i32
        %dma_start3A_316 = arith.constant 0 : i32
        %dma_start3A_317 = tpu.memref_slice %dma_start3A_313[%dma_start3A_314, %dma_start3A_315, %dma_start3A_316] : memref<32x2x128xi32, #tpu.memory_space<vmem>> -> memref<1x2x128xi32, #tpu.memory_space<vmem>>
        %dma_start3A_318 = arith.constant 0 : i32
        %dma_start3A_319 = arith.constant 0 : i32
        %dma_start3A_320 = tpu.memref_slice %arg3[%add3A_261, %dma_start3A_318, %dma_start3A_319] : memref<2500x2x128xi32, #tpu.memory_space<hbm>> -> memref<1x2x128xi32, #tpu.memory_space<hbm>>
        tpu.enqueue_dma source(%dma_start3A_320 : memref<1x2x128xi32, #tpu.memory_space<hbm>>) target(%dma_start3A_317 : memref<1x2x128xi32, #tpu.memory_space<vmem>>) target_semaphore(%run_scoped3A_296 : memref<!tpu.dma_semaphore, #tpu.memory_space<semaphore_mem>>)
        %dma_wait3A_321 = arith.constant 0 : i32
        %dma_wait3A_322 = arith.constant 0 : i32
        %dma_wait3A_323 = arith.constant 0 : i32
        %dma_wait3A_324 = tpu.memref_slice %arg6[%run_scoped3A_262, %dma_wait3A_321, %dma_wait3A_322, %dma_wait3A_323] : memref<2x32x2x128xi32, #tpu.memory_space<vmem>> -> memref<1x32x2x128xi32, #tpu.memory_space<vmem>>
        %dma_wait3A_325 = tpu.memref_squeeze %dma_wait3A_324 : memref<1x32x2x128xi32, #tpu.memory_space<vmem>> -> memref<32x2x128xi32, #tpu.memory_space<vmem>>
        %dma_wait3A_326 = arith.constant 0 : i32
        %dma_wait3A_327 = arith.constant 0 : i32
        %dma_wait3A_328 = arith.constant 0 : i32
        %dma_wait3A_329 = tpu.memref_slice %dma_wait3A_325[%dma_wait3A_326, %dma_wait3A_327, %dma_wait3A_328] : memref<32x2x128xi32, #tpu.memory_space<vmem>> -> memref<1x2x128xi32, #tpu.memory_space<vmem>>
        %dma_wait3A_330 = arith.constant 0 : i32
        %dma_wait3A_331 = arith.constant 0 : i32
        %dma_wait3A_332 = tpu.memref_slice %arg3[%add3A_261, %dma_wait3A_330, %dma_wait3A_331] : memref<2500x2x128xi32, #tpu.memory_space<hbm>> -> memref<1x2x128xi32, #tpu.memory_space<hbm>>
        %dma_wait3A_333 = arith.constant 0 : i32
        %dma_wait3A_334 = arith.constant 0 : i32
        %dma_wait3A_335 = arith.constant 0 : i32
        %dma_wait3A_336 = tpu.memref_slice %arg6[%run_scoped3A_262, %dma_wait3A_333, %dma_wait3A_334, %dma_wait3A_335] : memref<2x32x2x128xi32, #tpu.memory_space<vmem>> -> memref<1x32x2x128xi32, #tpu.memory_space<vmem>>
        %dma_wait3A_337 = tpu.memref_squeeze %dma_wait3A_336 : memref<1x32x2x128xi32, #tpu.memory_space<vmem>> -> memref<32x2x128xi32, #tpu.memory_space<vmem>>
        %dma_wait3A_338 = arith.constant 0 : i32
        %dma_wait3A_339 = arith.constant 0 : i32
        %dma_wait3A_340 = arith.constant 0 : i32
        %dma_wait3A_341 = tpu.memref_slice %dma_wait3A_337[%dma_wait3A_338, %dma_wait3A_339, %dma_wait3A_340] : memref<32x2x128xi32, #tpu.memory_space<vmem>> -> memref<1x2x128xi32, #tpu.memory_space<vmem>>
        %dma_wait3A_342 = arith.constant 0 : i32
        %dma_wait3A_343 = arith.constant 0 : i32
        %dma_wait3A_344 = tpu.memref_slice %arg3[%add3A_261, %dma_wait3A_342, %dma_wait3A_343] : memref<2500x2x128xi32, #tpu.memory_space<hbm>> -> memref<1x2x128xi32, #tpu.memory_space<hbm>>
        tpu.wait_dma2 semaphore(%run_scoped3A_296 : memref<!tpu.dma_semaphore, #tpu.memory_space<semaphore_mem>>) src(%dma_wait3A_344 : memref<1x2x128xi32, #tpu.memory_space<hbm>>) dst(%dma_wait3A_341 : memref<1x2x128xi32, #tpu.memory_space<vmem>>)
        tpu.yield
      }) : () -> ()
      %dma_start3A_263 = arith.constant 0 : i32
      %dma_start3A_264 = arith.constant 0 : i32
      %dma_start3A_265 = arith.constant 0 : i32
      %dma_start3A_266 = arith.constant 0 : i32
      %dma_start3A_267 = arith.constant 0 : i32
      %dma_start3A_268 = arith.constant 0 : i32
      %dma_start3A_269 = tpu.memref_slice %arg7[%dma_start3A_266, %dma_start3A_267, %dma_start3A_268] : memref<2x128x128xf32, #tpu.memory_space<vmem>> -> memref<1x128x128xf32, #tpu.memory_space<vmem>>
      %dma_start3A_270 = tpu.memref_squeeze %dma_start3A_269 : memref<1x128x128xf32, #tpu.memory_space<vmem>> -> memref<128x128xf32, #tpu.memory_space<vmem>>
      %dma_start3A_271 = arith.constant 0 : i32
      %dma_start3A_272 = tpu.memref_slice %arg6[%dma_start3A_263, %dma_start3A_264, %dma_start3A_265, %dma_start3A_271] : memref<2x32x2x128xi32, #tpu.memory_space<vmem>> -> memref<1x1x1x128xi32, #tpu.memory_space<vmem>>
      %dma_start3A_273 = tpu.memref_squeeze %dma_start3A_272 : memref<1x1x1x128xi32, #tpu.memory_space<vmem>> -> memref<128xi32, #tpu.memory_space<vmem>>
      %dma_start3A_274 = arith.constant 0 : i32
      %dma_start3A_275 = arith.constant 0 : i32
      %dma_start3A_276 = tpu.memref_slice %arg2[%dma_start3A_274, %dma_start3A_275] : memref<10000x128xf32, #tpu.memory_space<hbm>> -> memref<10000x128xf32, #tpu.memory_space<hbm>>
      tpu.enqueue_indirect_dma source(%dma_start3A_276 : memref<10000x128xf32, #tpu.memory_space<hbm>>) target(%dma_start3A_270 : memref<128x128xf32, #tpu.memory_space<vmem>>) offsets(%dma_start3A_273 : memref<128xi32, #tpu.memory_space<vmem>>) semaphore(%arg8 : memref<!tpu.dma_semaphore, #tpu.memory_space<semaphore_mem>>)
      %dma_wait3A_277 = arith.constant 0 : i32
      %dma_wait3A_278 = arith.constant 0 : i32
      %dma_wait3A_279 = arith.constant 0 : i32
      %dma_wait3A_280 = tpu.memref_slice %arg7[%dma_wait3A_277, %dma_wait3A_278, %dma_wait3A_279] : memref<2x128x128xf32, #tpu.memory_space<vmem>> -> memref<1x128x128xf32, #tpu.memory_space<vmem>>
      %dma_wait3A_281 = tpu.memref_squeeze %dma_wait3A_280 : memref<1x128x128xf32, #tpu.memory_space<vmem>> -> memref<128x128xf32, #tpu.memory_space<vmem>>
      %dma_wait3A_282 = arith.constant 0 : i32
      %dma_wait3A_283 = arith.constant 0 : i32
      %dma_wait3A_284 = tpu.memref_slice %arg2[%dma_wait3A_282, %dma_wait3A_283] : memref<10000x128xf32, #tpu.memory_space<hbm>> -> memref<128x128xf32, #tpu.memory_space<hbm>>
      %dma_wait3A_285 = arith.constant 0 : i32
      %dma_wait3A_286 = arith.constant 0 : i32
      %dma_wait3A_287 = tpu.memref_slice %arg7[%dma_wait3A_277, %dma_wait3A_285, %dma_wait3A_286] : memref<2x128x128xf32, #tpu.memory_space<vmem>> -> memref<1x128x128xf32, #tpu.memory_space<vmem>>
      %dma_wait3A_288 = tpu.memref_squeeze %dma_wait3A_287 : memref<1x128x128xf32, #tpu.memory_space<vmem>> -> memref<128x128xf32, #tpu.memory_space<vmem>>
      %dma_wait3A_289 = arith.constant 0 : i32
      %dma_wait3A_290 = arith.constant 0 : i32
      %dma_wait3A_291 = tpu.memref_slice %arg2[%dma_wait3A_289, %dma_wait3A_290] : memref<10000x128xf32, #tpu.memory_space<hbm>> -> memref<128x128xf32, #tpu.memory_space<hbm>>
      tpu.wait_dma2 semaphore(%arg8 : memref<!tpu.dma_semaphore, #tpu.memory_space<semaphore_mem>>) src(%dma_wait3A_291 : memref<128x128xf32, #tpu.memory_space<hbm>>) dst(%dma_wait3A_288 : memref<128x128xf32, #tpu.memory_space<vmem>>)
      %run_scoped3A_292 = arith.constant 0 : i32
      %run_scoped3A_293 = arith.constant 0 : i32
      %run_scoped3A_294 = arith.constant 0 : i32
      %run_scoped3A_295 = arith.constant 1 : i32
      "tpu.region"() ({
        %run_scoped3A_296 = tpu.sem_alloc : memref<!tpu.dma_semaphore, #tpu.memory_space<semaphore_mem>>
        %dma_start3A_297 = arith.constant 0 : i32
        %dma_start3A_298 = arith.constant 0 : i32
        %dma_start3A_299 = tpu.memref_slice %arg7[%run_scoped3A_292, %dma_start3A_297, %dma_start3A_298] : memref<2x128x128xf32, #tpu.memory_space<vmem>> -> memref<1x128x128xf32, #tpu.memory_space<vmem>>
        %dma_start3A_300 = tpu.memref_squeeze %dma_start3A_299 : memref<1x128x128xf32, #tpu.memory_space<vmem>> -> memref<128x128xf32, #tpu.memory_space<vmem>>
        %dma_start3A_301 = arith.constant 0 : i32
        %dma_start3A_302 = tpu.memref_slice %arg6[%run_scoped3A_293, %run_scoped3A_294, %run_scoped3A_295, %dma_start3A_301] : memref<2x32x2x128xi32, #tpu.memory_space<vmem>> -> memref<1x1x1x128xi32, #tpu.memory_space<vmem>>
        %dma_start3A_303 = tpu.memref_squeeze %dma_start3A_302 : memref<1x1x1x128xi32, #tpu.memory_space<vmem>> -> memref<128xi32, #tpu.memory_space<vmem>>
        %dma_start3A_304 = arith.constant 0 : i32
        %dma_start3A_305 = arith.constant 0 : i32
        %dma_start3A_306 = tpu.memref_slice %arg5[%dma_start3A_304, %dma_start3A_305] : memref<10112x128xf32, #tpu.memory_space<vmem_shared>> -> memref<10112x128xf32, #tpu.memory_space<vmem_shared>>
        tpu.enqueue_indirect_dma source(%dma_start3A_300 : memref<128x128xf32, #tpu.memory_space<vmem>>) target(%dma_start3A_306 : memref<10112x128xf32, #tpu.memory_space<vmem_shared>>) offsets(%dma_start3A_303 : memref<128xi32, #tpu.memory_space<vmem>>) semaphore(%run_scoped3A_296 : memref<!tpu.dma_semaphore, #tpu.memory_space<semaphore_mem>>) {add = true}
        %dma_wait3A_307 = arith.constant 0 : i32
        %dma_wait3A_308 = arith.constant 0 : i32
        %dma_wait3A_309 = tpu.memref_slice %arg7[%run_scoped3A_292, %dma_wait3A_307, %dma_wait3A_308] : memref<2x128x128xf32, #tpu.memory_space<vmem>> -> memref<1x128x128xf32, #tpu.memory_space<vmem>>
        %dma_wait3A_310 = tpu.memref_squeeze %dma_wait3A_309 : memref<1x128x128xf32, #tpu.memory_space<vmem>> -> memref<128x128xf32, #tpu.memory_space<vmem>>
        %dma_wait3A_311 = arith.constant 0 : i32
        %dma_wait3A_312 = tpu.memref_slice %arg6[%run_scoped3A_293, %run_scoped3A_294, %run_scoped3A_295, %dma_wait3A_311] : memref<2x32x2x128xi32, #tpu.memory_space<vmem>> -> memref<1x1x1x128xi32, #tpu.memory_space<vmem>>
        %dma_wait3A_313 = tpu.memref_squeeze %dma_wait3A_312 : memref<1x1x1x128xi32, #tpu.memory_space<vmem>> -> memref<128xi32, #tpu.memory_space<vmem>>
        %dma_wait3A_314 = arith.constant 0 : i32
        %dma_wait3A_315 = arith.constant 0 : i32
        %dma_wait3A_316 = tpu.memref_slice %arg5[%dma_wait3A_314, %dma_wait3A_315] : memref<10112x128xf32, #tpu.memory_space<vmem_shared>> -> memref<10112x128xf32, #tpu.memory_space<vmem_shared>>
        tpu.wait_indirect_dma semaphore(%run_scoped3A_296 : memref<!tpu.dma_semaphore, #tpu.memory_space<semaphore_mem>>) src(%dma_wait3A_310 : memref<128x128xf32, #tpu.memory_space<vmem>>) dst(%dma_wait3A_316 : memref<10112x128xf32, #tpu.memory_space<vmem_shared>>)
        tpu.yield
      }) : () -> ()
    } else {
    }
    %barrier3A_255 = arith.constant 0 : index
    tpu.barrier barrier_id(%barrier3A_255)
    %mul3A_256 = arith.constant 632 : i32
    %mul3A_257 = arith.muli %arg1, %mul3A_256 : i32
    %mul3A_258 = arith.constant 632 : i32
    %mul3A_259 = arith.muli %arg1, %mul3A_258 : i32
    "tpu.region"() ({
      %run_scoped3A_260 = tpu.sem_alloc : memref<!tpu.dma_semaphore, #tpu.memory_space<semaphore_mem>>
      %dma_start3A_261 = arith.constant 0 : i32
      %dma_start3A_262 = tpu.memref_slice %arg4[%arg0, %mul3A_259, %dma_start3A_261] : memref<2x10112x128xf32, #tpu.memory_space<hbm>> -> memref<1x632x128xf32, #tpu.memory_space<hbm>>
      %dma_start3A_263 = tpu.memref_squeeze %dma_start3A_262 : memref<1x632x128xf32, #tpu.memory_space<hbm>> -> memref<632x128xf32, #tpu.memory_space<hbm>>
      %dma_start3A_264 = arith.constant 0 : i32
      %dma_start3A_265 = tpu.memref_slice %arg5[%mul3A_257, %dma_start3A_264] : memref<10112x128xf32, #tpu.memory_space<vmem_shared>> -> memref<632x128xf32, #tpu.memory_space<vmem_shared>>
      tpu.enqueue_dma source(%dma_start3A_265 : memref<632x128xf32, #tpu.memory_space<vmem_shared>>) target(%dma_start3A_263 : memref<632x128xf32, #tpu.memory_space<hbm>>) target_semaphore(%run_scoped3A_260 : memref<!tpu.dma_semaphore, #tpu.memory_space<semaphore_mem>>)
      %dma_wait3A_266 = arith.constant 0 : i32
      %dma_wait3A_267 = tpu.memref_slice %arg4[%arg0, %mul3A_259, %dma_wait3A_266] : memref<2x10112x128xf32, #tpu.memory_space<hbm>> -> memref<1x632x128xf32, #tpu.memory_space<hbm>>
      %dma_wait3A_268 = tpu.memref_squeeze %dma_wait3A_267 : memref<1x632x128xf32, #tpu.memory_space<hbm>> -> memref<632x128xf32, #tpu.memory_space<hbm>>
      %dma_wait3A_269 = arith.constant 0 : i32
      %dma_wait3A_270 = tpu.memref_slice %arg5[%mul3A_257, %dma_wait3A_269] : memref<10112x128xf32, #tpu.memory_space<vmem_shared>> -> memref<632x128xf32, #tpu.memory_space<vmem_shared>>
      tpu.wait_dma2 semaphore(%run_scoped3A_260 : memref<!tpu.dma_semaphore, #tpu.memory_space<semaphore_mem>>) src(%dma_wait3A_270 : memref<632x128xf32, #tpu.memory_space<vmem_shared>>) dst(%dma_wait3A_268 : memref<632x128xf32, #tpu.memory_space<hbm>>)
      tpu.yield
    }) : () -> ()
    return
  }
}

#map = affine_map<(d0, d1) -> (0, 0, 0)>
#map1 = affine_map<(d0, d1) -> (0, 0)>
module attributes {stable_mosaic.version = 14 : i64} {
  func.func @deg_kernel(%arg0: i32, %arg1: i32, %arg2: memref<2500x2x128xi32, #tpu.memory_space<hbm>>, %arg3: memref<2x10240xf32, #tpu.memory_space<hbm>>, %arg4: memref<10240xf32, #tpu.memory_space<vmem_shared>>, %arg5: memref<32x2x128xi32, #tpu.memory_space<vmem>>, %arg6: memref<128xf32, #tpu.memory_space<vmem>>, %arg7: memref<640xf32, #tpu.memory_space<vmem>>) attributes {dimension_semantics = [#tpu.dimension_semantics<core_parallel>, #tpu.dimension_semantics<subcore_parallel>], iteration_bounds = array<i64: 2, 16>, scalar_prefetch = 0 : i64, scratch_operands = 4 : i64, tpu.core_type = #tpu.core_type<sc_vector_subcore>, window_params = [{transform_indices = #map}, {transform_indices = #map1}]} {
    %mul3A = arith.constant 16 : i32
    %mul3A_0 = arith.muli %arg0, %mul3A : i32
    %add3A = arith.addi %mul3A_0, %arg1 : i32
    %mul3A_1 = arith.constant 78 : i32
    %mul3A_2 = arith.muli %mul3A_1, %add3A : i32
    %min3A = arith.constant 4 : i32
    %min3A_3 = arith.minsi %add3A, %min3A : i32
    %add3A_4 = arith.addi %mul3A_2, %min3A_3 : i32
    %scan3A = arith.constant 0 : i32
    %scan3A_5 = arith.constant 0 : i32
    %scan3A_6 = arith.constant 8 : i32
    %scan3A_7 = arith.addi %scan3A_5, %scan3A_6 : i32
    %scan3A_8 = arith.constant 1 : i32
    %scan3A_9 = scf.for %scan3A_43 = %scan3A_5 to %scan3A_7 step %scan3A_8 iter_args(%scan3A_44 = %scan3A) -> (i32)  : i32 {
      %broadcast_in_dim3A = arith.constant 1.000000e+00 : f32
      %broadcast_in_dim3A_45 = vector.broadcast %broadcast_in_dim3A : f32 to vector<16xf32>
      %mul3A_46 = arith.constant 16 : i32
      %mul3A_47 = arith.muli %scan3A_43, %mul3A_46 : i32
      %swap3A = arith.index_cast %mul3A_47 : i32 to index
      %swap3A_48 = tpu.vector_load %arg6[%swap3A] {strides = array<i32>} : memref<128xf32, #tpu.memory_space<vmem>>, vector<16xf32>,
      %swap3A_49 = vector.shape_cast %swap3A_48 : vector<16xf32> to vector<16xf32>
      %swap3A_50 = vector.shape_cast %broadcast_in_dim3A_45 : vector<16xf32> to vector<16xf32>
      tpu.vector_store %arg6[%swap3A], %swap3A_50 {strides = array<i32>} : memref<128xf32, #tpu.memory_space<vmem>>, vector<16xf32>,
      %scan3A_51 = arith.constant 0 : i32
      scf.yield %scan3A_51 : i32
    }
    %scan3A_10 = arith.constant 8 : i32
    %scan3A_11 = arith.constant 0 : i32
    %scan3A_12 = arith.constant 0 : i32
    %scan3A_13 = arith.constant 40 : i32
    %scan3A_14 = arith.addi %scan3A_12, %scan3A_13 : i32
    %scan3A_15 = arith.constant 1 : i32
    %scan3A_16 = scf.for %scan3A_43 = %scan3A_12 to %scan3A_14 step %scan3A_15 iter_args(%scan3A_44 = %scan3A_11) -> (i32)  : i32 {
      %broadcast_in_dim3A = arith.constant 0.000000e+00 : f32
      %broadcast_in_dim3A_45 = vector.broadcast %broadcast_in_dim3A : f32 to vector<16xf32>
      %mul3A_46 = arith.constant 16 : i32
      %mul3A_47 = arith.muli %scan3A_43, %mul3A_46 : i32
      %swap3A = arith.index_cast %mul3A_47 : i32 to index
      %swap3A_48 = tpu.vector_load %arg7[%swap3A] {strides = array<i32>} : memref<640xf32, #tpu.memory_space<vmem>>, vector<16xf32>,
      %swap3A_49 = vector.shape_cast %swap3A_48 : vector<16xf32> to vector<16xf32>
      %swap3A_50 = vector.shape_cast %broadcast_in_dim3A_45 : vector<16xf32> to vector<16xf32>
      tpu.vector_store %arg7[%swap3A], %swap3A_50 {strides = array<i32>} : memref<640xf32, #tpu.memory_space<vmem>>, vector<16xf32>,
      %scan3A_51 = arith.constant 0 : i32
      scf.yield %scan3A_51 : i32
    }
    %scan3A_17 = arith.constant 40 : i32
    %mul3A_18 = arith.constant 640 : i32
    %mul3A_19 = arith.muli %arg1, %mul3A_18 : i32
    "tpu.region"() ({
      %run_scoped3A = tpu.sem_alloc : memref<!tpu.dma_semaphore, #tpu.memory_space<semaphore_mem>>
      %dma_start3A = tpu.memref_slice %arg4[%mul3A_19] : memref<10240xf32, #tpu.memory_space<vmem_shared>> -> memref<640xf32, #tpu.memory_space<vmem_shared>>
      %dma_start3A_43 = tpu.memref_slice %arg4[%mul3A_19] : memref<10240xf32, #tpu.memory_space<vmem_shared>> -> memref<640xf32, #tpu.memory_space<vmem_shared>>
      tpu.enqueue_dma source(%arg7 : memref<640xf32, #tpu.memory_space<vmem>>) target(%dma_start3A_43 : memref<640xf32, #tpu.memory_space<vmem_shared>>) target_semaphore(%run_scoped3A : memref<!tpu.dma_semaphore, #tpu.memory_space<semaphore_mem>>)
      %dma_wait3A = tpu.memref_slice %arg4[%mul3A_19] : memref<10240xf32, #tpu.memory_space<vmem_shared>> -> memref<640xf32, #tpu.memory_space<vmem_shared>>
      %dma_wait3A_44 = tpu.memref_slice %arg4[%mul3A_19] : memref<10240xf32, #tpu.memory_space<vmem_shared>> -> memref<640xf32, #tpu.memory_space<vmem_shared>>
      tpu.wait_dma2 semaphore(%run_scoped3A : memref<!tpu.dma_semaphore, #tpu.memory_space<semaphore_mem>>) src(%arg7 : memref<640xf32, #tpu.memory_space<vmem>>) dst(%dma_wait3A_44 : memref<640xf32, #tpu.memory_space<vmem_shared>>)
      tpu.yield
    }) : () -> ()
    %barrier3A = arith.constant 0 : index
    tpu.barrier barrier_id(%barrier3A)
    %scan3A_20 = arith.constant 0 : i32
    %scan3A_21 = arith.constant 0 : i32
    %scan3A_22 = arith.constant 2 : i32
    %scan3A_23 = arith.addi %scan3A_21, %scan3A_22 : i32
    %scan3A_24 = arith.constant 1 : i32
    %scan3A_25 = scf.for %scan3A_43 = %scan3A_21 to %scan3A_23 step %scan3A_24 iter_args(%scan3A_44 = %scan3A_20) -> (i32)  : i32 {
      %mul3A_45 = arith.constant 32 : i32
      %mul3A_46 = arith.muli %scan3A_43, %mul3A_45 : i32
      %add3A_47 = arith.addi %add3A_4, %mul3A_46 : i32
      "tpu.region"() ({
        %run_scoped3A = tpu.sem_alloc : memref<!tpu.dma_semaphore, #tpu.memory_space<semaphore_mem>>
        %dma_start3A = arith.constant 0 : i32
        %dma_start3A_56 = arith.constant 0 : i32
        %dma_start3A_57 = tpu.memref_slice %arg2[%add3A_47, %dma_start3A, %dma_start3A_56] : memref<2500x2x128xi32, #tpu.memory_space<hbm>> -> memref<32x2x128xi32, #tpu.memory_space<hbm>>
        %dma_start3A_58 = arith.constant 0 : i32
        %dma_start3A_59 = arith.constant 0 : i32
        %dma_start3A_60 = tpu.memref_slice %arg2[%add3A_47, %dma_start3A_58, %dma_start3A_59] : memref<2500x2x128xi32, #tpu.memory_space<hbm>> -> memref<32x2x128xi32, #tpu.memory_space<hbm>>
        tpu.enqueue_dma source(%dma_start3A_60 : memref<32x2x128xi32, #tpu.memory_space<hbm>>) target(%arg5 : memref<32x2x128xi32, #tpu.memory_space<vmem>>) target_semaphore(%run_scoped3A : memref<!tpu.dma_semaphore, #tpu.memory_space<semaphore_mem>>)
        %dma_wait3A = arith.constant 0 : i32
        %dma_wait3A_61 = arith.constant 0 : i32
        %dma_wait3A_62 = tpu.memref_slice %arg2[%add3A_47, %dma_wait3A, %dma_wait3A_61] : memref<2500x2x128xi32, #tpu.memory_space<hbm>> -> memref<32x2x128xi32, #tpu.memory_space<hbm>>
        %dma_wait3A_63 = arith.constant 0 : i32
        %dma_wait3A_64 = arith.constant 0 : i32
        %dma_wait3A_65 = tpu.memref_slice %arg2[%add3A_47, %dma_wait3A_63, %dma_wait3A_64] : memref<2500x2x128xi32, #tpu.memory_space<hbm>> -> memref<32x2x128xi32, #tpu.memory_space<hbm>>
        tpu.wait_dma2 semaphore(%run_scoped3A : memref<!tpu.dma_semaphore, #tpu.memory_space<semaphore_mem>>) src(%dma_wait3A_65 : memref<32x2x128xi32, #tpu.memory_space<hbm>>) dst(%arg5 : memref<32x2x128xi32, #tpu.memory_space<vmem>>)
        tpu.yield
      }) : () -> ()
      %scan3A_48 = arith.constant 0 : i32
      %scan3A_49 = arith.constant 0 : i32
      %scan3A_50 = arith.constant 32 : i32
      %scan3A_51 = arith.addi %scan3A_49, %scan3A_50 : i32
      %scan3A_52 = arith.constant 1 : i32
      %scan3A_53 = scf.for %scan3A_56 = %scan3A_49 to %scan3A_51 step %scan3A_52 iter_args(%scan3A_57 = %scan3A_48) -> (i32)  : i32 {
        %run_scoped3A = arith.constant 1 : i32
        "tpu.region"() ({
          %run_scoped3A_59 = tpu.sem_alloc : memref<!tpu.dma_semaphore, #tpu.memory_space<semaphore_mem>>
          %dma_start3A = arith.constant 0 : i32
          %dma_start3A_60 = tpu.memref_slice %arg5[%scan3A_56, %run_scoped3A, %dma_start3A] : memref<32x2x128xi32, #tpu.memory_space<vmem>> -> memref<1x1x128xi32, #tpu.memory_space<vmem>>
          %dma_start3A_61 = tpu.memref_squeeze %dma_start3A_60 : memref<1x1x128xi32, #tpu.memory_space<vmem>> -> memref<128xi32, #tpu.memory_space<vmem>>
          %dma_start3A_62 = arith.constant 0 : i32
          %dma_start3A_63 = tpu.memref_slice %arg4[%dma_start3A_62] : memref<10240xf32, #tpu.memory_space<vmem_shared>> -> memref<10240xf32, #tpu.memory_space<vmem_shared>>
          tpu.enqueue_indirect_dma source(%arg6 : memref<128xf32, #tpu.memory_space<vmem>>) target(%dma_start3A_63 : memref<10240xf32, #tpu.memory_space<vmem_shared>>) offsets(%dma_start3A_61 : memref<128xi32, #tpu.memory_space<vmem>>) semaphore(%run_scoped3A_59 : memref<!tpu.dma_semaphore, #tpu.memory_space<semaphore_mem>>) {add = true}
          %dma_wait3A = arith.constant 0 : i32
          %dma_wait3A_64 = tpu.memref_slice %arg5[%scan3A_56, %run_scoped3A, %dma_wait3A] : memref<32x2x128xi32, #tpu.memory_space<vmem>> -> memref<1x1x128xi32, #tpu.memory_space<vmem>>
          %dma_wait3A_65 = tpu.memref_squeeze %dma_wait3A_64 : memref<1x1x128xi32, #tpu.memory_space<vmem>> -> memref<128xi32, #tpu.memory_space<vmem>>
          %dma_wait3A_66 = arith.constant 0 : i32
          %dma_wait3A_67 = tpu.memref_slice %arg4[%dma_wait3A_66] : memref<10240xf32, #tpu.memory_space<vmem_shared>> -> memref<10240xf32, #tpu.memory_space<vmem_shared>>
          tpu.wait_indirect_dma semaphore(%run_scoped3A_59 : memref<!tpu.dma_semaphore, #tpu.memory_space<semaphore_mem>>) src(%arg6 : memref<128xf32, #tpu.memory_space<vmem>>) dst(%dma_wait3A_67 : memref<10240xf32, #tpu.memory_space<vmem_shared>>)
          tpu.yield
        }) : () -> ()
        %scan3A_58 = arith.constant 0 : i32
        scf.yield %scan3A_58 : i32
      }
      %scan3A_54 = arith.constant 32 : i32
      %scan3A_55 = arith.constant 0 : i32
      scf.yield %scan3A_55 : i32
    }
    %scan3A_26 = arith.constant 2 : i32
    %add3A_27 = arith.constant 64 : i32
    %add3A_28 = arith.addi %add3A_4, %add3A_27 : i32
    "tpu.region"() ({
      %run_scoped3A = tpu.sem_alloc : memref<!tpu.dma_semaphore, #tpu.memory_space<semaphore_mem>>
      %dma_start3A = arith.constant 0 : i32
      %dma_start3A_43 = arith.constant 0 : i32
      %dma_start3A_44 = arith.constant 0 : i32
      %dma_start3A_45 = tpu.memref_slice %arg5[%dma_start3A, %dma_start3A_43, %dma_start3A_44] : memref<32x2x128xi32, #tpu.memory_space<vmem>> -> memref<14x2x128xi32, #tpu.memory_space<vmem>>
      %dma_start3A_46 = arith.constant 0 : i32
      %dma_start3A_47 = arith.constant 0 : i32
      %dma_start3A_48 = tpu.memref_slice %arg2[%add3A_28, %dma_start3A_46, %dma_start3A_47] : memref<2500x2x128xi32, #tpu.memory_space<hbm>> -> memref<14x2x128xi32, #tpu.memory_space<hbm>>
      %dma_start3A_49 = arith.constant 0 : i32
      %dma_start3A_50 = arith.constant 0 : i32
      %dma_start3A_51 = arith.constant 0 : i32
      %dma_start3A_52 = tpu.memref_slice %arg5[%dma_start3A_49, %dma_start3A_50, %dma_start3A_51] : memref<32x2x128xi32, #tpu.memory_space<vmem>> -> memref<14x2x128xi32, #tpu.memory_space<vmem>>
      %dma_start3A_53 = arith.constant 0 : i32
      %dma_start3A_54 = arith.constant 0 : i32
      %dma_start3A_55 = tpu.memref_slice %arg2[%add3A_28, %dma_start3A_53, %dma_start3A_54] : memref<2500x2x128xi32, #tpu.memory_space<hbm>> -> memref<14x2x128xi32, #tpu.memory_space<hbm>>
      tpu.enqueue_dma source(%dma_start3A_55 : memref<14x2x128xi32, #tpu.memory_space<hbm>>) target(%dma_start3A_52 : memref<14x2x128xi32, #tpu.memory_space<vmem>>) target_semaphore(%run_scoped3A : memref<!tpu.dma_semaphore, #tpu.memory_space<semaphore_mem>>)
      %dma_wait3A = arith.constant 0 : i32
      %dma_wait3A_56 = arith.constant 0 : i32
      %dma_wait3A_57 = arith.constant 0 : i32
      %dma_wait3A_58 = tpu.memref_slice %arg5[%dma_wait3A, %dma_wait3A_56, %dma_wait3A_57] : memref<32x2x128xi32, #tpu.memory_space<vmem>> -> memref<14x2x128xi32, #tpu.memory_space<vmem>>
      %dma_wait3A_59 = arith.constant 0 : i32
      %dma_wait3A_60 = arith.constant 0 : i32
      %dma_wait3A_61 = tpu.memref_slice %arg2[%add3A_28, %dma_wait3A_59, %dma_wait3A_60] : memref<2500x2x128xi32, #tpu.memory_space<hbm>> -> memref<14x2x128xi32, #tpu.memory_space<hbm>>
      %dma_wait3A_62 = arith.constant 0 : i32
      %dma_wait3A_63 = arith.constant 0 : i32
      %dma_wait3A_64 = arith.constant 0 : i32
      %dma_wait3A_65 = tpu.memref_slice %arg5[%dma_wait3A_62, %dma_wait3A_63, %dma_wait3A_64] : memref<32x2x128xi32, #tpu.memory_space<vmem>> -> memref<14x2x128xi32, #tpu.memory_space<vmem>>
      %dma_wait3A_66 = arith.constant 0 : i32
      %dma_wait3A_67 = arith.constant 0 : i32
      %dma_wait3A_68 = tpu.memref_slice %arg2[%add3A_28, %dma_wait3A_66, %dma_wait3A_67] : memref<2500x2x128xi32, #tpu.memory_space<hbm>> -> memref<14x2x128xi32, #tpu.memory_space<hbm>>
      tpu.wait_dma2 semaphore(%run_scoped3A : memref<!tpu.dma_semaphore, #tpu.memory_space<semaphore_mem>>) src(%dma_wait3A_68 : memref<14x2x128xi32, #tpu.memory_space<hbm>>) dst(%dma_wait3A_65 : memref<14x2x128xi32, #tpu.memory_space<vmem>>)
      tpu.yield
    }) : () -> ()
    %scan3A_29 = arith.constant 0 : i32
    %scan3A_30 = arith.constant 0 : i32
    %scan3A_31 = arith.constant 14 : i32
    %scan3A_32 = arith.addi %scan3A_30, %scan3A_31 : i32
    %scan3A_33 = arith.constant 1 : i32
    %scan3A_34 = scf.for %scan3A_43 = %scan3A_30 to %scan3A_32 step %scan3A_33 iter_args(%scan3A_44 = %scan3A_29) -> (i32)  : i32 {
      %run_scoped3A = arith.constant 1 : i32
      "tpu.region"() ({
        %run_scoped3A_46 = tpu.sem_alloc : memref<!tpu.dma_semaphore, #tpu.memory_space<semaphore_mem>>
        %dma_start3A = arith.constant 0 : i32
        %dma_start3A_47 = tpu.memref_slice %arg5[%scan3A_43, %run_scoped3A, %dma_start3A] : memref<32x2x128xi32, #tpu.memory_space<vmem>> -> memref<1x1x128xi32, #tpu.memory_space<vmem>>
        %dma_start3A_48 = tpu.memref_squeeze %dma_start3A_47 : memref<1x1x128xi32, #tpu.memory_space<vmem>> -> memref<128xi32, #tpu.memory_space<vmem>>
        %dma_start3A_49 = arith.constant 0 : i32
        %dma_start3A_50 = tpu.memref_slice %arg4[%dma_start3A_49] : memref<10240xf32, #tpu.memory_space<vmem_shared>> -> memref<10240xf32, #tpu.memory_space<vmem_shared>>
        tpu.enqueue_indirect_dma source(%arg6 : memref<128xf32, #tpu.memory_space<vmem>>) target(%dma_start3A_50 : memref<10240xf32, #tpu.memory_space<vmem_shared>>) offsets(%dma_start3A_48 : memref<128xi32, #tpu.memory_space<vmem>>) semaphore(%run_scoped3A_46 : memref<!tpu.dma_semaphore, #tpu.memory_space<semaphore_mem>>) {add = true}
        %dma_wait3A = arith.constant 0 : i32
        %dma_wait3A_51 = tpu.memref_slice %arg5[%scan3A_43, %run_scoped3A, %dma_wait3A] : memref<32x2x128xi32, #tpu.memory_space<vmem>> -> memref<1x1x128xi32, #tpu.memory_space<vmem>>
        %dma_wait3A_52 = tpu.memref_squeeze %dma_wait3A_51 : memref<1x1x128xi32, #tpu.memory_space<vmem>> -> memref<128xi32, #tpu.memory_space<vmem>>
        %dma_wait3A_53 = arith.constant 0 : i32
        %dma_wait3A_54 = tpu.memref_slice %arg4[%dma_wait3A_53] : memref<10240xf32, #tpu.memory_space<vmem_shared>> -> memref<10240xf32, #tpu.memory_space<vmem_shared>>
        tpu.wait_indirect_dma semaphore(%run_scoped3A_46 : memref<!tpu.dma_semaphore, #tpu.memory_space<semaphore_mem>>) src(%arg6 : memref<128xf32, #tpu.memory_space<vmem>>) dst(%dma_wait3A_54 : memref<10240xf32, #tpu.memory_space<vmem_shared>>)
        tpu.yield
      }) : () -> ()
      %scan3A_45 = arith.constant 0 : i32
      scf.yield %scan3A_45 : i32
    }
    %scan3A_35 = arith.constant 14 : i32
    %lt3A = arith.constant 4 : i32
    %lt3A_36 = arith.cmpi slt, %add3A, %lt3A : i32
    %convert_element_type3A = arith.extui %lt3A_36 : i1 to i32
    %cond3A = arith.constant 0 : i32
    %cond3A_37 = arith.cmpi ne, %convert_element_type3A, %cond3A : i32
    scf.if %cond3A_37 {
      %add3A_43 = arith.constant 78 : i32
      %add3A_44 = arith.addi %add3A_4, %add3A_43 : i32
      "tpu.region"() ({
        %run_scoped3A_46 = tpu.sem_alloc : memref<!tpu.dma_semaphore, #tpu.memory_space<semaphore_mem>>
        %dma_start3A = arith.constant 0 : i32
        %dma_start3A_47 = arith.constant 0 : i32
        %dma_start3A_48 = arith.constant 0 : i32
        %dma_start3A_49 = tpu.memref_slice %arg5[%dma_start3A, %dma_start3A_47, %dma_start3A_48] : memref<32x2x128xi32, #tpu.memory_space<vmem>> -> memref<1x2x128xi32, #tpu.memory_space<vmem>>
        %dma_start3A_50 = arith.constant 0 : i32
        %dma_start3A_51 = arith.constant 0 : i32
        %dma_start3A_52 = tpu.memref_slice %arg2[%add3A_44, %dma_start3A_50, %dma_start3A_51] : memref<2500x2x128xi32, #tpu.memory_space<hbm>> -> memref<1x2x128xi32, #tpu.memory_space<hbm>>
        %dma_start3A_53 = arith.constant 0 : i32
        %dma_start3A_54 = arith.constant 0 : i32
        %dma_start3A_55 = arith.constant 0 : i32
        %dma_start3A_56 = tpu.memref_slice %arg5[%dma_start3A_53, %dma_start3A_54, %dma_start3A_55] : memref<32x2x128xi32, #tpu.memory_space<vmem>> -> memref<1x2x128xi32, #tpu.memory_space<vmem>>
        %dma_start3A_57 = arith.constant 0 : i32
        %dma_start3A_58 = arith.constant 0 : i32
        %dma_start3A_59 = tpu.memref_slice %arg2[%add3A_44, %dma_start3A_57, %dma_start3A_58] : memref<2500x2x128xi32, #tpu.memory_space<hbm>> -> memref<1x2x128xi32, #tpu.memory_space<hbm>>
        tpu.enqueue_dma source(%dma_start3A_59 : memref<1x2x128xi32, #tpu.memory_space<hbm>>) target(%dma_start3A_56 : memref<1x2x128xi32, #tpu.memory_space<vmem>>) target_semaphore(%run_scoped3A_46 : memref<!tpu.dma_semaphore, #tpu.memory_space<semaphore_mem>>)
        %dma_wait3A = arith.constant 0 : i32
        %dma_wait3A_60 = arith.constant 0 : i32
        %dma_wait3A_61 = arith.constant 0 : i32
        %dma_wait3A_62 = tpu.memref_slice %arg5[%dma_wait3A, %dma_wait3A_60, %dma_wait3A_61] : memref<32x2x128xi32, #tpu.memory_space<vmem>> -> memref<1x2x128xi32, #tpu.memory_space<vmem>>
        %dma_wait3A_63 = arith.constant 0 : i32
        %dma_wait3A_64 = arith.constant 0 : i32
        %dma_wait3A_65 = tpu.memref_slice %arg2[%add3A_44, %dma_wait3A_63, %dma_wait3A_64] : memref<2500x2x128xi32, #tpu.memory_space<hbm>> -> memref<1x2x128xi32, #tpu.memory_space<hbm>>
        %dma_wait3A_66 = arith.constant 0 : i32
        %dma_wait3A_67 = arith.constant 0 : i32
        %dma_wait3A_68 = arith.constant 0 : i32
        %dma_wait3A_69 = tpu.memref_slice %arg5[%dma_wait3A_66, %dma_wait3A_67, %dma_wait3A_68] : memref<32x2x128xi32, #tpu.memory_space<vmem>> -> memref<1x2x128xi32, #tpu.memory_space<vmem>>
        %dma_wait3A_70 = arith.constant 0 : i32
        %dma_wait3A_71 = arith.constant 0 : i32
        %dma_wait3A_72 = tpu.memref_slice %arg2[%add3A_44, %dma_wait3A_70, %dma_wait3A_71] : memref<2500x2x128xi32, #tpu.memory_space<hbm>> -> memref<1x2x128xi32, #tpu.memory_space<hbm>>
        tpu.wait_dma2 semaphore(%run_scoped3A_46 : memref<!tpu.dma_semaphore, #tpu.memory_space<semaphore_mem>>) src(%dma_wait3A_72 : memref<1x2x128xi32, #tpu.memory_space<hbm>>) dst(%dma_wait3A_69 : memref<1x2x128xi32, #tpu.memory_space<vmem>>)
        tpu.yield
      }) : () -> ()
      %run_scoped3A = arith.constant 0 : i32
      %run_scoped3A_45 = arith.constant 1 : i32
      "tpu.region"() ({
        %run_scoped3A_46 = tpu.sem_alloc : memref<!tpu.dma_semaphore, #tpu.memory_space<semaphore_mem>>
        %dma_start3A = arith.constant 0 : i32
        %dma_start3A_47 = tpu.memref_slice %arg5[%run_scoped3A, %run_scoped3A_45, %dma_start3A] : memref<32x2x128xi32, #tpu.memory_space<vmem>> -> memref<1x1x128xi32, #tpu.memory_space<vmem>>
        %dma_start3A_48 = tpu.memref_squeeze %dma_start3A_47 : memref<1x1x128xi32, #tpu.memory_space<vmem>> -> memref<128xi32, #tpu.memory_space<vmem>>
        %dma_start3A_49 = arith.constant 0 : i32
        %dma_start3A_50 = tpu.memref_slice %arg4[%dma_start3A_49] : memref<10240xf32, #tpu.memory_space<vmem_shared>> -> memref<10240xf32, #tpu.memory_space<vmem_shared>>
        tpu.enqueue_indirect_dma source(%arg6 : memref<128xf32, #tpu.memory_space<vmem>>) target(%dma_start3A_50 : memref<10240xf32, #tpu.memory_space<vmem_shared>>) offsets(%dma_start3A_48 : memref<128xi32, #tpu.memory_space<vmem>>) semaphore(%run_scoped3A_46 : memref<!tpu.dma_semaphore, #tpu.memory_space<semaphore_mem>>) {add = true}
        %dma_wait3A = arith.constant 0 : i32
        %dma_wait3A_51 = tpu.memref_slice %arg5[%run_scoped3A, %run_scoped3A_45, %dma_wait3A] : memref<32x2x128xi32, #tpu.memory_space<vmem>> -> memref<1x1x128xi32, #tpu.memory_space<vmem>>
        %dma_wait3A_52 = tpu.memref_squeeze %dma_wait3A_51 : memref<1x1x128xi32, #tpu.memory_space<vmem>> -> memref<128xi32, #tpu.memory_space<vmem>>
        %dma_wait3A_53 = arith.constant 0 : i32
        %dma_wait3A_54 = tpu.memref_slice %arg4[%dma_wait3A_53] : memref<10240xf32, #tpu.memory_space<vmem_shared>> -> memref<10240xf32, #tpu.memory_space<vmem_shared>>
        tpu.wait_indirect_dma semaphore(%run_scoped3A_46 : memref<!tpu.dma_semaphore, #tpu.memory_space<semaphore_mem>>) src(%arg6 : memref<128xf32, #tpu.memory_space<vmem>>) dst(%dma_wait3A_54 : memref<10240xf32, #tpu.memory_space<vmem_shared>>)
        tpu.yield
      }) : () -> ()
    } else {
    }
    %barrier3A_38 = arith.constant 0 : index
    tpu.barrier barrier_id(%barrier3A_38)
    %mul3A_39 = arith.constant 640 : i32
    %mul3A_40 = arith.muli %arg1, %mul3A_39 : i32
    %mul3A_41 = arith.constant 640 : i32
    %mul3A_42 = arith.muli %arg1, %mul3A_41 : i32
    "tpu.region"() ({
      %run_scoped3A = tpu.sem_alloc : memref<!tpu.dma_semaphore, #tpu.memory_space<semaphore_mem>>
      %dma_start3A = tpu.memref_slice %arg3[%arg0, %mul3A_42] : memref<2x10240xf32, #tpu.memory_space<hbm>> -> memref<1x640xf32, #tpu.memory_space<hbm>>
      %dma_start3A_43 = tpu.memref_squeeze %dma_start3A : memref<1x640xf32, #tpu.memory_space<hbm>> -> memref<640xf32, #tpu.memory_space<hbm>>
      %dma_start3A_44 = tpu.memref_slice %arg4[%mul3A_40] : memref<10240xf32, #tpu.memory_space<vmem_shared>> -> memref<640xf32, #tpu.memory_space<vmem_shared>>
      tpu.enqueue_dma source(%dma_start3A_44 : memref<640xf32, #tpu.memory_space<vmem_shared>>) target(%dma_start3A_43 : memref<640xf32, #tpu.memory_space<hbm>>) target_semaphore(%run_scoped3A : memref<!tpu.dma_semaphore, #tpu.memory_space<semaphore_mem>>)
      %dma_wait3A = tpu.memref_slice %arg3[%arg0, %mul3A_42] : memref<2x10240xf32, #tpu.memory_space<hbm>> -> memref<1x640xf32, #tpu.memory_space<hbm>>
      %dma_wait3A_45 = tpu.memref_squeeze %dma_wait3A : memref<1x640xf32, #tpu.memory_space<hbm>> -> memref<640xf32, #tpu.memory_space<hbm>>
      %dma_wait3A_46 = tpu.memref_slice %arg4[%mul3A_40] : memref<10240xf32, #tpu.memory_space<vmem_shared>> -> memref<640xf32, #tpu.memory_space<vmem_shared>>
      tpu.wait_dma2 semaphore(%run_scoped3A : memref<!tpu.dma_semaphore, #tpu.memory_space<semaphore_mem>>) src(%dma_wait3A_46 : memref<640xf32, #tpu.memory_space<vmem_shared>>) dst(%dma_wait3A_45 : memref<640xf32, #tpu.memory_space<hbm>>)
      tpu.yield
    }) : () -> ()
    return
  }
}

#map = affine_map<(d0, d1) -> (0, 0)>
#map1 = affine_map<(d0, d1) -> (0, 0, 0)>
module attributes {stable_mosaic.version = 14 : i64} {
  func.func @agg_kernel(%arg0: i32, %arg1: i32, %arg2: memref<10000x128xf32, #tpu.memory_space<hbm>>, %arg3: memref<2500x2x128xi32, #tpu.memory_space<hbm>>, %arg4: memref<2x10112x128xf32, #tpu.memory_space<hbm>>, %arg5: memref<10112x128xf32, #tpu.memory_space<vmem_shared>>, %arg6: memref<2x32x2x128xi32, #tpu.memory_space<vmem>>, %arg7: memref<2x128x128xf32, #tpu.memory_space<vmem>>, %arg8: memref<!tpu.dma_semaphore, #tpu.memory_space<semaphore_mem>>, %arg9: memref<!tpu.dma_semaphore, #tpu.memory_space<semaphore_mem>>, %arg10: memref<!tpu.dma_semaphore, #tpu.memory_space<semaphore_mem>>) attributes {dimension_semantics = [#tpu.dimension_semantics<core_parallel>, #tpu.dimension_semantics<subcore_parallel>], iteration_bounds = array<i64: 2, 16>, scalar_prefetch = 0 : i64, scratch_operands = 6 : i64, tpu.core_type = #tpu.core_type<sc_vector_subcore>, window_params = [{transform_indices = #map}, {transform_indices = #map1}, {transform_indices = #map1}]} {
    %mul3A = arith.constant 16 : i32
    %mul3A_0 = arith.muli %arg0, %mul3A : i32
    %add3A = arith.addi %mul3A_0, %arg1 : i32
    %mul3A_1 = arith.constant 78 : i32
    %mul3A_2 = arith.muli %mul3A_1, %add3A : i32
    %min3A = arith.constant 4 : i32
    %min3A_3 = arith.minsi %add3A, %min3A : i32
    %add3A_4 = arith.addi %mul3A_2, %min3A_3 : i32
    %scan3A = arith.constant 0 : i32
    %scan3A_5 = arith.constant 0 : i32
    %scan3A_6 = arith.constant 0 : i32
    %scan3A_7 = arith.constant 1024 : i32
    %scan3A_8 = arith.addi %scan3A_6, %scan3A_7 : i32
    %scan3A_9 = arith.constant 1 : i32
    %scan3A_10 = scf.for %scan3A_260 = %scan3A_6 to %scan3A_8 step %scan3A_9 iter_args(%scan3A_261 = %scan3A_5) -> (i32)  : i32 {
      %jit3A = arith.constant 8 : i32
      %div3A = arith.divsi %scan3A_260, %jit3A : i32
      %sign3A = arith.constant 0 : i32
      %sign3A_262 = arith.cmpi sgt, %scan3A_260, %sign3A : i32
      %sign3A_263 = arith.extui %sign3A_262 : i1 to i32
      %sign3A_264 = arith.constant 0 : i32
      %sign3A_265 = arith.cmpi slt, %scan3A_260, %sign3A_264 : i32
      %sign3A_266 = arith.extui %sign3A_265 : i1 to i32
      %sign3A_267 = arith.subi %sign3A_263, %sign3A_266 : i32
      %sign3A_268 = arith.constant 0 : i32
      %sign3A_269 = arith.cmpi sgt, %jit3A, %sign3A_268 : i32
      %sign3A_270 = arith.extui %sign3A_269 : i1 to i32
      %sign3A_271 = arith.constant 0 : i32
      %sign3A_272 = arith.cmpi slt, %jit3A, %sign3A_271 : i32
      %sign3A_273 = arith.extui %sign3A_272 : i1 to i32
      %sign3A_274 = arith.subi %sign3A_270, %sign3A_273 : i32
      %ne3A = arith.cmpi ne, %sign3A_267, %sign3A_274 : i32
      %rem3A = arith.remsi %scan3A_260, %jit3A : i32
      %ne3A_275 = arith.constant 0 : i32
      %ne3A_276 = arith.cmpi ne, %rem3A, %ne3A_275 : i32
      %and3A = arith.andi %ne3A, %ne3A_276 : i1
      %sub3A = arith.constant 1 : i32
      %sub3A_277 = arith.subi %div3A, %sub3A : i32
      %select_n3A = arith.select %and3A, %sub3A_277, %div3A : i32
      %jit3A_278 = arith.constant 8 : i32
      %eq3A = arith.constant 0 : i32
      %eq3A_279 = arith.cmpi eq, %jit3A_278, %eq3A : i32
      %jit3A_280 = arith.constant 1 : i32
      %select_n3A_281 = arith.select %eq3A_279, %jit3A_280, %jit3A_278 : i32
      %rem3A_282 = arith.remsi %scan3A_260, %select_n3A_281 : i32
      %ne3A_283 = arith.constant 0 : i32
      %ne3A_284 = arith.cmpi ne, %rem3A_282, %ne3A_283 : i32
      %lt3A_285 = arith.constant 0 : i32
      %lt3A_286 = arith.cmpi slt, %rem3A_282, %lt3A_285 : i32
      %lt3A_287 = arith.constant 0 : i32
      %lt3A_288 = arith.cmpi slt, %select_n3A_281, %lt3A_287 : i32
      %ne3A_289 = arith.xori %lt3A_286, %lt3A_288 : i1
      %and3A_290 = arith.andi %ne3A_289, %ne3A_284 : i1
      %add3A_291 = arith.addi %rem3A_282, %select_n3A_281 : i32
      %select_n3A_292 = arith.select %and3A_290, %add3A_291, %rem3A_282 : i32
      %broadcast_in_dim3A = arith.constant 0.000000e+00 : f32
      %broadcast_in_dim3A_293 = vector.broadcast %broadcast_in_dim3A : f32 to vector<16xf32>
      %mul3A_294 = arith.constant 16 : i32
      %mul3A_295 = arith.muli %select_n3A_292, %mul3A_294 : i32
      %swap3A = arith.constant 0 : i32
      %swap3A_296 = arith.constant 0 : i32
      %swap3A_297 = tpu.memref_slice %arg7[%scan3A, %swap3A, %swap3A_296] : memref<2x128x128xf32, #tpu.memory_space<vmem>> -> memref<1x128x128xf32, #tpu.memory_space<vmem>>
      %swap3A_298 = tpu.memref_squeeze %swap3A_297 : memref<1x128x128xf32, #tpu.memory_space<vmem>> -> memref<128x128xf32, #tpu.memory_space<vmem>>
      %swap3A_299 = arith.index_cast %select_n3A : i32 to index
      %swap3A_300 = arith.index_cast %mul3A_295 : i32 to index
      %swap3A_301 = tpu.vector_load %swap3A_298[%swap3A_299, %swap3A_300] {strides = array<i32>} : memref<128x128xf32, #tpu.memory_space<vmem>>, vector<1x16xf32>,
      %swap3A_302 = vector.shape_cast %swap3A_301 : vector<1x16xf32> to vector<16xf32>
      %swap3A_303 = vector.shape_cast %broadcast_in_dim3A_293 : vector<16xf32> to vector<1x16xf32>
      tpu.vector_store %swap3A_298[%swap3A_299, %swap3A_300], %swap3A_303 {strides = array<i32>} : memref<128x128xf32, #tpu.memory_space<vmem>>, vector<1x16xf32>,
      %scan3A_304 = arith.constant 0 : i32
      scf.yield %scan3A_304 : i32
    }
    %scan3A_11 = arith.constant 1024 : i32
    %mul3A_12 = arith.constant 632 : i32
    %mul3A_13 = arith.muli %arg1, %mul3A_12 : i32
    %add3A_14 = arith.constant 0 : i32
    %add3A_15 = arith.addi %mul3A_13, %add3A_14 : i32
    %dma_start3A = arith.constant 0 : i32
    %dma_start3A_16 = arith.constant 0 : i32
    %dma_start3A_17 = arith.constant 0 : i32
    %dma_start3A_18 = tpu.memref_slice %arg7[%dma_start3A, %dma_start3A_16, %dma_start3A_17] : memref<2x128x128xf32, #tpu.memory_space<vmem>> -> memref<1x128x128xf32, #tpu.memory_space<vmem>>
    %dma_start3A_19 = tpu.memref_squeeze %dma_start3A_18 : memref<1x128x128xf32, #tpu.memory_space<vmem>> -> memref<128x128xf32, #tpu.memory_space<vmem>>
    %dma_start3A_20 = arith.constant 0 : i32
    %dma_start3A_21 = tpu.memref_slice %arg5[%add3A_15, %dma_start3A_20] : memref<10112x128xf32, #tpu.memory_space<vmem_shared>> -> memref<128x128xf32, #tpu.memory_space<vmem_shared>>
    %dma_start3A_22 = arith.constant 0 : i32
    %dma_start3A_23 = tpu.memref_slice %arg5[%add3A_15, %dma_start3A_22] : memref<10112x128xf32, #tpu.memory_space<vmem_shared>> -> memref<128x128xf32, #tpu.memory_space<vmem_shared>>
    %dma_start3A_24 = arith.constant 0 : i32
    %dma_start3A_25 = arith.constant 0 : i32
    %dma_start3A_26 = tpu.memref_slice %arg7[%dma_start3A, %dma_start3A_24, %dma_start3A_25] : memref<2x128x128xf32, #tpu.memory_space<vmem>> -> memref<1x128x128xf32, #tpu.memory_space<vmem>>
    %dma_start3A_27 = tpu.memref_squeeze %dma_start3A_26 : memref<1x128x128xf32, #tpu.memory_space<vmem>> -> memref<128x128xf32, #tpu.memory_space<vmem>>
    tpu.enqueue_dma source(%dma_start3A_27 : memref<128x128xf32, #tpu.memory_space<vmem>>) target(%dma_start3A_23 : memref<128x128xf32, #tpu.memory_space<vmem_shared>>) target_semaphore(%arg10 : memref<!tpu.dma_semaphore, #tpu.memory_space<semaphore_mem>>)
    %mul3A_28 = arith.constant 632 : i32
    %mul3A_29 = arith.muli %arg1, %mul3A_28 : i32
    %add3A_30 = arith.constant 128 : i32
    %add3A_31 = arith.addi %mul3A_29, %add3A_30 : i32
    %dma_start3A_32 = arith.constant 0 : i32
    %dma_start3A_33 = arith.constant 0 : i32
    %dma_start3A_34 = arith.constant 0 : i32
    %dma_start3A_35 = tpu.memref_slice %arg7[%dma_start3A_32, %dma_start3A_33, %dma_start3A_34] : memref<2x128x128xf32, #tpu.memory_space<vmem>> -> memref<1x128x128xf32, #tpu.memory_space<vmem>>
    %dma_start3A_36 = tpu.memref_squeeze %dma_start3A_35 : memref<1x128x128xf32, #tpu.memory_space<vmem>> -> memref<128x128xf32, #tpu.memory_space<vmem>>
    %dma_start3A_37 = arith.constant 0 : i32
    %dma_start3A_38 = tpu.memref_slice %arg5[%add3A_31, %dma_start3A_37] : memref<10112x128xf32, #tpu.memory_space<vmem_shared>> -> memref<128x128xf32, #tpu.memory_space<vmem_shared>>
    %dma_start3A_39 = arith.constant 0 : i32
    %dma_start3A_40 = tpu.memref_slice %arg5[%add3A_31, %dma_start3A_39] : memref<10112x128xf32, #tpu.memory_space<vmem_shared>> -> memref<128x128xf32, #tpu.memory_space<vmem_shared>>
    %dma_start3A_41 = arith.constant 0 : i32
    %dma_start3A_42 = arith.constant 0 : i32
    %dma_start3A_43 = tpu.memref_slice %arg7[%dma_start3A_32, %dma_start3A_41, %dma_start3A_42] : memref<2x128x128xf32, #tpu.memory_space<vmem>> -> memref<1x128x128xf32, #tpu.memory_space<vmem>>
    %dma_start3A_44 = tpu.memref_squeeze %dma_start3A_43 : memref<1x128x128xf32, #tpu.memory_space<vmem>> -> memref<128x128xf32, #tpu.memory_space<vmem>>
    tpu.enqueue_dma source(%dma_start3A_44 : memref<128x128xf32, #tpu.memory_space<vmem>>) target(%dma_start3A_40 : memref<128x128xf32, #tpu.memory_space<vmem_shared>>) target_semaphore(%arg10 : memref<!tpu.dma_semaphore, #tpu.memory_space<semaphore_mem>>)
    %mul3A_45 = arith.constant 632 : i32
    %mul3A_46 = arith.muli %arg1, %mul3A_45 : i32
    %add3A_47 = arith.constant 256 : i32
    %add3A_48 = arith.addi %mul3A_46, %add3A_47 : i32
    %dma_start3A_49 = arith.constant 0 : i32
    %dma_start3A_50 = arith.constant 0 : i32
    %dma_start3A_51 = arith.constant 0 : i32
    %dma_start3A_52 = tpu.memref_slice %arg7[%dma_start3A_49, %dma_start3A_50, %dma_start3A_51] : memref<2x128x128xf32, #tpu.memory_space<vmem>> -> memref<1x128x128xf32, #tpu.memory_space<vmem>>
    %dma_start3A_53 = tpu.memref_squeeze %dma_start3A_52 : memref<1x128x128xf32, #tpu.memory_space<vmem>> -> memref<128x128xf32, #tpu.memory_space<vmem>>
    %dma_start3A_54 = arith.constant 0 : i32
    %dma_start3A_55 = tpu.memref_slice %arg5[%add3A_48, %dma_start3A_54] : memref<10112x128xf32, #tpu.memory_space<vmem_shared>> -> memref<128x128xf32, #tpu.memory_space<vmem_shared>>
    %dma_start3A_56 = arith.constant 0 : i32
    %dma_start3A_57 = tpu.memref_slice %arg5[%add3A_48, %dma_start3A_56] : memref<10112x128xf32, #tpu.memory_space<vmem_shared>> -> memref<128x128xf32, #tpu.memory_space<vmem_shared>>
    %dma_start3A_58 = arith.constant 0 : i32
    %dma_start3A_59 = arith.constant 0 : i32
    %dma_start3A_60 = tpu.memref_slice %arg7[%dma_start3A_49, %dma_start3A_58, %dma_start3A_59] : memref<2x128x128xf32, #tpu.memory_space<vmem>> -> memref<1x128x128xf32, #tpu.memory_space<vmem>>
    %dma_start3A_61 = tpu.memref_squeeze %dma_start3A_60 : memref<1x128x128xf32, #tpu.memory_space<vmem>> -> memref<128x128xf32, #tpu.memory_space<vmem>>
    tpu.enqueue_dma source(%dma_start3A_61 : memref<128x128xf32, #tpu.memory_space<vmem>>) target(%dma_start3A_57 : memref<128x128xf32, #tpu.memory_space<vmem_shared>>) target_semaphore(%arg10 : memref<!tpu.dma_semaphore, #tpu.memory_space<semaphore_mem>>)
    %mul3A_62 = arith.constant 632 : i32
    %mul3A_63 = arith.muli %arg1, %mul3A_62 : i32
    %add3A_64 = arith.constant 384 : i32
    %add3A_65 = arith.addi %mul3A_63, %add3A_64 : i32
    %dma_start3A_66 = arith.constant 0 : i32
    %dma_start3A_67 = arith.constant 0 : i32
    %dma_start3A_68 = arith.constant 0 : i32
    %dma_start3A_69 = tpu.memref_slice %arg7[%dma_start3A_66, %dma_start3A_67, %dma_start3A_68] : memref<2x128x128xf32, #tpu.memory_space<vmem>> -> memref<1x128x128xf32, #tpu.memory_space<vmem>>
    %dma_start3A_70 = tpu.memref_squeeze %dma_start3A_69 : memref<1x128x128xf32, #tpu.memory_space<vmem>> -> memref<128x128xf32, #tpu.memory_space<vmem>>
    %dma_start3A_71 = arith.constant 0 : i32
    %dma_start3A_72 = tpu.memref_slice %arg5[%add3A_65, %dma_start3A_71] : memref<10112x128xf32, #tpu.memory_space<vmem_shared>> -> memref<128x128xf32, #tpu.memory_space<vmem_shared>>
    %dma_start3A_73 = arith.constant 0 : i32
    %dma_start3A_74 = tpu.memref_slice %arg5[%add3A_65, %dma_start3A_73] : memref<10112x128xf32, #tpu.memory_space<vmem_shared>> -> memref<128x128xf32, #tpu.memory_space<vmem_shared>>
    %dma_start3A_75 = arith.constant 0 : i32
    %dma_start3A_76 = arith.constant 0 : i32
    %dma_start3A_77 = tpu.memref_slice %arg7[%dma_start3A_66, %dma_start3A_75, %dma_start3A_76] : memref<2x128x128xf32, #tpu.memory_space<vmem>> -> memref<1x128x128xf32, #tpu.memory_space<vmem>>
    %dma_start3A_78 = tpu.memref_squeeze %dma_start3A_77 : memref<1x128x128xf32, #tpu.memory_space<vmem>> -> memref<128x128xf32, #tpu.memory_space<vmem>>
    tpu.enqueue_dma source(%dma_start3A_78 : memref<128x128xf32, #tpu.memory_space<vmem>>) target(%dma_start3A_74 : memref<128x128xf32, #tpu.memory_space<vmem_shared>>) target_semaphore(%arg10 : memref<!tpu.dma_semaphore, #tpu.memory_space<semaphore_mem>>)
    %mul3A_79 = arith.constant 632 : i32
    %mul3A_80 = arith.muli %arg1, %mul3A_79 : i32
    %add3A_81 = arith.constant 512 : i32
    %add3A_82 = arith.addi %mul3A_80, %add3A_81 : i32
    %dma_start3A_83 = arith.constant 0 : i32
    %dma_start3A_84 = arith.constant 0 : i32
    %dma_start3A_85 = arith.constant 0 : i32
    %dma_start3A_86 = tpu.memref_slice %arg7[%dma_start3A_83, %dma_start3A_84, %dma_start3A_85] : memref<2x128x128xf32, #tpu.memory_space<vmem>> -> memref<1x128x128xf32, #tpu.memory_space<vmem>>
    %dma_start3A_87 = tpu.memref_squeeze %dma_start3A_86 : memref<1x128x128xf32, #tpu.memory_space<vmem>> -> memref<128x128xf32, #tpu.memory_space<vmem>>
    %dma_start3A_88 = arith.constant 0 : i32
    %dma_start3A_89 = arith.constant 0 : i32
    %dma_start3A_90 = tpu.memref_slice %dma_start3A_87[%dma_start3A_88, %dma_start3A_89] : memref<128x128xf32, #tpu.memory_space<vmem>> -> memref<120x128xf32, #tpu.memory_space<vmem>>
    %dma_start3A_91 = arith.constant 0 : i32
    %dma_start3A_92 = tpu.memref_slice %arg5[%add3A_82, %dma_start3A_91] : memref<10112x128xf32, #tpu.memory_space<vmem_shared>> -> memref<120x128xf32, #tpu.memory_space<vmem_shared>>
    %dma_start3A_93 = arith.constant 0 : i32
    %dma_start3A_94 = tpu.memref_slice %arg5[%add3A_82, %dma_start3A_93] : memref<10112x128xf32, #tpu.memory_space<vmem_shared>> -> memref<120x128xf32, #tpu.memory_space<vmem_shared>>
    %dma_start3A_95 = arith.constant 0 : i32
    %dma_start3A_96 = arith.constant 0 : i32
    %dma_start3A_97 = tpu.memref_slice %arg7[%dma_start3A_83, %dma_start3A_95, %dma_start3A_96] : memref<2x128x128xf32, #tpu.memory_space<vmem>> -> memref<1x128x128xf32, #tpu.memory_space<vmem>>
    %dma_start3A_98 = tpu.memref_squeeze %dma_start3A_97 : memref<1x128x128xf32, #tpu.memory_space<vmem>> -> memref<128x128xf32, #tpu.memory_space<vmem>>
    %dma_start3A_99 = arith.constant 0 : i32
    %dma_start3A_100 = arith.constant 0 : i32
    %dma_start3A_101 = tpu.memref_slice %dma_start3A_98[%dma_start3A_99, %dma_start3A_100] : memref<128x128xf32, #tpu.memory_space<vmem>> -> memref<120x128xf32, #tpu.memory_space<vmem>>
    tpu.enqueue_dma source(%dma_start3A_101 : memref<120x128xf32, #tpu.memory_space<vmem>>) target(%dma_start3A_94 : memref<120x128xf32, #tpu.memory_space<vmem_shared>>) target_semaphore(%arg10 : memref<!tpu.dma_semaphore, #tpu.memory_space<semaphore_mem>>)
    %mul3A_102 = arith.constant 632 : i32
    %mul3A_103 = arith.muli %arg1, %mul3A_102 : i32
    %add3A_104 = arith.constant 0 : i32
    %add3A_105 = arith.addi %mul3A_103, %add3A_104 : i32
    %dma_wait3A = arith.constant 0 : i32
    %dma_wait3A_106 = arith.constant 0 : i32
    %dma_wait3A_107 = arith.constant 0 : i32
    %dma_wait3A_108 = tpu.memref_slice %arg7[%dma_wait3A, %dma_wait3A_106, %dma_wait3A_107] : memref<2x128x128xf32, #tpu.memory_space<vmem>> -> memref<1x128x128xf32, #tpu.memory_space<vmem>>
    %dma_wait3A_109 = tpu.memref_squeeze %dma_wait3A_108 : memref<1x128x128xf32, #tpu.memory_space<vmem>> -> memref<128x128xf32, #tpu.memory_space<vmem>>
    %dma_wait3A_110 = arith.constant 0 : i32
    %dma_wait3A_111 = tpu.memref_slice %arg5[%add3A_105, %dma_wait3A_110] : memref<10112x128xf32, #tpu.memory_space<vmem_shared>> -> memref<128x128xf32, #tpu.memory_space<vmem_shared>>
    %dma_wait3A_112 = arith.constant 0 : i32
    %dma_wait3A_113 = tpu.memref_slice %arg5[%add3A_105, %dma_wait3A_112] : memref<10112x128xf32, #tpu.memory_space<vmem_shared>> -> memref<128x128xf32, #tpu.memory_space<vmem_shared>>
    %dma_wait3A_114 = arith.constant 0 : i32
    %dma_wait3A_115 = arith.constant 0 : i32
    %dma_wait3A_116 = tpu.memref_slice %arg7[%dma_wait3A, %dma_wait3A_114, %dma_wait3A_115] : memref<2x128x128xf32, #tpu.memory_space<vmem>> -> memref<1x128x128xf32, #tpu.memory_space<vmem>>
    %dma_wait3A_117 = tpu.memref_squeeze %dma_wait3A_116 : memref<1x128x128xf32, #tpu.memory_space<vmem>> -> memref<128x128xf32, #tpu.memory_space<vmem>>
    tpu.wait_dma2 semaphore(%arg10 : memref<!tpu.dma_semaphore, #tpu.memory_space<semaphore_mem>>) src(%dma_wait3A_117 : memref<128x128xf32, #tpu.memory_space<vmem>>) dst(%dma_wait3A_113 : memref<128x128xf32, #tpu.memory_space<vmem_shared>>)
    %mul3A_118 = arith.constant 632 : i32
    %mul3A_119 = arith.muli %arg1, %mul3A_118 : i32
    %add3A_120 = arith.constant 128 : i32
    %add3A_121 = arith.addi %mul3A_119, %add3A_120 : i32
    %dma_wait3A_122 = arith.constant 0 : i32
    %dma_wait3A_123 = arith.constant 0 : i32
    %dma_wait3A_124 = arith.constant 0 : i32
    %dma_wait3A_125 = tpu.memref_slice %arg7[%dma_wait3A_122, %dma_wait3A_123, %dma_wait3A_124] : memref<2x128x128xf32, #tpu.memory_space<vmem>> -> memref<1x128x128xf32, #tpu.memory_space<vmem>>
    %dma_wait3A_126 = tpu.memref_squeeze %dma_wait3A_125 : memref<1x128x128xf32, #tpu.memory_space<vmem>> -> memref<128x128xf32, #tpu.memory_space<vmem>>
    %dma_wait3A_127 = arith.constant 0 : i32
    %dma_wait3A_128 = tpu.memref_slice %arg5[%add3A_121, %dma_wait3A_127] : memref<10112x128xf32, #tpu.memory_space<vmem_shared>> -> memref<128x128xf32, #tpu.memory_space<vmem_shared>>
    %dma_wait3A_129 = arith.constant 0 : i32
    %dma_wait3A_130 = tpu.memref_slice %arg5[%add3A_121, %dma_wait3A_129] : memref<10112x128xf32, #tpu.memory_space<vmem_shared>> -> memref<128x128xf32, #tpu.memory_space<vmem_shared>>
    %dma_wait3A_131 = arith.constant 0 : i32
    %dma_wait3A_132 = arith.constant 0 : i32
    %dma_wait3A_133 = tpu.memref_slice %arg7[%dma_wait3A_122, %dma_wait3A_131, %dma_wait3A_132] : memref<2x128x128xf32, #tpu.memory_space<vmem>> -> memref<1x128x128xf32, #tpu.memory_space<vmem>>
    %dma_wait3A_134 = tpu.memref_squeeze %dma_wait3A_133 : memref<1x128x128xf32, #tpu.memory_space<vmem>> -> memref<128x128xf32, #tpu.memory_space<vmem>>
    tpu.wait_dma2 semaphore(%arg10 : memref<!tpu.dma_semaphore, #tpu.memory_space<semaphore_mem>>) src(%dma_wait3A_134 : memref<128x128xf32, #tpu.memory_space<vmem>>) dst(%dma_wait3A_130 : memref<128x128xf32, #tpu.memory_space<vmem_shared>>)
    %mul3A_135 = arith.constant 632 : i32
    %mul3A_136 = arith.muli %arg1, %mul3A_135 : i32
    %add3A_137 = arith.constant 256 : i32
    %add3A_138 = arith.addi %mul3A_136, %add3A_137 : i32
    %dma_wait3A_139 = arith.constant 0 : i32
    %dma_wait3A_140 = arith.constant 0 : i32
    %dma_wait3A_141 = arith.constant 0 : i32
    %dma_wait3A_142 = tpu.memref_slice %arg7[%dma_wait3A_139, %dma_wait3A_140, %dma_wait3A_141] : memref<2x128x128xf32, #tpu.memory_space<vmem>> -> memref<1x128x128xf32, #tpu.memory_space<vmem>>
    %dma_wait3A_143 = tpu.memref_squeeze %dma_wait3A_142 : memref<1x128x128xf32, #tpu.memory_space<vmem>> -> memref<128x128xf32, #tpu.memory_space<vmem>>
    %dma_wait3A_144 = arith.constant 0 : i32
    %dma_wait3A_145 = tpu.memref_slice %arg5[%add3A_138, %dma_wait3A_144] : memref<10112x128xf32, #tpu.memory_space<vmem_shared>> -> memref<128x128xf32, #tpu.memory_space<vmem_shared>>
    %dma_wait3A_146 = arith.constant 0 : i32
    %dma_wait3A_147 = tpu.memref_slice %arg5[%add3A_138, %dma_wait3A_146] : memref<10112x128xf32, #tpu.memory_space<vmem_shared>> -> memref<128x128xf32, #tpu.memory_space<vmem_shared>>
    %dma_wait3A_148 = arith.constant 0 : i32
    %dma_wait3A_149 = arith.constant 0 : i32
    %dma_wait3A_150 = tpu.memref_slice %arg7[%dma_wait3A_139, %dma_wait3A_148, %dma_wait3A_149] : memref<2x128x128xf32, #tpu.memory_space<vmem>> -> memref<1x128x128xf32, #tpu.memory_space<vmem>>
    %dma_wait3A_151 = tpu.memref_squeeze %dma_wait3A_150 : memref<1x128x128xf32, #tpu.memory_space<vmem>> -> memref<128x128xf32, #tpu.memory_space<vmem>>
    tpu.wait_dma2 semaphore(%arg10 : memref<!tpu.dma_semaphore, #tpu.memory_space<semaphore_mem>>) src(%dma_wait3A_151 : memref<128x128xf32, #tpu.memory_space<vmem>>) dst(%dma_wait3A_147 : memref<128x128xf32, #tpu.memory_space<vmem_shared>>)
    %mul3A_152 = arith.constant 632 : i32
    %mul3A_153 = arith.muli %arg1, %mul3A_152 : i32
    %add3A_154 = arith.constant 384 : i32
    %add3A_155 = arith.addi %mul3A_153, %add3A_154 : i32
    %dma_wait3A_156 = arith.constant 0 : i32
    %dma_wait3A_157 = arith.constant 0 : i32
    %dma_wait3A_158 = arith.constant 0 : i32
    %dma_wait3A_159 = tpu.memref_slice %arg7[%dma_wait3A_156, %dma_wait3A_157, %dma_wait3A_158] : memref<2x128x128xf32, #tpu.memory_space<vmem>> -> memref<1x128x128xf32, #tpu.memory_space<vmem>>
    %dma_wait3A_160 = tpu.memref_squeeze %dma_wait3A_159 : memref<1x128x128xf32, #tpu.memory_space<vmem>> -> memref<128x128xf32, #tpu.memory_space<vmem>>
    %dma_wait3A_161 = arith.constant 0 : i32
    %dma_wait3A_162 = tpu.memref_slice %arg5[%add3A_155, %dma_wait3A_161] : memref<10112x128xf32, #tpu.memory_space<vmem_shared>> -> memref<128x128xf32, #tpu.memory_space<vmem_shared>>
    %dma_wait3A_163 = arith.constant 0 : i32
    %dma_wait3A_164 = tpu.memref_slice %arg5[%add3A_155, %dma_wait3A_163] : memref<10112x128xf32, #tpu.memory_space<vmem_shared>> -> memref<128x128xf32, #tpu.memory_space<vmem_shared>>
    %dma_wait3A_165 = arith.constant 0 : i32
    %dma_wait3A_166 = arith.constant 0 : i32
    %dma_wait3A_167 = tpu.memref_slice %arg7[%dma_wait3A_156, %dma_wait3A_165, %dma_wait3A_166] : memref<2x128x128xf32, #tpu.memory_space<vmem>> -> memref<1x128x128xf32, #tpu.memory_space<vmem>>
    %dma_wait3A_168 = tpu.memref_squeeze %dma_wait3A_167 : memref<1x128x128xf32, #tpu.memory_space<vmem>> -> memref<128x128xf32, #tpu.memory_space<vmem>>
    tpu.wait_dma2 semaphore(%arg10 : memref<!tpu.dma_semaphore, #tpu.memory_space<semaphore_mem>>) src(%dma_wait3A_168 : memref<128x128xf32, #tpu.memory_space<vmem>>) dst(%dma_wait3A_164 : memref<128x128xf32, #tpu.memory_space<vmem_shared>>)
    %mul3A_169 = arith.constant 632 : i32
    %mul3A_170 = arith.muli %arg1, %mul3A_169 : i32
    %add3A_171 = arith.constant 512 : i32
    %add3A_172 = arith.addi %mul3A_170, %add3A_171 : i32
    %dma_wait3A_173 = arith.constant 0 : i32
    %dma_wait3A_174 = arith.constant 0 : i32
    %dma_wait3A_175 = arith.constant 0 : i32
    %dma_wait3A_176 = tpu.memref_slice %arg7[%dma_wait3A_173, %dma_wait3A_174, %dma_wait3A_175] : memref<2x128x128xf32, #tpu.memory_space<vmem>> -> memref<1x128x128xf32, #tpu.memory_space<vmem>>
    %dma_wait3A_177 = tpu.memref_squeeze %dma_wait3A_176 : memref<1x128x128xf32, #tpu.memory_space<vmem>> -> memref<128x128xf32, #tpu.memory_space<vmem>>
    %dma_wait3A_178 = arith.constant 0 : i32
    %dma_wait3A_179 = arith.constant 0 : i32
    %dma_wait3A_180 = tpu.memref_slice %dma_wait3A_177[%dma_wait3A_178, %dma_wait3A_179] : memref<128x128xf32, #tpu.memory_space<vmem>> -> memref<120x128xf32, #tpu.memory_space<vmem>>
    %dma_wait3A_181 = arith.constant 0 : i32
    %dma_wait3A_182 = tpu.memref_slice %arg5[%add3A_172, %dma_wait3A_181] : memref<10112x128xf32, #tpu.memory_space<vmem_shared>> -> memref<120x128xf32, #tpu.memory_space<vmem_shared>>
    %dma_wait3A_183 = arith.constant 0 : i32
    %dma_wait3A_184 = tpu.memref_slice %arg5[%add3A_172, %dma_wait3A_183] : memref<10112x128xf32, #tpu.memory_space<vmem_shared>> -> memref<120x128xf32, #tpu.memory_space<vmem_shared>>
    %dma_wait3A_185 = arith.constant 0 : i32
    %dma_wait3A_186 = arith.constant 0 : i32
    %dma_wait3A_187 = tpu.memref_slice %arg7[%dma_wait3A_173, %dma_wait3A_185, %dma_wait3A_186] : memref<2x128x128xf32, #tpu.memory_space<vmem>> -> memref<1x128x128xf32, #tpu.memory_space<vmem>>
    %dma_wait3A_188 = tpu.memref_squeeze %dma_wait3A_187 : memref<1x128x128xf32, #tpu.memory_space<vmem>> -> memref<128x128xf32, #tpu.memory_space<vmem>>
    %dma_wait3A_189 = arith.constant 0 : i32
    %dma_wait3A_190 = arith.constant 0 : i32
    %dma_wait3A_191 = tpu.memref_slice %dma_wait3A_188[%dma_wait3A_189, %dma_wait3A_190] : memref<128x128xf32, #tpu.memory_space<vmem>> -> memref<120x128xf32, #tpu.memory_space<vmem>>
    tpu.wait_dma2 semaphore(%arg10 : memref<!tpu.dma_semaphore, #tpu.memory_space<semaphore_mem>>) src(%dma_wait3A_191 : memref<120x128xf32, #tpu.memory_space<vmem>>) dst(%dma_wait3A_184 : memref<120x128xf32, #tpu.memory_space<vmem_shared>>)
    %barrier3A = arith.constant 0 : index
    tpu.barrier barrier_id(%barrier3A)
    %run_scoped3A = arith.constant 0 : i32
    "tpu.region"() ({
      %run_scoped3A_260 = tpu.sem_alloc : memref<!tpu.dma_semaphore, #tpu.memory_space<semaphore_mem>>
      %dma_start3A_261 = arith.constant 0 : i32
      %dma_start3A_262 = arith.constant 0 : i32
      %dma_start3A_263 = arith.constant 0 : i32
      %dma_start3A_264 = tpu.memref_slice %arg6[%run_scoped3A, %dma_start3A_261, %dma_start3A_262, %dma_start3A_263] : memref<2x32x2x128xi32, #tpu.memory_space<vmem>> -> memref<1x32x2x128xi32, #tpu.memory_space<vmem>>
      %dma_start3A_265 = tpu.memref_squeeze %dma_start3A_264 : memref<1x32x2x128xi32, #tpu.memory_space<vmem>> -> memref<32x2x128xi32, #tpu.memory_space<vmem>>
      %dma_start3A_266 = arith.constant 0 : i32
      %dma_start3A_267 = arith.constant 0 : i32
      %dma_start3A_268 = tpu.memref_slice %arg3[%add3A_4, %dma_start3A_266, %dma_start3A_267] : memref<2500x2x128xi32, #tpu.memory_space<hbm>> -> memref<32x2x128xi32, #tpu.memory_space<hbm>>
      %dma_start3A_269 = arith.constant 0 : i32
      %dma_start3A_270 = arith.constant 0 : i32
      %dma_start3A_271 = arith.constant 0 : i32
      %dma_start3A_272 = tpu.memref_slice %arg6[%run_scoped3A, %dma_start3A_269, %dma_start3A_270, %dma_start3A_271] : memref<2x32x2x128xi32, #tpu.memory_space<vmem>> -> memref<1x32x2x128xi32, #tpu.memory_space<vmem>>
      %dma_start3A_273 = tpu.memref_squeeze %dma_start3A_272 : memref<1x32x2x128xi32, #tpu.memory_space<vmem>> -> memref<32x2x128xi32, #tpu.memory_space<vmem>>
      %dma_start3A_274 = arith.constant 0 : i32
      %dma_start3A_275 = arith.constant 0 : i32
      %dma_start3A_276 = tpu.memref_slice %arg3[%add3A_4, %dma_start3A_274, %dma_start3A_275] : memref<2500x2x128xi32, #tpu.memory_space<hbm>> -> memref<32x2x128xi32, #tpu.memory_space<hbm>>
      tpu.enqueue_dma source(%dma_start3A_276 : memref<32x2x128xi32, #tpu.memory_space<hbm>>) target(%dma_start3A_273 : memref<32x2x128xi32, #tpu.memory_space<vmem>>) target_semaphore(%run_scoped3A_260 : memref<!tpu.dma_semaphore, #tpu.memory_space<semaphore_mem>>)
      %dma_wait3A_277 = arith.constant 0 : i32
      %dma_wait3A_278 = arith.constant 0 : i32
      %dma_wait3A_279 = arith.constant 0 : i32
      %dma_wait3A_280 = tpu.memref_slice %arg6[%run_scoped3A, %dma_wait3A_277, %dma_wait3A_278, %dma_wait3A_279] : memref<2x32x2x128xi32, #tpu.memory_space<vmem>> -> memref<1x32x2x128xi32, #tpu.memory_space<vmem>>
      %dma_wait3A_281 = tpu.memref_squeeze %dma_wait3A_280 : memref<1x32x2x128xi32, #tpu.memory_space<vmem>> -> memref<32x2x128xi32, #tpu.memory_space<vmem>>
      %dma_wait3A_282 = arith.constant 0 : i32
      %dma_wait3A_283 = arith.constant 0 : i32
      %dma_wait3A_284 = tpu.memref_slice %arg3[%add3A_4, %dma_wait3A_282, %dma_wait3A_283] : memref<2500x2x128xi32, #tpu.memory_space<hbm>> -> memref<32x2x128xi32, #tpu.memory_space<hbm>>
      %dma_wait3A_285 = arith.constant 0 : i32
      %dma_wait3A_286 = arith.constant 0 : i32
      %dma_wait3A_287 = arith.constant 0 : i32
      %dma_wait3A_288 = tpu.memref_slice %arg6[%run_scoped3A, %dma_wait3A_285, %dma_wait3A_286, %dma_wait3A_287] : memref<2x32x2x128xi32, #tpu.memory_space<vmem>> -> memref<1x32x2x128xi32, #tpu.memory_space<vmem>>
      %dma_wait3A_289 = tpu.memref_squeeze %dma_wait3A_288 : memref<1x32x2x128xi32, #tpu.memory_space<vmem>> -> memref<32x2x128xi32, #tpu.memory_space<vmem>>
      %dma_wait3A_290 = arith.constant 0 : i32
      %dma_wait3A_291 = arith.constant 0 : i32
      %dma_wait3A_292 = tpu.memref_slice %arg3[%add3A_4, %dma_wait3A_290, %dma_wait3A_291] : memref<2500x2x128xi32, #tpu.memory_space<hbm>> -> memref<32x2x128xi32, #tpu.memory_space<hbm>>
      tpu.wait_dma2 semaphore(%run_scoped3A_260 : memref<!tpu.dma_semaphore, #tpu.memory_space<semaphore_mem>>) src(%dma_wait3A_292 : memref<32x2x128xi32, #tpu.memory_space<hbm>>) dst(%dma_wait3A_289 : memref<32x2x128xi32, #tpu.memory_space<vmem>>)
      tpu.yield
    }) : () -> ()
    %scan3A_192 = arith.constant 0 : i32
    %scan3A_193 = arith.constant 0 : i32
    %scan3A_194 = arith.constant 2 : i32
    %scan3A_195 = arith.addi %scan3A_193, %scan3A_194 : i32
    %scan3A_196 = arith.constant 1 : i32
    %scan3A_197 = scf.for %scan3A_260 = %scan3A_193 to %scan3A_195 step %scan3A_196 iter_args(%scan3A_261 = %scan3A_192) -> (i32)  : i32 {
      %jit3A = arith.constant 2 : i32
      %eq3A = arith.constant 0 : i32
      %eq3A_262 = arith.cmpi eq, %jit3A, %eq3A : i32
      %jit3A_263 = arith.constant 1 : i32
      %select_n3A = arith.select %eq3A_262, %jit3A_263, %jit3A : i32
      %rem3A = arith.remsi %scan3A_260, %select_n3A : i32
      %ne3A = arith.constant 0 : i32
      %ne3A_264 = arith.cmpi ne, %rem3A, %ne3A : i32
      %lt3A_265 = arith.constant 0 : i32
      %lt3A_266 = arith.cmpi slt, %rem3A, %lt3A_265 : i32
      %lt3A_267 = arith.constant 0 : i32
      %lt3A_268 = arith.cmpi slt, %select_n3A, %lt3A_267 : i32
      %ne3A_269 = arith.xori %lt3A_266, %lt3A_268 : i1
      %and3A = arith.andi %ne3A_269, %ne3A_264 : i1
      %add3A_270 = arith.addi %rem3A, %select_n3A : i32
      %select_n3A_271 = arith.select %and3A, %add3A_270, %rem3A : i32
      %gt3A = arith.constant 0 : i32
      %gt3A_272 = arith.cmpi sgt, %scan3A_260, %gt3A : i32
      %convert_element_type3A_273 = arith.extui %gt3A_272 : i1 to i32
      %cond3A_274 = arith.constant 0 : i32
      %cond3A_275 = arith.cmpi ne, %convert_element_type3A_273, %cond3A_274 : i32
      scf.if %cond3A_275 {
        %dma_wait3A_316 = arith.constant 0 : i32
        %dma_wait3A_317 = arith.constant 0 : i32
        %dma_wait3A_318 = arith.constant 0 : i32
        %dma_wait3A_319 = tpu.memref_slice %arg6[%select_n3A_271, %dma_wait3A_316, %dma_wait3A_317, %dma_wait3A_318] : memref<2x32x2x128xi32, #tpu.memory_space<vmem>> -> memref<1x32x2x128xi32, #tpu.memory_space<vmem>>
        %dma_wait3A_320 = tpu.memref_squeeze %dma_wait3A_319 : memref<1x32x2x128xi32, #tpu.memory_space<vmem>> -> memref<32x2x128xi32, #tpu.memory_space<vmem>>
        %dma_wait3A_321 = arith.constant 0 : i32
        %dma_wait3A_322 = arith.constant 0 : i32
        %dma_wait3A_323 = arith.constant 0 : i32
        %dma_wait3A_324 = tpu.memref_slice %arg3[%dma_wait3A_321, %dma_wait3A_322, %dma_wait3A_323] : memref<2500x2x128xi32, #tpu.memory_space<hbm>> -> memref<32x2x128xi32, #tpu.memory_space<hbm>>
        %dma_wait3A_325 = arith.constant 0 : i32
        %dma_wait3A_326 = arith.constant 0 : i32
        %dma_wait3A_327 = arith.constant 0 : i32
        %dma_wait3A_328 = tpu.memref_slice %arg6[%select_n3A_271, %dma_wait3A_325, %dma_wait3A_326, %dma_wait3A_327] : memref<2x32x2x128xi32, #tpu.memory_space<vmem>> -> memref<1x32x2x128xi32, #tpu.memory_space<vmem>>
        %dma_wait3A_329 = tpu.memref_squeeze %dma_wait3A_328 : memref<1x32x2x128xi32, #tpu.memory_space<vmem>> -> memref<32x2x128xi32, #tpu.memory_space<vmem>>
        %dma_wait3A_330 = arith.constant 0 : i32
        %dma_wait3A_331 = arith.constant 0 : i32
        %dma_wait3A_332 = arith.constant 0 : i32
        %dma_wait3A_333 = tpu.memref_slice %arg3[%dma_wait3A_330, %dma_wait3A_331, %dma_wait3A_332] : memref<2500x2x128xi32, #tpu.memory_space<hbm>> -> memref<32x2x128xi32, #tpu.memory_space<hbm>>
        tpu.wait_dma2 semaphore(%arg10 : memref<!tpu.dma_semaphore, #tpu.memory_space<semaphore_mem>>) src(%dma_wait3A_333 : memref<32x2x128xi32, #tpu.memory_space<hbm>>) dst(%dma_wait3A_329 : memref<32x2x128xi32, #tpu.memory_space<vmem>>)
      } else {
      }
      %add3A_276 = arith.constant 1 : i32
      %add3A_277 = arith.addi %scan3A_260, %add3A_276 : i32
      %lt3A_278 = arith.constant 2 : i32
      %lt3A_279 = arith.cmpi slt, %add3A_277, %lt3A_278 : i32
      %convert_element_type3A_280 = arith.extui %lt3A_279 : i1 to i32
      %cond3A_281 = arith.constant 0 : i32
      %cond3A_282 = arith.cmpi ne, %convert_element_type3A_280, %cond3A_281 : i32
      scf.if %cond3A_282 {
        %add3A_316 = arith.constant 1 : i32
        %add3A_317 = arith.addi %scan3A_260, %add3A_316 : i32
        %mul3A_318 = arith.constant 32 : i32
        %mul3A_319 = arith.muli %add3A_317, %mul3A_318 : i32
        %add3A_320 = arith.addi %add3A_4, %mul3A_319 : i32
        %sub3A = arith.constant 1 : i32
        %sub3A_321 = arith.subi %sub3A, %select_n3A_271 : i32
        %dma_start3A_322 = arith.constant 0 : i32
        %dma_start3A_323 = arith.constant 0 : i32
        %dma_start3A_324 = arith.constant 0 : i32
        %dma_start3A_325 = tpu.memref_slice %arg6[%sub3A_321, %dma_start3A_322, %dma_start3A_323, %dma_start3A_324] : memref<2x32x2x128xi32, #tpu.memory_space<vmem>> -> memref<1x32x2x128xi32, #tpu.memory_space<vmem>>
        %dma_start3A_326 = tpu.memref_squeeze %dma_start3A_325 : memref<1x32x2x128xi32, #tpu.memory_space<vmem>> -> memref<32x2x128xi32, #tpu.memory_space<vmem>>
        %dma_start3A_327 = arith.constant 0 : i32
        %dma_start3A_328 = arith.constant 0 : i32
        %dma_start3A_329 = tpu.memref_slice %arg3[%add3A_320, %dma_start3A_327, %dma_start3A_328] : memref<2500x2x128xi32, #tpu.memory_space<hbm>> -> memref<32x2x128xi32, #tpu.memory_space<hbm>>
        %dma_start3A_330 = arith.constant 0 : i32
        %dma_start3A_331 = arith.constant 0 : i32
        %dma_start3A_332 = arith.constant 0 : i32
        %dma_start3A_333 = tpu.memref_slice %arg6[%sub3A_321, %dma_start3A_330, %dma_start3A_331, %dma_start3A_332] : memref<2x32x2x128xi32, #tpu.memory_space<vmem>> -> memref<1x32x2x128xi32, #tpu.memory_space<vmem>>
        %dma_start3A_334 = tpu.memref_squeeze %dma_start3A_333 : memref<1x32x2x128xi32, #tpu.memory_space<vmem>> -> memref<32x2x128xi32, #tpu.memory_space<vmem>>
        %dma_start3A_335 = arith.constant 0 : i32
        %dma_start3A_336 = arith.constant 0 : i32
        %dma_start3A_337 = tpu.memref_slice %arg3[%add3A_320, %dma_start3A_335, %dma_start3A_336] : memref<2500x2x128xi32, #tpu.memory_space<hbm>> -> memref<32x2x128xi32, #tpu.memory_space<hbm>>
        tpu.enqueue_dma source(%dma_start3A_337 : memref<32x2x128xi32, #tpu.memory_space<hbm>>) target(%dma_start3A_334 : memref<32x2x128xi32, #tpu.memory_space<vmem>>) target_semaphore(%arg10 : memref<!tpu.dma_semaphore, #tpu.memory_space<semaphore_mem>>)
      } else {
      }
      %add3A_283 = arith.constant 1 : i32
      %add3A_284 = arith.addi %scan3A_260, %add3A_283 : i32
      %eq3A_285 = arith.constant 2 : i32
      %eq3A_286 = arith.cmpi eq, %add3A_284, %eq3A_285 : i32
      %convert_element_type3A_287 = arith.extui %eq3A_286 : i1 to i32
      %cond3A_288 = arith.constant 0 : i32
      %cond3A_289 = arith.cmpi ne, %convert_element_type3A_287, %cond3A_288 : i32
      scf.if %cond3A_289 {
        %add3A_316 = arith.constant 64 : i32
        %add3A_317 = arith.addi %add3A_4, %add3A_316 : i32
        %sub3A = arith.constant 1 : i32
        %sub3A_318 = arith.subi %sub3A, %select_n3A_271 : i32
        %dma_start3A_319 = arith.constant 0 : i32
        %dma_start3A_320 = arith.constant 0 : i32
        %dma_start3A_321 = arith.constant 0 : i32
        %dma_start3A_322 = tpu.memref_slice %arg6[%sub3A_318, %dma_start3A_319, %dma_start3A_320, %dma_start3A_321] : memref<2x32x2x128xi32, #tpu.memory_space<vmem>> -> memref<1x32x2x128xi32, #tpu.memory_space<vmem>>
        %dma_start3A_323 = tpu.memref_squeeze %dma_start3A_322 : memref<1x32x2x128xi32, #tpu.memory_space<vmem>> -> memref<32x2x128xi32, #tpu.memory_space<vmem>>
        %dma_start3A_324 = arith.constant 0 : i32
        %dma_start3A_325 = arith.constant 0 : i32
        %dma_start3A_326 = arith.constant 0 : i32
        %dma_start3A_327 = tpu.memref_slice %dma_start3A_323[%dma_start3A_324, %dma_start3A_325, %dma_start3A_326] : memref<32x2x128xi32, #tpu.memory_space<vmem>> -> memref<14x2x128xi32, #tpu.memory_space<vmem>>
        %dma_start3A_328 = arith.constant 0 : i32
        %dma_start3A_329 = arith.constant 0 : i32
        %dma_start3A_330 = tpu.memref_slice %arg3[%add3A_317, %dma_start3A_328, %dma_start3A_329] : memref<2500x2x128xi32, #tpu.memory_space<hbm>> -> memref<14x2x128xi32, #tpu.memory_space<hbm>>
        %dma_start3A_331 = arith.constant 0 : i32
        %dma_start3A_332 = arith.constant 0 : i32
        %dma_start3A_333 = arith.constant 0 : i32
        %dma_start3A_334 = tpu.memref_slice %arg6[%sub3A_318, %dma_start3A_331, %dma_start3A_332, %dma_start3A_333] : memref<2x32x2x128xi32, #tpu.memory_space<vmem>> -> memref<1x32x2x128xi32, #tpu.memory_space<vmem>>
        %dma_start3A_335 = tpu.memref_squeeze %dma_start3A_334 : memref<1x32x2x128xi32, #tpu.memory_space<vmem>> -> memref<32x2x128xi32, #tpu.memory_space<vmem>>
        %dma_start3A_336 = arith.constant 0 : i32
        %dma_start3A_337 = arith.constant 0 : i32
        %dma_start3A_338 = arith.constant 0 : i32
        %dma_start3A_339 = tpu.memref_slice %dma_start3A_335[%dma_start3A_336, %dma_start3A_337, %dma_start3A_338] : memref<32x2x128xi32, #tpu.memory_space<vmem>> -> memref<14x2x128xi32, #tpu.memory_space<vmem>>
        %dma_start3A_340 = arith.constant 0 : i32
        %dma_start3A_341 = arith.constant 0 : i32
        %dma_start3A_342 = tpu.memref_slice %arg3[%add3A_317, %dma_start3A_340, %dma_start3A_341] : memref<2500x2x128xi32, #tpu.memory_space<hbm>> -> memref<14x2x128xi32, #tpu.memory_space<hbm>>
        tpu.enqueue_dma source(%dma_start3A_342 : memref<14x2x128xi32, #tpu.memory_space<hbm>>) target(%dma_start3A_339 : memref<14x2x128xi32, #tpu.memory_space<vmem>>) target_semaphore(%arg10 : memref<!tpu.dma_semaphore, #tpu.memory_space<semaphore_mem>>)
      } else {
      }
      %dma_start3A_290 = arith.constant 0 : i32
      %dma_start3A_291 = arith.constant 0 : i32
      %dma_start3A_292 = arith.constant 0 : i32
      %dma_start3A_293 = arith.constant 0 : i32
      %dma_start3A_294 = arith.constant 0 : i32
      %dma_start3A_295 = tpu.memref_slice %arg7[%dma_start3A_292, %dma_start3A_293, %dma_start3A_294] : memref<2x128x128xf32, #tpu.memory_space<vmem>> -> memref<1x128x128xf32, #tpu.memory_space<vmem>>
      %dma_start3A_296 = tpu.memref_squeeze %dma_start3A_295 : memref<1x128x128xf32, #tpu.memory_space<vmem>> -> memref<128x128xf32, #tpu.memory_space<vmem>>
      %dma_start3A_297 = arith.constant 0 : i32
      %dma_start3A_298 = arith.constant 0 : i32
      %dma_start3A_299 = arith.constant 0 : i32
      %dma_start3A_300 = tpu.memref_slice %arg6[%select_n3A_271, %dma_start3A_297, %dma_start3A_298, %dma_start3A_299] : memref<2x32x2x128xi32, #tpu.memory_space<vmem>> -> memref<1x32x2x128xi32, #tpu.memory_space<vmem>>
      %dma_start3A_301 = tpu.memref_squeeze %dma_start3A_300 : memref<1x32x2x128xi32, #tpu.memory_space<vmem>> -> memref<32x2x128xi32, #tpu.memory_space<vmem>>
      %dma_start3A_302 = arith.constant 0 : i32
      %dma_start3A_303 = tpu.memref_slice %dma_start3A_301[%dma_start3A_290, %dma_start3A_291, %dma_start3A_302] : memref<32x2x128xi32, #tpu.memory_space<vmem>> -> memref<1x1x128xi32, #tpu.memory_space<vmem>>
      %dma_start3A_304 = tpu.memref_squeeze %dma_start3A_303 : memref<1x1x128xi32, #tpu.memory_space<vmem>> -> memref<128xi32, #tpu.memory_space<vmem>>
      %dma_start3A_305 = arith.constant 0 : i32
      %dma_start3A_306 = arith.constant 0 : i32
      %dma_start3A_307 = tpu.memref_slice %arg2[%dma_start3A_305, %dma_start3A_306] : memref<10000x128xf32, #tpu.memory_space<hbm>> -> memref<10000x128xf32, #tpu.memory_space<hbm>>
      tpu.enqueue_indirect_dma source(%dma_start3A_307 : memref<10000x128xf32, #tpu.memory_space<hbm>>) target(%dma_start3A_296 : memref<128x128xf32, #tpu.memory_space<vmem>>) offsets(%dma_start3A_304 : memref<128xi32, #tpu.memory_space<vmem>>) semaphore(%arg8 : memref<!tpu.dma_semaphore, #tpu.memory_space<semaphore_mem>>)
      %scan3A_308 = arith.constant 0 : i32
      %scan3A_309 = arith.constant 0 : i32
      %scan3A_310 = arith.constant 16 : i32
      %scan3A_311 = arith.addi %scan3A_309, %scan3A_310 : i32
      %scan3A_312 = arith.constant 1 : i32
      %scan3A_313 = scf.for %scan3A_316 = %scan3A_309 to %scan3A_311 step %scan3A_312 iter_args(%scan3A_317 = %scan3A_308) -> (i32)  : i32 {
        %mul3A_318 = arith.constant 2 : i32
        %mul3A_319 = arith.muli %mul3A_318, %scan3A_316 : i32
        %add3A_320 = arith.constant 1 : i32
        %add3A_321 = arith.addi %mul3A_319, %add3A_320 : i32
        %dma_start3A_322 = arith.constant 0 : i32
        %dma_start3A_323 = arith.constant 1 : i32
        %dma_start3A_324 = arith.constant 0 : i32
        %dma_start3A_325 = arith.constant 0 : i32
        %dma_start3A_326 = tpu.memref_slice %arg7[%dma_start3A_323, %dma_start3A_324, %dma_start3A_325] : memref<2x128x128xf32, #tpu.memory_space<vmem>> -> memref<1x128x128xf32, #tpu.memory_space<vmem>>
        %dma_start3A_327 = tpu.memref_squeeze %dma_start3A_326 : memref<1x128x128xf32, #tpu.memory_space<vmem>> -> memref<128x128xf32, #tpu.memory_space<vmem>>
        %dma_start3A_328 = arith.constant 0 : i32
        %dma_start3A_329 = arith.constant 0 : i32
        %dma_start3A_330 = arith.constant 0 : i32
        %dma_start3A_331 = tpu.memref_slice %arg6[%select_n3A_271, %dma_start3A_328, %dma_start3A_329, %dma_start3A_330] : memref<2x32x2x128xi32, #tpu.memory_space<vmem>> -> memref<1x32x2x128xi32, #tpu.memory_space<vmem>>
        %dma_start3A_332 = tpu.memref_squeeze %dma_start3A_331 : memref<1x32x2x128xi32, #tpu.memory_space<vmem>> -> memref<32x2x128xi32, #tpu.memory_space<vmem>>
        %dma_start3A_333 = arith.constant 0 : i32
        %dma_start3A_334 = tpu.memref_slice %dma_start3A_332[%add3A_321, %dma_start3A_322, %dma_start3A_333] : memref<32x2x128xi32, #tpu.memory_space<vmem>> -> memref<1x1x128xi32, #tpu.memory_space<vmem>>
        %dma_start3A_335 = tpu.memref_squeeze %dma_start3A_334 : memref<1x1x128xi32, #tpu.memory_space<vmem>> -> memref<128xi32, #tpu.memory_space<vmem>>
        %dma_start3A_336 = arith.constant 0 : i32
        %dma_start3A_337 = arith.constant 0 : i32
        %dma_start3A_338 = tpu.memref_slice %arg2[%dma_start3A_336, %dma_start3A_337] : memref<10000x128xf32, #tpu.memory_space<hbm>> -> memref<10000x128xf32, #tpu.memory_space<hbm>>
        tpu.enqueue_indirect_dma source(%dma_start3A_338 : memref<10000x128xf32, #tpu.memory_space<hbm>>) target(%dma_start3A_327 : memref<128x128xf32, #tpu.memory_space<vmem>>) offsets(%dma_start3A_335 : memref<128xi32, #tpu.memory_space<vmem>>) semaphore(%arg9 : memref<!tpu.dma_semaphore, #tpu.memory_space<semaphore_mem>>)
        %dma_wait3A_339 = arith.constant 0 : i32
        %dma_wait3A_340 = arith.constant 0 : i32
        %dma_wait3A_341 = arith.constant 0 : i32
        %dma_wait3A_342 = tpu.memref_slice %arg7[%dma_wait3A_339, %dma_wait3A_340, %dma_wait3A_341] : memref<2x128x128xf32, #tpu.memory_space<vmem>> -> memref<1x128x128xf32, #tpu.memory_space<vmem>>
        %dma_wait3A_343 = tpu.memref_squeeze %dma_wait3A_342 : memref<1x128x128xf32, #tpu.memory_space<vmem>> -> memref<128x128xf32, #tpu.memory_space<vmem>>
        %dma_wait3A_344 = arith.constant 0 : i32
        %dma_wait3A_345 = arith.constant 0 : i32
        %dma_wait3A_346 = tpu.memref_slice %arg2[%dma_wait3A_344, %dma_wait3A_345] : memref<10000x128xf32, #tpu.memory_space<hbm>> -> memref<128x128xf32, #tpu.memory_space<hbm>>
        %dma_wait3A_347 = arith.constant 0 : i32
        %dma_wait3A_348 = arith.constant 0 : i32
        %dma_wait3A_349 = tpu.memref_slice %arg7[%dma_wait3A_339, %dma_wait3A_347, %dma_wait3A_348] : memref<2x128x128xf32, #tpu.memory_space<vmem>> -> memref<1x128x128xf32, #tpu.memory_space<vmem>>
        %dma_wait3A_350 = tpu.memref_squeeze %dma_wait3A_349 : memref<1x128x128xf32, #tpu.memory_space<vmem>> -> memref<128x128xf32, #tpu.memory_space<vmem>>
        %dma_wait3A_351 = arith.constant 0 : i32
        %dma_wait3A_352 = arith.constant 0 : i32
        %dma_wait3A_353 = tpu.memref_slice %arg2[%dma_wait3A_351, %dma_wait3A_352] : memref<10000x128xf32, #tpu.memory_space<hbm>> -> memref<128x128xf32, #tpu.memory_space<hbm>>
        tpu.wait_dma2 semaphore(%arg8 : memref<!tpu.dma_semaphore, #tpu.memory_space<semaphore_mem>>) src(%dma_wait3A_353 : memref<128x128xf32, #tpu.memory_space<hbm>>) dst(%dma_wait3A_350 : memref<128x128xf32, #tpu.memory_space<vmem>>)
        %mul3A_354 = arith.constant 2 : i32
        %mul3A_355 = arith.muli %mul3A_354, %scan3A_316 : i32
        %run_scoped3A_356 = arith.constant 0 : i32
        %run_scoped3A_357 = arith.constant 1 : i32
        "tpu.region"() ({
          %run_scoped3A_387 = tpu.sem_alloc : memref<!tpu.dma_semaphore, #tpu.memory_space<semaphore_mem>>
          %dma_start3A_388 = arith.constant 0 : i32
          %dma_start3A_389 = arith.constant 0 : i32
          %dma_start3A_390 = tpu.memref_slice %arg7[%run_scoped3A_356, %dma_start3A_388, %dma_start3A_389] : memref<2x128x128xf32, #tpu.memory_space<vmem>> -> memref<1x128x128xf32, #tpu.memory_space<vmem>>
          %dma_start3A_391 = tpu.memref_squeeze %dma_start3A_390 : memref<1x128x128xf32, #tpu.memory_space<vmem>> -> memref<128x128xf32, #tpu.memory_space<vmem>>
          %dma_start3A_392 = arith.constant 0 : i32
          %dma_start3A_393 = arith.constant 0 : i32
          %dma_start3A_394 = arith.constant 0 : i32
          %dma_start3A_395 = tpu.memref_slice %arg6[%select_n3A_271, %dma_start3A_392, %dma_start3A_393, %dma_start3A_394] : memref<2x32x2x128xi32, #tpu.memory_space<vmem>> -> memref<1x32x2x128xi32, #tpu.memory_space<vmem>>
          %dma_start3A_396 = tpu.memref_squeeze %dma_start3A_395 : memref<1x32x2x128xi32, #tpu.memory_space<vmem>> -> memref<32x2x128xi32, #tpu.memory_space<vmem>>
          %dma_start3A_397 = arith.constant 0 : i32
          %dma_start3A_398 = tpu.memref_slice %dma_start3A_396[%mul3A_355, %run_scoped3A_357, %dma_start3A_397] : memref<32x2x128xi32, #tpu.memory_space<vmem>> -> memref<1x1x128xi32, #tpu.memory_space<vmem>>
          %dma_start3A_399 = tpu.memref_squeeze %dma_start3A_398 : memref<1x1x128xi32, #tpu.memory_space<vmem>> -> memref<128xi32, #tpu.memory_space<vmem>>
          %dma_start3A_400 = arith.constant 0 : i32
          %dma_start3A_401 = arith.constant 0 : i32
          %dma_start3A_402 = tpu.memref_slice %arg5[%dma_start3A_400, %dma_start3A_401] : memref<10112x128xf32, #tpu.memory_space<vmem_shared>> -> memref<10112x128xf32, #tpu.memory_space<vmem_shared>>
          tpu.enqueue_indirect_dma source(%dma_start3A_391 : memref<128x128xf32, #tpu.memory_space<vmem>>) target(%dma_start3A_402 : memref<10112x128xf32, #tpu.memory_space<vmem_shared>>) offsets(%dma_start3A_399 : memref<128xi32, #tpu.memory_space<vmem>>) semaphore(%run_scoped3A_387 : memref<!tpu.dma_semaphore, #tpu.memory_space<semaphore_mem>>) {add = true}
          %dma_wait3A_403 = arith.constant 0 : i32
          %dma_wait3A_404 = arith.constant 0 : i32
          %dma_wait3A_405 = tpu.memref_slice %arg7[%run_scoped3A_356, %dma_wait3A_403, %dma_wait3A_404] : memref<2x128x128xf32, #tpu.memory_space<vmem>> -> memref<1x128x128xf32, #tpu.memory_space<vmem>>
          %dma_wait3A_406 = tpu.memref_squeeze %dma_wait3A_405 : memref<1x128x128xf32, #tpu.memory_space<vmem>> -> memref<128x128xf32, #tpu.memory_space<vmem>>
          %dma_wait3A_407 = arith.constant 0 : i32
          %dma_wait3A_408 = arith.constant 0 : i32
          %dma_wait3A_409 = arith.constant 0 : i32
          %dma_wait3A_410 = tpu.memref_slice %arg6[%select_n3A_271, %dma_wait3A_407, %dma_wait3A_408, %dma_wait3A_409] : memref<2x32x2x128xi32, #tpu.memory_space<vmem>> -> memref<1x32x2x128xi32, #tpu.memory_space<vmem>>
          %dma_wait3A_411 = tpu.memref_squeeze %dma_wait3A_410 : memref<1x32x2x128xi32, #tpu.memory_space<vmem>> -> memref<32x2x128xi32, #tpu.memory_space<vmem>>
          %dma_wait3A_412 = arith.constant 0 : i32
          %dma_wait3A_413 = tpu.memref_slice %dma_wait3A_411[%mul3A_355, %run_scoped3A_357, %dma_wait3A_412] : memref<32x2x128xi32, #tpu.memory_space<vmem>> -> memref<1x1x128xi32, #tpu.memory_space<vmem>>
          %dma_wait3A_414 = tpu.memref_squeeze %dma_wait3A_413 : memref<1x1x128xi32, #tpu.memory_space<vmem>> -> memref<128xi32, #tpu.memory_space<vmem>>
          %dma_wait3A_415 = arith.constant 0 : i32
          %dma_wait3A_416 = arith.constant 0 : i32
          %dma_wait3A_417 = tpu.memref_slice %arg5[%dma_wait3A_415, %dma_wait3A_416] : memref<10112x128xf32, #tpu.memory_space<vmem_shared>> -> memref<10112x128xf32, #tpu.memory_space<vmem_shared>>
          tpu.wait_indirect_dma semaphore(%run_scoped3A_387 : memref<!tpu.dma_semaphore, #tpu.memory_space<semaphore_mem>>) src(%dma_wait3A_406 : memref<128x128xf32, #tpu.memory_space<vmem>>) dst(%dma_wait3A_417 : memref<10112x128xf32, #tpu.memory_space<vmem_shared>>)
          tpu.yield
        }) : () -> ()
        %add3A_358 = arith.constant 1 : i32
        %add3A_359 = arith.addi %scan3A_316, %add3A_358 : i32
        %lt3A_360 = arith.constant 16 : i32
        %lt3A_361 = arith.cmpi slt, %add3A_359, %lt3A_360 : i32
        %convert_element_type3A_362 = arith.extui %lt3A_361 : i1 to i32
        %cond3A_363 = arith.constant 0 : i32
        %cond3A_364 = arith.cmpi ne, %convert_element_type3A_362, %cond3A_363 : i32
        scf.if %cond3A_364 {
          %mul3A_387 = arith.constant 2 : i32
          %mul3A_388 = arith.muli %mul3A_387, %scan3A_316 : i32
          %add3A_389 = arith.constant 2 : i32
          %add3A_390 = arith.addi %mul3A_388, %add3A_389 : i32
          %dma_start3A_391 = arith.constant 0 : i32
          %dma_start3A_392 = arith.constant 0 : i32
          %dma_start3A_393 = arith.constant 0 : i32
          %dma_start3A_394 = arith.constant 0 : i32
          %dma_start3A_395 = tpu.memref_slice %arg7[%dma_start3A_392, %dma_start3A_393, %dma_start3A_394] : memref<2x128x128xf32, #tpu.memory_space<vmem>> -> memref<1x128x128xf32, #tpu.memory_space<vmem>>
          %dma_start3A_396 = tpu.memref_squeeze %dma_start3A_395 : memref<1x128x128xf32, #tpu.memory_space<vmem>> -> memref<128x128xf32, #tpu.memory_space<vmem>>
          %dma_start3A_397 = arith.constant 0 : i32
          %dma_start3A_398 = arith.constant 0 : i32
          %dma_start3A_399 = arith.constant 0 : i32
          %dma_start3A_400 = tpu.memref_slice %arg6[%select_n3A_271, %dma_start3A_397, %dma_start3A_398, %dma_start3A_399] : memref<2x32x2x128xi32, #tpu.memory_space<vmem>> -> memref<1x32x2x128xi32, #tpu.memory_space<vmem>>
          %dma_start3A_401 = tpu.memref_squeeze %dma_start3A_400 : memref<1x32x2x128xi32, #tpu.memory_space<vmem>> -> memref<32x2x128xi32, #tpu.memory_space<vmem>>
          %dma_start3A_402 = arith.constant 0 : i32
          %dma_start3A_403 = tpu.memref_slice %dma_start3A_401[%add3A_390, %dma_start3A_391, %dma_start3A_402] : memref<32x2x128xi32, #tpu.memory_space<vmem>> -> memref<1x1x128xi32, #tpu.memory_space<vmem>>
          %dma_start3A_404 = tpu.memref_squeeze %dma_start3A_403 : memref<1x1x128xi32, #tpu.memory_space<vmem>> -> memref<128xi32, #tpu.memory_space<vmem>>
          %dma_start3A_405 = arith.constant 0 : i32
          %dma_start3A_406 = arith.constant 0 : i32
          %dma_start3A_407 = tpu.memref_slice %arg2[%dma_start3A_405, %dma_start3A_406] : memref<10000x128xf32, #tpu.memory_space<hbm>> -> memref<10000x128xf32, #tpu.memory_space<hbm>>
          tpu.enqueue_indirect_dma source(%dma_start3A_407 : memref<10000x128xf32, #tpu.memory_space<hbm>>) target(%dma_start3A_396 : memref<128x128xf32, #tpu.memory_space<vmem>>) offsets(%dma_start3A_404 : memref<128xi32, #tpu.memory_space<vmem>>) semaphore(%arg8 : memref<!tpu.dma_semaphore, #tpu.memory_space<semaphore_mem>>)
        } else {
        }
        %dma_wait3A_365 = arith.constant 1 : i32
        %dma_wait3A_366 = arith.constant 0 : i32
        %dma_wait3A_367 = arith.constant 0 : i32
        %dma_wait3A_368 = tpu.memref_slice %arg7[%dma_wait3A_365, %dma_wait3A_366, %dma_wait3A_367] : memref<2x128x128xf32, #tpu.memory_space<vmem>> -> memref<1x128x128xf32, #tpu.memory_space<vmem>>
        %dma_wait3A_369 = tpu.memref_squeeze %dma_wait3A_368 : memref<1x128x128xf32, #tpu.memory_space<vmem>> -> memref<128x128xf32, #tpu.memory_space<vmem>>
        %dma_wait3A_370 = arith.constant 0 : i32
        %dma_wait3A_371 = arith.constant 0 : i32
        %dma_wait3A_372 = tpu.memref_slice %arg2[%dma_wait3A_370, %dma_wait3A_371] : memref<10000x128xf32, #tpu.memory_space<hbm>> -> memref<128x128xf32, #tpu.memory_space<hbm>>
        %dma_wait3A_373 = arith.constant 0 : i32
        %dma_wait3A_374 = arith.constant 0 : i32
        %dma_wait3A_375 = tpu.memref_slice %arg7[%dma_wait3A_365, %dma_wait3A_373, %dma_wait3A_374] : memref<2x128x128xf32, #tpu.memory_space<vmem>> -> memref<1x128x128xf32, #tpu.memory_space<vmem>>
        %dma_wait3A_376 = tpu.memref_squeeze %dma_wait3A_375 : memref<1x128x128xf32, #tpu.memory_space<vmem>> -> memref<128x128xf32, #tpu.memory_space<vmem>>
        %dma_wait3A_377 = arith.constant 0 : i32
        %dma_wait3A_378 = arith.constant 0 : i32
        %dma_wait3A_379 = tpu.memref_slice %arg2[%dma_wait3A_377, %dma_wait3A_378] : memref<10000x128xf32, #tpu.memory_space<hbm>> -> memref<128x128xf32, #tpu.memory_space<hbm>>
        tpu.wait_dma2 semaphore(%arg9 : memref<!tpu.dma_semaphore, #tpu.memory_space<semaphore_mem>>) src(%dma_wait3A_379 : memref<128x128xf32, #tpu.memory_space<hbm>>) dst(%dma_wait3A_376 : memref<128x128xf32, #tpu.memory_space<vmem>>)
        %mul3A_380 = arith.constant 2 : i32
        %mul3A_381 = arith.muli %mul3A_380, %scan3A_316 : i32
        %add3A_382 = arith.constant 1 : i32
        %add3A_383 = arith.addi %mul3A_381, %add3A_382 : i32
        %run_scoped3A_384 = arith.constant 1 : i32
        %run_scoped3A_385 = arith.constant 1 : i32
        "tpu.region"() ({
          %run_scoped3A_387 = tpu.sem_alloc : memref<!tpu.dma_semaphore, #tpu.memory_space<semaphore_mem>>
          %dma_start3A_388 = arith.constant 0 : i32
          %dma_start3A_389 = arith.constant 0 : i32
          %dma_start3A_390 = tpu.memref_slice %arg7[%run_scoped3A_384, %dma_start3A_388, %dma_start3A_389] : memref<2x128x128xf32, #tpu.memory_space<vmem>> -> memref<1x128x128xf32, #tpu.memory_space<vmem>>
          %dma_start3A_391 = tpu.memref_squeeze %dma_start3A_390 : memref<1x128x128xf32, #tpu.memory_space<vmem>> -> memref<128x128xf32, #tpu.memory_space<vmem>>
          %dma_start3A_392 = arith.constant 0 : i32
          %dma_start3A_393 = arith.constant 0 : i32
          %dma_start3A_394 = arith.constant 0 : i32
          %dma_start3A_395 = tpu.memref_slice %arg6[%select_n3A_271, %dma_start3A_392, %dma_start3A_393, %dma_start3A_394] : memref<2x32x2x128xi32, #tpu.memory_space<vmem>> -> memref<1x32x2x128xi32, #tpu.memory_space<vmem>>
          %dma_start3A_396 = tpu.memref_squeeze %dma_start3A_395 : memref<1x32x2x128xi32, #tpu.memory_space<vmem>> -> memref<32x2x128xi32, #tpu.memory_space<vmem>>
          %dma_start3A_397 = arith.constant 0 : i32
          %dma_start3A_398 = tpu.memref_slice %dma_start3A_396[%add3A_383, %run_scoped3A_385, %dma_start3A_397] : memref<32x2x128xi32, #tpu.memory_space<vmem>> -> memref<1x1x128xi32, #tpu.memory_space<vmem>>
          %dma_start3A_399 = tpu.memref_squeeze %dma_start3A_398 : memref<1x1x128xi32, #tpu.memory_space<vmem>> -> memref<128xi32, #tpu.memory_space<vmem>>
          %dma_start3A_400 = arith.constant 0 : i32
          %dma_start3A_401 = arith.constant 0 : i32
          %dma_start3A_402 = tpu.memref_slice %arg5[%dma_start3A_400, %dma_start3A_401] : memref<10112x128xf32, #tpu.memory_space<vmem_shared>> -> memref<10112x128xf32, #tpu.memory_space<vmem_shared>>
          tpu.enqueue_indirect_dma source(%dma_start3A_391 : memref<128x128xf32, #tpu.memory_space<vmem>>) target(%dma_start3A_402 : memref<10112x128xf32, #tpu.memory_space<vmem_shared>>) offsets(%dma_start3A_399 : memref<128xi32, #tpu.memory_space<vmem>>) semaphore(%run_scoped3A_387 : memref<!tpu.dma_semaphore, #tpu.memory_space<semaphore_mem>>) {add = true}
          %dma_wait3A_403 = arith.constant 0 : i32
          %dma_wait3A_404 = arith.constant 0 : i32
          %dma_wait3A_405 = tpu.memref_slice %arg7[%run_scoped3A_384, %dma_wait3A_403, %dma_wait3A_404] : memref<2x128x128xf32, #tpu.memory_space<vmem>> -> memref<1x128x128xf32, #tpu.memory_space<vmem>>
          %dma_wait3A_406 = tpu.memref_squeeze %dma_wait3A_405 : memref<1x128x128xf32, #tpu.memory_space<vmem>> -> memref<128x128xf32, #tpu.memory_space<vmem>>
          %dma_wait3A_407 = arith.constant 0 : i32
          %dma_wait3A_408 = arith.constant 0 : i32
          %dma_wait3A_409 = arith.constant 0 : i32
          %dma_wait3A_410 = tpu.memref_slice %arg6[%select_n3A_271, %dma_wait3A_407, %dma_wait3A_408, %dma_wait3A_409] : memref<2x32x2x128xi32, #tpu.memory_space<vmem>> -> memref<1x32x2x128xi32, #tpu.memory_space<vmem>>
          %dma_wait3A_411 = tpu.memref_squeeze %dma_wait3A_410 : memref<1x32x2x128xi32, #tpu.memory_space<vmem>> -> memref<32x2x128xi32, #tpu.memory_space<vmem>>
          %dma_wait3A_412 = arith.constant 0 : i32
          %dma_wait3A_413 = tpu.memref_slice %dma_wait3A_411[%add3A_383, %run_scoped3A_385, %dma_wait3A_412] : memref<32x2x128xi32, #tpu.memory_space<vmem>> -> memref<1x1x128xi32, #tpu.memory_space<vmem>>
          %dma_wait3A_414 = tpu.memref_squeeze %dma_wait3A_413 : memref<1x1x128xi32, #tpu.memory_space<vmem>> -> memref<128xi32, #tpu.memory_space<vmem>>
          %dma_wait3A_415 = arith.constant 0 : i32
          %dma_wait3A_416 = arith.constant 0 : i32
          %dma_wait3A_417 = tpu.memref_slice %arg5[%dma_wait3A_415, %dma_wait3A_416] : memref<10112x128xf32, #tpu.memory_space<vmem_shared>> -> memref<10112x128xf32, #tpu.memory_space<vmem_shared>>
          tpu.wait_indirect_dma semaphore(%run_scoped3A_387 : memref<!tpu.dma_semaphore, #tpu.memory_space<semaphore_mem>>) src(%dma_wait3A_406 : memref<128x128xf32, #tpu.memory_space<vmem>>) dst(%dma_wait3A_417 : memref<10112x128xf32, #tpu.memory_space<vmem_shared>>)
          tpu.yield
        }) : () -> ()
        %scan3A_386 = arith.constant 0 : i32
        scf.yield %scan3A_386 : i32
      }
      %scan3A_314 = arith.constant 16 : i32
      %scan3A_315 = arith.constant 0 : i32
      scf.yield %scan3A_315 : i32
    }
    %scan3A_198 = arith.constant 2 : i32
    %dma_wait3A_199 = arith.constant 0 : i32
    %dma_wait3A_200 = arith.constant 0 : i32
    %dma_wait3A_201 = arith.constant 0 : i32
    %dma_wait3A_202 = arith.constant 0 : i32
    %dma_wait3A_203 = tpu.memref_slice %arg6[%dma_wait3A_199, %dma_wait3A_200, %dma_wait3A_201, %dma_wait3A_202] : memref<2x32x2x128xi32, #tpu.memory_space<vmem>> -> memref<1x32x2x128xi32, #tpu.memory_space<vmem>>
    %dma_wait3A_204 = tpu.memref_squeeze %dma_wait3A_203 : memref<1x32x2x128xi32, #tpu.memory_space<vmem>> -> memref<32x2x128xi32, #tpu.memory_space<vmem>>
    %dma_wait3A_205 = arith.constant 0 : i32
    %dma_wait3A_206 = arith.constant 0 : i32
    %dma_wait3A_207 = arith.constant 0 : i32
    %dma_wait3A_208 = tpu.memref_slice %dma_wait3A_204[%dma_wait3A_205, %dma_wait3A_206, %dma_wait3A_207] : memref<32x2x128xi32, #tpu.memory_space<vmem>> -> memref<14x2x128xi32, #tpu.memory_space<vmem>>
    %dma_wait3A_209 = arith.constant 0 : i32
    %dma_wait3A_210 = arith.constant 0 : i32
    %dma_wait3A_211 = arith.constant 0 : i32
    %dma_wait3A_212 = tpu.memref_slice %arg3[%dma_wait3A_209, %dma_wait3A_210, %dma_wait3A_211] : memref<2500x2x128xi32, #tpu.memory_space<hbm>> -> memref<14x2x128xi32, #tpu.memory_space<hbm>>
    %dma_wait3A_213 = arith.constant 0 : i32
    %dma_wait3A_214 = arith.constant 0 : i32
    %dma_wait3A_215 = arith.constant 0 : i32
    %dma_wait3A_216 = tpu.memref_slice %arg6[%dma_wait3A_199, %dma_wait3A_213, %dma_wait3A_214, %dma_wait3A_215] : memref<2x32x2x128xi32, #tpu.memory_space<vmem>> -> memref<1x32x2x128xi32, #tpu.memory_space<vmem>>
    %dma_wait3A_217 = tpu.memref_squeeze %dma_wait3A_216 : memref<1x32x2x128xi32, #tpu.memory_space<vmem>> -> memref<32x2x128xi32, #tpu.memory_space<vmem>>
    %dma_wait3A_218 = arith.constant 0 : i32
    %dma_wait3A_219 = arith.constant 0 : i32
    %dma_wait3A_220 = arith.constant 0 : i32
    %dma_wait3A_221 = tpu.memref_slice %dma_wait3A_217[%dma_wait3A_218, %dma_wait3A_219, %dma_wait3A_220] : memref<32x2x128xi32, #tpu.memory_space<vmem>> -> memref<14x2x128xi32, #tpu.memory_space<vmem>>
    %dma_wait3A_222 = arith.constant 0 : i32
    %dma_wait3A_223 = arith.constant 0 : i32
    %dma_wait3A_224 = arith.constant 0 : i32
    %dma_wait3A_225 = tpu.memref_slice %arg3[%dma_wait3A_222, %dma_wait3A_223, %dma_wait3A_224] : memref<2500x2x128xi32, #tpu.memory_space<hbm>> -> memref<14x2x128xi32, #tpu.memory_space<hbm>>
    tpu.wait_dma2 semaphore(%arg10 : memref<!tpu.dma_semaphore, #tpu.memory_space<semaphore_mem>>) src(%dma_wait3A_225 : memref<14x2x128xi32, #tpu.memory_space<hbm>>) dst(%dma_wait3A_221 : memref<14x2x128xi32, #tpu.memory_space<vmem>>)
    %dma_start3A_226 = arith.constant 0 : i32
    %dma_start3A_227 = arith.constant 0 : i32
    %dma_start3A_228 = arith.constant 0 : i32
    %dma_start3A_229 = arith.constant 0 : i32
    %dma_start3A_230 = arith.constant 0 : i32
    %dma_start3A_231 = arith.constant 0 : i32
    %dma_start3A_232 = tpu.memref_slice %arg7[%dma_start3A_229, %dma_start3A_230, %dma_start3A_231] : memref<2x128x128xf32, #tpu.memory_space<vmem>> -> memref<1x128x128xf32, #tpu.memory_space<vmem>>
    %dma_start3A_233 = tpu.memref_squeeze %dma_start3A_232 : memref<1x128x128xf32, #tpu.memory_space<vmem>> -> memref<128x128xf32, #tpu.memory_space<vmem>>
    %dma_start3A_234 = arith.constant 0 : i32
    %dma_start3A_235 = arith.constant 0 : i32
    %dma_start3A_236 = arith.constant 0 : i32
    %dma_start3A_237 = tpu.memref_slice %arg6[%dma_start3A_226, %dma_start3A_234, %dma_start3A_235, %dma_start3A_236] : memref<2x32x2x128xi32, #tpu.memory_space<vmem>> -> memref<1x32x2x128xi32, #tpu.memory_space<vmem>>
    %dma_start3A_238 = tpu.memref_squeeze %dma_start3A_237 : memref<1x32x2x128xi32, #tpu.memory_space<vmem>> -> memref<32x2x128xi32, #tpu.memory_space<vmem>>
    %dma_start3A_239 = arith.constant 0 : i32
    %dma_start3A_240 = tpu.memref_slice %dma_start3A_238[%dma_start3A_227, %dma_start3A_228, %dma_start3A_239] : memref<32x2x128xi32, #tpu.memory_space<vmem>> -> memref<1x1x128xi32, #tpu.memory_space<vmem>>
    %dma_start3A_241 = tpu.memref_squeeze %dma_start3A_240 : memref<1x1x128xi32, #tpu.memory_space<vmem>> -> memref<128xi32, #tpu.memory_space<vmem>>
    %dma_start3A_242 = arith.constant 0 : i32
    %dma_start3A_243 = arith.constant 0 : i32
    %dma_start3A_244 = tpu.memref_slice %arg2[%dma_start3A_242, %dma_start3A_243] : memref<10000x128xf32, #tpu.memory_space<hbm>> -> memref<10000x128xf32, #tpu.memory_space<hbm>>
    tpu.enqueue_indirect_dma source(%dma_start3A_244 : memref<10000x128xf32, #tpu.memory_space<hbm>>) target(%dma_start3A_233 : memref<128x128xf32, #tpu.memory_space<vmem>>) offsets(%dma_start3A_241 : memref<128xi32, #tpu.memory_space<vmem>>) semaphore(%arg8 : memref<!tpu.dma_semaphore, #tpu.memory_space<semaphore_mem>>)
    %scan3A_245 = arith.constant 0 : i32
    %scan3A_246 = arith.constant 0 : i32
    %scan3A_247 = arith.constant 0 : i32
    %scan3A_248 = arith.constant 7 : i32
    %scan3A_249 = arith.addi %scan3A_247, %scan3A_248 : i32
    %scan3A_250 = arith.constant 1 : i32
    %scan3A_251 = scf.for %scan3A_260 = %scan3A_247 to %scan3A_249 step %scan3A_250 iter_args(%scan3A_261 = %scan3A_246) -> (i32)  : i32 {
      %mul3A_262 = arith.constant 2 : i32
      %mul3A_263 = arith.muli %mul3A_262, %scan3A_260 : i32
      %add3A_264 = arith.constant 1 : i32
      %add3A_265 = arith.addi %mul3A_263, %add3A_264 : i32
      %dma_start3A_266 = arith.constant 0 : i32
      %dma_start3A_267 = arith.constant 1 : i32
      %dma_start3A_268 = arith.constant 0 : i32
      %dma_start3A_269 = arith.constant 0 : i32
      %dma_start3A_270 = tpu.memref_slice %arg7[%dma_start3A_267, %dma_start3A_268, %dma_start3A_269] : memref<2x128x128xf32, #tpu.memory_space<vmem>> -> memref<1x128x128xf32, #tpu.memory_space<vmem>>
      %dma_start3A_271 = tpu.memref_squeeze %dma_start3A_270 : memref<1x128x128xf32, #tpu.memory_space<vmem>> -> memref<128x128xf32, #tpu.memory_space<vmem>>
      %dma_start3A_272 = arith.constant 0 : i32
      %dma_start3A_273 = arith.constant 0 : i32
      %dma_start3A_274 = arith.constant 0 : i32
      %dma_start3A_275 = tpu.memref_slice %arg6[%scan3A_245, %dma_start3A_272, %dma_start3A_273, %dma_start3A_274] : memref<2x32x2x128xi32, #tpu.memory_space<vmem>> -> memref<1x32x2x128xi32, #tpu.memory_space<vmem>>
      %dma_start3A_276 = tpu.memref_squeeze %dma_start3A_275 : memref<1x32x2x128xi32, #tpu.memory_space<vmem>> -> memref<32x2x128xi32, #tpu.memory_space<vmem>>
      %dma_start3A_277 = arith.constant 0 : i32
      %dma_start3A_278 = tpu.memref_slice %dma_start3A_276[%add3A_265, %dma_start3A_266, %dma_start3A_277] : memref<32x2x128xi32, #tpu.memory_space<vmem>> -> memref<1x1x128xi32, #tpu.memory_space<vmem>>
      %dma_start3A_279 = tpu.memref_squeeze %dma_start3A_278 : memref<1x1x128xi32, #tpu.memory_space<vmem>> -> memref<128xi32, #tpu.memory_space<vmem>>
      %dma_start3A_280 = arith.constant 0 : i32
      %dma_start3A_281 = arith.constant 0 : i32
      %dma_start3A_282 = tpu.memref_slice %arg2[%dma_start3A_280, %dma_start3A_281] : memref<10000x128xf32, #tpu.memory_space<hbm>> -> memref<10000x128xf32, #tpu.memory_space<hbm>>
      tpu.enqueue_indirect_dma source(%dma_start3A_282 : memref<10000x128xf32, #tpu.memory_space<hbm>>) target(%dma_start3A_271 : memref<128x128xf32, #tpu.memory_space<vmem>>) offsets(%dma_start3A_279 : memref<128xi32, #tpu.memory_space<vmem>>) semaphore(%arg9 : memref<!tpu.dma_semaphore, #tpu.memory_space<semaphore_mem>>)
      %dma_wait3A_283 = arith.constant 0 : i32
      %dma_wait3A_284 = arith.constant 0 : i32
      %dma_wait3A_285 = arith.constant 0 : i32
      %dma_wait3A_286 = tpu.memref_slice %arg7[%dma_wait3A_283, %dma_wait3A_284, %dma_wait3A_285] : memref<2x128x128xf32, #tpu.memory_space<vmem>> -> memref<1x128x128xf32, #tpu.memory_space<vmem>>
      %dma_wait3A_287 = tpu.memref_squeeze %dma_wait3A_286 : memref<1x128x128xf32, #tpu.memory_space<vmem>> -> memref<128x128xf32, #tpu.memory_space<vmem>>
      %dma_wait3A_288 = arith.constant 0 : i32
      %dma_wait3A_289 = arith.constant 0 : i32
      %dma_wait3A_290 = tpu.memref_slice %arg2[%dma_wait3A_288, %dma_wait3A_289] : memref<10000x128xf32, #tpu.memory_space<hbm>> -> memref<128x128xf32, #tpu.memory_space<hbm>>
      %dma_wait3A_291 = arith.constant 0 : i32
      %dma_wait3A_292 = arith.constant 0 : i32
      %dma_wait3A_293 = tpu.memref_slice %arg7[%dma_wait3A_283, %dma_wait3A_291, %dma_wait3A_292] : memref<2x128x128xf32, #tpu.memory_space<vmem>> -> memref<1x128x128xf32, #tpu.memory_space<vmem>>
      %dma_wait3A_294 = tpu.memref_squeeze %dma_wait3A_293 : memref<1x128x128xf32, #tpu.memory_space<vmem>> -> memref<128x128xf32, #tpu.memory_space<vmem>>
      %dma_wait3A_295 = arith.constant 0 : i32
      %dma_wait3A_296 = arith.constant 0 : i32
      %dma_wait3A_297 = tpu.memref_slice %arg2[%dma_wait3A_295, %dma_wait3A_296] : memref<10000x128xf32, #tpu.memory_space<hbm>> -> memref<128x128xf32, #tpu.memory_space<hbm>>
      tpu.wait_dma2 semaphore(%arg8 : memref<!tpu.dma_semaphore, #tpu.memory_space<semaphore_mem>>) src(%dma_wait3A_297 : memref<128x128xf32, #tpu.memory_space<hbm>>) dst(%dma_wait3A_294 : memref<128x128xf32, #tpu.memory_space<vmem>>)
      %mul3A_298 = arith.constant 2 : i32
      %mul3A_299 = arith.muli %mul3A_298, %scan3A_260 : i32
      %run_scoped3A_300 = arith.constant 0 : i32
      %run_scoped3A_301 = arith.constant 1 : i32
      "tpu.region"() ({
        %run_scoped3A_331 = tpu.sem_alloc : memref<!tpu.dma_semaphore, #tpu.memory_space<semaphore_mem>>
        %dma_start3A_332 = arith.constant 0 : i32
        %dma_start3A_333 = arith.constant 0 : i32
        %dma_start3A_334 = tpu.memref_slice %arg7[%run_scoped3A_300, %dma_start3A_332, %dma_start3A_333] : memref<2x128x128xf32, #tpu.memory_space<vmem>> -> memref<1x128x128xf32, #tpu.memory_space<vmem>>
        %dma_start3A_335 = tpu.memref_squeeze %dma_start3A_334 : memref<1x128x128xf32, #tpu.memory_space<vmem>> -> memref<128x128xf32, #tpu.memory_space<vmem>>
        %dma_start3A_336 = arith.constant 0 : i32
        %dma_start3A_337 = arith.constant 0 : i32
        %dma_start3A_338 = arith.constant 0 : i32
        %dma_start3A_339 = tpu.memref_slice %arg6[%scan3A_245, %dma_start3A_336, %dma_start3A_337, %dma_start3A_338] : memref<2x32x2x128xi32, #tpu.memory_space<vmem>> -> memref<1x32x2x128xi32, #tpu.memory_space<vmem>>
        %dma_start3A_340 = tpu.memref_squeeze %dma_start3A_339 : memref<1x32x2x128xi32, #tpu.memory_space<vmem>> -> memref<32x2x128xi32, #tpu.memory_space<vmem>>
        %dma_start3A_341 = arith.constant 0 : i32
        %dma_start3A_342 = tpu.memref_slice %dma_start3A_340[%mul3A_299, %run_scoped3A_301, %dma_start3A_341] : memref<32x2x128xi32, #tpu.memory_space<vmem>> -> memref<1x1x128xi32, #tpu.memory_space<vmem>>
        %dma_start3A_343 = tpu.memref_squeeze %dma_start3A_342 : memref<1x1x128xi32, #tpu.memory_space<vmem>> -> memref<128xi32, #tpu.memory_space<vmem>>
        %dma_start3A_344 = arith.constant 0 : i32
        %dma_start3A_345 = arith.constant 0 : i32
        %dma_start3A_346 = tpu.memref_slice %arg5[%dma_start3A_344, %dma_start3A_345] : memref<10112x128xf32, #tpu.memory_space<vmem_shared>> -> memref<10112x128xf32, #tpu.memory_space<vmem_shared>>
        tpu.enqueue_indirect_dma source(%dma_start3A_335 : memref<128x128xf32, #tpu.memory_space<vmem>>) target(%dma_start3A_346 : memref<10112x128xf32, #tpu.memory_space<vmem_shared>>) offsets(%dma_start3A_343 : memref<128xi32, #tpu.memory_space<vmem>>) semaphore(%run_scoped3A_331 : memref<!tpu.dma_semaphore, #tpu.memory_space<semaphore_mem>>) {add = true}
        %dma_wait3A_347 = arith.constant 0 : i32
        %dma_wait3A_348 = arith.constant 0 : i32
        %dma_wait3A_349 = tpu.memref_slice %arg7[%run_scoped3A_300, %dma_wait3A_347, %dma_wait3A_348] : memref<2x128x128xf32, #tpu.memory_space<vmem>> -> memref<1x128x128xf32, #tpu.memory_space<vmem>>
        %dma_wait3A_350 = tpu.memref_squeeze %dma_wait3A_349 : memref<1x128x128xf32, #tpu.memory_space<vmem>> -> memref<128x128xf32, #tpu.memory_space<vmem>>
        %dma_wait3A_351 = arith.constant 0 : i32
        %dma_wait3A_352 = arith.constant 0 : i32
        %dma_wait3A_353 = arith.constant 0 : i32
        %dma_wait3A_354 = tpu.memref_slice %arg6[%scan3A_245, %dma_wait3A_351, %dma_wait3A_352, %dma_wait3A_353] : memref<2x32x2x128xi32, #tpu.memory_space<vmem>> -> memref<1x32x2x128xi32, #tpu.memory_space<vmem>>
        %dma_wait3A_355 = tpu.memref_squeeze %dma_wait3A_354 : memref<1x32x2x128xi32, #tpu.memory_space<vmem>> -> memref<32x2x128xi32, #tpu.memory_space<vmem>>
        %dma_wait3A_356 = arith.constant 0 : i32
        %dma_wait3A_357 = tpu.memref_slice %dma_wait3A_355[%mul3A_299, %run_scoped3A_301, %dma_wait3A_356] : memref<32x2x128xi32, #tpu.memory_space<vmem>> -> memref<1x1x128xi32, #tpu.memory_space<vmem>>
        %dma_wait3A_358 = tpu.memref_squeeze %dma_wait3A_357 : memref<1x1x128xi32, #tpu.memory_space<vmem>> -> memref<128xi32, #tpu.memory_space<vmem>>
        %dma_wait3A_359 = arith.constant 0 : i32
        %dma_wait3A_360 = arith.constant 0 : i32
        %dma_wait3A_361 = tpu.memref_slice %arg5[%dma_wait3A_359, %dma_wait3A_360] : memref<10112x128xf32, #tpu.memory_space<vmem_shared>> -> memref<10112x128xf32, #tpu.memory_space<vmem_shared>>
        tpu.wait_indirect_dma semaphore(%run_scoped3A_331 : memref<!tpu.dma_semaphore, #tpu.memory_space<semaphore_mem>>) src(%dma_wait3A_350 : memref<128x128xf32, #tpu.memory_space<vmem>>) dst(%dma_wait3A_361 : memref<10112x128xf32, #tpu.memory_space<vmem_shared>>)
        tpu.yield
      }) : () -> ()
      %add3A_302 = arith.constant 1 : i32
      %add3A_303 = arith.addi %scan3A_260, %add3A_302 : i32
      %lt3A_304 = arith.constant 7 : i32
      %lt3A_305 = arith.cmpi slt, %add3A_303, %lt3A_304 : i32
      %convert_element_type3A_306 = arith.extui %lt3A_305 : i1 to i32
      %cond3A_307 = arith.constant 0 : i32
      %cond3A_308 = arith.cmpi ne, %convert_element_type3A_306, %cond3A_307 : i32
      scf.if %cond3A_308 {
        %mul3A_331 = arith.constant 2 : i32
        %mul3A_332 = arith.muli %mul3A_331, %scan3A_260 : i32
        %add3A_333 = arith.constant 2 : i32
        %add3A_334 = arith.addi %mul3A_332, %add3A_333 : i32
        %dma_start3A_335 = arith.constant 0 : i32
        %dma_start3A_336 = arith.constant 0 : i32
        %dma_start3A_337 = arith.constant 0 : i32
        %dma_start3A_338 = arith.constant 0 : i32
        %dma_start3A_339 = tpu.memref_slice %arg7[%dma_start3A_336, %dma_start3A_337, %dma_start3A_338] : memref<2x128x128xf32, #tpu.memory_space<vmem>> -> memref<1x128x128xf32, #tpu.memory_space<vmem>>
        %dma_start3A_340 = tpu.memref_squeeze %dma_start3A_339 : memref<1x128x128xf32, #tpu.memory_space<vmem>> -> memref<128x128xf32, #tpu.memory_space<vmem>>
        %dma_start3A_341 = arith.constant 0 : i32
        %dma_start3A_342 = arith.constant 0 : i32
        %dma_start3A_343 = arith.constant 0 : i32
        %dma_start3A_344 = tpu.memref_slice %arg6[%scan3A_245, %dma_start3A_341, %dma_start3A_342, %dma_start3A_343] : memref<2x32x2x128xi32, #tpu.memory_space<vmem>> -> memref<1x32x2x128xi32, #tpu.memory_space<vmem>>
        %dma_start3A_345 = tpu.memref_squeeze %dma_start3A_344 : memref<1x32x2x128xi32, #tpu.memory_space<vmem>> -> memref<32x2x128xi32, #tpu.memory_space<vmem>>
        %dma_start3A_346 = arith.constant 0 : i32
        %dma_start3A_347 = tpu.memref_slice %dma_start3A_345[%add3A_334, %dma_start3A_335, %dma_start3A_346] : memref<32x2x128xi32, #tpu.memory_space<vmem>> -> memref<1x1x128xi32, #tpu.memory_space<vmem>>
        %dma_start3A_348 = tpu.memref_squeeze %dma_start3A_347 : memref<1x1x128xi32, #tpu.memory_space<vmem>> -> memref<128xi32, #tpu.memory_space<vmem>>
        %dma_start3A_349 = arith.constant 0 : i32
        %dma_start3A_350 = arith.constant 0 : i32
        %dma_start3A_351 = tpu.memref_slice %arg2[%dma_start3A_349, %dma_start3A_350] : memref<10000x128xf32, #tpu.memory_space<hbm>> -> memref<10000x128xf32, #tpu.memory_space<hbm>>
        tpu.enqueue_indirect_dma source(%dma_start3A_351 : memref<10000x128xf32, #tpu.memory_space<hbm>>) target(%dma_start3A_340 : memref<128x128xf32, #tpu.memory_space<vmem>>) offsets(%dma_start3A_348 : memref<128xi32, #tpu.memory_space<vmem>>) semaphore(%arg8 : memref<!tpu.dma_semaphore, #tpu.memory_space<semaphore_mem>>)
      } else {
      }
      %dma_wait3A_309 = arith.constant 1 : i32
      %dma_wait3A_310 = arith.constant 0 : i32
      %dma_wait3A_311 = arith.constant 0 : i32
      %dma_wait3A_312 = tpu.memref_slice %arg7[%dma_wait3A_309, %dma_wait3A_310, %dma_wait3A_311] : memref<2x128x128xf32, #tpu.memory_space<vmem>> -> memref<1x128x128xf32, #tpu.memory_space<vmem>>
      %dma_wait3A_313 = tpu.memref_squeeze %dma_wait3A_312 : memref<1x128x128xf32, #tpu.memory_space<vmem>> -> memref<128x128xf32, #tpu.memory_space<vmem>>
      %dma_wait3A_314 = arith.constant 0 : i32
      %dma_wait3A_315 = arith.constant 0 : i32
      %dma_wait3A_316 = tpu.memref_slice %arg2[%dma_wait3A_314, %dma_wait3A_315] : memref<10000x128xf32, #tpu.memory_space<hbm>> -> memref<128x128xf32, #tpu.memory_space<hbm>>
      %dma_wait3A_317 = arith.constant 0 : i32
      %dma_wait3A_318 = arith.constant 0 : i32
      %dma_wait3A_319 = tpu.memref_slice %arg7[%dma_wait3A_309, %dma_wait3A_317, %dma_wait3A_318] : memref<2x128x128xf32, #tpu.memory_space<vmem>> -> memref<1x128x128xf32, #tpu.memory_space<vmem>>
      %dma_wait3A_320 = tpu.memref_squeeze %dma_wait3A_319 : memref<1x128x128xf32, #tpu.memory_space<vmem>> -> memref<128x128xf32, #tpu.memory_space<vmem>>
      %dma_wait3A_321 = arith.constant 0 : i32
      %dma_wait3A_322 = arith.constant 0 : i32
      %dma_wait3A_323 = tpu.memref_slice %arg2[%dma_wait3A_321, %dma_wait3A_322] : memref<10000x128xf32, #tpu.memory_space<hbm>> -> memref<128x128xf32, #tpu.memory_space<hbm>>
      tpu.wait_dma2 semaphore(%arg9 : memref<!tpu.dma_semaphore, #tpu.memory_space<semaphore_mem>>) src(%dma_wait3A_323 : memref<128x128xf32, #tpu.memory_space<hbm>>) dst(%dma_wait3A_320 : memref<128x128xf32, #tpu.memory_space<vmem>>)
      %mul3A_324 = arith.constant 2 : i32
      %mul3A_325 = arith.muli %mul3A_324, %scan3A_260 : i32
      %add3A_326 = arith.constant 1 : i32
      %add3A_327 = arith.addi %mul3A_325, %add3A_326 : i32
      %run_scoped3A_328 = arith.constant 1 : i32
      %run_scoped3A_329 = arith.constant 1 : i32
      "tpu.region"() ({
        %run_scoped3A_331 = tpu.sem_alloc : memref<!tpu.dma_semaphore, #tpu.memory_space<semaphore_mem>>
        %dma_start3A_332 = arith.constant 0 : i32
        %dma_start3A_333 = arith.constant 0 : i32
        %dma_start3A_334 = tpu.memref_slice %arg7[%run_scoped3A_328, %dma_start3A_332, %dma_start3A_333] : memref<2x128x128xf32, #tpu.memory_space<vmem>> -> memref<1x128x128xf32, #tpu.memory_space<vmem>>
        %dma_start3A_335 = tpu.memref_squeeze %dma_start3A_334 : memref<1x128x128xf32, #tpu.memory_space<vmem>> -> memref<128x128xf32, #tpu.memory_space<vmem>>
        %dma_start3A_336 = arith.constant 0 : i32
        %dma_start3A_337 = arith.constant 0 : i32
        %dma_start3A_338 = arith.constant 0 : i32
        %dma_start3A_339 = tpu.memref_slice %arg6[%scan3A_245, %dma_start3A_336, %dma_start3A_337, %dma_start3A_338] : memref<2x32x2x128xi32, #tpu.memory_space<vmem>> -> memref<1x32x2x128xi32, #tpu.memory_space<vmem>>
        %dma_start3A_340 = tpu.memref_squeeze %dma_start3A_339 : memref<1x32x2x128xi32, #tpu.memory_space<vmem>> -> memref<32x2x128xi32, #tpu.memory_space<vmem>>
        %dma_start3A_341 = arith.constant 0 : i32
        %dma_start3A_342 = tpu.memref_slice %dma_start3A_340[%add3A_327, %run_scoped3A_329, %dma_start3A_341] : memref<32x2x128xi32, #tpu.memory_space<vmem>> -> memref<1x1x128xi32, #tpu.memory_space<vmem>>
        %dma_start3A_343 = tpu.memref_squeeze %dma_start3A_342 : memref<1x1x128xi32, #tpu.memory_space<vmem>> -> memref<128xi32, #tpu.memory_space<vmem>>
        %dma_start3A_344 = arith.constant 0 : i32
        %dma_start3A_345 = arith.constant 0 : i32
        %dma_start3A_346 = tpu.memref_slice %arg5[%dma_start3A_344, %dma_start3A_345] : memref<10112x128xf32, #tpu.memory_space<vmem_shared>> -> memref<10112x128xf32, #tpu.memory_space<vmem_shared>>
        tpu.enqueue_indirect_dma source(%dma_start3A_335 : memref<128x128xf32, #tpu.memory_space<vmem>>) target(%dma_start3A_346 : memref<10112x128xf32, #tpu.memory_space<vmem_shared>>) offsets(%dma_start3A_343 : memref<128xi32, #tpu.memory_space<vmem>>) semaphore(%run_scoped3A_331 : memref<!tpu.dma_semaphore, #tpu.memory_space<semaphore_mem>>) {add = true}
        %dma_wait3A_347 = arith.constant 0 : i32
        %dma_wait3A_348 = arith.constant 0 : i32
        %dma_wait3A_349 = tpu.memref_slice %arg7[%run_scoped3A_328, %dma_wait3A_347, %dma_wait3A_348] : memref<2x128x128xf32, #tpu.memory_space<vmem>> -> memref<1x128x128xf32, #tpu.memory_space<vmem>>
        %dma_wait3A_350 = tpu.memref_squeeze %dma_wait3A_349 : memref<1x128x128xf32, #tpu.memory_space<vmem>> -> memref<128x128xf32, #tpu.memory_space<vmem>>
        %dma_wait3A_351 = arith.constant 0 : i32
        %dma_wait3A_352 = arith.constant 0 : i32
        %dma_wait3A_353 = arith.constant 0 : i32
        %dma_wait3A_354 = tpu.memref_slice %arg6[%scan3A_245, %dma_wait3A_351, %dma_wait3A_352, %dma_wait3A_353] : memref<2x32x2x128xi32, #tpu.memory_space<vmem>> -> memref<1x32x2x128xi32, #tpu.memory_space<vmem>>
        %dma_wait3A_355 = tpu.memref_squeeze %dma_wait3A_354 : memref<1x32x2x128xi32, #tpu.memory_space<vmem>> -> memref<32x2x128xi32, #tpu.memory_space<vmem>>
        %dma_wait3A_356 = arith.constant 0 : i32
        %dma_wait3A_357 = tpu.memref_slice %dma_wait3A_355[%add3A_327, %run_scoped3A_329, %dma_wait3A_356] : memref<32x2x128xi32, #tpu.memory_space<vmem>> -> memref<1x1x128xi32, #tpu.memory_space<vmem>>
        %dma_wait3A_358 = tpu.memref_squeeze %dma_wait3A_357 : memref<1x1x128xi32, #tpu.memory_space<vmem>> -> memref<128xi32, #tpu.memory_space<vmem>>
        %dma_wait3A_359 = arith.constant 0 : i32
        %dma_wait3A_360 = arith.constant 0 : i32
        %dma_wait3A_361 = tpu.memref_slice %arg5[%dma_wait3A_359, %dma_wait3A_360] : memref<10112x128xf32, #tpu.memory_space<vmem_shared>> -> memref<10112x128xf32, #tpu.memory_space<vmem_shared>>
        tpu.wait_indirect_dma semaphore(%run_scoped3A_331 : memref<!tpu.dma_semaphore, #tpu.memory_space<semaphore_mem>>) src(%dma_wait3A_350 : memref<128x128xf32, #tpu.memory_space<vmem>>) dst(%dma_wait3A_361 : memref<10112x128xf32, #tpu.memory_space<vmem_shared>>)
        tpu.yield
      }) : () -> ()
      %scan3A_330 = arith.constant 0 : i32
      scf.yield %scan3A_330 : i32
    }
    %scan3A_252 = arith.constant 7 : i32
    %lt3A = arith.constant 4 : i32
    %lt3A_253 = arith.cmpi slt, %add3A, %lt3A : i32
    %convert_element_type3A = arith.extui %lt3A_253 : i1 to i32
    %cond3A = arith.constant 0 : i32
    %cond3A_254 = arith.cmpi ne, %convert_element_type3A, %cond3A : i32
    scf.if %cond3A_254 {
      %add3A_260 = arith.constant 78 : i32
      %add3A_261 = arith.addi %add3A_4, %add3A_260 : i32
      %run_scoped3A_262 = arith.constant 0 : i32
      "tpu.region"() ({
        %run_scoped3A_296 = tpu.sem_alloc : memref<!tpu.dma_semaphore, #tpu.memory_space<semaphore_mem>>
        %dma_start3A_297 = arith.constant 0 : i32
        %dma_start3A_298 = arith.constant 0 : i32
        %dma_start3A_299 = arith.constant 0 : i32
        %dma_start3A_300 = tpu.memref_slice %arg6[%run_scoped3A_262, %dma_start3A_297, %dma_start3A_298, %dma_start3A_299] : memref<2x32x2x128xi32, #tpu.memory_space<vmem>> -> memref<1x32x2x128xi32, #tpu.memory_space<vmem>>
        %dma_start3A_301 = tpu.memref_squeeze %dma_start3A_300 : memref<1x32x2x128xi32, #tpu.memory_space<vmem>> -> memref<32x2x128xi32, #tpu.memory_space<vmem>>
        %dma_start3A_302 = arith.constant 0 : i32
        %dma_start3A_303 = arith.constant 0 : i32
        %dma_start3A_304 = arith.constant 0 : i32
        %dma_start3A_305 = tpu.memref_slice %dma_start3A_301[%dma_start3A_302, %dma_start3A_303, %dma_start3A_304] : memref<32x2x128xi32, #tpu.memory_space<vmem>> -> memref<1x2x128xi32, #tpu.memory_space<vmem>>
        %dma_start3A_306 = arith.constant 0 : i32
        %dma_start3A_307 = arith.constant 0 : i32
        %dma_start3A_308 = tpu.memref_slice %arg3[%add3A_261, %dma_start3A_306, %dma_start3A_307] : memref<2500x2x128xi32, #tpu.memory_space<hbm>> -> memref<1x2x128xi32, #tpu.memory_space<hbm>>
        %dma_start3A_309 = arith.constant 0 : i32
        %dma_start3A_310 = arith.constant 0 : i32
        %dma_start3A_311 = arith.constant 0 : i32
        %dma_start3A_312 = tpu.memref_slice %arg6[%run_scoped3A_262, %dma_start3A_309, %dma_start3A_310, %dma_start3A_311] : memref<2x32x2x128xi32, #tpu.memory_space<vmem>> -> memref<1x32x2x128xi32, #tpu.memory_space<vmem>>
        %dma_start3A_313 = tpu.memref_squeeze %dma_start3A_312 : memref<1x32x2x128xi32, #tpu.memory_space<vmem>> -> memref<32x2x128xi32, #tpu.memory_space<vmem>>
        %dma_start3A_314 = arith.constant 0 : i32
        %dma_start3A_315 = arith.constant 0 : i32
        %dma_start3A_316 = arith.constant 0 : i32
        %dma_start3A_317 = tpu.memref_slice %dma_start3A_313[%dma_start3A_314, %dma_start3A_315, %dma_start3A_316] : memref<32x2x128xi32, #tpu.memory_space<vmem>> -> memref<1x2x128xi32, #tpu.memory_space<vmem>>
        %dma_start3A_318 = arith.constant 0 : i32
        %dma_start3A_319 = arith.constant 0 : i32
        %dma_start3A_320 = tpu.memref_slice %arg3[%add3A_261, %dma_start3A_318, %dma_start3A_319] : memref<2500x2x128xi32, #tpu.memory_space<hbm>> -> memref<1x2x128xi32, #tpu.memory_space<hbm>>
        tpu.enqueue_dma source(%dma_start3A_320 : memref<1x2x128xi32, #tpu.memory_space<hbm>>) target(%dma_start3A_317 : memref<1x2x128xi32, #tpu.memory_space<vmem>>) target_semaphore(%run_scoped3A_296 : memref<!tpu.dma_semaphore, #tpu.memory_space<semaphore_mem>>)
        %dma_wait3A_321 = arith.constant 0 : i32
        %dma_wait3A_322 = arith.constant 0 : i32
        %dma_wait3A_323 = arith.constant 0 : i32
        %dma_wait3A_324 = tpu.memref_slice %arg6[%run_scoped3A_262, %dma_wait3A_321, %dma_wait3A_322, %dma_wait3A_323] : memref<2x32x2x128xi32, #tpu.memory_space<vmem>> -> memref<1x32x2x128xi32, #tpu.memory_space<vmem>>
        %dma_wait3A_325 = tpu.memref_squeeze %dma_wait3A_324 : memref<1x32x2x128xi32, #tpu.memory_space<vmem>> -> memref<32x2x128xi32, #tpu.memory_space<vmem>>
        %dma_wait3A_326 = arith.constant 0 : i32
        %dma_wait3A_327 = arith.constant 0 : i32
        %dma_wait3A_328 = arith.constant 0 : i32
        %dma_wait3A_329 = tpu.memref_slice %dma_wait3A_325[%dma_wait3A_326, %dma_wait3A_327, %dma_wait3A_328] : memref<32x2x128xi32, #tpu.memory_space<vmem>> -> memref<1x2x128xi32, #tpu.memory_space<vmem>>
        %dma_wait3A_330 = arith.constant 0 : i32
        %dma_wait3A_331 = arith.constant 0 : i32
        %dma_wait3A_332 = tpu.memref_slice %arg3[%add3A_261, %dma_wait3A_330, %dma_wait3A_331] : memref<2500x2x128xi32, #tpu.memory_space<hbm>> -> memref<1x2x128xi32, #tpu.memory_space<hbm>>
        %dma_wait3A_333 = arith.constant 0 : i32
        %dma_wait3A_334 = arith.constant 0 : i32
        %dma_wait3A_335 = arith.constant 0 : i32
        %dma_wait3A_336 = tpu.memref_slice %arg6[%run_scoped3A_262, %dma_wait3A_333, %dma_wait3A_334, %dma_wait3A_335] : memref<2x32x2x128xi32, #tpu.memory_space<vmem>> -> memref<1x32x2x128xi32, #tpu.memory_space<vmem>>
        %dma_wait3A_337 = tpu.memref_squeeze %dma_wait3A_336 : memref<1x32x2x128xi32, #tpu.memory_space<vmem>> -> memref<32x2x128xi32, #tpu.memory_space<vmem>>
        %dma_wait3A_338 = arith.constant 0 : i32
        %dma_wait3A_339 = arith.constant 0 : i32
        %dma_wait3A_340 = arith.constant 0 : i32
        %dma_wait3A_341 = tpu.memref_slice %dma_wait3A_337[%dma_wait3A_338, %dma_wait3A_339, %dma_wait3A_340] : memref<32x2x128xi32, #tpu.memory_space<vmem>> -> memref<1x2x128xi32, #tpu.memory_space<vmem>>
        %dma_wait3A_342 = arith.constant 0 : i32
        %dma_wait3A_343 = arith.constant 0 : i32
        %dma_wait3A_344 = tpu.memref_slice %arg3[%add3A_261, %dma_wait3A_342, %dma_wait3A_343] : memref<2500x2x128xi32, #tpu.memory_space<hbm>> -> memref<1x2x128xi32, #tpu.memory_space<hbm>>
        tpu.wait_dma2 semaphore(%run_scoped3A_296 : memref<!tpu.dma_semaphore, #tpu.memory_space<semaphore_mem>>) src(%dma_wait3A_344 : memref<1x2x128xi32, #tpu.memory_space<hbm>>) dst(%dma_wait3A_341 : memref<1x2x128xi32, #tpu.memory_space<vmem>>)
        tpu.yield
      }) : () -> ()
      %dma_start3A_263 = arith.constant 0 : i32
      %dma_start3A_264 = arith.constant 0 : i32
      %dma_start3A_265 = arith.constant 0 : i32
      %dma_start3A_266 = arith.constant 0 : i32
      %dma_start3A_267 = arith.constant 0 : i32
      %dma_start3A_268 = arith.constant 0 : i32
      %dma_start3A_269 = tpu.memref_slice %arg7[%dma_start3A_266, %dma_start3A_267, %dma_start3A_268] : memref<2x128x128xf32, #tpu.memory_space<vmem>> -> memref<1x128x128xf32, #tpu.memory_space<vmem>>
      %dma_start3A_270 = tpu.memref_squeeze %dma_start3A_269 : memref<1x128x128xf32, #tpu.memory_space<vmem>> -> memref<128x128xf32, #tpu.memory_space<vmem>>
      %dma_start3A_271 = arith.constant 0 : i32
      %dma_start3A_272 = tpu.memref_slice %arg6[%dma_start3A_263, %dma_start3A_264, %dma_start3A_265, %dma_start3A_271] : memref<2x32x2x128xi32, #tpu.memory_space<vmem>> -> memref<1x1x1x128xi32, #tpu.memory_space<vmem>>
      %dma_start3A_273 = tpu.memref_squeeze %dma_start3A_272 : memref<1x1x1x128xi32, #tpu.memory_space<vmem>> -> memref<128xi32, #tpu.memory_space<vmem>>
      %dma_start3A_274 = arith.constant 0 : i32
      %dma_start3A_275 = arith.constant 0 : i32
      %dma_start3A_276 = tpu.memref_slice %arg2[%dma_start3A_274, %dma_start3A_275] : memref<10000x128xf32, #tpu.memory_space<hbm>> -> memref<10000x128xf32, #tpu.memory_space<hbm>>
      tpu.enqueue_indirect_dma source(%dma_start3A_276 : memref<10000x128xf32, #tpu.memory_space<hbm>>) target(%dma_start3A_270 : memref<128x128xf32, #tpu.memory_space<vmem>>) offsets(%dma_start3A_273 : memref<128xi32, #tpu.memory_space<vmem>>) semaphore(%arg8 : memref<!tpu.dma_semaphore, #tpu.memory_space<semaphore_mem>>)
      %dma_wait3A_277 = arith.constant 0 : i32
      %dma_wait3A_278 = arith.constant 0 : i32
      %dma_wait3A_279 = arith.constant 0 : i32
      %dma_wait3A_280 = tpu.memref_slice %arg7[%dma_wait3A_277, %dma_wait3A_278, %dma_wait3A_279] : memref<2x128x128xf32, #tpu.memory_space<vmem>> -> memref<1x128x128xf32, #tpu.memory_space<vmem>>
      %dma_wait3A_281 = tpu.memref_squeeze %dma_wait3A_280 : memref<1x128x128xf32, #tpu.memory_space<vmem>> -> memref<128x128xf32, #tpu.memory_space<vmem>>
      %dma_wait3A_282 = arith.constant 0 : i32
      %dma_wait3A_283 = arith.constant 0 : i32
      %dma_wait3A_284 = tpu.memref_slice %arg2[%dma_wait3A_282, %dma_wait3A_283] : memref<10000x128xf32, #tpu.memory_space<hbm>> -> memref<128x128xf32, #tpu.memory_space<hbm>>
      %dma_wait3A_285 = arith.constant 0 : i32
      %dma_wait3A_286 = arith.constant 0 : i32
      %dma_wait3A_287 = tpu.memref_slice %arg7[%dma_wait3A_277, %dma_wait3A_285, %dma_wait3A_286] : memref<2x128x128xf32, #tpu.memory_space<vmem>> -> memref<1x128x128xf32, #tpu.memory_space<vmem>>
      %dma_wait3A_288 = tpu.memref_squeeze %dma_wait3A_287 : memref<1x128x128xf32, #tpu.memory_space<vmem>> -> memref<128x128xf32, #tpu.memory_space<vmem>>
      %dma_wait3A_289 = arith.constant 0 : i32
      %dma_wait3A_290 = arith.constant 0 : i32
      %dma_wait3A_291 = tpu.memref_slice %arg2[%dma_wait3A_289, %dma_wait3A_290] : memref<10000x128xf32, #tpu.memory_space<hbm>> -> memref<128x128xf32, #tpu.memory_space<hbm>>
      tpu.wait_dma2 semaphore(%arg8 : memref<!tpu.dma_semaphore, #tpu.memory_space<semaphore_mem>>) src(%dma_wait3A_291 : memref<128x128xf32, #tpu.memory_space<hbm>>) dst(%dma_wait3A_288 : memref<128x128xf32, #tpu.memory_space<vmem>>)
      %run_scoped3A_292 = arith.constant 0 : i32
      %run_scoped3A_293 = arith.constant 0 : i32
      %run_scoped3A_294 = arith.constant 0 : i32
      %run_scoped3A_295 = arith.constant 1 : i32
      "tpu.region"() ({
        %run_scoped3A_296 = tpu.sem_alloc : memref<!tpu.dma_semaphore, #tpu.memory_space<semaphore_mem>>
        %dma_start3A_297 = arith.constant 0 : i32
        %dma_start3A_298 = arith.constant 0 : i32
        %dma_start3A_299 = tpu.memref_slice %arg7[%run_scoped3A_292, %dma_start3A_297, %dma_start3A_298] : memref<2x128x128xf32, #tpu.memory_space<vmem>> -> memref<1x128x128xf32, #tpu.memory_space<vmem>>
        %dma_start3A_300 = tpu.memref_squeeze %dma_start3A_299 : memref<1x128x128xf32, #tpu.memory_space<vmem>> -> memref<128x128xf32, #tpu.memory_space<vmem>>
        %dma_start3A_301 = arith.constant 0 : i32
        %dma_start3A_302 = tpu.memref_slice %arg6[%run_scoped3A_293, %run_scoped3A_294, %run_scoped3A_295, %dma_start3A_301] : memref<2x32x2x128xi32, #tpu.memory_space<vmem>> -> memref<1x1x1x128xi32, #tpu.memory_space<vmem>>
        %dma_start3A_303 = tpu.memref_squeeze %dma_start3A_302 : memref<1x1x1x128xi32, #tpu.memory_space<vmem>> -> memref<128xi32, #tpu.memory_space<vmem>>
        %dma_start3A_304 = arith.constant 0 : i32
        %dma_start3A_305 = arith.constant 0 : i32
        %dma_start3A_306 = tpu.memref_slice %arg5[%dma_start3A_304, %dma_start3A_305] : memref<10112x128xf32, #tpu.memory_space<vmem_shared>> -> memref<10112x128xf32, #tpu.memory_space<vmem_shared>>
        tpu.enqueue_indirect_dma source(%dma_start3A_300 : memref<128x128xf32, #tpu.memory_space<vmem>>) target(%dma_start3A_306 : memref<10112x128xf32, #tpu.memory_space<vmem_shared>>) offsets(%dma_start3A_303 : memref<128xi32, #tpu.memory_space<vmem>>) semaphore(%run_scoped3A_296 : memref<!tpu.dma_semaphore, #tpu.memory_space<semaphore_mem>>) {add = true}
        %dma_wait3A_307 = arith.constant 0 : i32
        %dma_wait3A_308 = arith.constant 0 : i32
        %dma_wait3A_309 = tpu.memref_slice %arg7[%run_scoped3A_292, %dma_wait3A_307, %dma_wait3A_308] : memref<2x128x128xf32, #tpu.memory_space<vmem>> -> memref<1x128x128xf32, #tpu.memory_space<vmem>>
        %dma_wait3A_310 = tpu.memref_squeeze %dma_wait3A_309 : memref<1x128x128xf32, #tpu.memory_space<vmem>> -> memref<128x128xf32, #tpu.memory_space<vmem>>
        %dma_wait3A_311 = arith.constant 0 : i32
        %dma_wait3A_312 = tpu.memref_slice %arg6[%run_scoped3A_293, %run_scoped3A_294, %run_scoped3A_295, %dma_wait3A_311] : memref<2x32x2x128xi32, #tpu.memory_space<vmem>> -> memref<1x1x1x128xi32, #tpu.memory_space<vmem>>
        %dma_wait3A_313 = tpu.memref_squeeze %dma_wait3A_312 : memref<1x1x1x128xi32, #tpu.memory_space<vmem>> -> memref<128xi32, #tpu.memory_space<vmem>>
        %dma_wait3A_314 = arith.constant 0 : i32
        %dma_wait3A_315 = arith.constant 0 : i32
        %dma_wait3A_316 = tpu.memref_slice %arg5[%dma_wait3A_314, %dma_wait3A_315] : memref<10112x128xf32, #tpu.memory_space<vmem_shared>> -> memref<10112x128xf32, #tpu.memory_space<vmem_shared>>
        tpu.wait_indirect_dma semaphore(%run_scoped3A_296 : memref<!tpu.dma_semaphore, #tpu.memory_space<semaphore_mem>>) src(%dma_wait3A_310 : memref<128x128xf32, #tpu.memory_space<vmem>>) dst(%dma_wait3A_316 : memref<10112x128xf32, #tpu.memory_space<vmem_shared>>)
        tpu.yield
      }) : () -> ()
    } else {
    }
    %barrier3A_255 = arith.constant 0 : index
    tpu.barrier barrier_id(%barrier3A_255)
    %mul3A_256 = arith.constant 632 : i32
    %mul3A_257 = arith.muli %arg1, %mul3A_256 : i32
    %mul3A_258 = arith.constant 632 : i32
    %mul3A_259 = arith.muli %arg1, %mul3A_258 : i32
    "tpu.region"() ({
      %run_scoped3A_260 = tpu.sem_alloc : memref<!tpu.dma_semaphore, #tpu.memory_space<semaphore_mem>>
      %dma_start3A_261 = arith.constant 0 : i32
      %dma_start3A_262 = tpu.memref_slice %arg4[%arg0, %mul3A_259, %dma_start3A_261] : memref<2x10112x128xf32, #tpu.memory_space<hbm>> -> memref<1x632x128xf32, #tpu.memory_space<hbm>>
      %dma_start3A_263 = tpu.memref_squeeze %dma_start3A_262 : memref<1x632x128xf32, #tpu.memory_space<hbm>> -> memref<632x128xf32, #tpu.memory_space<hbm>>
      %dma_start3A_264 = arith.constant 0 : i32
      %dma_start3A_265 = tpu.memref_slice %arg5[%mul3A_257, %dma_start3A_264] : memref<10112x128xf32, #tpu.memory_space<vmem_shared>> -> memref<632x128xf32, #tpu.memory_space<vmem_shared>>
      tpu.enqueue_dma source(%dma_start3A_265 : memref<632x128xf32, #tpu.memory_space<vmem_shared>>) target(%dma_start3A_263 : memref<632x128xf32, #tpu.memory_space<hbm>>) target_semaphore(%run_scoped3A_260 : memref<!tpu.dma_semaphore, #tpu.memory_space<semaphore_mem>>)
      %dma_wait3A_266 = arith.constant 0 : i32
      %dma_wait3A_267 = tpu.memref_slice %arg4[%arg0, %mul3A_259, %dma_wait3A_266] : memref<2x10112x128xf32, #tpu.memory_space<hbm>> -> memref<1x632x128xf32, #tpu.memory_space<hbm>>
      %dma_wait3A_268 = tpu.memref_squeeze %dma_wait3A_267 : memref<1x632x128xf32, #tpu.memory_space<hbm>> -> memref<632x128xf32, #tpu.memory_space<hbm>>
      %dma_wait3A_269 = arith.constant 0 : i32
      %dma_wait3A_270 = tpu.memref_slice %arg5[%mul3A_257, %dma_wait3A_269] : memref<10112x128xf32, #tpu.memory_space<vmem_shared>> -> memref<632x128xf32, #tpu.memory_space<vmem_shared>>
      tpu.wait_dma2 semaphore(%run_scoped3A_260 : memref<!tpu.dma_semaphore, #tpu.memory_space<semaphore_mem>>) src(%dma_wait3A_270 : memref<632x128xf32, #tpu.memory_space<vmem_shared>>) dst(%dma_wait3A_268 : memref<632x128xf32, #tpu.memory_space<hbm>>)
      tpu.yield
    }) : () -> ()
    return
  }
}

#map = affine_map<(d0, d1) -> (0, 0)>
#map1 = affine_map<(d0, d1) -> (0, 0, 0)>
module attributes {stable_mosaic.version = 14 : i64} {
  func.func @agg_kernel(%arg0: i32, %arg1: i32, %arg2: memref<10000x128xf32, #tpu.memory_space<hbm>>, %arg3: memref<2500x2x128xi32, #tpu.memory_space<hbm>>, %arg4: memref<2x10112x128xf32, #tpu.memory_space<hbm>>, %arg5: memref<10112x128xf32, #tpu.memory_space<vmem_shared>>, %arg6: memref<2x32x2x128xi32, #tpu.memory_space<vmem>>, %arg7: memref<2x128x128xf32, #tpu.memory_space<vmem>>, %arg8: memref<!tpu.dma_semaphore, #tpu.memory_space<semaphore_mem>>, %arg9: memref<!tpu.dma_semaphore, #tpu.memory_space<semaphore_mem>>, %arg10: memref<!tpu.dma_semaphore, #tpu.memory_space<semaphore_mem>>) attributes {dimension_semantics = [#tpu.dimension_semantics<core_parallel>, #tpu.dimension_semantics<subcore_parallel>], iteration_bounds = array<i64: 2, 16>, scalar_prefetch = 0 : i64, scratch_operands = 6 : i64, tpu.core_type = #tpu.core_type<sc_vector_subcore>, window_params = [{transform_indices = #map}, {transform_indices = #map1}, {transform_indices = #map1}]} {
    %mul3A = arith.constant 16 : i32
    %mul3A_0 = arith.muli %arg0, %mul3A : i32
    %add3A = arith.addi %mul3A_0, %arg1 : i32
    %mul3A_1 = arith.constant 78 : i32
    %mul3A_2 = arith.muli %mul3A_1, %add3A : i32
    %min3A = arith.constant 4 : i32
    %min3A_3 = arith.minsi %add3A, %min3A : i32
    %add3A_4 = arith.addi %mul3A_2, %min3A_3 : i32
    %scan3A = arith.constant 0 : i32
    %scan3A_5 = arith.constant 0 : i32
    %scan3A_6 = arith.constant 0 : i32
    %scan3A_7 = arith.constant 1024 : i32
    %scan3A_8 = arith.addi %scan3A_6, %scan3A_7 : i32
    %scan3A_9 = arith.constant 1 : i32
    %scan3A_10 = scf.for %scan3A_260 = %scan3A_6 to %scan3A_8 step %scan3A_9 iter_args(%scan3A_261 = %scan3A_5) -> (i32)  : i32 {
      %jit3A = arith.constant 8 : i32
      %div3A = arith.divsi %scan3A_260, %jit3A : i32
      %sign3A = arith.constant 0 : i32
      %sign3A_262 = arith.cmpi sgt, %scan3A_260, %sign3A : i32
      %sign3A_263 = arith.extui %sign3A_262 : i1 to i32
      %sign3A_264 = arith.constant 0 : i32
      %sign3A_265 = arith.cmpi slt, %scan3A_260, %sign3A_264 : i32
      %sign3A_266 = arith.extui %sign3A_265 : i1 to i32
      %sign3A_267 = arith.subi %sign3A_263, %sign3A_266 : i32
      %sign3A_268 = arith.constant 0 : i32
      %sign3A_269 = arith.cmpi sgt, %jit3A, %sign3A_268 : i32
      %sign3A_270 = arith.extui %sign3A_269 : i1 to i32
      %sign3A_271 = arith.constant 0 : i32
      %sign3A_272 = arith.cmpi slt, %jit3A, %sign3A_271 : i32
      %sign3A_273 = arith.extui %sign3A_272 : i1 to i32
      %sign3A_274 = arith.subi %sign3A_270, %sign3A_273 : i32
      %ne3A = arith.cmpi ne, %sign3A_267, %sign3A_274 : i32
      %rem3A = arith.remsi %scan3A_260, %jit3A : i32
      %ne3A_275 = arith.constant 0 : i32
      %ne3A_276 = arith.cmpi ne, %rem3A, %ne3A_275 : i32
      %and3A = arith.andi %ne3A, %ne3A_276 : i1
      %sub3A = arith.constant 1 : i32
      %sub3A_277 = arith.subi %div3A, %sub3A : i32
      %select_n3A = arith.select %and3A, %sub3A_277, %div3A : i32
      %jit3A_278 = arith.constant 8 : i32
      %eq3A = arith.constant 0 : i32
      %eq3A_279 = arith.cmpi eq, %jit3A_278, %eq3A : i32
      %jit3A_280 = arith.constant 1 : i32
      %select_n3A_281 = arith.select %eq3A_279, %jit3A_280, %jit3A_278 : i32
      %rem3A_282 = arith.remsi %scan3A_260, %select_n3A_281 : i32
      %ne3A_283 = arith.constant 0 : i32
      %ne3A_284 = arith.cmpi ne, %rem3A_282, %ne3A_283 : i32
      %lt3A_285 = arith.constant 0 : i32
      %lt3A_286 = arith.cmpi slt, %rem3A_282, %lt3A_285 : i32
      %lt3A_287 = arith.constant 0 : i32
      %lt3A_288 = arith.cmpi slt, %select_n3A_281, %lt3A_287 : i32
      %ne3A_289 = arith.xori %lt3A_286, %lt3A_288 : i1
      %and3A_290 = arith.andi %ne3A_289, %ne3A_284 : i1
      %add3A_291 = arith.addi %rem3A_282, %select_n3A_281 : i32
      %select_n3A_292 = arith.select %and3A_290, %add3A_291, %rem3A_282 : i32
      %broadcast_in_dim3A = arith.constant 0.000000e+00 : f32
      %broadcast_in_dim3A_293 = vector.broadcast %broadcast_in_dim3A : f32 to vector<16xf32>
      %mul3A_294 = arith.constant 16 : i32
      %mul3A_295 = arith.muli %select_n3A_292, %mul3A_294 : i32
      %swap3A = arith.constant 0 : i32
      %swap3A_296 = arith.constant 0 : i32
      %swap3A_297 = tpu.memref_slice %arg7[%scan3A, %swap3A, %swap3A_296] : memref<2x128x128xf32, #tpu.memory_space<vmem>> -> memref<1x128x128xf32, #tpu.memory_space<vmem>>
      %swap3A_298 = tpu.memref_squeeze %swap3A_297 : memref<1x128x128xf32, #tpu.memory_space<vmem>> -> memref<128x128xf32, #tpu.memory_space<vmem>>
      %swap3A_299 = arith.index_cast %select_n3A : i32 to index
      %swap3A_300 = arith.index_cast %mul3A_295 : i32 to index
      %swap3A_301 = tpu.vector_load %swap3A_298[%swap3A_299, %swap3A_300] {strides = array<i32>} : memref<128x128xf32, #tpu.memory_space<vmem>>, vector<1x16xf32>,
      %swap3A_302 = vector.shape_cast %swap3A_301 : vector<1x16xf32> to vector<16xf32>
      %swap3A_303 = vector.shape_cast %broadcast_in_dim3A_293 : vector<16xf32> to vector<1x16xf32>
      tpu.vector_store %swap3A_298[%swap3A_299, %swap3A_300], %swap3A_303 {strides = array<i32>} : memref<128x128xf32, #tpu.memory_space<vmem>>, vector<1x16xf32>,
      %scan3A_304 = arith.constant 0 : i32
      scf.yield %scan3A_304 : i32
    }
    %scan3A_11 = arith.constant 1024 : i32
    %mul3A_12 = arith.constant 632 : i32
    %mul3A_13 = arith.muli %arg1, %mul3A_12 : i32
    %add3A_14 = arith.constant 0 : i32
    %add3A_15 = arith.addi %mul3A_13, %add3A_14 : i32
    %dma_start3A = arith.constant 0 : i32
    %dma_start3A_16 = arith.constant 0 : i32
    %dma_start3A_17 = arith.constant 0 : i32
    %dma_start3A_18 = tpu.memref_slice %arg7[%dma_start3A, %dma_start3A_16, %dma_start3A_17] : memref<2x128x128xf32, #tpu.memory_space<vmem>> -> memref<1x128x128xf32, #tpu.memory_space<vmem>>
    %dma_start3A_19 = tpu.memref_squeeze %dma_start3A_18 : memref<1x128x128xf32, #tpu.memory_space<vmem>> -> memref<128x128xf32, #tpu.memory_space<vmem>>
    %dma_start3A_20 = arith.constant 0 : i32
    %dma_start3A_21 = tpu.memref_slice %arg5[%add3A_15, %dma_start3A_20] : memref<10112x128xf32, #tpu.memory_space<vmem_shared>> -> memref<128x128xf32, #tpu.memory_space<vmem_shared>>
    %dma_start3A_22 = arith.constant 0 : i32
    %dma_start3A_23 = tpu.memref_slice %arg5[%add3A_15, %dma_start3A_22] : memref<10112x128xf32, #tpu.memory_space<vmem_shared>> -> memref<128x128xf32, #tpu.memory_space<vmem_shared>>
    %dma_start3A_24 = arith.constant 0 : i32
    %dma_start3A_25 = arith.constant 0 : i32
    %dma_start3A_26 = tpu.memref_slice %arg7[%dma_start3A, %dma_start3A_24, %dma_start3A_25] : memref<2x128x128xf32, #tpu.memory_space<vmem>> -> memref<1x128x128xf32, #tpu.memory_space<vmem>>
    %dma_start3A_27 = tpu.memref_squeeze %dma_start3A_26 : memref<1x128x128xf32, #tpu.memory_space<vmem>> -> memref<128x128xf32, #tpu.memory_space<vmem>>
    tpu.enqueue_dma source(%dma_start3A_27 : memref<128x128xf32, #tpu.memory_space<vmem>>) target(%dma_start3A_23 : memref<128x128xf32, #tpu.memory_space<vmem_shared>>) target_semaphore(%arg10 : memref<!tpu.dma_semaphore, #tpu.memory_space<semaphore_mem>>)
    %mul3A_28 = arith.constant 632 : i32
    %mul3A_29 = arith.muli %arg1, %mul3A_28 : i32
    %add3A_30 = arith.constant 128 : i32
    %add3A_31 = arith.addi %mul3A_29, %add3A_30 : i32
    %dma_start3A_32 = arith.constant 0 : i32
    %dma_start3A_33 = arith.constant 0 : i32
    %dma_start3A_34 = arith.constant 0 : i32
    %dma_start3A_35 = tpu.memref_slice %arg7[%dma_start3A_32, %dma_start3A_33, %dma_start3A_34] : memref<2x128x128xf32, #tpu.memory_space<vmem>> -> memref<1x128x128xf32, #tpu.memory_space<vmem>>
    %dma_start3A_36 = tpu.memref_squeeze %dma_start3A_35 : memref<1x128x128xf32, #tpu.memory_space<vmem>> -> memref<128x128xf32, #tpu.memory_space<vmem>>
    %dma_start3A_37 = arith.constant 0 : i32
    %dma_start3A_38 = tpu.memref_slice %arg5[%add3A_31, %dma_start3A_37] : memref<10112x128xf32, #tpu.memory_space<vmem_shared>> -> memref<128x128xf32, #tpu.memory_space<vmem_shared>>
    %dma_start3A_39 = arith.constant 0 : i32
    %dma_start3A_40 = tpu.memref_slice %arg5[%add3A_31, %dma_start3A_39] : memref<10112x128xf32, #tpu.memory_space<vmem_shared>> -> memref<128x128xf32, #tpu.memory_space<vmem_shared>>
    %dma_start3A_41 = arith.constant 0 : i32
    %dma_start3A_42 = arith.constant 0 : i32
    %dma_start3A_43 = tpu.memref_slice %arg7[%dma_start3A_32, %dma_start3A_41, %dma_start3A_42] : memref<2x128x128xf32, #tpu.memory_space<vmem>> -> memref<1x128x128xf32, #tpu.memory_space<vmem>>
    %dma_start3A_44 = tpu.memref_squeeze %dma_start3A_43 : memref<1x128x128xf32, #tpu.memory_space<vmem>> -> memref<128x128xf32, #tpu.memory_space<vmem>>
    tpu.enqueue_dma source(%dma_start3A_44 : memref<128x128xf32, #tpu.memory_space<vmem>>) target(%dma_start3A_40 : memref<128x128xf32, #tpu.memory_space<vmem_shared>>) target_semaphore(%arg10 : memref<!tpu.dma_semaphore, #tpu.memory_space<semaphore_mem>>)
    %mul3A_45 = arith.constant 632 : i32
    %mul3A_46 = arith.muli %arg1, %mul3A_45 : i32
    %add3A_47 = arith.constant 256 : i32
    %add3A_48 = arith.addi %mul3A_46, %add3A_47 : i32
    %dma_start3A_49 = arith.constant 0 : i32
    %dma_start3A_50 = arith.constant 0 : i32
    %dma_start3A_51 = arith.constant 0 : i32
    %dma_start3A_52 = tpu.memref_slice %arg7[%dma_start3A_49, %dma_start3A_50, %dma_start3A_51] : memref<2x128x128xf32, #tpu.memory_space<vmem>> -> memref<1x128x128xf32, #tpu.memory_space<vmem>>
    %dma_start3A_53 = tpu.memref_squeeze %dma_start3A_52 : memref<1x128x128xf32, #tpu.memory_space<vmem>> -> memref<128x128xf32, #tpu.memory_space<vmem>>
    %dma_start3A_54 = arith.constant 0 : i32
    %dma_start3A_55 = tpu.memref_slice %arg5[%add3A_48, %dma_start3A_54] : memref<10112x128xf32, #tpu.memory_space<vmem_shared>> -> memref<128x128xf32, #tpu.memory_space<vmem_shared>>
    %dma_start3A_56 = arith.constant 0 : i32
    %dma_start3A_57 = tpu.memref_slice %arg5[%add3A_48, %dma_start3A_56] : memref<10112x128xf32, #tpu.memory_space<vmem_shared>> -> memref<128x128xf32, #tpu.memory_space<vmem_shared>>
    %dma_start3A_58 = arith.constant 0 : i32
    %dma_start3A_59 = arith.constant 0 : i32
    %dma_start3A_60 = tpu.memref_slice %arg7[%dma_start3A_49, %dma_start3A_58, %dma_start3A_59] : memref<2x128x128xf32, #tpu.memory_space<vmem>> -> memref<1x128x128xf32, #tpu.memory_space<vmem>>
    %dma_start3A_61 = tpu.memref_squeeze %dma_start3A_60 : memref<1x128x128xf32, #tpu.memory_space<vmem>> -> memref<128x128xf32, #tpu.memory_space<vmem>>
    tpu.enqueue_dma source(%dma_start3A_61 : memref<128x128xf32, #tpu.memory_space<vmem>>) target(%dma_start3A_57 : memref<128x128xf32, #tpu.memory_space<vmem_shared>>) target_semaphore(%arg10 : memref<!tpu.dma_semaphore, #tpu.memory_space<semaphore_mem>>)
    %mul3A_62 = arith.constant 632 : i32
    %mul3A_63 = arith.muli %arg1, %mul3A_62 : i32
    %add3A_64 = arith.constant 384 : i32
    %add3A_65 = arith.addi %mul3A_63, %add3A_64 : i32
    %dma_start3A_66 = arith.constant 0 : i32
    %dma_start3A_67 = arith.constant 0 : i32
    %dma_start3A_68 = arith.constant 0 : i32
    %dma_start3A_69 = tpu.memref_slice %arg7[%dma_start3A_66, %dma_start3A_67, %dma_start3A_68] : memref<2x128x128xf32, #tpu.memory_space<vmem>> -> memref<1x128x128xf32, #tpu.memory_space<vmem>>
    %dma_start3A_70 = tpu.memref_squeeze %dma_start3A_69 : memref<1x128x128xf32, #tpu.memory_space<vmem>> -> memref<128x128xf32, #tpu.memory_space<vmem>>
    %dma_start3A_71 = arith.constant 0 : i32
    %dma_start3A_72 = tpu.memref_slice %arg5[%add3A_65, %dma_start3A_71] : memref<10112x128xf32, #tpu.memory_space<vmem_shared>> -> memref<128x128xf32, #tpu.memory_space<vmem_shared>>
    %dma_start3A_73 = arith.constant 0 : i32
    %dma_start3A_74 = tpu.memref_slice %arg5[%add3A_65, %dma_start3A_73] : memref<10112x128xf32, #tpu.memory_space<vmem_shared>> -> memref<128x128xf32, #tpu.memory_space<vmem_shared>>
    %dma_start3A_75 = arith.constant 0 : i32
    %dma_start3A_76 = arith.constant 0 : i32
    %dma_start3A_77 = tpu.memref_slice %arg7[%dma_start3A_66, %dma_start3A_75, %dma_start3A_76] : memref<2x128x128xf32, #tpu.memory_space<vmem>> -> memref<1x128x128xf32, #tpu.memory_space<vmem>>
    %dma_start3A_78 = tpu.memref_squeeze %dma_start3A_77 : memref<1x128x128xf32, #tpu.memory_space<vmem>> -> memref<128x128xf32, #tpu.memory_space<vmem>>
    tpu.enqueue_dma source(%dma_start3A_78 : memref<128x128xf32, #tpu.memory_space<vmem>>) target(%dma_start3A_74 : memref<128x128xf32, #tpu.memory_space<vmem_shared>>) target_semaphore(%arg10 : memref<!tpu.dma_semaphore, #tpu.memory_space<semaphore_mem>>)
    %mul3A_79 = arith.constant 632 : i32
    %mul3A_80 = arith.muli %arg1, %mul3A_79 : i32
    %add3A_81 = arith.constant 512 : i32
    %add3A_82 = arith.addi %mul3A_80, %add3A_81 : i32
    %dma_start3A_83 = arith.constant 0 : i32
    %dma_start3A_84 = arith.constant 0 : i32
    %dma_start3A_85 = arith.constant 0 : i32
    %dma_start3A_86 = tpu.memref_slice %arg7[%dma_start3A_83, %dma_start3A_84, %dma_start3A_85] : memref<2x128x128xf32, #tpu.memory_space<vmem>> -> memref<1x128x128xf32, #tpu.memory_space<vmem>>
    %dma_start3A_87 = tpu.memref_squeeze %dma_start3A_86 : memref<1x128x128xf32, #tpu.memory_space<vmem>> -> memref<128x128xf32, #tpu.memory_space<vmem>>
    %dma_start3A_88 = arith.constant 0 : i32
    %dma_start3A_89 = arith.constant 0 : i32
    %dma_start3A_90 = tpu.memref_slice %dma_start3A_87[%dma_start3A_88, %dma_start3A_89] : memref<128x128xf32, #tpu.memory_space<vmem>> -> memref<120x128xf32, #tpu.memory_space<vmem>>
    %dma_start3A_91 = arith.constant 0 : i32
    %dma_start3A_92 = tpu.memref_slice %arg5[%add3A_82, %dma_start3A_91] : memref<10112x128xf32, #tpu.memory_space<vmem_shared>> -> memref<120x128xf32, #tpu.memory_space<vmem_shared>>
    %dma_start3A_93 = arith.constant 0 : i32
    %dma_start3A_94 = tpu.memref_slice %arg5[%add3A_82, %dma_start3A_93] : memref<10112x128xf32, #tpu.memory_space<vmem_shared>> -> memref<120x128xf32, #tpu.memory_space<vmem_shared>>
    %dma_start3A_95 = arith.constant 0 : i32
    %dma_start3A_96 = arith.constant 0 : i32
    %dma_start3A_97 = tpu.memref_slice %arg7[%dma_start3A_83, %dma_start3A_95, %dma_start3A_96] : memref<2x128x128xf32, #tpu.memory_space<vmem>> -> memref<1x128x128xf32, #tpu.memory_space<vmem>>
    %dma_start3A_98 = tpu.memref_squeeze %dma_start3A_97 : memref<1x128x128xf32, #tpu.memory_space<vmem>> -> memref<128x128xf32, #tpu.memory_space<vmem>>
    %dma_start3A_99 = arith.constant 0 : i32
    %dma_start3A_100 = arith.constant 0 : i32
    %dma_start3A_101 = tpu.memref_slice %dma_start3A_98[%dma_start3A_99, %dma_start3A_100] : memref<128x128xf32, #tpu.memory_space<vmem>> -> memref<120x128xf32, #tpu.memory_space<vmem>>
    tpu.enqueue_dma source(%dma_start3A_101 : memref<120x128xf32, #tpu.memory_space<vmem>>) target(%dma_start3A_94 : memref<120x128xf32, #tpu.memory_space<vmem_shared>>) target_semaphore(%arg10 : memref<!tpu.dma_semaphore, #tpu.memory_space<semaphore_mem>>)
    %mul3A_102 = arith.constant 632 : i32
    %mul3A_103 = arith.muli %arg1, %mul3A_102 : i32
    %add3A_104 = arith.constant 0 : i32
    %add3A_105 = arith.addi %mul3A_103, %add3A_104 : i32
    %dma_wait3A = arith.constant 0 : i32
    %dma_wait3A_106 = arith.constant 0 : i32
    %dma_wait3A_107 = arith.constant 0 : i32
    %dma_wait3A_108 = tpu.memref_slice %arg7[%dma_wait3A, %dma_wait3A_106, %dma_wait3A_107] : memref<2x128x128xf32, #tpu.memory_space<vmem>> -> memref<1x128x128xf32, #tpu.memory_space<vmem>>
    %dma_wait3A_109 = tpu.memref_squeeze %dma_wait3A_108 : memref<1x128x128xf32, #tpu.memory_space<vmem>> -> memref<128x128xf32, #tpu.memory_space<vmem>>
    %dma_wait3A_110 = arith.constant 0 : i32
    %dma_wait3A_111 = tpu.memref_slice %arg5[%add3A_105, %dma_wait3A_110] : memref<10112x128xf32, #tpu.memory_space<vmem_shared>> -> memref<128x128xf32, #tpu.memory_space<vmem_shared>>
    %dma_wait3A_112 = arith.constant 0 : i32
    %dma_wait3A_113 = tpu.memref_slice %arg5[%add3A_105, %dma_wait3A_112] : memref<10112x128xf32, #tpu.memory_space<vmem_shared>> -> memref<128x128xf32, #tpu.memory_space<vmem_shared>>
    %dma_wait3A_114 = arith.constant 0 : i32
    %dma_wait3A_115 = arith.constant 0 : i32
    %dma_wait3A_116 = tpu.memref_slice %arg7[%dma_wait3A, %dma_wait3A_114, %dma_wait3A_115] : memref<2x128x128xf32, #tpu.memory_space<vmem>> -> memref<1x128x128xf32, #tpu.memory_space<vmem>>
    %dma_wait3A_117 = tpu.memref_squeeze %dma_wait3A_116 : memref<1x128x128xf32, #tpu.memory_space<vmem>> -> memref<128x128xf32, #tpu.memory_space<vmem>>
    tpu.wait_dma2 semaphore(%arg10 : memref<!tpu.dma_semaphore, #tpu.memory_space<semaphore_mem>>) src(%dma_wait3A_117 : memref<128x128xf32, #tpu.memory_space<vmem>>) dst(%dma_wait3A_113 : memref<128x128xf32, #tpu.memory_space<vmem_shared>>)
    %mul3A_118 = arith.constant 632 : i32
    %mul3A_119 = arith.muli %arg1, %mul3A_118 : i32
    %add3A_120 = arith.constant 128 : i32
    %add3A_121 = arith.addi %mul3A_119, %add3A_120 : i32
    %dma_wait3A_122 = arith.constant 0 : i32
    %dma_wait3A_123 = arith.constant 0 : i32
    %dma_wait3A_124 = arith.constant 0 : i32
    %dma_wait3A_125 = tpu.memref_slice %arg7[%dma_wait3A_122, %dma_wait3A_123, %dma_wait3A_124] : memref<2x128x128xf32, #tpu.memory_space<vmem>> -> memref<1x128x128xf32, #tpu.memory_space<vmem>>
    %dma_wait3A_126 = tpu.memref_squeeze %dma_wait3A_125 : memref<1x128x128xf32, #tpu.memory_space<vmem>> -> memref<128x128xf32, #tpu.memory_space<vmem>>
    %dma_wait3A_127 = arith.constant 0 : i32
    %dma_wait3A_128 = tpu.memref_slice %arg5[%add3A_121, %dma_wait3A_127] : memref<10112x128xf32, #tpu.memory_space<vmem_shared>> -> memref<128x128xf32, #tpu.memory_space<vmem_shared>>
    %dma_wait3A_129 = arith.constant 0 : i32
    %dma_wait3A_130 = tpu.memref_slice %arg5[%add3A_121, %dma_wait3A_129] : memref<10112x128xf32, #tpu.memory_space<vmem_shared>> -> memref<128x128xf32, #tpu.memory_space<vmem_shared>>
    %dma_wait3A_131 = arith.constant 0 : i32
    %dma_wait3A_132 = arith.constant 0 : i32
    %dma_wait3A_133 = tpu.memref_slice %arg7[%dma_wait3A_122, %dma_wait3A_131, %dma_wait3A_132] : memref<2x128x128xf32, #tpu.memory_space<vmem>> -> memref<1x128x128xf32, #tpu.memory_space<vmem>>
    %dma_wait3A_134 = tpu.memref_squeeze %dma_wait3A_133 : memref<1x128x128xf32, #tpu.memory_space<vmem>> -> memref<128x128xf32, #tpu.memory_space<vmem>>
    tpu.wait_dma2 semaphore(%arg10 : memref<!tpu.dma_semaphore, #tpu.memory_space<semaphore_mem>>) src(%dma_wait3A_134 : memref<128x128xf32, #tpu.memory_space<vmem>>) dst(%dma_wait3A_130 : memref<128x128xf32, #tpu.memory_space<vmem_shared>>)
    %mul3A_135 = arith.constant 632 : i32
    %mul3A_136 = arith.muli %arg1, %mul3A_135 : i32
    %add3A_137 = arith.constant 256 : i32
    %add3A_138 = arith.addi %mul3A_136, %add3A_137 : i32
    %dma_wait3A_139 = arith.constant 0 : i32
    %dma_wait3A_140 = arith.constant 0 : i32
    %dma_wait3A_141 = arith.constant 0 : i32
    %dma_wait3A_142 = tpu.memref_slice %arg7[%dma_wait3A_139, %dma_wait3A_140, %dma_wait3A_141] : memref<2x128x128xf32, #tpu.memory_space<vmem>> -> memref<1x128x128xf32, #tpu.memory_space<vmem>>
    %dma_wait3A_143 = tpu.memref_squeeze %dma_wait3A_142 : memref<1x128x128xf32, #tpu.memory_space<vmem>> -> memref<128x128xf32, #tpu.memory_space<vmem>>
    %dma_wait3A_144 = arith.constant 0 : i32
    %dma_wait3A_145 = tpu.memref_slice %arg5[%add3A_138, %dma_wait3A_144] : memref<10112x128xf32, #tpu.memory_space<vmem_shared>> -> memref<128x128xf32, #tpu.memory_space<vmem_shared>>
    %dma_wait3A_146 = arith.constant 0 : i32
    %dma_wait3A_147 = tpu.memref_slice %arg5[%add3A_138, %dma_wait3A_146] : memref<10112x128xf32, #tpu.memory_space<vmem_shared>> -> memref<128x128xf32, #tpu.memory_space<vmem_shared>>
    %dma_wait3A_148 = arith.constant 0 : i32
    %dma_wait3A_149 = arith.constant 0 : i32
    %dma_wait3A_150 = tpu.memref_slice %arg7[%dma_wait3A_139, %dma_wait3A_148, %dma_wait3A_149] : memref<2x128x128xf32, #tpu.memory_space<vmem>> -> memref<1x128x128xf32, #tpu.memory_space<vmem>>
    %dma_wait3A_151 = tpu.memref_squeeze %dma_wait3A_150 : memref<1x128x128xf32, #tpu.memory_space<vmem>> -> memref<128x128xf32, #tpu.memory_space<vmem>>
    tpu.wait_dma2 semaphore(%arg10 : memref<!tpu.dma_semaphore, #tpu.memory_space<semaphore_mem>>) src(%dma_wait3A_151 : memref<128x128xf32, #tpu.memory_space<vmem>>) dst(%dma_wait3A_147 : memref<128x128xf32, #tpu.memory_space<vmem_shared>>)
    %mul3A_152 = arith.constant 632 : i32
    %mul3A_153 = arith.muli %arg1, %mul3A_152 : i32
    %add3A_154 = arith.constant 384 : i32
    %add3A_155 = arith.addi %mul3A_153, %add3A_154 : i32
    %dma_wait3A_156 = arith.constant 0 : i32
    %dma_wait3A_157 = arith.constant 0 : i32
    %dma_wait3A_158 = arith.constant 0 : i32
    %dma_wait3A_159 = tpu.memref_slice %arg7[%dma_wait3A_156, %dma_wait3A_157, %dma_wait3A_158] : memref<2x128x128xf32, #tpu.memory_space<vmem>> -> memref<1x128x128xf32, #tpu.memory_space<vmem>>
    %dma_wait3A_160 = tpu.memref_squeeze %dma_wait3A_159 : memref<1x128x128xf32, #tpu.memory_space<vmem>> -> memref<128x128xf32, #tpu.memory_space<vmem>>
    %dma_wait3A_161 = arith.constant 0 : i32
    %dma_wait3A_162 = tpu.memref_slice %arg5[%add3A_155, %dma_wait3A_161] : memref<10112x128xf32, #tpu.memory_space<vmem_shared>> -> memref<128x128xf32, #tpu.memory_space<vmem_shared>>
    %dma_wait3A_163 = arith.constant 0 : i32
    %dma_wait3A_164 = tpu.memref_slice %arg5[%add3A_155, %dma_wait3A_163] : memref<10112x128xf32, #tpu.memory_space<vmem_shared>> -> memref<128x128xf32, #tpu.memory_space<vmem_shared>>
    %dma_wait3A_165 = arith.constant 0 : i32
    %dma_wait3A_166 = arith.constant 0 : i32
    %dma_wait3A_167 = tpu.memref_slice %arg7[%dma_wait3A_156, %dma_wait3A_165, %dma_wait3A_166] : memref<2x128x128xf32, #tpu.memory_space<vmem>> -> memref<1x128x128xf32, #tpu.memory_space<vmem>>
    %dma_wait3A_168 = tpu.memref_squeeze %dma_wait3A_167 : memref<1x128x128xf32, #tpu.memory_space<vmem>> -> memref<128x128xf32, #tpu.memory_space<vmem>>
    tpu.wait_dma2 semaphore(%arg10 : memref<!tpu.dma_semaphore, #tpu.memory_space<semaphore_mem>>) src(%dma_wait3A_168 : memref<128x128xf32, #tpu.memory_space<vmem>>) dst(%dma_wait3A_164 : memref<128x128xf32, #tpu.memory_space<vmem_shared>>)
    %mul3A_169 = arith.constant 632 : i32
    %mul3A_170 = arith.muli %arg1, %mul3A_169 : i32
    %add3A_171 = arith.constant 512 : i32
    %add3A_172 = arith.addi %mul3A_170, %add3A_171 : i32
    %dma_wait3A_173 = arith.constant 0 : i32
    %dma_wait3A_174 = arith.constant 0 : i32
    %dma_wait3A_175 = arith.constant 0 : i32
    %dma_wait3A_176 = tpu.memref_slice %arg7[%dma_wait3A_173, %dma_wait3A_174, %dma_wait3A_175] : memref<2x128x128xf32, #tpu.memory_space<vmem>> -> memref<1x128x128xf32, #tpu.memory_space<vmem>>
    %dma_wait3A_177 = tpu.memref_squeeze %dma_wait3A_176 : memref<1x128x128xf32, #tpu.memory_space<vmem>> -> memref<128x128xf32, #tpu.memory_space<vmem>>
    %dma_wait3A_178 = arith.constant 0 : i32
    %dma_wait3A_179 = arith.constant 0 : i32
    %dma_wait3A_180 = tpu.memref_slice %dma_wait3A_177[%dma_wait3A_178, %dma_wait3A_179] : memref<128x128xf32, #tpu.memory_space<vmem>> -> memref<120x128xf32, #tpu.memory_space<vmem>>
    %dma_wait3A_181 = arith.constant 0 : i32
    %dma_wait3A_182 = tpu.memref_slice %arg5[%add3A_172, %dma_wait3A_181] : memref<10112x128xf32, #tpu.memory_space<vmem_shared>> -> memref<120x128xf32, #tpu.memory_space<vmem_shared>>
    %dma_wait3A_183 = arith.constant 0 : i32
    %dma_wait3A_184 = tpu.memref_slice %arg5[%add3A_172, %dma_wait3A_183] : memref<10112x128xf32, #tpu.memory_space<vmem_shared>> -> memref<120x128xf32, #tpu.memory_space<vmem_shared>>
    %dma_wait3A_185 = arith.constant 0 : i32
    %dma_wait3A_186 = arith.constant 0 : i32
    %dma_wait3A_187 = tpu.memref_slice %arg7[%dma_wait3A_173, %dma_wait3A_185, %dma_wait3A_186] : memref<2x128x128xf32, #tpu.memory_space<vmem>> -> memref<1x128x128xf32, #tpu.memory_space<vmem>>
    %dma_wait3A_188 = tpu.memref_squeeze %dma_wait3A_187 : memref<1x128x128xf32, #tpu.memory_space<vmem>> -> memref<128x128xf32, #tpu.memory_space<vmem>>
    %dma_wait3A_189 = arith.constant 0 : i32
    %dma_wait3A_190 = arith.constant 0 : i32
    %dma_wait3A_191 = tpu.memref_slice %dma_wait3A_188[%dma_wait3A_189, %dma_wait3A_190] : memref<128x128xf32, #tpu.memory_space<vmem>> -> memref<120x128xf32, #tpu.memory_space<vmem>>
    tpu.wait_dma2 semaphore(%arg10 : memref<!tpu.dma_semaphore, #tpu.memory_space<semaphore_mem>>) src(%dma_wait3A_191 : memref<120x128xf32, #tpu.memory_space<vmem>>) dst(%dma_wait3A_184 : memref<120x128xf32, #tpu.memory_space<vmem_shared>>)
    %barrier3A = arith.constant 0 : index
    tpu.barrier barrier_id(%barrier3A)
    %run_scoped3A = arith.constant 0 : i32
    "tpu.region"() ({
      %run_scoped3A_260 = tpu.sem_alloc : memref<!tpu.dma_semaphore, #tpu.memory_space<semaphore_mem>>
      %dma_start3A_261 = arith.constant 0 : i32
      %dma_start3A_262 = arith.constant 0 : i32
      %dma_start3A_263 = arith.constant 0 : i32
      %dma_start3A_264 = tpu.memref_slice %arg6[%run_scoped3A, %dma_start3A_261, %dma_start3A_262, %dma_start3A_263] : memref<2x32x2x128xi32, #tpu.memory_space<vmem>> -> memref<1x32x2x128xi32, #tpu.memory_space<vmem>>
      %dma_start3A_265 = tpu.memref_squeeze %dma_start3A_264 : memref<1x32x2x128xi32, #tpu.memory_space<vmem>> -> memref<32x2x128xi32, #tpu.memory_space<vmem>>
      %dma_start3A_266 = arith.constant 0 : i32
      %dma_start3A_267 = arith.constant 0 : i32
      %dma_start3A_268 = tpu.memref_slice %arg3[%add3A_4, %dma_start3A_266, %dma_start3A_267] : memref<2500x2x128xi32, #tpu.memory_space<hbm>> -> memref<32x2x128xi32, #tpu.memory_space<hbm>>
      %dma_start3A_269 = arith.constant 0 : i32
      %dma_start3A_270 = arith.constant 0 : i32
      %dma_start3A_271 = arith.constant 0 : i32
      %dma_start3A_272 = tpu.memref_slice %arg6[%run_scoped3A, %dma_start3A_269, %dma_start3A_270, %dma_start3A_271] : memref<2x32x2x128xi32, #tpu.memory_space<vmem>> -> memref<1x32x2x128xi32, #tpu.memory_space<vmem>>
      %dma_start3A_273 = tpu.memref_squeeze %dma_start3A_272 : memref<1x32x2x128xi32, #tpu.memory_space<vmem>> -> memref<32x2x128xi32, #tpu.memory_space<vmem>>
      %dma_start3A_274 = arith.constant 0 : i32
      %dma_start3A_275 = arith.constant 0 : i32
      %dma_start3A_276 = tpu.memref_slice %arg3[%add3A_4, %dma_start3A_274, %dma_start3A_275] : memref<2500x2x128xi32, #tpu.memory_space<hbm>> -> memref<32x2x128xi32, #tpu.memory_space<hbm>>
      tpu.enqueue_dma source(%dma_start3A_276 : memref<32x2x128xi32, #tpu.memory_space<hbm>>) target(%dma_start3A_273 : memref<32x2x128xi32, #tpu.memory_space<vmem>>) target_semaphore(%run_scoped3A_260 : memref<!tpu.dma_semaphore, #tpu.memory_space<semaphore_mem>>)
      %dma_wait3A_277 = arith.constant 0 : i32
      %dma_wait3A_278 = arith.constant 0 : i32
      %dma_wait3A_279 = arith.constant 0 : i32
      %dma_wait3A_280 = tpu.memref_slice %arg6[%run_scoped3A, %dma_wait3A_277, %dma_wait3A_278, %dma_wait3A_279] : memref<2x32x2x128xi32, #tpu.memory_space<vmem>> -> memref<1x32x2x128xi32, #tpu.memory_space<vmem>>
      %dma_wait3A_281 = tpu.memref_squeeze %dma_wait3A_280 : memref<1x32x2x128xi32, #tpu.memory_space<vmem>> -> memref<32x2x128xi32, #tpu.memory_space<vmem>>
      %dma_wait3A_282 = arith.constant 0 : i32
      %dma_wait3A_283 = arith.constant 0 : i32
      %dma_wait3A_284 = tpu.memref_slice %arg3[%add3A_4, %dma_wait3A_282, %dma_wait3A_283] : memref<2500x2x128xi32, #tpu.memory_space<hbm>> -> memref<32x2x128xi32, #tpu.memory_space<hbm>>
      %dma_wait3A_285 = arith.constant 0 : i32
      %dma_wait3A_286 = arith.constant 0 : i32
      %dma_wait3A_287 = arith.constant 0 : i32
      %dma_wait3A_288 = tpu.memref_slice %arg6[%run_scoped3A, %dma_wait3A_285, %dma_wait3A_286, %dma_wait3A_287] : memref<2x32x2x128xi32, #tpu.memory_space<vmem>> -> memref<1x32x2x128xi32, #tpu.memory_space<vmem>>
      %dma_wait3A_289 = tpu.memref_squeeze %dma_wait3A_288 : memref<1x32x2x128xi32, #tpu.memory_space<vmem>> -> memref<32x2x128xi32, #tpu.memory_space<vmem>>
      %dma_wait3A_290 = arith.constant 0 : i32
      %dma_wait3A_291 = arith.constant 0 : i32
      %dma_wait3A_292 = tpu.memref_slice %arg3[%add3A_4, %dma_wait3A_290, %dma_wait3A_291] : memref<2500x2x128xi32, #tpu.memory_space<hbm>> -> memref<32x2x128xi32, #tpu.memory_space<hbm>>
      tpu.wait_dma2 semaphore(%run_scoped3A_260 : memref<!tpu.dma_semaphore, #tpu.memory_space<semaphore_mem>>) src(%dma_wait3A_292 : memref<32x2x128xi32, #tpu.memory_space<hbm>>) dst(%dma_wait3A_289 : memref<32x2x128xi32, #tpu.memory_space<vmem>>)
      tpu.yield
    }) : () -> ()
    %scan3A_192 = arith.constant 0 : i32
    %scan3A_193 = arith.constant 0 : i32
    %scan3A_194 = arith.constant 2 : i32
    %scan3A_195 = arith.addi %scan3A_193, %scan3A_194 : i32
    %scan3A_196 = arith.constant 1 : i32
    %scan3A_197 = scf.for %scan3A_260 = %scan3A_193 to %scan3A_195 step %scan3A_196 iter_args(%scan3A_261 = %scan3A_192) -> (i32)  : i32 {
      %jit3A = arith.constant 2 : i32
      %eq3A = arith.constant 0 : i32
      %eq3A_262 = arith.cmpi eq, %jit3A, %eq3A : i32
      %jit3A_263 = arith.constant 1 : i32
      %select_n3A = arith.select %eq3A_262, %jit3A_263, %jit3A : i32
      %rem3A = arith.remsi %scan3A_260, %select_n3A : i32
      %ne3A = arith.constant 0 : i32
      %ne3A_264 = arith.cmpi ne, %rem3A, %ne3A : i32
      %lt3A_265 = arith.constant 0 : i32
      %lt3A_266 = arith.cmpi slt, %rem3A, %lt3A_265 : i32
      %lt3A_267 = arith.constant 0 : i32
      %lt3A_268 = arith.cmpi slt, %select_n3A, %lt3A_267 : i32
      %ne3A_269 = arith.xori %lt3A_266, %lt3A_268 : i1
      %and3A = arith.andi %ne3A_269, %ne3A_264 : i1
      %add3A_270 = arith.addi %rem3A, %select_n3A : i32
      %select_n3A_271 = arith.select %and3A, %add3A_270, %rem3A : i32
      %gt3A = arith.constant 0 : i32
      %gt3A_272 = arith.cmpi sgt, %scan3A_260, %gt3A : i32
      %convert_element_type3A_273 = arith.extui %gt3A_272 : i1 to i32
      %cond3A_274 = arith.constant 0 : i32
      %cond3A_275 = arith.cmpi ne, %convert_element_type3A_273, %cond3A_274 : i32
      scf.if %cond3A_275 {
        %dma_wait3A_316 = arith.constant 0 : i32
        %dma_wait3A_317 = arith.constant 0 : i32
        %dma_wait3A_318 = arith.constant 0 : i32
        %dma_wait3A_319 = tpu.memref_slice %arg6[%select_n3A_271, %dma_wait3A_316, %dma_wait3A_317, %dma_wait3A_318] : memref<2x32x2x128xi32, #tpu.memory_space<vmem>> -> memref<1x32x2x128xi32, #tpu.memory_space<vmem>>
        %dma_wait3A_320 = tpu.memref_squeeze %dma_wait3A_319 : memref<1x32x2x128xi32, #tpu.memory_space<vmem>> -> memref<32x2x128xi32, #tpu.memory_space<vmem>>
        %dma_wait3A_321 = arith.constant 0 : i32
        %dma_wait3A_322 = arith.constant 0 : i32
        %dma_wait3A_323 = arith.constant 0 : i32
        %dma_wait3A_324 = tpu.memref_slice %arg3[%dma_wait3A_321, %dma_wait3A_322, %dma_wait3A_323] : memref<2500x2x128xi32, #tpu.memory_space<hbm>> -> memref<32x2x128xi32, #tpu.memory_space<hbm>>
        %dma_wait3A_325 = arith.constant 0 : i32
        %dma_wait3A_326 = arith.constant 0 : i32
        %dma_wait3A_327 = arith.constant 0 : i32
        %dma_wait3A_328 = tpu.memref_slice %arg6[%select_n3A_271, %dma_wait3A_325, %dma_wait3A_326, %dma_wait3A_327] : memref<2x32x2x128xi32, #tpu.memory_space<vmem>> -> memref<1x32x2x128xi32, #tpu.memory_space<vmem>>
        %dma_wait3A_329 = tpu.memref_squeeze %dma_wait3A_328 : memref<1x32x2x128xi32, #tpu.memory_space<vmem>> -> memref<32x2x128xi32, #tpu.memory_space<vmem>>
        %dma_wait3A_330 = arith.constant 0 : i32
        %dma_wait3A_331 = arith.constant 0 : i32
        %dma_wait3A_332 = arith.constant 0 : i32
        %dma_wait3A_333 = tpu.memref_slice %arg3[%dma_wait3A_330, %dma_wait3A_331, %dma_wait3A_332] : memref<2500x2x128xi32, #tpu.memory_space<hbm>> -> memref<32x2x128xi32, #tpu.memory_space<hbm>>
        tpu.wait_dma2 semaphore(%arg10 : memref<!tpu.dma_semaphore, #tpu.memory_space<semaphore_mem>>) src(%dma_wait3A_333 : memref<32x2x128xi32, #tpu.memory_space<hbm>>) dst(%dma_wait3A_329 : memref<32x2x128xi32, #tpu.memory_space<vmem>>)
      } else {
      }
      %add3A_276 = arith.constant 1 : i32
      %add3A_277 = arith.addi %scan3A_260, %add3A_276 : i32
      %lt3A_278 = arith.constant 2 : i32
      %lt3A_279 = arith.cmpi slt, %add3A_277, %lt3A_278 : i32
      %convert_element_type3A_280 = arith.extui %lt3A_279 : i1 to i32
      %cond3A_281 = arith.constant 0 : i32
      %cond3A_282 = arith.cmpi ne, %convert_element_type3A_280, %cond3A_281 : i32
      scf.if %cond3A_282 {
        %add3A_316 = arith.constant 1 : i32
        %add3A_317 = arith.addi %scan3A_260, %add3A_316 : i32
        %mul3A_318 = arith.constant 32 : i32
        %mul3A_319 = arith.muli %add3A_317, %mul3A_318 : i32
        %add3A_320 = arith.addi %add3A_4, %mul3A_319 : i32
        %sub3A = arith.constant 1 : i32
        %sub3A_321 = arith.subi %sub3A, %select_n3A_271 : i32
        %dma_start3A_322 = arith.constant 0 : i32
        %dma_start3A_323 = arith.constant 0 : i32
        %dma_start3A_324 = arith.constant 0 : i32
        %dma_start3A_325 = tpu.memref_slice %arg6[%sub3A_321, %dma_start3A_322, %dma_start3A_323, %dma_start3A_324] : memref<2x32x2x128xi32, #tpu.memory_space<vmem>> -> memref<1x32x2x128xi32, #tpu.memory_space<vmem>>
        %dma_start3A_326 = tpu.memref_squeeze %dma_start3A_325 : memref<1x32x2x128xi32, #tpu.memory_space<vmem>> -> memref<32x2x128xi32, #tpu.memory_space<vmem>>
        %dma_start3A_327 = arith.constant 0 : i32
        %dma_start3A_328 = arith.constant 0 : i32
        %dma_start3A_329 = tpu.memref_slice %arg3[%add3A_320, %dma_start3A_327, %dma_start3A_328] : memref<2500x2x128xi32, #tpu.memory_space<hbm>> -> memref<32x2x128xi32, #tpu.memory_space<hbm>>
        %dma_start3A_330 = arith.constant 0 : i32
        %dma_start3A_331 = arith.constant 0 : i32
        %dma_start3A_332 = arith.constant 0 : i32
        %dma_start3A_333 = tpu.memref_slice %arg6[%sub3A_321, %dma_start3A_330, %dma_start3A_331, %dma_start3A_332] : memref<2x32x2x128xi32, #tpu.memory_space<vmem>> -> memref<1x32x2x128xi32, #tpu.memory_space<vmem>>
        %dma_start3A_334 = tpu.memref_squeeze %dma_start3A_333 : memref<1x32x2x128xi32, #tpu.memory_space<vmem>> -> memref<32x2x128xi32, #tpu.memory_space<vmem>>
        %dma_start3A_335 = arith.constant 0 : i32
        %dma_start3A_336 = arith.constant 0 : i32
        %dma_start3A_337 = tpu.memref_slice %arg3[%add3A_320, %dma_start3A_335, %dma_start3A_336] : memref<2500x2x128xi32, #tpu.memory_space<hbm>> -> memref<32x2x128xi32, #tpu.memory_space<hbm>>
        tpu.enqueue_dma source(%dma_start3A_337 : memref<32x2x128xi32, #tpu.memory_space<hbm>>) target(%dma_start3A_334 : memref<32x2x128xi32, #tpu.memory_space<vmem>>) target_semaphore(%arg10 : memref<!tpu.dma_semaphore, #tpu.memory_space<semaphore_mem>>)
      } else {
      }
      %add3A_283 = arith.constant 1 : i32
      %add3A_284 = arith.addi %scan3A_260, %add3A_283 : i32
      %eq3A_285 = arith.constant 2 : i32
      %eq3A_286 = arith.cmpi eq, %add3A_284, %eq3A_285 : i32
      %convert_element_type3A_287 = arith.extui %eq3A_286 : i1 to i32
      %cond3A_288 = arith.constant 0 : i32
      %cond3A_289 = arith.cmpi ne, %convert_element_type3A_287, %cond3A_288 : i32
      scf.if %cond3A_289 {
        %add3A_316 = arith.constant 64 : i32
        %add3A_317 = arith.addi %add3A_4, %add3A_316 : i32
        %sub3A = arith.constant 1 : i32
        %sub3A_318 = arith.subi %sub3A, %select_n3A_271 : i32
        %dma_start3A_319 = arith.constant 0 : i32
        %dma_start3A_320 = arith.constant 0 : i32
        %dma_start3A_321 = arith.constant 0 : i32
        %dma_start3A_322 = tpu.memref_slice %arg6[%sub3A_318, %dma_start3A_319, %dma_start3A_320, %dma_start3A_321] : memref<2x32x2x128xi32, #tpu.memory_space<vmem>> -> memref<1x32x2x128xi32, #tpu.memory_space<vmem>>
        %dma_start3A_323 = tpu.memref_squeeze %dma_start3A_322 : memref<1x32x2x128xi32, #tpu.memory_space<vmem>> -> memref<32x2x128xi32, #tpu.memory_space<vmem>>
        %dma_start3A_324 = arith.constant 0 : i32
        %dma_start3A_325 = arith.constant 0 : i32
        %dma_start3A_326 = arith.constant 0 : i32
        %dma_start3A_327 = tpu.memref_slice %dma_start3A_323[%dma_start3A_324, %dma_start3A_325, %dma_start3A_326] : memref<32x2x128xi32, #tpu.memory_space<vmem>> -> memref<14x2x128xi32, #tpu.memory_space<vmem>>
        %dma_start3A_328 = arith.constant 0 : i32
        %dma_start3A_329 = arith.constant 0 : i32
        %dma_start3A_330 = tpu.memref_slice %arg3[%add3A_317, %dma_start3A_328, %dma_start3A_329] : memref<2500x2x128xi32, #tpu.memory_space<hbm>> -> memref<14x2x128xi32, #tpu.memory_space<hbm>>
        %dma_start3A_331 = arith.constant 0 : i32
        %dma_start3A_332 = arith.constant 0 : i32
        %dma_start3A_333 = arith.constant 0 : i32
        %dma_start3A_334 = tpu.memref_slice %arg6[%sub3A_318, %dma_start3A_331, %dma_start3A_332, %dma_start3A_333] : memref<2x32x2x128xi32, #tpu.memory_space<vmem>> -> memref<1x32x2x128xi32, #tpu.memory_space<vmem>>
        %dma_start3A_335 = tpu.memref_squeeze %dma_start3A_334 : memref<1x32x2x128xi32, #tpu.memory_space<vmem>> -> memref<32x2x128xi32, #tpu.memory_space<vmem>>
        %dma_start3A_336 = arith.constant 0 : i32
        %dma_start3A_337 = arith.constant 0 : i32
        %dma_start3A_338 = arith.constant 0 : i32
        %dma_start3A_339 = tpu.memref_slice %dma_start3A_335[%dma_start3A_336, %dma_start3A_337, %dma_start3A_338] : memref<32x2x128xi32, #tpu.memory_space<vmem>> -> memref<14x2x128xi32, #tpu.memory_space<vmem>>
        %dma_start3A_340 = arith.constant 0 : i32
        %dma_start3A_341 = arith.constant 0 : i32
        %dma_start3A_342 = tpu.memref_slice %arg3[%add3A_317, %dma_start3A_340, %dma_start3A_341] : memref<2500x2x128xi32, #tpu.memory_space<hbm>> -> memref<14x2x128xi32, #tpu.memory_space<hbm>>
        tpu.enqueue_dma source(%dma_start3A_342 : memref<14x2x128xi32, #tpu.memory_space<hbm>>) target(%dma_start3A_339 : memref<14x2x128xi32, #tpu.memory_space<vmem>>) target_semaphore(%arg10 : memref<!tpu.dma_semaphore, #tpu.memory_space<semaphore_mem>>)
      } else {
      }
      %dma_start3A_290 = arith.constant 0 : i32
      %dma_start3A_291 = arith.constant 0 : i32
      %dma_start3A_292 = arith.constant 0 : i32
      %dma_start3A_293 = arith.constant 0 : i32
      %dma_start3A_294 = arith.constant 0 : i32
      %dma_start3A_295 = tpu.memref_slice %arg7[%dma_start3A_292, %dma_start3A_293, %dma_start3A_294] : memref<2x128x128xf32, #tpu.memory_space<vmem>> -> memref<1x128x128xf32, #tpu.memory_space<vmem>>
      %dma_start3A_296 = tpu.memref_squeeze %dma_start3A_295 : memref<1x128x128xf32, #tpu.memory_space<vmem>> -> memref<128x128xf32, #tpu.memory_space<vmem>>
      %dma_start3A_297 = arith.constant 0 : i32
      %dma_start3A_298 = arith.constant 0 : i32
      %dma_start3A_299 = arith.constant 0 : i32
      %dma_start3A_300 = tpu.memref_slice %arg6[%select_n3A_271, %dma_start3A_297, %dma_start3A_298, %dma_start3A_299] : memref<2x32x2x128xi32, #tpu.memory_space<vmem>> -> memref<1x32x2x128xi32, #tpu.memory_space<vmem>>
      %dma_start3A_301 = tpu.memref_squeeze %dma_start3A_300 : memref<1x32x2x128xi32, #tpu.memory_space<vmem>> -> memref<32x2x128xi32, #tpu.memory_space<vmem>>
      %dma_start3A_302 = arith.constant 0 : i32
      %dma_start3A_303 = tpu.memref_slice %dma_start3A_301[%dma_start3A_290, %dma_start3A_291, %dma_start3A_302] : memref<32x2x128xi32, #tpu.memory_space<vmem>> -> memref<1x1x128xi32, #tpu.memory_space<vmem>>
      %dma_start3A_304 = tpu.memref_squeeze %dma_start3A_303 : memref<1x1x128xi32, #tpu.memory_space<vmem>> -> memref<128xi32, #tpu.memory_space<vmem>>
      %dma_start3A_305 = arith.constant 0 : i32
      %dma_start3A_306 = arith.constant 0 : i32
      %dma_start3A_307 = tpu.memref_slice %arg2[%dma_start3A_305, %dma_start3A_306] : memref<10000x128xf32, #tpu.memory_space<hbm>> -> memref<10000x128xf32, #tpu.memory_space<hbm>>
      tpu.enqueue_indirect_dma source(%dma_start3A_307 : memref<10000x128xf32, #tpu.memory_space<hbm>>) target(%dma_start3A_296 : memref<128x128xf32, #tpu.memory_space<vmem>>) offsets(%dma_start3A_304 : memref<128xi32, #tpu.memory_space<vmem>>) semaphore(%arg8 : memref<!tpu.dma_semaphore, #tpu.memory_space<semaphore_mem>>)
      %scan3A_308 = arith.constant 0 : i32
      %scan3A_309 = arith.constant 0 : i32
      %scan3A_310 = arith.constant 16 : i32
      %scan3A_311 = arith.addi %scan3A_309, %scan3A_310 : i32
      %scan3A_312 = arith.constant 1 : i32
      %scan3A_313 = scf.for %scan3A_316 = %scan3A_309 to %scan3A_311 step %scan3A_312 iter_args(%scan3A_317 = %scan3A_308) -> (i32)  : i32 {
        %mul3A_318 = arith.constant 2 : i32
        %mul3A_319 = arith.muli %mul3A_318, %scan3A_316 : i32
        %add3A_320 = arith.constant 1 : i32
        %add3A_321 = arith.addi %mul3A_319, %add3A_320 : i32
        %dma_start3A_322 = arith.constant 0 : i32
        %dma_start3A_323 = arith.constant 1 : i32
        %dma_start3A_324 = arith.constant 0 : i32
        %dma_start3A_325 = arith.constant 0 : i32
        %dma_start3A_326 = tpu.memref_slice %arg7[%dma_start3A_323, %dma_start3A_324, %dma_start3A_325] : memref<2x128x128xf32, #tpu.memory_space<vmem>> -> memref<1x128x128xf32, #tpu.memory_space<vmem>>
        %dma_start3A_327 = tpu.memref_squeeze %dma_start3A_326 : memref<1x128x128xf32, #tpu.memory_space<vmem>> -> memref<128x128xf32, #tpu.memory_space<vmem>>
        %dma_start3A_328 = arith.constant 0 : i32
        %dma_start3A_329 = arith.constant 0 : i32
        %dma_start3A_330 = arith.constant 0 : i32
        %dma_start3A_331 = tpu.memref_slice %arg6[%select_n3A_271, %dma_start3A_328, %dma_start3A_329, %dma_start3A_330] : memref<2x32x2x128xi32, #tpu.memory_space<vmem>> -> memref<1x32x2x128xi32, #tpu.memory_space<vmem>>
        %dma_start3A_332 = tpu.memref_squeeze %dma_start3A_331 : memref<1x32x2x128xi32, #tpu.memory_space<vmem>> -> memref<32x2x128xi32, #tpu.memory_space<vmem>>
        %dma_start3A_333 = arith.constant 0 : i32
        %dma_start3A_334 = tpu.memref_slice %dma_start3A_332[%add3A_321, %dma_start3A_322, %dma_start3A_333] : memref<32x2x128xi32, #tpu.memory_space<vmem>> -> memref<1x1x128xi32, #tpu.memory_space<vmem>>
        %dma_start3A_335 = tpu.memref_squeeze %dma_start3A_334 : memref<1x1x128xi32, #tpu.memory_space<vmem>> -> memref<128xi32, #tpu.memory_space<vmem>>
        %dma_start3A_336 = arith.constant 0 : i32
        %dma_start3A_337 = arith.constant 0 : i32
        %dma_start3A_338 = tpu.memref_slice %arg2[%dma_start3A_336, %dma_start3A_337] : memref<10000x128xf32, #tpu.memory_space<hbm>> -> memref<10000x128xf32, #tpu.memory_space<hbm>>
        tpu.enqueue_indirect_dma source(%dma_start3A_338 : memref<10000x128xf32, #tpu.memory_space<hbm>>) target(%dma_start3A_327 : memref<128x128xf32, #tpu.memory_space<vmem>>) offsets(%dma_start3A_335 : memref<128xi32, #tpu.memory_space<vmem>>) semaphore(%arg9 : memref<!tpu.dma_semaphore, #tpu.memory_space<semaphore_mem>>)
        %dma_wait3A_339 = arith.constant 0 : i32
        %dma_wait3A_340 = arith.constant 0 : i32
        %dma_wait3A_341 = arith.constant 0 : i32
        %dma_wait3A_342 = tpu.memref_slice %arg7[%dma_wait3A_339, %dma_wait3A_340, %dma_wait3A_341] : memref<2x128x128xf32, #tpu.memory_space<vmem>> -> memref<1x128x128xf32, #tpu.memory_space<vmem>>
        %dma_wait3A_343 = tpu.memref_squeeze %dma_wait3A_342 : memref<1x128x128xf32, #tpu.memory_space<vmem>> -> memref<128x128xf32, #tpu.memory_space<vmem>>
        %dma_wait3A_344 = arith.constant 0 : i32
        %dma_wait3A_345 = arith.constant 0 : i32
        %dma_wait3A_346 = tpu.memref_slice %arg2[%dma_wait3A_344, %dma_wait3A_345] : memref<10000x128xf32, #tpu.memory_space<hbm>> -> memref<128x128xf32, #tpu.memory_space<hbm>>
        %dma_wait3A_347 = arith.constant 0 : i32
        %dma_wait3A_348 = arith.constant 0 : i32
        %dma_wait3A_349 = tpu.memref_slice %arg7[%dma_wait3A_339, %dma_wait3A_347, %dma_wait3A_348] : memref<2x128x128xf32, #tpu.memory_space<vmem>> -> memref<1x128x128xf32, #tpu.memory_space<vmem>>
        %dma_wait3A_350 = tpu.memref_squeeze %dma_wait3A_349 : memref<1x128x128xf32, #tpu.memory_space<vmem>> -> memref<128x128xf32, #tpu.memory_space<vmem>>
        %dma_wait3A_351 = arith.constant 0 : i32
        %dma_wait3A_352 = arith.constant 0 : i32
        %dma_wait3A_353 = tpu.memref_slice %arg2[%dma_wait3A_351, %dma_wait3A_352] : memref<10000x128xf32, #tpu.memory_space<hbm>> -> memref<128x128xf32, #tpu.memory_space<hbm>>
        tpu.wait_dma2 semaphore(%arg8 : memref<!tpu.dma_semaphore, #tpu.memory_space<semaphore_mem>>) src(%dma_wait3A_353 : memref<128x128xf32, #tpu.memory_space<hbm>>) dst(%dma_wait3A_350 : memref<128x128xf32, #tpu.memory_space<vmem>>)
        %mul3A_354 = arith.constant 2 : i32
        %mul3A_355 = arith.muli %mul3A_354, %scan3A_316 : i32
        %run_scoped3A_356 = arith.constant 0 : i32
        %run_scoped3A_357 = arith.constant 1 : i32
        "tpu.region"() ({
          %run_scoped3A_387 = tpu.sem_alloc : memref<!tpu.dma_semaphore, #tpu.memory_space<semaphore_mem>>
          %dma_start3A_388 = arith.constant 0 : i32
          %dma_start3A_389 = arith.constant 0 : i32
          %dma_start3A_390 = tpu.memref_slice %arg7[%run_scoped3A_356, %dma_start3A_388, %dma_start3A_389] : memref<2x128x128xf32, #tpu.memory_space<vmem>> -> memref<1x128x128xf32, #tpu.memory_space<vmem>>
          %dma_start3A_391 = tpu.memref_squeeze %dma_start3A_390 : memref<1x128x128xf32, #tpu.memory_space<vmem>> -> memref<128x128xf32, #tpu.memory_space<vmem>>
          %dma_start3A_392 = arith.constant 0 : i32
          %dma_start3A_393 = arith.constant 0 : i32
          %dma_start3A_394 = arith.constant 0 : i32
          %dma_start3A_395 = tpu.memref_slice %arg6[%select_n3A_271, %dma_start3A_392, %dma_start3A_393, %dma_start3A_394] : memref<2x32x2x128xi32, #tpu.memory_space<vmem>> -> memref<1x32x2x128xi32, #tpu.memory_space<vmem>>
          %dma_start3A_396 = tpu.memref_squeeze %dma_start3A_395 : memref<1x32x2x128xi32, #tpu.memory_space<vmem>> -> memref<32x2x128xi32, #tpu.memory_space<vmem>>
          %dma_start3A_397 = arith.constant 0 : i32
          %dma_start3A_398 = tpu.memref_slice %dma_start3A_396[%mul3A_355, %run_scoped3A_357, %dma_start3A_397] : memref<32x2x128xi32, #tpu.memory_space<vmem>> -> memref<1x1x128xi32, #tpu.memory_space<vmem>>
          %dma_start3A_399 = tpu.memref_squeeze %dma_start3A_398 : memref<1x1x128xi32, #tpu.memory_space<vmem>> -> memref<128xi32, #tpu.memory_space<vmem>>
          %dma_start3A_400 = arith.constant 0 : i32
          %dma_start3A_401 = arith.constant 0 : i32
          %dma_start3A_402 = tpu.memref_slice %arg5[%dma_start3A_400, %dma_start3A_401] : memref<10112x128xf32, #tpu.memory_space<vmem_shared>> -> memref<10112x128xf32, #tpu.memory_space<vmem_shared>>
          tpu.enqueue_indirect_dma source(%dma_start3A_391 : memref<128x128xf32, #tpu.memory_space<vmem>>) target(%dma_start3A_402 : memref<10112x128xf32, #tpu.memory_space<vmem_shared>>) offsets(%dma_start3A_399 : memref<128xi32, #tpu.memory_space<vmem>>) semaphore(%run_scoped3A_387 : memref<!tpu.dma_semaphore, #tpu.memory_space<semaphore_mem>>) {add = true}
          %dma_wait3A_403 = arith.constant 0 : i32
          %dma_wait3A_404 = arith.constant 0 : i32
          %dma_wait3A_405 = tpu.memref_slice %arg7[%run_scoped3A_356, %dma_wait3A_403, %dma_wait3A_404] : memref<2x128x128xf32, #tpu.memory_space<vmem>> -> memref<1x128x128xf32, #tpu.memory_space<vmem>>
          %dma_wait3A_406 = tpu.memref_squeeze %dma_wait3A_405 : memref<1x128x128xf32, #tpu.memory_space<vmem>> -> memref<128x128xf32, #tpu.memory_space<vmem>>
          %dma_wait3A_407 = arith.constant 0 : i32
          %dma_wait3A_408 = arith.constant 0 : i32
          %dma_wait3A_409 = arith.constant 0 : i32
          %dma_wait3A_410 = tpu.memref_slice %arg6[%select_n3A_271, %dma_wait3A_407, %dma_wait3A_408, %dma_wait3A_409] : memref<2x32x2x128xi32, #tpu.memory_space<vmem>> -> memref<1x32x2x128xi32, #tpu.memory_space<vmem>>
          %dma_wait3A_411 = tpu.memref_squeeze %dma_wait3A_410 : memref<1x32x2x128xi32, #tpu.memory_space<vmem>> -> memref<32x2x128xi32, #tpu.memory_space<vmem>>
          %dma_wait3A_412 = arith.constant 0 : i32
          %dma_wait3A_413 = tpu.memref_slice %dma_wait3A_411[%mul3A_355, %run_scoped3A_357, %dma_wait3A_412] : memref<32x2x128xi32, #tpu.memory_space<vmem>> -> memref<1x1x128xi32, #tpu.memory_space<vmem>>
          %dma_wait3A_414 = tpu.memref_squeeze %dma_wait3A_413 : memref<1x1x128xi32, #tpu.memory_space<vmem>> -> memref<128xi32, #tpu.memory_space<vmem>>
          %dma_wait3A_415 = arith.constant 0 : i32
          %dma_wait3A_416 = arith.constant 0 : i32
          %dma_wait3A_417 = tpu.memref_slice %arg5[%dma_wait3A_415, %dma_wait3A_416] : memref<10112x128xf32, #tpu.memory_space<vmem_shared>> -> memref<10112x128xf32, #tpu.memory_space<vmem_shared>>
          tpu.wait_indirect_dma semaphore(%run_scoped3A_387 : memref<!tpu.dma_semaphore, #tpu.memory_space<semaphore_mem>>) src(%dma_wait3A_406 : memref<128x128xf32, #tpu.memory_space<vmem>>) dst(%dma_wait3A_417 : memref<10112x128xf32, #tpu.memory_space<vmem_shared>>)
          tpu.yield
        }) : () -> ()
        %add3A_358 = arith.constant 1 : i32
        %add3A_359 = arith.addi %scan3A_316, %add3A_358 : i32
        %lt3A_360 = arith.constant 16 : i32
        %lt3A_361 = arith.cmpi slt, %add3A_359, %lt3A_360 : i32
        %convert_element_type3A_362 = arith.extui %lt3A_361 : i1 to i32
        %cond3A_363 = arith.constant 0 : i32
        %cond3A_364 = arith.cmpi ne, %convert_element_type3A_362, %cond3A_363 : i32
        scf.if %cond3A_364 {
          %mul3A_387 = arith.constant 2 : i32
          %mul3A_388 = arith.muli %mul3A_387, %scan3A_316 : i32
          %add3A_389 = arith.constant 2 : i32
          %add3A_390 = arith.addi %mul3A_388, %add3A_389 : i32
          %dma_start3A_391 = arith.constant 0 : i32
          %dma_start3A_392 = arith.constant 0 : i32
          %dma_start3A_393 = arith.constant 0 : i32
          %dma_start3A_394 = arith.constant 0 : i32
          %dma_start3A_395 = tpu.memref_slice %arg7[%dma_start3A_392, %dma_start3A_393, %dma_start3A_394] : memref<2x128x128xf32, #tpu.memory_space<vmem>> -> memref<1x128x128xf32, #tpu.memory_space<vmem>>
          %dma_start3A_396 = tpu.memref_squeeze %dma_start3A_395 : memref<1x128x128xf32, #tpu.memory_space<vmem>> -> memref<128x128xf32, #tpu.memory_space<vmem>>
          %dma_start3A_397 = arith.constant 0 : i32
          %dma_start3A_398 = arith.constant 0 : i32
          %dma_start3A_399 = arith.constant 0 : i32
          %dma_start3A_400 = tpu.memref_slice %arg6[%select_n3A_271, %dma_start3A_397, %dma_start3A_398, %dma_start3A_399] : memref<2x32x2x128xi32, #tpu.memory_space<vmem>> -> memref<1x32x2x128xi32, #tpu.memory_space<vmem>>
          %dma_start3A_401 = tpu.memref_squeeze %dma_start3A_400 : memref<1x32x2x128xi32, #tpu.memory_space<vmem>> -> memref<32x2x128xi32, #tpu.memory_space<vmem>>
          %dma_start3A_402 = arith.constant 0 : i32
          %dma_start3A_403 = tpu.memref_slice %dma_start3A_401[%add3A_390, %dma_start3A_391, %dma_start3A_402] : memref<32x2x128xi32, #tpu.memory_space<vmem>> -> memref<1x1x128xi32, #tpu.memory_space<vmem>>
          %dma_start3A_404 = tpu.memref_squeeze %dma_start3A_403 : memref<1x1x128xi32, #tpu.memory_space<vmem>> -> memref<128xi32, #tpu.memory_space<vmem>>
          %dma_start3A_405 = arith.constant 0 : i32
          %dma_start3A_406 = arith.constant 0 : i32
          %dma_start3A_407 = tpu.memref_slice %arg2[%dma_start3A_405, %dma_start3A_406] : memref<10000x128xf32, #tpu.memory_space<hbm>> -> memref<10000x128xf32, #tpu.memory_space<hbm>>
          tpu.enqueue_indirect_dma source(%dma_start3A_407 : memref<10000x128xf32, #tpu.memory_space<hbm>>) target(%dma_start3A_396 : memref<128x128xf32, #tpu.memory_space<vmem>>) offsets(%dma_start3A_404 : memref<128xi32, #tpu.memory_space<vmem>>) semaphore(%arg8 : memref<!tpu.dma_semaphore, #tpu.memory_space<semaphore_mem>>)
        } else {
        }
        %dma_wait3A_365 = arith.constant 1 : i32
        %dma_wait3A_366 = arith.constant 0 : i32
        %dma_wait3A_367 = arith.constant 0 : i32
        %dma_wait3A_368 = tpu.memref_slice %arg7[%dma_wait3A_365, %dma_wait3A_366, %dma_wait3A_367] : memref<2x128x128xf32, #tpu.memory_space<vmem>> -> memref<1x128x128xf32, #tpu.memory_space<vmem>>
        %dma_wait3A_369 = tpu.memref_squeeze %dma_wait3A_368 : memref<1x128x128xf32, #tpu.memory_space<vmem>> -> memref<128x128xf32, #tpu.memory_space<vmem>>
        %dma_wait3A_370 = arith.constant 0 : i32
        %dma_wait3A_371 = arith.constant 0 : i32
        %dma_wait3A_372 = tpu.memref_slice %arg2[%dma_wait3A_370, %dma_wait3A_371] : memref<10000x128xf32, #tpu.memory_space<hbm>> -> memref<128x128xf32, #tpu.memory_space<hbm>>
        %dma_wait3A_373 = arith.constant 0 : i32
        %dma_wait3A_374 = arith.constant 0 : i32
        %dma_wait3A_375 = tpu.memref_slice %arg7[%dma_wait3A_365, %dma_wait3A_373, %dma_wait3A_374] : memref<2x128x128xf32, #tpu.memory_space<vmem>> -> memref<1x128x128xf32, #tpu.memory_space<vmem>>
        %dma_wait3A_376 = tpu.memref_squeeze %dma_wait3A_375 : memref<1x128x128xf32, #tpu.memory_space<vmem>> -> memref<128x128xf32, #tpu.memory_space<vmem>>
        %dma_wait3A_377 = arith.constant 0 : i32
        %dma_wait3A_378 = arith.constant 0 : i32
        %dma_wait3A_379 = tpu.memref_slice %arg2[%dma_wait3A_377, %dma_wait3A_378] : memref<10000x128xf32, #tpu.memory_space<hbm>> -> memref<128x128xf32, #tpu.memory_space<hbm>>
        tpu.wait_dma2 semaphore(%arg9 : memref<!tpu.dma_semaphore, #tpu.memory_space<semaphore_mem>>) src(%dma_wait3A_379 : memref<128x128xf32, #tpu.memory_space<hbm>>) dst(%dma_wait3A_376 : memref<128x128xf32, #tpu.memory_space<vmem>>)
        %mul3A_380 = arith.constant 2 : i32
        %mul3A_381 = arith.muli %mul3A_380, %scan3A_316 : i32
        %add3A_382 = arith.constant 1 : i32
        %add3A_383 = arith.addi %mul3A_381, %add3A_382 : i32
        %run_scoped3A_384 = arith.constant 1 : i32
        %run_scoped3A_385 = arith.constant 1 : i32
        "tpu.region"() ({
          %run_scoped3A_387 = tpu.sem_alloc : memref<!tpu.dma_semaphore, #tpu.memory_space<semaphore_mem>>
          %dma_start3A_388 = arith.constant 0 : i32
          %dma_start3A_389 = arith.constant 0 : i32
          %dma_start3A_390 = tpu.memref_slice %arg7[%run_scoped3A_384, %dma_start3A_388, %dma_start3A_389] : memref<2x128x128xf32, #tpu.memory_space<vmem>> -> memref<1x128x128xf32, #tpu.memory_space<vmem>>
          %dma_start3A_391 = tpu.memref_squeeze %dma_start3A_390 : memref<1x128x128xf32, #tpu.memory_space<vmem>> -> memref<128x128xf32, #tpu.memory_space<vmem>>
          %dma_start3A_392 = arith.constant 0 : i32
          %dma_start3A_393 = arith.constant 0 : i32
          %dma_start3A_394 = arith.constant 0 : i32
          %dma_start3A_395 = tpu.memref_slice %arg6[%select_n3A_271, %dma_start3A_392, %dma_start3A_393, %dma_start3A_394] : memref<2x32x2x128xi32, #tpu.memory_space<vmem>> -> memref<1x32x2x128xi32, #tpu.memory_space<vmem>>
          %dma_start3A_396 = tpu.memref_squeeze %dma_start3A_395 : memref<1x32x2x128xi32, #tpu.memory_space<vmem>> -> memref<32x2x128xi32, #tpu.memory_space<vmem>>
          %dma_start3A_397 = arith.constant 0 : i32
          %dma_start3A_398 = tpu.memref_slice %dma_start3A_396[%add3A_383, %run_scoped3A_385, %dma_start3A_397] : memref<32x2x128xi32, #tpu.memory_space<vmem>> -> memref<1x1x128xi32, #tpu.memory_space<vmem>>
          %dma_start3A_399 = tpu.memref_squeeze %dma_start3A_398 : memref<1x1x128xi32, #tpu.memory_space<vmem>> -> memref<128xi32, #tpu.memory_space<vmem>>
          %dma_start3A_400 = arith.constant 0 : i32
          %dma_start3A_401 = arith.constant 0 : i32
          %dma_start3A_402 = tpu.memref_slice %arg5[%dma_start3A_400, %dma_start3A_401] : memref<10112x128xf32, #tpu.memory_space<vmem_shared>> -> memref<10112x128xf32, #tpu.memory_space<vmem_shared>>
          tpu.enqueue_indirect_dma source(%dma_start3A_391 : memref<128x128xf32, #tpu.memory_space<vmem>>) target(%dma_start3A_402 : memref<10112x128xf32, #tpu.memory_space<vmem_shared>>) offsets(%dma_start3A_399 : memref<128xi32, #tpu.memory_space<vmem>>) semaphore(%run_scoped3A_387 : memref<!tpu.dma_semaphore, #tpu.memory_space<semaphore_mem>>) {add = true}
          %dma_wait3A_403 = arith.constant 0 : i32
          %dma_wait3A_404 = arith.constant 0 : i32
          %dma_wait3A_405 = tpu.memref_slice %arg7[%run_scoped3A_384, %dma_wait3A_403, %dma_wait3A_404] : memref<2x128x128xf32, #tpu.memory_space<vmem>> -> memref<1x128x128xf32, #tpu.memory_space<vmem>>
          %dma_wait3A_406 = tpu.memref_squeeze %dma_wait3A_405 : memref<1x128x128xf32, #tpu.memory_space<vmem>> -> memref<128x128xf32, #tpu.memory_space<vmem>>
          %dma_wait3A_407 = arith.constant 0 : i32
          %dma_wait3A_408 = arith.constant 0 : i32
          %dma_wait3A_409 = arith.constant 0 : i32
          %dma_wait3A_410 = tpu.memref_slice %arg6[%select_n3A_271, %dma_wait3A_407, %dma_wait3A_408, %dma_wait3A_409] : memref<2x32x2x128xi32, #tpu.memory_space<vmem>> -> memref<1x32x2x128xi32, #tpu.memory_space<vmem>>
          %dma_wait3A_411 = tpu.memref_squeeze %dma_wait3A_410 : memref<1x32x2x128xi32, #tpu.memory_space<vmem>> -> memref<32x2x128xi32, #tpu.memory_space<vmem>>
          %dma_wait3A_412 = arith.constant 0 : i32
          %dma_wait3A_413 = tpu.memref_slice %dma_wait3A_411[%add3A_383, %run_scoped3A_385, %dma_wait3A_412] : memref<32x2x128xi32, #tpu.memory_space<vmem>> -> memref<1x1x128xi32, #tpu.memory_space<vmem>>
          %dma_wait3A_414 = tpu.memref_squeeze %dma_wait3A_413 : memref<1x1x128xi32, #tpu.memory_space<vmem>> -> memref<128xi32, #tpu.memory_space<vmem>>
          %dma_wait3A_415 = arith.constant 0 : i32
          %dma_wait3A_416 = arith.constant 0 : i32
          %dma_wait3A_417 = tpu.memref_slice %arg5[%dma_wait3A_415, %dma_wait3A_416] : memref<10112x128xf32, #tpu.memory_space<vmem_shared>> -> memref<10112x128xf32, #tpu.memory_space<vmem_shared>>
          tpu.wait_indirect_dma semaphore(%run_scoped3A_387 : memref<!tpu.dma_semaphore, #tpu.memory_space<semaphore_mem>>) src(%dma_wait3A_406 : memref<128x128xf32, #tpu.memory_space<vmem>>) dst(%dma_wait3A_417 : memref<10112x128xf32, #tpu.memory_space<vmem_shared>>)
          tpu.yield
        }) : () -> ()
        %scan3A_386 = arith.constant 0 : i32
        scf.yield %scan3A_386 : i32
      }
      %scan3A_314 = arith.constant 16 : i32
      %scan3A_315 = arith.constant 0 : i32
      scf.yield %scan3A_315 : i32
    }
    %scan3A_198 = arith.constant 2 : i32
    %dma_wait3A_199 = arith.constant 0 : i32
    %dma_wait3A_200 = arith.constant 0 : i32
    %dma_wait3A_201 = arith.constant 0 : i32
    %dma_wait3A_202 = arith.constant 0 : i32
    %dma_wait3A_203 = tpu.memref_slice %arg6[%dma_wait3A_199, %dma_wait3A_200, %dma_wait3A_201, %dma_wait3A_202] : memref<2x32x2x128xi32, #tpu.memory_space<vmem>> -> memref<1x32x2x128xi32, #tpu.memory_space<vmem>>
    %dma_wait3A_204 = tpu.memref_squeeze %dma_wait3A_203 : memref<1x32x2x128xi32, #tpu.memory_space<vmem>> -> memref<32x2x128xi32, #tpu.memory_space<vmem>>
    %dma_wait3A_205 = arith.constant 0 : i32
    %dma_wait3A_206 = arith.constant 0 : i32
    %dma_wait3A_207 = arith.constant 0 : i32
    %dma_wait3A_208 = tpu.memref_slice %dma_wait3A_204[%dma_wait3A_205, %dma_wait3A_206, %dma_wait3A_207] : memref<32x2x128xi32, #tpu.memory_space<vmem>> -> memref<14x2x128xi32, #tpu.memory_space<vmem>>
    %dma_wait3A_209 = arith.constant 0 : i32
    %dma_wait3A_210 = arith.constant 0 : i32
    %dma_wait3A_211 = arith.constant 0 : i32
    %dma_wait3A_212 = tpu.memref_slice %arg3[%dma_wait3A_209, %dma_wait3A_210, %dma_wait3A_211] : memref<2500x2x128xi32, #tpu.memory_space<hbm>> -> memref<14x2x128xi32, #tpu.memory_space<hbm>>
    %dma_wait3A_213 = arith.constant 0 : i32
    %dma_wait3A_214 = arith.constant 0 : i32
    %dma_wait3A_215 = arith.constant 0 : i32
    %dma_wait3A_216 = tpu.memref_slice %arg6[%dma_wait3A_199, %dma_wait3A_213, %dma_wait3A_214, %dma_wait3A_215] : memref<2x32x2x128xi32, #tpu.memory_space<vmem>> -> memref<1x32x2x128xi32, #tpu.memory_space<vmem>>
    %dma_wait3A_217 = tpu.memref_squeeze %dma_wait3A_216 : memref<1x32x2x128xi32, #tpu.memory_space<vmem>> -> memref<32x2x128xi32, #tpu.memory_space<vmem>>
    %dma_wait3A_218 = arith.constant 0 : i32
    %dma_wait3A_219 = arith.constant 0 : i32
    %dma_wait3A_220 = arith.constant 0 : i32
    %dma_wait3A_221 = tpu.memref_slice %dma_wait3A_217[%dma_wait3A_218, %dma_wait3A_219, %dma_wait3A_220] : memref<32x2x128xi32, #tpu.memory_space<vmem>> -> memref<14x2x128xi32, #tpu.memory_space<vmem>>
    %dma_wait3A_222 = arith.constant 0 : i32
    %dma_wait3A_223 = arith.constant 0 : i32
    %dma_wait3A_224 = arith.constant 0 : i32
    %dma_wait3A_225 = tpu.memref_slice %arg3[%dma_wait3A_222, %dma_wait3A_223, %dma_wait3A_224] : memref<2500x2x128xi32, #tpu.memory_space<hbm>> -> memref<14x2x128xi32, #tpu.memory_space<hbm>>
    tpu.wait_dma2 semaphore(%arg10 : memref<!tpu.dma_semaphore, #tpu.memory_space<semaphore_mem>>) src(%dma_wait3A_225 : memref<14x2x128xi32, #tpu.memory_space<hbm>>) dst(%dma_wait3A_221 : memref<14x2x128xi32, #tpu.memory_space<vmem>>)
    %dma_start3A_226 = arith.constant 0 : i32
    %dma_start3A_227 = arith.constant 0 : i32
    %dma_start3A_228 = arith.constant 0 : i32
    %dma_start3A_229 = arith.constant 0 : i32
    %dma_start3A_230 = arith.constant 0 : i32
    %dma_start3A_231 = arith.constant 0 : i32
    %dma_start3A_232 = tpu.memref_slice %arg7[%dma_start3A_229, %dma_start3A_230, %dma_start3A_231] : memref<2x128x128xf32, #tpu.memory_space<vmem>> -> memref<1x128x128xf32, #tpu.memory_space<vmem>>
    %dma_start3A_233 = tpu.memref_squeeze %dma_start3A_232 : memref<1x128x128xf32, #tpu.memory_space<vmem>> -> memref<128x128xf32, #tpu.memory_space<vmem>>
    %dma_start3A_234 = arith.constant 0 : i32
    %dma_start3A_235 = arith.constant 0 : i32
    %dma_start3A_236 = arith.constant 0 : i32
    %dma_start3A_237 = tpu.memref_slice %arg6[%dma_start3A_226, %dma_start3A_234, %dma_start3A_235, %dma_start3A_236] : memref<2x32x2x128xi32, #tpu.memory_space<vmem>> -> memref<1x32x2x128xi32, #tpu.memory_space<vmem>>
    %dma_start3A_238 = tpu.memref_squeeze %dma_start3A_237 : memref<1x32x2x128xi32, #tpu.memory_space<vmem>> -> memref<32x2x128xi32, #tpu.memory_space<vmem>>
    %dma_start3A_239 = arith.constant 0 : i32
    %dma_start3A_240 = tpu.memref_slice %dma_start3A_238[%dma_start3A_227, %dma_start3A_228, %dma_start3A_239] : memref<32x2x128xi32, #tpu.memory_space<vmem>> -> memref<1x1x128xi32, #tpu.memory_space<vmem>>
    %dma_start3A_241 = tpu.memref_squeeze %dma_start3A_240 : memref<1x1x128xi32, #tpu.memory_space<vmem>> -> memref<128xi32, #tpu.memory_space<vmem>>
    %dma_start3A_242 = arith.constant 0 : i32
    %dma_start3A_243 = arith.constant 0 : i32
    %dma_start3A_244 = tpu.memref_slice %arg2[%dma_start3A_242, %dma_start3A_243] : memref<10000x128xf32, #tpu.memory_space<hbm>> -> memref<10000x128xf32, #tpu.memory_space<hbm>>
    tpu.enqueue_indirect_dma source(%dma_start3A_244 : memref<10000x128xf32, #tpu.memory_space<hbm>>) target(%dma_start3A_233 : memref<128x128xf32, #tpu.memory_space<vmem>>) offsets(%dma_start3A_241 : memref<128xi32, #tpu.memory_space<vmem>>) semaphore(%arg8 : memref<!tpu.dma_semaphore, #tpu.memory_space<semaphore_mem>>)
    %scan3A_245 = arith.constant 0 : i32
    %scan3A_246 = arith.constant 0 : i32
    %scan3A_247 = arith.constant 0 : i32
    %scan3A_248 = arith.constant 7 : i32
    %scan3A_249 = arith.addi %scan3A_247, %scan3A_248 : i32
    %scan3A_250 = arith.constant 1 : i32
    %scan3A_251 = scf.for %scan3A_260 = %scan3A_247 to %scan3A_249 step %scan3A_250 iter_args(%scan3A_261 = %scan3A_246) -> (i32)  : i32 {
      %mul3A_262 = arith.constant 2 : i32
      %mul3A_263 = arith.muli %mul3A_262, %scan3A_260 : i32
      %add3A_264 = arith.constant 1 : i32
      %add3A_265 = arith.addi %mul3A_263, %add3A_264 : i32
      %dma_start3A_266 = arith.constant 0 : i32
      %dma_start3A_267 = arith.constant 1 : i32
      %dma_start3A_268 = arith.constant 0 : i32
      %dma_start3A_269 = arith.constant 0 : i32
      %dma_start3A_270 = tpu.memref_slice %arg7[%dma_start3A_267, %dma_start3A_268, %dma_start3A_269] : memref<2x128x128xf32, #tpu.memory_space<vmem>> -> memref<1x128x128xf32, #tpu.memory_space<vmem>>
      %dma_start3A_271 = tpu.memref_squeeze %dma_start3A_270 : memref<1x128x128xf32, #tpu.memory_space<vmem>> -> memref<128x128xf32, #tpu.memory_space<vmem>>
      %dma_start3A_272 = arith.constant 0 : i32
      %dma_start3A_273 = arith.constant 0 : i32
      %dma_start3A_274 = arith.constant 0 : i32
      %dma_start3A_275 = tpu.memref_slice %arg6[%scan3A_245, %dma_start3A_272, %dma_start3A_273, %dma_start3A_274] : memref<2x32x2x128xi32, #tpu.memory_space<vmem>> -> memref<1x32x2x128xi32, #tpu.memory_space<vmem>>
      %dma_start3A_276 = tpu.memref_squeeze %dma_start3A_275 : memref<1x32x2x128xi32, #tpu.memory_space<vmem>> -> memref<32x2x128xi32, #tpu.memory_space<vmem>>
      %dma_start3A_277 = arith.constant 0 : i32
      %dma_start3A_278 = tpu.memref_slice %dma_start3A_276[%add3A_265, %dma_start3A_266, %dma_start3A_277] : memref<32x2x128xi32, #tpu.memory_space<vmem>> -> memref<1x1x128xi32, #tpu.memory_space<vmem>>
      %dma_start3A_279 = tpu.memref_squeeze %dma_start3A_278 : memref<1x1x128xi32, #tpu.memory_space<vmem>> -> memref<128xi32, #tpu.memory_space<vmem>>
      %dma_start3A_280 = arith.constant 0 : i32
      %dma_start3A_281 = arith.constant 0 : i32
      %dma_start3A_282 = tpu.memref_slice %arg2[%dma_start3A_280, %dma_start3A_281] : memref<10000x128xf32, #tpu.memory_space<hbm>> -> memref<10000x128xf32, #tpu.memory_space<hbm>>
      tpu.enqueue_indirect_dma source(%dma_start3A_282 : memref<10000x128xf32, #tpu.memory_space<hbm>>) target(%dma_start3A_271 : memref<128x128xf32, #tpu.memory_space<vmem>>) offsets(%dma_start3A_279 : memref<128xi32, #tpu.memory_space<vmem>>) semaphore(%arg9 : memref<!tpu.dma_semaphore, #tpu.memory_space<semaphore_mem>>)
      %dma_wait3A_283 = arith.constant 0 : i32
      %dma_wait3A_284 = arith.constant 0 : i32
      %dma_wait3A_285 = arith.constant 0 : i32
      %dma_wait3A_286 = tpu.memref_slice %arg7[%dma_wait3A_283, %dma_wait3A_284, %dma_wait3A_285] : memref<2x128x128xf32, #tpu.memory_space<vmem>> -> memref<1x128x128xf32, #tpu.memory_space<vmem>>
      %dma_wait3A_287 = tpu.memref_squeeze %dma_wait3A_286 : memref<1x128x128xf32, #tpu.memory_space<vmem>> -> memref<128x128xf32, #tpu.memory_space<vmem>>
      %dma_wait3A_288 = arith.constant 0 : i32
      %dma_wait3A_289 = arith.constant 0 : i32
      %dma_wait3A_290 = tpu.memref_slice %arg2[%dma_wait3A_288, %dma_wait3A_289] : memref<10000x128xf32, #tpu.memory_space<hbm>> -> memref<128x128xf32, #tpu.memory_space<hbm>>
      %dma_wait3A_291 = arith.constant 0 : i32
      %dma_wait3A_292 = arith.constant 0 : i32
      %dma_wait3A_293 = tpu.memref_slice %arg7[%dma_wait3A_283, %dma_wait3A_291, %dma_wait3A_292] : memref<2x128x128xf32, #tpu.memory_space<vmem>> -> memref<1x128x128xf32, #tpu.memory_space<vmem>>
      %dma_wait3A_294 = tpu.memref_squeeze %dma_wait3A_293 : memref<1x128x128xf32, #tpu.memory_space<vmem>> -> memref<128x128xf32, #tpu.memory_space<vmem>>
      %dma_wait3A_295 = arith.constant 0 : i32
      %dma_wait3A_296 = arith.constant 0 : i32
      %dma_wait3A_297 = tpu.memref_slice %arg2[%dma_wait3A_295, %dma_wait3A_296] : memref<10000x128xf32, #tpu.memory_space<hbm>> -> memref<128x128xf32, #tpu.memory_space<hbm>>
      tpu.wait_dma2 semaphore(%arg8 : memref<!tpu.dma_semaphore, #tpu.memory_space<semaphore_mem>>) src(%dma_wait3A_297 : memref<128x128xf32, #tpu.memory_space<hbm>>) dst(%dma_wait3A_294 : memref<128x128xf32, #tpu.memory_space<vmem>>)
      %mul3A_298 = arith.constant 2 : i32
      %mul3A_299 = arith.muli %mul3A_298, %scan3A_260 : i32
      %run_scoped3A_300 = arith.constant 0 : i32
      %run_scoped3A_301 = arith.constant 1 : i32
      "tpu.region"() ({
        %run_scoped3A_331 = tpu.sem_alloc : memref<!tpu.dma_semaphore, #tpu.memory_space<semaphore_mem>>
        %dma_start3A_332 = arith.constant 0 : i32
        %dma_start3A_333 = arith.constant 0 : i32
        %dma_start3A_334 = tpu.memref_slice %arg7[%run_scoped3A_300, %dma_start3A_332, %dma_start3A_333] : memref<2x128x128xf32, #tpu.memory_space<vmem>> -> memref<1x128x128xf32, #tpu.memory_space<vmem>>
        %dma_start3A_335 = tpu.memref_squeeze %dma_start3A_334 : memref<1x128x128xf32, #tpu.memory_space<vmem>> -> memref<128x128xf32, #tpu.memory_space<vmem>>
        %dma_start3A_336 = arith.constant 0 : i32
        %dma_start3A_337 = arith.constant 0 : i32
        %dma_start3A_338 = arith.constant 0 : i32
        %dma_start3A_339 = tpu.memref_slice %arg6[%scan3A_245, %dma_start3A_336, %dma_start3A_337, %dma_start3A_338] : memref<2x32x2x128xi32, #tpu.memory_space<vmem>> -> memref<1x32x2x128xi32, #tpu.memory_space<vmem>>
        %dma_start3A_340 = tpu.memref_squeeze %dma_start3A_339 : memref<1x32x2x128xi32, #tpu.memory_space<vmem>> -> memref<32x2x128xi32, #tpu.memory_space<vmem>>
        %dma_start3A_341 = arith.constant 0 : i32
        %dma_start3A_342 = tpu.memref_slice %dma_start3A_340[%mul3A_299, %run_scoped3A_301, %dma_start3A_341] : memref<32x2x128xi32, #tpu.memory_space<vmem>> -> memref<1x1x128xi32, #tpu.memory_space<vmem>>
        %dma_start3A_343 = tpu.memref_squeeze %dma_start3A_342 : memref<1x1x128xi32, #tpu.memory_space<vmem>> -> memref<128xi32, #tpu.memory_space<vmem>>
        %dma_start3A_344 = arith.constant 0 : i32
        %dma_start3A_345 = arith.constant 0 : i32
        %dma_start3A_346 = tpu.memref_slice %arg5[%dma_start3A_344, %dma_start3A_345] : memref<10112x128xf32, #tpu.memory_space<vmem_shared>> -> memref<10112x128xf32, #tpu.memory_space<vmem_shared>>
        tpu.enqueue_indirect_dma source(%dma_start3A_335 : memref<128x128xf32, #tpu.memory_space<vmem>>) target(%dma_start3A_346 : memref<10112x128xf32, #tpu.memory_space<vmem_shared>>) offsets(%dma_start3A_343 : memref<128xi32, #tpu.memory_space<vmem>>) semaphore(%run_scoped3A_331 : memref<!tpu.dma_semaphore, #tpu.memory_space<semaphore_mem>>) {add = true}
        %dma_wait3A_347 = arith.constant 0 : i32
        %dma_wait3A_348 = arith.constant 0 : i32
        %dma_wait3A_349 = tpu.memref_slice %arg7[%run_scoped3A_300, %dma_wait3A_347, %dma_wait3A_348] : memref<2x128x128xf32, #tpu.memory_space<vmem>> -> memref<1x128x128xf32, #tpu.memory_space<vmem>>
        %dma_wait3A_350 = tpu.memref_squeeze %dma_wait3A_349 : memref<1x128x128xf32, #tpu.memory_space<vmem>> -> memref<128x128xf32, #tpu.memory_space<vmem>>
        %dma_wait3A_351 = arith.constant 0 : i32
        %dma_wait3A_352 = arith.constant 0 : i32
        %dma_wait3A_353 = arith.constant 0 : i32
        %dma_wait3A_354 = tpu.memref_slice %arg6[%scan3A_245, %dma_wait3A_351, %dma_wait3A_352, %dma_wait3A_353] : memref<2x32x2x128xi32, #tpu.memory_space<vmem>> -> memref<1x32x2x128xi32, #tpu.memory_space<vmem>>
        %dma_wait3A_355 = tpu.memref_squeeze %dma_wait3A_354 : memref<1x32x2x128xi32, #tpu.memory_space<vmem>> -> memref<32x2x128xi32, #tpu.memory_space<vmem>>
        %dma_wait3A_356 = arith.constant 0 : i32
        %dma_wait3A_357 = tpu.memref_slice %dma_wait3A_355[%mul3A_299, %run_scoped3A_301, %dma_wait3A_356] : memref<32x2x128xi32, #tpu.memory_space<vmem>> -> memref<1x1x128xi32, #tpu.memory_space<vmem>>
        %dma_wait3A_358 = tpu.memref_squeeze %dma_wait3A_357 : memref<1x1x128xi32, #tpu.memory_space<vmem>> -> memref<128xi32, #tpu.memory_space<vmem>>
        %dma_wait3A_359 = arith.constant 0 : i32
        %dma_wait3A_360 = arith.constant 0 : i32
        %dma_wait3A_361 = tpu.memref_slice %arg5[%dma_wait3A_359, %dma_wait3A_360] : memref<10112x128xf32, #tpu.memory_space<vmem_shared>> -> memref<10112x128xf32, #tpu.memory_space<vmem_shared>>
        tpu.wait_indirect_dma semaphore(%run_scoped3A_331 : memref<!tpu.dma_semaphore, #tpu.memory_space<semaphore_mem>>) src(%dma_wait3A_350 : memref<128x128xf32, #tpu.memory_space<vmem>>) dst(%dma_wait3A_361 : memref<10112x128xf32, #tpu.memory_space<vmem_shared>>)
        tpu.yield
      }) : () -> ()
      %add3A_302 = arith.constant 1 : i32
      %add3A_303 = arith.addi %scan3A_260, %add3A_302 : i32
      %lt3A_304 = arith.constant 7 : i32
      %lt3A_305 = arith.cmpi slt, %add3A_303, %lt3A_304 : i32
      %convert_element_type3A_306 = arith.extui %lt3A_305 : i1 to i32
      %cond3A_307 = arith.constant 0 : i32
      %cond3A_308 = arith.cmpi ne, %convert_element_type3A_306, %cond3A_307 : i32
      scf.if %cond3A_308 {
        %mul3A_331 = arith.constant 2 : i32
        %mul3A_332 = arith.muli %mul3A_331, %scan3A_260 : i32
        %add3A_333 = arith.constant 2 : i32
        %add3A_334 = arith.addi %mul3A_332, %add3A_333 : i32
        %dma_start3A_335 = arith.constant 0 : i32
        %dma_start3A_336 = arith.constant 0 : i32
        %dma_start3A_337 = arith.constant 0 : i32
        %dma_start3A_338 = arith.constant 0 : i32
        %dma_start3A_339 = tpu.memref_slice %arg7[%dma_start3A_336, %dma_start3A_337, %dma_start3A_338] : memref<2x128x128xf32, #tpu.memory_space<vmem>> -> memref<1x128x128xf32, #tpu.memory_space<vmem>>
        %dma_start3A_340 = tpu.memref_squeeze %dma_start3A_339 : memref<1x128x128xf32, #tpu.memory_space<vmem>> -> memref<128x128xf32, #tpu.memory_space<vmem>>
        %dma_start3A_341 = arith.constant 0 : i32
        %dma_start3A_342 = arith.constant 0 : i32
        %dma_start3A_343 = arith.constant 0 : i32
        %dma_start3A_344 = tpu.memref_slice %arg6[%scan3A_245, %dma_start3A_341, %dma_start3A_342, %dma_start3A_343] : memref<2x32x2x128xi32, #tpu.memory_space<vmem>> -> memref<1x32x2x128xi32, #tpu.memory_space<vmem>>
        %dma_start3A_345 = tpu.memref_squeeze %dma_start3A_344 : memref<1x32x2x128xi32, #tpu.memory_space<vmem>> -> memref<32x2x128xi32, #tpu.memory_space<vmem>>
        %dma_start3A_346 = arith.constant 0 : i32
        %dma_start3A_347 = tpu.memref_slice %dma_start3A_345[%add3A_334, %dma_start3A_335, %dma_start3A_346] : memref<32x2x128xi32, #tpu.memory_space<vmem>> -> memref<1x1x128xi32, #tpu.memory_space<vmem>>
        %dma_start3A_348 = tpu.memref_squeeze %dma_start3A_347 : memref<1x1x128xi32, #tpu.memory_space<vmem>> -> memref<128xi32, #tpu.memory_space<vmem>>
        %dma_start3A_349 = arith.constant 0 : i32
        %dma_start3A_350 = arith.constant 0 : i32
        %dma_start3A_351 = tpu.memref_slice %arg2[%dma_start3A_349, %dma_start3A_350] : memref<10000x128xf32, #tpu.memory_space<hbm>> -> memref<10000x128xf32, #tpu.memory_space<hbm>>
        tpu.enqueue_indirect_dma source(%dma_start3A_351 : memref<10000x128xf32, #tpu.memory_space<hbm>>) target(%dma_start3A_340 : memref<128x128xf32, #tpu.memory_space<vmem>>) offsets(%dma_start3A_348 : memref<128xi32, #tpu.memory_space<vmem>>) semaphore(%arg8 : memref<!tpu.dma_semaphore, #tpu.memory_space<semaphore_mem>>)
      } else {
      }
      %dma_wait3A_309 = arith.constant 1 : i32
      %dma_wait3A_310 = arith.constant 0 : i32
      %dma_wait3A_311 = arith.constant 0 : i32
      %dma_wait3A_312 = tpu.memref_slice %arg7[%dma_wait3A_309, %dma_wait3A_310, %dma_wait3A_311] : memref<2x128x128xf32, #tpu.memory_space<vmem>> -> memref<1x128x128xf32, #tpu.memory_space<vmem>>
      %dma_wait3A_313 = tpu.memref_squeeze %dma_wait3A_312 : memref<1x128x128xf32, #tpu.memory_space<vmem>> -> memref<128x128xf32, #tpu.memory_space<vmem>>
      %dma_wait3A_314 = arith.constant 0 : i32
      %dma_wait3A_315 = arith.constant 0 : i32
      %dma_wait3A_316 = tpu.memref_slice %arg2[%dma_wait3A_314, %dma_wait3A_315] : memref<10000x128xf32, #tpu.memory_space<hbm>> -> memref<128x128xf32, #tpu.memory_space<hbm>>
      %dma_wait3A_317 = arith.constant 0 : i32
      %dma_wait3A_318 = arith.constant 0 : i32
      %dma_wait3A_319 = tpu.memref_slice %arg7[%dma_wait3A_309, %dma_wait3A_317, %dma_wait3A_318] : memref<2x128x128xf32, #tpu.memory_space<vmem>> -> memref<1x128x128xf32, #tpu.memory_space<vmem>>
      %dma_wait3A_320 = tpu.memref_squeeze %dma_wait3A_319 : memref<1x128x128xf32, #tpu.memory_space<vmem>> -> memref<128x128xf32, #tpu.memory_space<vmem>>
      %dma_wait3A_321 = arith.constant 0 : i32
      %dma_wait3A_322 = arith.constant 0 : i32
      %dma_wait3A_323 = tpu.memref_slice %arg2[%dma_wait3A_321, %dma_wait3A_322] : memref<10000x128xf32, #tpu.memory_space<hbm>> -> memref<128x128xf32, #tpu.memory_space<hbm>>
      tpu.wait_dma2 semaphore(%arg9 : memref<!tpu.dma_semaphore, #tpu.memory_space<semaphore_mem>>) src(%dma_wait3A_323 : memref<128x128xf32, #tpu.memory_space<hbm>>) dst(%dma_wait3A_320 : memref<128x128xf32, #tpu.memory_space<vmem>>)
      %mul3A_324 = arith.constant 2 : i32
      %mul3A_325 = arith.muli %mul3A_324, %scan3A_260 : i32
      %add3A_326 = arith.constant 1 : i32
      %add3A_327 = arith.addi %mul3A_325, %add3A_326 : i32
      %run_scoped3A_328 = arith.constant 1 : i32
      %run_scoped3A_329 = arith.constant 1 : i32
      "tpu.region"() ({
        %run_scoped3A_331 = tpu.sem_alloc : memref<!tpu.dma_semaphore, #tpu.memory_space<semaphore_mem>>
        %dma_start3A_332 = arith.constant 0 : i32
        %dma_start3A_333 = arith.constant 0 : i32
        %dma_start3A_334 = tpu.memref_slice %arg7[%run_scoped3A_328, %dma_start3A_332, %dma_start3A_333] : memref<2x128x128xf32, #tpu.memory_space<vmem>> -> memref<1x128x128xf32, #tpu.memory_space<vmem>>
        %dma_start3A_335 = tpu.memref_squeeze %dma_start3A_334 : memref<1x128x128xf32, #tpu.memory_space<vmem>> -> memref<128x128xf32, #tpu.memory_space<vmem>>
        %dma_start3A_336 = arith.constant 0 : i32
        %dma_start3A_337 = arith.constant 0 : i32
        %dma_start3A_338 = arith.constant 0 : i32
        %dma_start3A_339 = tpu.memref_slice %arg6[%scan3A_245, %dma_start3A_336, %dma_start3A_337, %dma_start3A_338] : memref<2x32x2x128xi32, #tpu.memory_space<vmem>> -> memref<1x32x2x128xi32, #tpu.memory_space<vmem>>
        %dma_start3A_340 = tpu.memref_squeeze %dma_start3A_339 : memref<1x32x2x128xi32, #tpu.memory_space<vmem>> -> memref<32x2x128xi32, #tpu.memory_space<vmem>>
        %dma_start3A_341 = arith.constant 0 : i32
        %dma_start3A_342 = tpu.memref_slice %dma_start3A_340[%add3A_327, %run_scoped3A_329, %dma_start3A_341] : memref<32x2x128xi32, #tpu.memory_space<vmem>> -> memref<1x1x128xi32, #tpu.memory_space<vmem>>
        %dma_start3A_343 = tpu.memref_squeeze %dma_start3A_342 : memref<1x1x128xi32, #tpu.memory_space<vmem>> -> memref<128xi32, #tpu.memory_space<vmem>>
        %dma_start3A_344 = arith.constant 0 : i32
        %dma_start3A_345 = arith.constant 0 : i32
        %dma_start3A_346 = tpu.memref_slice %arg5[%dma_start3A_344, %dma_start3A_345] : memref<10112x128xf32, #tpu.memory_space<vmem_shared>> -> memref<10112x128xf32, #tpu.memory_space<vmem_shared>>
        tpu.enqueue_indirect_dma source(%dma_start3A_335 : memref<128x128xf32, #tpu.memory_space<vmem>>) target(%dma_start3A_346 : memref<10112x128xf32, #tpu.memory_space<vmem_shared>>) offsets(%dma_start3A_343 : memref<128xi32, #tpu.memory_space<vmem>>) semaphore(%run_scoped3A_331 : memref<!tpu.dma_semaphore, #tpu.memory_space<semaphore_mem>>) {add = true}
        %dma_wait3A_347 = arith.constant 0 : i32
        %dma_wait3A_348 = arith.constant 0 : i32
        %dma_wait3A_349 = tpu.memref_slice %arg7[%run_scoped3A_328, %dma_wait3A_347, %dma_wait3A_348] : memref<2x128x128xf32, #tpu.memory_space<vmem>> -> memref<1x128x128xf32, #tpu.memory_space<vmem>>
        %dma_wait3A_350 = tpu.memref_squeeze %dma_wait3A_349 : memref<1x128x128xf32, #tpu.memory_space<vmem>> -> memref<128x128xf32, #tpu.memory_space<vmem>>
        %dma_wait3A_351 = arith.constant 0 : i32
        %dma_wait3A_352 = arith.constant 0 : i32
        %dma_wait3A_353 = arith.constant 0 : i32
        %dma_wait3A_354 = tpu.memref_slice %arg6[%scan3A_245, %dma_wait3A_351, %dma_wait3A_352, %dma_wait3A_353] : memref<2x32x2x128xi32, #tpu.memory_space<vmem>> -> memref<1x32x2x128xi32, #tpu.memory_space<vmem>>
        %dma_wait3A_355 = tpu.memref_squeeze %dma_wait3A_354 : memref<1x32x2x128xi32, #tpu.memory_space<vmem>> -> memref<32x2x128xi32, #tpu.memory_space<vmem>>
        %dma_wait3A_356 = arith.constant 0 : i32
        %dma_wait3A_357 = tpu.memref_slice %dma_wait3A_355[%add3A_327, %run_scoped3A_329, %dma_wait3A_356] : memref<32x2x128xi32, #tpu.memory_space<vmem>> -> memref<1x1x128xi32, #tpu.memory_space<vmem>>
        %dma_wait3A_358 = tpu.memref_squeeze %dma_wait3A_357 : memref<1x1x128xi32, #tpu.memory_space<vmem>> -> memref<128xi32, #tpu.memory_space<vmem>>
        %dma_wait3A_359 = arith.constant 0 : i32
        %dma_wait3A_360 = arith.constant 0 : i32
        %dma_wait3A_361 = tpu.memref_slice %arg5[%dma_wait3A_359, %dma_wait3A_360] : memref<10112x128xf32, #tpu.memory_space<vmem_shared>> -> memref<10112x128xf32, #tpu.memory_space<vmem_shared>>
        tpu.wait_indirect_dma semaphore(%run_scoped3A_331 : memref<!tpu.dma_semaphore, #tpu.memory_space<semaphore_mem>>) src(%dma_wait3A_350 : memref<128x128xf32, #tpu.memory_space<vmem>>) dst(%dma_wait3A_361 : memref<10112x128xf32, #tpu.memory_space<vmem_shared>>)
        tpu.yield
      }) : () -> ()
      %scan3A_330 = arith.constant 0 : i32
      scf.yield %scan3A_330 : i32
    }
    %scan3A_252 = arith.constant 7 : i32
    %lt3A = arith.constant 4 : i32
    %lt3A_253 = arith.cmpi slt, %add3A, %lt3A : i32
    %convert_element_type3A = arith.extui %lt3A_253 : i1 to i32
    %cond3A = arith.constant 0 : i32
    %cond3A_254 = arith.cmpi ne, %convert_element_type3A, %cond3A : i32
    scf.if %cond3A_254 {
      %add3A_260 = arith.constant 78 : i32
      %add3A_261 = arith.addi %add3A_4, %add3A_260 : i32
      %run_scoped3A_262 = arith.constant 0 : i32
      "tpu.region"() ({
        %run_scoped3A_296 = tpu.sem_alloc : memref<!tpu.dma_semaphore, #tpu.memory_space<semaphore_mem>>
        %dma_start3A_297 = arith.constant 0 : i32
        %dma_start3A_298 = arith.constant 0 : i32
        %dma_start3A_299 = arith.constant 0 : i32
        %dma_start3A_300 = tpu.memref_slice %arg6[%run_scoped3A_262, %dma_start3A_297, %dma_start3A_298, %dma_start3A_299] : memref<2x32x2x128xi32, #tpu.memory_space<vmem>> -> memref<1x32x2x128xi32, #tpu.memory_space<vmem>>
        %dma_start3A_301 = tpu.memref_squeeze %dma_start3A_300 : memref<1x32x2x128xi32, #tpu.memory_space<vmem>> -> memref<32x2x128xi32, #tpu.memory_space<vmem>>
        %dma_start3A_302 = arith.constant 0 : i32
        %dma_start3A_303 = arith.constant 0 : i32
        %dma_start3A_304 = arith.constant 0 : i32
        %dma_start3A_305 = tpu.memref_slice %dma_start3A_301[%dma_start3A_302, %dma_start3A_303, %dma_start3A_304] : memref<32x2x128xi32, #tpu.memory_space<vmem>> -> memref<1x2x128xi32, #tpu.memory_space<vmem>>
        %dma_start3A_306 = arith.constant 0 : i32
        %dma_start3A_307 = arith.constant 0 : i32
        %dma_start3A_308 = tpu.memref_slice %arg3[%add3A_261, %dma_start3A_306, %dma_start3A_307] : memref<2500x2x128xi32, #tpu.memory_space<hbm>> -> memref<1x2x128xi32, #tpu.memory_space<hbm>>
        %dma_start3A_309 = arith.constant 0 : i32
        %dma_start3A_310 = arith.constant 0 : i32
        %dma_start3A_311 = arith.constant 0 : i32
        %dma_start3A_312 = tpu.memref_slice %arg6[%run_scoped3A_262, %dma_start3A_309, %dma_start3A_310, %dma_start3A_311] : memref<2x32x2x128xi32, #tpu.memory_space<vmem>> -> memref<1x32x2x128xi32, #tpu.memory_space<vmem>>
        %dma_start3A_313 = tpu.memref_squeeze %dma_start3A_312 : memref<1x32x2x128xi32, #tpu.memory_space<vmem>> -> memref<32x2x128xi32, #tpu.memory_space<vmem>>
        %dma_start3A_314 = arith.constant 0 : i32
        %dma_start3A_315 = arith.constant 0 : i32
        %dma_start3A_316 = arith.constant 0 : i32
        %dma_start3A_317 = tpu.memref_slice %dma_start3A_313[%dma_start3A_314, %dma_start3A_315, %dma_start3A_316] : memref<32x2x128xi32, #tpu.memory_space<vmem>> -> memref<1x2x128xi32, #tpu.memory_space<vmem>>
        %dma_start3A_318 = arith.constant 0 : i32
        %dma_start3A_319 = arith.constant 0 : i32
        %dma_start3A_320 = tpu.memref_slice %arg3[%add3A_261, %dma_start3A_318, %dma_start3A_319] : memref<2500x2x128xi32, #tpu.memory_space<hbm>> -> memref<1x2x128xi32, #tpu.memory_space<hbm>>
        tpu.enqueue_dma source(%dma_start3A_320 : memref<1x2x128xi32, #tpu.memory_space<hbm>>) target(%dma_start3A_317 : memref<1x2x128xi32, #tpu.memory_space<vmem>>) target_semaphore(%run_scoped3A_296 : memref<!tpu.dma_semaphore, #tpu.memory_space<semaphore_mem>>)
        %dma_wait3A_321 = arith.constant 0 : i32
        %dma_wait3A_322 = arith.constant 0 : i32
        %dma_wait3A_323 = arith.constant 0 : i32
        %dma_wait3A_324 = tpu.memref_slice %arg6[%run_scoped3A_262, %dma_wait3A_321, %dma_wait3A_322, %dma_wait3A_323] : memref<2x32x2x128xi32, #tpu.memory_space<vmem>> -> memref<1x32x2x128xi32, #tpu.memory_space<vmem>>
        %dma_wait3A_325 = tpu.memref_squeeze %dma_wait3A_324 : memref<1x32x2x128xi32, #tpu.memory_space<vmem>> -> memref<32x2x128xi32, #tpu.memory_space<vmem>>
        %dma_wait3A_326 = arith.constant 0 : i32
        %dma_wait3A_327 = arith.constant 0 : i32
        %dma_wait3A_328 = arith.constant 0 : i32
        %dma_wait3A_329 = tpu.memref_slice %dma_wait3A_325[%dma_wait3A_326, %dma_wait3A_327, %dma_wait3A_328] : memref<32x2x128xi32, #tpu.memory_space<vmem>> -> memref<1x2x128xi32, #tpu.memory_space<vmem>>
        %dma_wait3A_330 = arith.constant 0 : i32
        %dma_wait3A_331 = arith.constant 0 : i32
        %dma_wait3A_332 = tpu.memref_slice %arg3[%add3A_261, %dma_wait3A_330, %dma_wait3A_331] : memref<2500x2x128xi32, #tpu.memory_space<hbm>> -> memref<1x2x128xi32, #tpu.memory_space<hbm>>
        %dma_wait3A_333 = arith.constant 0 : i32
        %dma_wait3A_334 = arith.constant 0 : i32
        %dma_wait3A_335 = arith.constant 0 : i32
        %dma_wait3A_336 = tpu.memref_slice %arg6[%run_scoped3A_262, %dma_wait3A_333, %dma_wait3A_334, %dma_wait3A_335] : memref<2x32x2x128xi32, #tpu.memory_space<vmem>> -> memref<1x32x2x128xi32, #tpu.memory_space<vmem>>
        %dma_wait3A_337 = tpu.memref_squeeze %dma_wait3A_336 : memref<1x32x2x128xi32, #tpu.memory_space<vmem>> -> memref<32x2x128xi32, #tpu.memory_space<vmem>>
        %dma_wait3A_338 = arith.constant 0 : i32
        %dma_wait3A_339 = arith.constant 0 : i32
        %dma_wait3A_340 = arith.constant 0 : i32
        %dma_wait3A_341 = tpu.memref_slice %dma_wait3A_337[%dma_wait3A_338, %dma_wait3A_339, %dma_wait3A_340] : memref<32x2x128xi32, #tpu.memory_space<vmem>> -> memref<1x2x128xi32, #tpu.memory_space<vmem>>
        %dma_wait3A_342 = arith.constant 0 : i32
        %dma_wait3A_343 = arith.constant 0 : i32
        %dma_wait3A_344 = tpu.memref_slice %arg3[%add3A_261, %dma_wait3A_342, %dma_wait3A_343] : memref<2500x2x128xi32, #tpu.memory_space<hbm>> -> memref<1x2x128xi32, #tpu.memory_space<hbm>>
        tpu.wait_dma2 semaphore(%run_scoped3A_296 : memref<!tpu.dma_semaphore, #tpu.memory_space<semaphore_mem>>) src(%dma_wait3A_344 : memref<1x2x128xi32, #tpu.memory_space<hbm>>) dst(%dma_wait3A_341 : memref<1x2x128xi32, #tpu.memory_space<vmem>>)
        tpu.yield
      }) : () -> ()
      %dma_start3A_263 = arith.constant 0 : i32
      %dma_start3A_264 = arith.constant 0 : i32
      %dma_start3A_265 = arith.constant 0 : i32
      %dma_start3A_266 = arith.constant 0 : i32
      %dma_start3A_267 = arith.constant 0 : i32
      %dma_start3A_268 = arith.constant 0 : i32
      %dma_start3A_269 = tpu.memref_slice %arg7[%dma_start3A_266, %dma_start3A_267, %dma_start3A_268] : memref<2x128x128xf32, #tpu.memory_space<vmem>> -> memref<1x128x128xf32, #tpu.memory_space<vmem>>
      %dma_start3A_270 = tpu.memref_squeeze %dma_start3A_269 : memref<1x128x128xf32, #tpu.memory_space<vmem>> -> memref<128x128xf32, #tpu.memory_space<vmem>>
      %dma_start3A_271 = arith.constant 0 : i32
      %dma_start3A_272 = tpu.memref_slice %arg6[%dma_start3A_263, %dma_start3A_264, %dma_start3A_265, %dma_start3A_271] : memref<2x32x2x128xi32, #tpu.memory_space<vmem>> -> memref<1x1x1x128xi32, #tpu.memory_space<vmem>>
      %dma_start3A_273 = tpu.memref_squeeze %dma_start3A_272 : memref<1x1x1x128xi32, #tpu.memory_space<vmem>> -> memref<128xi32, #tpu.memory_space<vmem>>
      %dma_start3A_274 = arith.constant 0 : i32
      %dma_start3A_275 = arith.constant 0 : i32
      %dma_start3A_276 = tpu.memref_slice %arg2[%dma_start3A_274, %dma_start3A_275] : memref<10000x128xf32, #tpu.memory_space<hbm>> -> memref<10000x128xf32, #tpu.memory_space<hbm>>
      tpu.enqueue_indirect_dma source(%dma_start3A_276 : memref<10000x128xf32, #tpu.memory_space<hbm>>) target(%dma_start3A_270 : memref<128x128xf32, #tpu.memory_space<vmem>>) offsets(%dma_start3A_273 : memref<128xi32, #tpu.memory_space<vmem>>) semaphore(%arg8 : memref<!tpu.dma_semaphore, #tpu.memory_space<semaphore_mem>>)
      %dma_wait3A_277 = arith.constant 0 : i32
      %dma_wait3A_278 = arith.constant 0 : i32
      %dma_wait3A_279 = arith.constant 0 : i32
      %dma_wait3A_280 = tpu.memref_slice %arg7[%dma_wait3A_277, %dma_wait3A_278, %dma_wait3A_279] : memref<2x128x128xf32, #tpu.memory_space<vmem>> -> memref<1x128x128xf32, #tpu.memory_space<vmem>>
      %dma_wait3A_281 = tpu.memref_squeeze %dma_wait3A_280 : memref<1x128x128xf32, #tpu.memory_space<vmem>> -> memref<128x128xf32, #tpu.memory_space<vmem>>
      %dma_wait3A_282 = arith.constant 0 : i32
      %dma_wait3A_283 = arith.constant 0 : i32
      %dma_wait3A_284 = tpu.memref_slice %arg2[%dma_wait3A_282, %dma_wait3A_283] : memref<10000x128xf32, #tpu.memory_space<hbm>> -> memref<128x128xf32, #tpu.memory_space<hbm>>
      %dma_wait3A_285 = arith.constant 0 : i32
      %dma_wait3A_286 = arith.constant 0 : i32
      %dma_wait3A_287 = tpu.memref_slice %arg7[%dma_wait3A_277, %dma_wait3A_285, %dma_wait3A_286] : memref<2x128x128xf32, #tpu.memory_space<vmem>> -> memref<1x128x128xf32, #tpu.memory_space<vmem>>
      %dma_wait3A_288 = tpu.memref_squeeze %dma_wait3A_287 : memref<1x128x128xf32, #tpu.memory_space<vmem>> -> memref<128x128xf32, #tpu.memory_space<vmem>>
      %dma_wait3A_289 = arith.constant 0 : i32
      %dma_wait3A_290 = arith.constant 0 : i32
      %dma_wait3A_291 = tpu.memref_slice %arg2[%dma_wait3A_289, %dma_wait3A_290] : memref<10000x128xf32, #tpu.memory_space<hbm>> -> memref<128x128xf32, #tpu.memory_space<hbm>>
      tpu.wait_dma2 semaphore(%arg8 : memref<!tpu.dma_semaphore, #tpu.memory_space<semaphore_mem>>) src(%dma_wait3A_291 : memref<128x128xf32, #tpu.memory_space<hbm>>) dst(%dma_wait3A_288 : memref<128x128xf32, #tpu.memory_space<vmem>>)
      %run_scoped3A_292 = arith.constant 0 : i32
      %run_scoped3A_293 = arith.constant 0 : i32
      %run_scoped3A_294 = arith.constant 0 : i32
      %run_scoped3A_295 = arith.constant 1 : i32
      "tpu.region"() ({
        %run_scoped3A_296 = tpu.sem_alloc : memref<!tpu.dma_semaphore, #tpu.memory_space<semaphore_mem>>
        %dma_start3A_297 = arith.constant 0 : i32
        %dma_start3A_298 = arith.constant 0 : i32
        %dma_start3A_299 = tpu.memref_slice %arg7[%run_scoped3A_292, %dma_start3A_297, %dma_start3A_298] : memref<2x128x128xf32, #tpu.memory_space<vmem>> -> memref<1x128x128xf32, #tpu.memory_space<vmem>>
        %dma_start3A_300 = tpu.memref_squeeze %dma_start3A_299 : memref<1x128x128xf32, #tpu.memory_space<vmem>> -> memref<128x128xf32, #tpu.memory_space<vmem>>
        %dma_start3A_301 = arith.constant 0 : i32
        %dma_start3A_302 = tpu.memref_slice %arg6[%run_scoped3A_293, %run_scoped3A_294, %run_scoped3A_295, %dma_start3A_301] : memref<2x32x2x128xi32, #tpu.memory_space<vmem>> -> memref<1x1x1x128xi32, #tpu.memory_space<vmem>>
        %dma_start3A_303 = tpu.memref_squeeze %dma_start3A_302 : memref<1x1x1x128xi32, #tpu.memory_space<vmem>> -> memref<128xi32, #tpu.memory_space<vmem>>
        %dma_start3A_304 = arith.constant 0 : i32
        %dma_start3A_305 = arith.constant 0 : i32
        %dma_start3A_306 = tpu.memref_slice %arg5[%dma_start3A_304, %dma_start3A_305] : memref<10112x128xf32, #tpu.memory_space<vmem_shared>> -> memref<10112x128xf32, #tpu.memory_space<vmem_shared>>
        tpu.enqueue_indirect_dma source(%dma_start3A_300 : memref<128x128xf32, #tpu.memory_space<vmem>>) target(%dma_start3A_306 : memref<10112x128xf32, #tpu.memory_space<vmem_shared>>) offsets(%dma_start3A_303 : memref<128xi32, #tpu.memory_space<vmem>>) semaphore(%run_scoped3A_296 : memref<!tpu.dma_semaphore, #tpu.memory_space<semaphore_mem>>) {add = true}
        %dma_wait3A_307 = arith.constant 0 : i32
        %dma_wait3A_308 = arith.constant 0 : i32
        %dma_wait3A_309 = tpu.memref_slice %arg7[%run_scoped3A_292, %dma_wait3A_307, %dma_wait3A_308] : memref<2x128x128xf32, #tpu.memory_space<vmem>> -> memref<1x128x128xf32, #tpu.memory_space<vmem>>
        %dma_wait3A_310 = tpu.memref_squeeze %dma_wait3A_309 : memref<1x128x128xf32, #tpu.memory_space<vmem>> -> memref<128x128xf32, #tpu.memory_space<vmem>>
        %dma_wait3A_311 = arith.constant 0 : i32
        %dma_wait3A_312 = tpu.memref_slice %arg6[%run_scoped3A_293, %run_scoped3A_294, %run_scoped3A_295, %dma_wait3A_311] : memref<2x32x2x128xi32, #tpu.memory_space<vmem>> -> memref<1x1x1x128xi32, #tpu.memory_space<vmem>>
        %dma_wait3A_313 = tpu.memref_squeeze %dma_wait3A_312 : memref<1x1x1x128xi32, #tpu.memory_space<vmem>> -> memref<128xi32, #tpu.memory_space<vmem>>
        %dma_wait3A_314 = arith.constant 0 : i32
        %dma_wait3A_315 = arith.constant 0 : i32
        %dma_wait3A_316 = tpu.memref_slice %arg5[%dma_wait3A_314, %dma_wait3A_315] : memref<10112x128xf32, #tpu.memory_space<vmem_shared>> -> memref<10112x128xf32, #tpu.memory_space<vmem_shared>>
        tpu.wait_indirect_dma semaphore(%run_scoped3A_296 : memref<!tpu.dma_semaphore, #tpu.memory_space<semaphore_mem>>) src(%dma_wait3A_310 : memref<128x128xf32, #tpu.memory_space<vmem>>) dst(%dma_wait3A_316 : memref<10112x128xf32, #tpu.memory_space<vmem_shared>>)
        tpu.yield
      }) : () -> ()
    } else {
    }
    %barrier3A_255 = arith.constant 0 : index
    tpu.barrier barrier_id(%barrier3A_255)
    %mul3A_256 = arith.constant 632 : i32
    %mul3A_257 = arith.muli %arg1, %mul3A_256 : i32
    %mul3A_258 = arith.constant 632 : i32
    %mul3A_259 = arith.muli %arg1, %mul3A_258 : i32
    "tpu.region"() ({
      %run_scoped3A_260 = tpu.sem_alloc : memref<!tpu.dma_semaphore, #tpu.memory_space<semaphore_mem>>
      %dma_start3A_261 = arith.constant 0 : i32
      %dma_start3A_262 = tpu.memref_slice %arg4[%arg0, %mul3A_259, %dma_start3A_261] : memref<2x10112x128xf32, #tpu.memory_space<hbm>> -> memref<1x632x128xf32, #tpu.memory_space<hbm>>
      %dma_start3A_263 = tpu.memref_squeeze %dma_start3A_262 : memref<1x632x128xf32, #tpu.memory_space<hbm>> -> memref<632x128xf32, #tpu.memory_space<hbm>>
      %dma_start3A_264 = arith.constant 0 : i32
      %dma_start3A_265 = tpu.memref_slice %arg5[%mul3A_257, %dma_start3A_264] : memref<10112x128xf32, #tpu.memory_space<vmem_shared>> -> memref<632x128xf32, #tpu.memory_space<vmem_shared>>
      tpu.enqueue_dma source(%dma_start3A_265 : memref<632x128xf32, #tpu.memory_space<vmem_shared>>) target(%dma_start3A_263 : memref<632x128xf32, #tpu.memory_space<hbm>>) target_semaphore(%run_scoped3A_260 : memref<!tpu.dma_semaphore, #tpu.memory_space<semaphore_mem>>)
      %dma_wait3A_266 = arith.constant 0 : i32
      %dma_wait3A_267 = tpu.memref_slice %arg4[%arg0, %mul3A_259, %dma_wait3A_266] : memref<2x10112x128xf32, #tpu.memory_space<hbm>> -> memref<1x632x128xf32, #tpu.memory_space<hbm>>
      %dma_wait3A_268 = tpu.memref_squeeze %dma_wait3A_267 : memref<1x632x128xf32, #tpu.memory_space<hbm>> -> memref<632x128xf32, #tpu.memory_space<hbm>>
      %dma_wait3A_269 = arith.constant 0 : i32
      %dma_wait3A_270 = tpu.memref_slice %arg5[%mul3A_257, %dma_wait3A_269] : memref<10112x128xf32, #tpu.memory_space<vmem_shared>> -> memref<632x128xf32, #tpu.memory_space<vmem_shared>>
      tpu.wait_dma2 semaphore(%run_scoped3A_260 : memref<!tpu.dma_semaphore, #tpu.memory_space<semaphore_mem>>) src(%dma_wait3A_270 : memref<632x128xf32, #tpu.memory_space<vmem_shared>>) dst(%dma_wait3A_268 : memref<632x128xf32, #tpu.memory_space<hbm>>)
      tpu.yield
    }) : () -> ()
    return
  }
}

module attributes {stable_mosaic.version = 14 : i64} {
  func.func @body(%arg0: i32, %arg1: memref<5000x1xf32, #tpu.memory_space<vmem>>, %arg2: memref<5000x128xf32, #tpu.memory_space<vmem>>, %arg3: memref<5000x1xf32, #tpu.memory_space<vmem>>, %arg4: memref<5000x128xf32, #tpu.memory_space<vmem>>) attributes {dimension_semantics = [#tpu.dimension_semantics<arbitrary>], iteration_bounds = array<i64: 2>, scalar_prefetch = 0 : i64, scratch_operands = 0 : i64, tpu.core_type = #tpu.core_type<tc>, window_params = [{transform_indices = @transform_0, window_bounds = array<i64: 5000, 1>}, {transform_indices = @transform_1, window_bounds = array<i64: 5000, 128>}, {transform_indices = @transform_2, window_bounds = array<i64: 5000, 1>}, {transform_indices = @transform_3, window_bounds = array<i64: 5000, 128>}]} {
    %get3A = arith.constant 0 : index
    %get3A_0 = arith.constant 0 : index
    %get3A_1 = vector.load %arg1[%get3A, %get3A_0] : memref<5000x1xf32, #tpu.memory_space<vmem>>, vector<5000x1xf32>
    %add3A = arith.constant 1.000000e+00 : f32
    %add3A_2 = vector.broadcast %add3A : f32 to vector<5000x1xf32>
    %add3A_3 = arith.addf %get3A_1, %add3A_2 : vector<5000x1xf32>
    %rsqrt3A = math.rsqrt %add3A_3 : vector<5000x1xf32>
    %swap3A = arith.constant 0 : index
    %swap3A_4 = arith.constant 0 : index
    %swap3A_5 = vector.load %arg3[%swap3A, %swap3A_4] : memref<5000x1xf32, #tpu.memory_space<vmem>>, vector<5000x1xf32>
    tpu.vector_store %arg3[%swap3A, %swap3A_4], %rsqrt3A {strides = array<i32>} : memref<5000x1xf32, #tpu.memory_space<vmem>>, vector<5000x1xf32>,
    %get3A_6 = arith.constant 0 : index
    %get3A_7 = arith.constant 0 : index
    %get3A_8 = vector.load %arg2[%get3A_6, %get3A_7] : memref<5000x128xf32, #tpu.memory_space<vmem>>, vector<5000x128xf32>
    %mul3A = vector.broadcast %rsqrt3A : vector<5000x1xf32> to vector<5000x128xf32>
    %mul3A_9 = arith.mulf %get3A_8, %mul3A : vector<5000x128xf32>
    %swap3A_10 = arith.constant 0 : index
    %swap3A_11 = arith.constant 0 : index
    %swap3A_12 = vector.load %arg4[%swap3A_10, %swap3A_11] : memref<5000x128xf32, #tpu.memory_space<vmem>>, vector<5000x128xf32>
    tpu.vector_store %arg4[%swap3A_10, %swap3A_11], %mul3A_9 {strides = array<i32>} : memref<5000x128xf32, #tpu.memory_space<vmem>>, vector<5000x128xf32>,
    return
  }
  func.func @transform_0(%arg0: i32) -> (i32, i32) {
    %c0_i32 = arith.constant 0 : i32
    %c0_i32_0 = arith.constant 0 : i32
    return %arg0, %c0_i32 : i32, i32
  }
  func.func @transform_1(%arg0: i32) -> (i32, i32) {
    %c0_i32 = arith.constant 0 : i32
    %c0_i32_0 = arith.constant 0 : i32
    return %arg0, %c0_i32 : i32, i32
  }
  func.func @transform_2(%arg0: i32) -> (i32, i32) {
    %c0_i32 = arith.constant 0 : i32
    %c0_i32_0 = arith.constant 0 : i32
    return %arg0, %c0_i32 : i32, i32
  }
  func.func @transform_3(%arg0: i32) -> (i32, i32) {
    %c0_i32 = arith.constant 0 : i32
    %c0_i32_0 = arith.constant 0 : i32
    return %arg0, %c0_i32 : i32, i32
  }
}

module attributes {stable_mosaic.version = 14 : i64} {
  func.func @body(%arg0: i32, %arg1: memref<5000x128xf32, #tpu.memory_space<vmem>>, %arg2: memref<128x128xf32, #tpu.memory_space<vmem>>, %arg3: memref<5000x128xf32, #tpu.memory_space<vmem>>) attributes {dimension_semantics = [#tpu.dimension_semantics<arbitrary>], iteration_bounds = array<i64: 2>, scalar_prefetch = 0 : i64, scratch_operands = 0 : i64, tpu.core_type = #tpu.core_type<tc>, window_params = [{transform_indices = @transform_0, window_bounds = array<i64: 5000, 128>}, {pipeline_mode = #tpu.pipeline_mode<synchronous>, transform_indices = @transform_1, window_bounds = array<i64: 128, 128>}, {transform_indices = @transform_2, window_bounds = array<i64: 5000, 128>}]} {
    %get3A = arith.constant 0 : index
    %get3A_0 = arith.constant 0 : index
    %get3A_1 = vector.load %arg1[%get3A, %get3A_0] : memref<5000x128xf32, #tpu.memory_space<vmem>>, vector<5000x128xf32>
    %get3A_2 = arith.constant 0 : index
    %get3A_3 = arith.constant 0 : index
    %get3A_4 = vector.load %arg2[%get3A_2, %get3A_3] : memref<128x128xf32, #tpu.memory_space<vmem>>, vector<128x128xf32>
    %dot_general3A = arith.constant dense<0.000000e+00> : vector<5000x128xf32>
    %dot_general3A_5 = tpu.matmul %get3A_1, %get3A_4, %dot_general3A {dimension_numbers = #tpu.dot_dimension_numbers<[1], [0], [0], [1], [0, 0, 1, 1], [], []>, transpose_lhs_hint = false} : vector<5000x128xf32>, vector<128x128xf32>, vector<5000x128xf32> -> vector<5000x128xf32>
    %swap3A = arith.constant 0 : index
    %swap3A_6 = arith.constant 0 : index
    %swap3A_7 = vector.load %arg3[%swap3A, %swap3A_6] : memref<5000x128xf32, #tpu.memory_space<vmem>>, vector<5000x128xf32>
    tpu.vector_store %arg3[%swap3A, %swap3A_6], %dot_general3A_5 {strides = array<i32>} : memref<5000x128xf32, #tpu.memory_space<vmem>>, vector<5000x128xf32>,
    return
  }
  func.func @transform_0(%arg0: i32) -> (i32, i32) {
    %c0_i32 = arith.constant 0 : i32
    %c0_i32_0 = arith.constant 0 : i32
    return %arg0, %c0_i32 : i32, i32
  }
  func.func @transform_1(%arg0: i32) -> (i32, i32) {
    %c0_i32 = arith.constant 0 : i32
    %c0_i32_0 = arith.constant 0 : i32
    %c0_i32_1 = arith.constant 0 : i32
    return %c0_i32, %c0_i32_0 : i32, i32
  }
  func.func @transform_2(%arg0: i32) -> (i32, i32) {
    %c0_i32 = arith.constant 0 : i32
    %c0_i32_0 = arith.constant 0 : i32
    return %arg0, %c0_i32 : i32, i32
  }
}

module attributes {stable_mosaic.version = 14 : i64} {
  func.func @body(%arg0: i32, %arg1: memref<2x5000x128xf32, #tpu.memory_space<vmem>>, %arg2: memref<5000x128xf32, #tpu.memory_space<vmem>>, %arg3: memref<5000x1xf32, #tpu.memory_space<vmem>>, %arg4: memref<128xf32, #tpu.memory_space<vmem>>, %arg5: memref<128x128xf32, #tpu.memory_space<vmem>>, %arg6: memref<5000x128xf32, #tpu.memory_space<vmem>>) attributes {dimension_semantics = [#tpu.dimension_semantics<arbitrary>], iteration_bounds = array<i64: 2>, scalar_prefetch = 0 : i64, scratch_operands = 0 : i64, tpu.core_type = #tpu.core_type<tc>, window_params = [{transform_indices = @transform_0, window_bounds = array<i64: 2, 5000, 128>}, {transform_indices = @transform_1, window_bounds = array<i64: 5000, 128>}, {transform_indices = @transform_2, window_bounds = array<i64: 5000, 1>}, {pipeline_mode = #tpu.pipeline_mode<synchronous>, transform_indices = @transform_3, window_bounds = array<i64: 128>}, {pipeline_mode = #tpu.pipeline_mode<synchronous>, transform_indices = @transform_4, window_bounds = array<i64: 128, 128>}, {transform_indices = @transform_5, window_bounds = array<i64: 5000, 128>}]} {
    %get3A = arith.constant 0 : index
    %get3A_0 = arith.constant 0 : index
    %get3A_1 = arith.constant 0 : index
    %get3A_2 = vector.load %arg1[%get3A, %get3A_0, %get3A_1] : memref<2x5000x128xf32, #tpu.memory_space<vmem>>, vector<1x5000x128xf32>
    %get3A_3 = vector.shape_cast %get3A_2 : vector<1x5000x128xf32> to vector<5000x128xf32>
    %get3A_4 = arith.constant 1 : index
    %get3A_5 = arith.constant 0 : index
    %get3A_6 = arith.constant 0 : index
    %get3A_7 = vector.load %arg1[%get3A_4, %get3A_5, %get3A_6] : memref<2x5000x128xf32, #tpu.memory_space<vmem>>, vector<1x5000x128xf32>
    %get3A_8 = vector.shape_cast %get3A_7 : vector<1x5000x128xf32> to vector<5000x128xf32>
    %add3A = arith.addf %get3A_3, %get3A_8 : vector<5000x128xf32>
    %get3A_9 = arith.constant 0 : index
    %get3A_10 = arith.constant 0 : index
    %get3A_11 = vector.load %arg2[%get3A_9, %get3A_10] : memref<5000x128xf32, #tpu.memory_space<vmem>>, vector<5000x128xf32>
    %add3A_12 = arith.addf %add3A, %get3A_11 : vector<5000x128xf32>
    %get3A_13 = arith.constant 0 : index
    %get3A_14 = arith.constant 0 : index
    %get3A_15 = vector.load %arg3[%get3A_13, %get3A_14] : memref<5000x1xf32, #tpu.memory_space<vmem>>, vector<5000x1xf32>
    %mul3A = vector.broadcast %get3A_15 : vector<5000x1xf32> to vector<5000x128xf32>
    %mul3A_16 = arith.mulf %add3A_12, %mul3A : vector<5000x128xf32>
    %get3A_17 = arith.constant 0 : index
    %get3A_18 = vector.load %arg4[%get3A_17] : memref<128xf32, #tpu.memory_space<vmem>>, vector<128xf32>
    %broadcast_in_dim3A = vector.shape_cast %get3A_18 : vector<128xf32> to vector<1x128xf32>
    %add3A_19 = vector.broadcast %broadcast_in_dim3A : vector<1x128xf32> to vector<5000x128xf32>
    %add3A_20 = arith.addf %mul3A_16, %add3A_19 : vector<5000x128xf32>
    %max3A = arith.constant 0.000000e+00 : f32
    %max3A_21 = vector.broadcast %max3A : f32 to vector<5000x128xf32>
    %max3A_22 = arith.maximumf %add3A_20, %max3A_21 : vector<5000x128xf32>
    %get3A_23 = arith.constant 0 : index
    %get3A_24 = arith.constant 0 : index
    %get3A_25 = vector.load %arg5[%get3A_23, %get3A_24] : memref<128x128xf32, #tpu.memory_space<vmem>>, vector<128x128xf32>
    %dot_general3A = arith.constant dense<0.000000e+00> : vector<5000x128xf32>
    %dot_general3A_26 = tpu.matmul %max3A_22, %get3A_25, %dot_general3A {dimension_numbers = #tpu.dot_dimension_numbers<[1], [0], [0], [1], [0, 0, 1, 1], [], []>, transpose_lhs_hint = false} : vector<5000x128xf32>, vector<128x128xf32>, vector<5000x128xf32> -> vector<5000x128xf32>
    %mul3A_27 = vector.broadcast %get3A_15 : vector<5000x1xf32> to vector<5000x128xf32>
    %mul3A_28 = arith.mulf %dot_general3A_26, %mul3A_27 : vector<5000x128xf32>
    %swap3A = arith.constant 0 : index
    %swap3A_29 = arith.constant 0 : index
    %swap3A_30 = vector.load %arg6[%swap3A, %swap3A_29] : memref<5000x128xf32, #tpu.memory_space<vmem>>, vector<5000x128xf32>
    tpu.vector_store %arg6[%swap3A, %swap3A_29], %mul3A_28 {strides = array<i32>} : memref<5000x128xf32, #tpu.memory_space<vmem>>, vector<5000x128xf32>,
    return
  }
  func.func @transform_0(%arg0: i32) -> (i32, i32, i32) {
    %c0_i32 = arith.constant 0 : i32
    %c0_i32_0 = arith.constant 0 : i32
    %c0_i32_1 = arith.constant 0 : i32
    return %c0_i32, %arg0, %c0_i32_0 : i32, i32, i32
  }
  func.func @transform_1(%arg0: i32) -> (i32, i32) {
    %c0_i32 = arith.constant 0 : i32
    %c0_i32_0 = arith.constant 0 : i32
    return %arg0, %c0_i32 : i32, i32
  }
  func.func @transform_2(%arg0: i32) -> (i32, i32) {
    %c0_i32 = arith.constant 0 : i32
    %c0_i32_0 = arith.constant 0 : i32
    return %arg0, %c0_i32 : i32, i32
  }
  func.func @transform_3(%arg0: i32) -> i32 {
    %c0_i32 = arith.constant 0 : i32
    %c0_i32_0 = arith.constant 0 : i32
    return %c0_i32 : i32
  }
  func.func @transform_4(%arg0: i32) -> (i32, i32) {
    %c0_i32 = arith.constant 0 : i32
    %c0_i32_0 = arith.constant 0 : i32
    %c0_i32_1 = arith.constant 0 : i32
    return %c0_i32, %c0_i32_0 : i32, i32
  }
  func.func @transform_5(%arg0: i32) -> (i32, i32) {
    %c0_i32 = arith.constant 0 : i32
    %c0_i32_0 = arith.constant 0 : i32
    return %arg0, %c0_i32 : i32, i32
  }
}

module attributes {stable_mosaic.version = 14 : i64} {
  func.func @body(%arg0: i32, %arg1: memref<2x5000x128xf32, #tpu.memory_space<vmem>>, %arg2: memref<5000x128xf32, #tpu.memory_space<vmem>>, %arg3: memref<5000x1xf32, #tpu.memory_space<vmem>>, %arg4: memref<64xf32, #tpu.memory_space<vmem>>, %arg5: memref<5000x64xf32, #tpu.memory_space<vmem>>) attributes {dimension_semantics = [#tpu.dimension_semantics<arbitrary>], iteration_bounds = array<i64: 2>, scalar_prefetch = 0 : i64, scratch_operands = 0 : i64, tpu.core_type = #tpu.core_type<tc>, window_params = [{transform_indices = @transform_0, window_bounds = array<i64: 2, 5000, 128>}, {transform_indices = @transform_1, window_bounds = array<i64: 5000, 128>}, {transform_indices = @transform_2, window_bounds = array<i64: 5000, 1>}, {pipeline_mode = #tpu.pipeline_mode<synchronous>, transform_indices = @transform_3, window_bounds = array<i64: 64>}, {transform_indices = @transform_4, window_bounds = array<i64: 5000, 64>}]} {
    %get3A = arith.constant 0 : index
    %get3A_0 = arith.constant 0 : index
    %get3A_1 = arith.constant 0 : index
    %get3A_2 = vector.load %arg1[%get3A, %get3A_0, %get3A_1] : memref<2x5000x128xf32, #tpu.memory_space<vmem>>, vector<1x5000x128xf32>
    %get3A_3 = vector.shape_cast %get3A_2 : vector<1x5000x128xf32> to vector<5000x128xf32>
    %get3A_4 = arith.constant 1 : index
    %get3A_5 = arith.constant 0 : index
    %get3A_6 = arith.constant 0 : index
    %get3A_7 = vector.load %arg1[%get3A_4, %get3A_5, %get3A_6] : memref<2x5000x128xf32, #tpu.memory_space<vmem>>, vector<1x5000x128xf32>
    %get3A_8 = vector.shape_cast %get3A_7 : vector<1x5000x128xf32> to vector<5000x128xf32>
    %add3A = arith.addf %get3A_3, %get3A_8 : vector<5000x128xf32>
    %get3A_9 = arith.constant 0 : index
    %get3A_10 = arith.constant 0 : index
    %get3A_11 = vector.load %arg2[%get3A_9, %get3A_10] : memref<5000x128xf32, #tpu.memory_space<vmem>>, vector<5000x128xf32>
    %add3A_12 = arith.addf %add3A, %get3A_11 : vector<5000x128xf32>
    %get3A_13 = arith.constant 0 : index
    %get3A_14 = arith.constant 0 : index
    %get3A_15 = vector.load %arg3[%get3A_13, %get3A_14] : memref<5000x1xf32, #tpu.memory_space<vmem>>, vector<5000x1xf32>
    %mul3A = vector.broadcast %get3A_15 : vector<5000x1xf32> to vector<5000x128xf32>
    %mul3A_16 = arith.mulf %add3A_12, %mul3A : vector<5000x128xf32>
    %slice3A = vector.extract_strided_slice %mul3A_16 {offsets = [0, 0], sizes = [5000, 64], strides = [1, 1]} : vector<5000x128xf32> to vector<5000x64xf32>
    %get3A_17 = arith.constant 0 : index
    %get3A_18 = vector.load %arg4[%get3A_17] : memref<64xf32, #tpu.memory_space<vmem>>, vector<64xf32>
    %broadcast_in_dim3A = vector.shape_cast %get3A_18 : vector<64xf32> to vector<1x64xf32>
    %add3A_19 = vector.broadcast %broadcast_in_dim3A : vector<1x64xf32> to vector<5000x64xf32>
    %add3A_20 = arith.addf %slice3A, %add3A_19 : vector<5000x64xf32>
    %reduce_max3A = arith.constant dense<0xFF800000> : vector<5000xf32>
    %reduce_max3A_21 = vector.multi_reduction <maximumf>, %add3A_20, %reduce_max3A [1] : vector<5000x64xf32> to vector<5000xf32>
    %broadcast_in_dim3A_22 = vector.shape_cast %reduce_max3A_21 : vector<5000xf32> to vector<5000x1xf32>
    %sub3A = vector.broadcast %broadcast_in_dim3A_22 : vector<5000x1xf32> to vector<5000x64xf32>
    %sub3A_23 = arith.subf %add3A_20, %sub3A : vector<5000x64xf32>
    %exp3A = math.exp %sub3A_23 : vector<5000x64xf32>
    %reduce_sum3A = arith.constant dense<0.000000e+00> : vector<5000xf32>
    %reduce_sum3A_24 = vector.multi_reduction <add>, %exp3A, %reduce_sum3A [1] : vector<5000x64xf32> to vector<5000xf32>
    %broadcast_in_dim3A_25 = vector.shape_cast %reduce_sum3A_24 : vector<5000xf32> to vector<5000x1xf32>
    %log3A = math.log %broadcast_in_dim3A_25 : vector<5000x1xf32>
    %sub3A_26 = vector.broadcast %log3A : vector<5000x1xf32> to vector<5000x64xf32>
    %sub3A_27 = arith.subf %sub3A_23, %sub3A_26 : vector<5000x64xf32>
    %swap3A = arith.constant 0 : index
    %swap3A_28 = arith.constant 0 : index
    %swap3A_29 = vector.load %arg5[%swap3A, %swap3A_28] : memref<5000x64xf32, #tpu.memory_space<vmem>>, vector<5000x64xf32>
    tpu.vector_store %arg5[%swap3A, %swap3A_28], %sub3A_27 {strides = array<i32>} : memref<5000x64xf32, #tpu.memory_space<vmem>>, vector<5000x64xf32>,
    return
  }
  func.func @transform_0(%arg0: i32) -> (i32, i32, i32) {
    %c0_i32 = arith.constant 0 : i32
    %c0_i32_0 = arith.constant 0 : i32
    %c0_i32_1 = arith.constant 0 : i32
    return %c0_i32, %arg0, %c0_i32_0 : i32, i32, i32
  }
  func.func @transform_1(%arg0: i32) -> (i32, i32) {
    %c0_i32 = arith.constant 0 : i32
    %c0_i32_0 = arith.constant 0 : i32
    return %arg0, %c0_i32 : i32, i32
  }
  func.func @transform_2(%arg0: i32) -> (i32, i32) {
    %c0_i32 = arith.constant 0 : i32
    %c0_i32_0 = arith.constant 0 : i32
    return %arg0, %c0_i32 : i32, i32
  }
  func.func @transform_3(%arg0: i32) -> i32 {
    %c0_i32 = arith.constant 0 : i32
    %c0_i32_0 = arith.constant 0 : i32
    return %c0_i32 : i32
  }
  func.func @transform_4(%arg0: i32) -> (i32, i32) {
    %c0_i32 = arith.constant 0 : i32
    %c0_i32_0 = arith.constant 0 : i32
    return %arg0, %c0_i32 : i32, i32
  }
}

</mosaic_0001>

<sc_bundles>
// kernel: kernel.11.cloned.1.call-start
scs
__scs_entry_jumppad:
0x0: {  	(pc) =	sbr.rel $0x88, $3  }
0x1: {  	(tag) =	ssettag $0x0;
	lr =	simm.s32 $0x1  }
0x2: {  	[smem:$0x3F99] =	sst lr;
	_ =	strace $0xD0000000  }
0x3: {  	_ = 	snop  }
0x4: {  	_ = 	snop  }
0x5: {  	_ = 	snop  }
0x6: {  	_ = 	snop  }
0x7: {  	_ = 	snop  }
__scs_overlays_trampoline_lowered:
0x8: {  	[smem:$0x3FA8] =	sst s0  }
0x9: {  	[smem:$0x3FA9] =	sst s1  }
0xa: {  	[smem:$0x3FAA] =	sst s2  }
0xb: {  	[smem:$0x3FAB] =	sst s3  }
0xc: {  	[smem:$0x3FAC] =	sst s4  }
0xd: {  	[smem:$0x3FAD] =	sst s5  }
0xe: {  	[smem:$0x3FAE] =	sst s6  }
0xf: {  	[smem:$0x3FAF] =	sst s7  }
0x10: {  	[smem:$0x3FB0] =	sst s8  }
0x11: {  	[smem:$0x3FB1] =	sst s9;
	s0 =	simm.s32 @!p0 $0x0  }
0x12: {  	s1 =	sld [smem:$0x3F97];
	s0 =	simm.s32 @p0 $0x1  }
0x13: {  	[smem:$0x3FB2] =	sst s0;
	s0 =	simm.s32 @!p1 $0x0  }
0x14: {  	s2 =	sld [smem:$0x3F96];
	s0 =	simm.s32 @p1 $0x1  }
0x15: {  	[smem:$0x3FB3] =	sst s0;
	s0 =	simm.s32 @!p2 $0x0  }
0x16: {  	s3 =	sld [smem:$0x3FDB];
	s0 =	simm.s32 @p2 $0x1  }
0x17: {  	s4 =	simm.s32 $0x1BF5;
	[smem:$0x3FB5] =	sst s0  }
0x18: {  	s0 =	sld [smem:$0x3F98];
	_ =	swait.ge [sflag:s4], $0x0  }
0x19: {  	s7 =	sld [smem:$0x3F99]  }
0x1a: {  	s8 =	sadd.s32 $0xFFFFE003, lr  }
0x1b: {  	s9 =	sadd.s32 $0xFFFFFEF7, lr;
	s5 =	simm.s32 $0xFFFFFFFF;
	p2 =	slt.u32 s8, $0xFFFFF086  }
0x1c: {  	p1 =	slt.u32 s9, $0xF7A;
	s5 =	simm.s32 @!p2 $0x0  }
0x1d: {  	s5 =	simm.s32 @p1 $0x1;
	p0 =	seq.s32 s7, s2  }
0x1e: {  	s7 =	smul.u32 @!p0 $0xF7A, s2;
	p2 =	seq.s32 @!p0 s5, $0x0  }
0x1f: {  	s9 =	smul.u32 $0xF7A, s1;
	s8 =	simm.s32 @!p0 $0x1BF5;
	p2 =	por !p2, p0  }
0x20: {  	[sflag:s8] =	ssyncset.s32 @!p0 $0xFFFFF086;
	s6 =	sadd.s32 @!p0 s3, s7;
	s7 =	simm.s32 @!p0 $0x108  }
0x21: {  	s3 =	sadd.s32 s3, s9;
	s6 =	sadd.s32 @!p0 $0x88, s6;
	s7 =	simm.s32 @p2 $0x1082  }
0x22: {  	[simem:s7], [sflag:s8] =	dma.local @!p0 [hbm:s6], $0xF7A  }
0x23: {  	s9 =	sor.u32 $0xD0000000, s2;
	s6 =	simm.s32 $0x108;
	_ =	swait.ge @!p0 [sflag:s8], $0x0  }
0x24: {  	s3 =	sadd.s32 $0x88, s3;
	s6 =	simm.s32 @!p1 $0x1082;
	[sflag:s4] =	ssyncset.s32 $0xFFFFF086  }
0x25: {  	[simem:s6], [sflag:s4] =	dma.local [hbm:s3], $0xF7A  }
0x26: {  	[smem:$0x3F99] =	sst s1;
	(tag) =	ssettag s2;
	_ =	strace s9  }
0x27: {  	s1 =	sld [smem:$0x3FA9]  }
0x28: {  	s2 =	sld [smem:$0x3FAA]  }
0x29: {  	s4 =	sld [smem:$0x3FAC]  }
0x2a: {  	p0 =	seq.s32 s5, $0x0;
	s5 =	sld [smem:$0x3FAD]  }
0x2b: {  	s6 =	sld [smem:$0x3FAE]  }
0x2c: {  	s7 =	sld [smem:$0x3FAF]  }
0x2d: {  	s3 =	simm.s32 $0x108;
	s8 =	sld [smem:$0x3FB0]  }
0x2e: {  	s3 =	simm.s32 @!p0 $0x1082;
	s9 =	sld [smem:$0x3FB1]  }
0x2f: {  	lr =	sadd.s32 s0, s3;
	s0 =	sld [smem:$0x3FA8]  }
0x30: {  	s3 =	sld [smem:$0x3FAB]  }
0x31: {  	[smem:$0x3FB4] =	sst s10  }
0x32: {  	s10 =	sld [smem:$0x3FB2];
	_ =	sdelay $0x3  }
0x33: {  	p0 =	seq.s32 s10, $0x1;
	s10 =	sld [smem:$0x3FB4];
	_ =	sdelay $0x3  }
0x34: {  	[smem:$0x3FB4] =	sst s10  }
0x35: {  	s10 =	sld [smem:$0x3FB3];
	_ =	sdelay $0x3  }
0x36: {  	p1 =	seq.s32 s10, $0x1;
	s10 =	sld [smem:$0x3FB4];
	_ =	sdelay $0x3  }
0x37: {  	[smem:$0x3FB4] =	sst s10  }
0x38: {  	s10 =	sld [smem:$0x3FB5]  }
0x39: {  	_ = 	snop;
	(pc) =	sbr.ind lr, $3  }
0x3a: {  	_ = 	snop  }
0x3b: {  	_ = 	snop  }
0x3c: {  	p2 =	seq.s32 s10, $0x1;
	s10 =	sld [smem:$0x3FB4]  }
0x3d: {  	_ =	shalt  }
0x3e: {  	_ =	shalt  }
0x3f: {  	_ =	shalt  }
0x40: {  	_ =	shalt  }
0x41: {  	_ =	shalt  }
0x42: {  	_ =	shalt  }
0x43: {  	_ =	shalt  }
0x44: {  	_ =	shalt  }
0x45: {  	_ =	shalt  }
0x46: {  	_ =	shalt  }
0x47: {  	_ =	shalt  }
0x48: {  	_ =	shalt  }
0x49: {  	_ =	shalt  }
0x4a: {  	_ =	shalt  }
0x4b: {  	_ =	shalt  }
0x4c: {  	_ =	shalt  }
0x4d: {  	_ =	shalt  }
0x4e: {  	_ =	shalt  }
0x4f: {  	_ =	shalt  }
0x50: {  	_ =	shalt  }
0x51: {  	_ =	shalt  }
0x52: {  	_ =	shalt  }
0x53: {  	_ =	shalt  }
0x54: {  	_ =	shalt  }
0x55: {  	_ =	shalt  }
0x56: {  	_ =	shalt  }
0x57: {  	_ =	shalt  }
0x58: {  	_ =	shalt  }
0x59: {  	_ =	shalt  }
0x5a: {  	_ =	shalt  }
0x5b: {  	_ =	shalt  }
0x5c: {  	_ =	shalt  }
0x5d: {  	_ =	shalt  }
0x5e: {  	_ =	shalt  }
0x5f: {  	_ =	shalt  }
0x60: {  	_ =	shalt  }
0x61: {  	_ =	shalt  }
0x62: {  	_ =	shalt  }
0x63: {  	_ =	shalt  }
0x64: {  	_ =	shalt  }
0x65: {  	_ =	shalt  }
0x66: {  	_ =	shalt  }
0x67: {  	_ =	shalt  }
0x68: {  	_ =	shalt  }
0x69: {  	_ =	shalt  }
0x6a: {  	_ =	shalt  }
0x6b: {  	_ =	shalt  }
0x6c: {  	_ =	shalt  }
0x6d: {  	_ =	shalt  }
0x6e: {  	_ =	shalt  }
0x6f: {  	_ =	shalt  }
0x70: {  	_ =	shalt  }
0x71: {  	_ =	shalt  }
0x72: {  	_ =	shalt  }
0x73: {  	_ =	shalt  }
0x74: {  	_ =	shalt  }
0x75: {  	_ =	shalt  }
0x76: {  	_ =	shalt  }
0x77: {  	_ =	shalt  }
0x78: {  	_ =	shalt  }
0x79: {  	_ =	shalt  }
0x7a: {  	_ =	shalt  }
0x7b: {  	_ =	shalt  }
0x7c: {  	_ =	shalt  }
0x7d: {  	_ =	shalt  }
0x7e: {  	_ =	shalt  }
0x7f: {  	_ =	shalt  }
0x80: {  	_ =	shalt  }
0x81: {  	_ =	shalt  }
0x82: {  	_ =	shalt  }
0x83: {  	_ =	shalt  }
0x84: {  	_ =	shalt  }
0x85: {  	_ =	shalt  }
0x86: {  	_ =	shalt  }
0x87: {  	_ =	shalt  }
.Lfunc_end0:
.L_simem_size_0:
called_computation_lowered:
.L_overlay_start_0:
0x88: {  	s2 =	sld [smem:$0x3FD9]  }
0x89: {  	s3 =	sld [smem:$0x3FFE];
	_ =	sdelay $0x1  }
0x8a: {  	s1 =	srdreg.scid  }
0x8b: {  	s0 =	sand.u32 $0x1, s1  }
0x8c: {  	s18 =	sshll.u32 s0, $0xA;
	s2 =	sadd.s32 s3, s2  }
0x8d: {  	s2 =	sadd.s32 s2, s18  }
0x8e: {  	[smem:$0x3FC0] =	sst s2  }
0x8f: {  	_ = 	snop  }
0x90: {  	s2 =	sld [smem:$0x3FC8]  }
0x91: {  	s19 =	sld [smem:$0x3FD0];
	(tm) =	ssettm $0x1  }
0x92: {  	s4 =	sld [smem:$0x3FFB];
	_ =	sdelay $0x3  }
0x93: {  	_ =	strace s4  }
0x94: {  	s4 =	sld [smem:$0x3FFC];
	_ =	sdelay $0x3  }
0x95: {  	_ =	strace s4  }
0x96: {  	s4 =	sld [smem:$0x3FFD];
	_ =	sdelay $0x3  }
0x97: {  	_ =	strace s4  }
0x98: {  	_ =	strace $0x8FFFFFFF  }
0x99: {  	s20 =	sld [smem:$0x3FDB];
	_ =	sdelay $0x1  }
0x9a: {  	s5 =	simm.s32 $_scs_section_size  }
0x9b: {  	s6 =	simm.s32 $_size__tile_overlayer_lowered;
	s7 =	simm.s32 $_tile_overlayer_lowered  }
0x9c: {  	s23 =	simm.s32 $0x1BFF;
	s22 =	sshll.u32 s7, $0x1;
	s4 =	sadd.s32 s5, s20  }
0x9d: {  	s8 =	simm.s32 $0x0;
	s21 =	sshll.u32 s6, $0x1;
	s6 =	sadd.s32 s22, s4  }
0x9e: {  	[timem:s8], [sflag:s23] =	dma.local [hbm:s6], s21  }
0x9f: {  	_ =	swait.ge [sflag:s23], s21  }
0xa0: {  	s5 =	ssub.s32 $0x0, s21;
	[sflag:s23] =	ssyncset.done $0x0  }
0xa1: {  	[sflag:s23] =	ssyncadd.s32 s5;
	_ =	sdelay $0x1  }
0xa2: {  	s24 =	simm.s32 $0x1B8B  }
0xa3: {  	_ =	swait.ge [sflag:s24], $0x1  }
0xa4: {  	[sflag:s24] =	ssyncset.done $0x0  }
0xa5: {  	s25 =	simm.s32 $0x1B8E;
	[sflag:s24] =	ssyncadd.s32 $0xFFFFFFFF  }
0xa6: {  	s26 =	simm.s32 $execute0_lowered;
	[smem:$0x3FD2] =	sst s25  }
0xa7: {  	s5 =	sshll.u32 s26, $0x1;
	_ =	strace $0x80000046;
	[dreg:$0x1] =	wrdreg $0xFFFFFFFF  }
0xa8: {  	s28 =	simm.s32 $_size_execute0_lowered;
	s4 =	sadd.s32 s4, s5;
	[dreg:$0x0] =	wrdreg $0x0  }
0xa9: {  	s5 =	sshll.u32 s28, $0x1;
	[dreg:$0x2] =	wrdreg s4  }
0xaa: {  	[dreg:$0x3] =	wrdreg s5  }
0xab: {  	[dreg:$0x4] =	wrdreg $0xC0  }
0xac: {  	_ =	task [dreg:s8], $0x5FFFF  }
0xad: {  	[dreg:$0x1] =	wrdreg $0xFFFFFFFF  }
0xae: {  	[dreg:$0x0] =	wrdreg $0x60  }
0xaf: {  	[dreg:$0x2] =	wrdreg s2  }
0xb0: {  	[dreg:$0x3] =	wrdreg s19  }
0xb1: {  	[dreg:$0x4] =	wrdreg $0x0  }
0xb2: {  	[dreg:$0x5] =	wrdreg $0x9  }
0xb3: {  	_ =	task.clear_ibuf [dreg:s8], $0x6FFFF;
	_ =	strace $0x90000046  }
0xb4: {  	s29 =	simm.s32 $0x9;
	_ =	strace $0x80000048  }
0xb5: {  	_ =	swait.ge [sflag:s29], $0x1  }
0xb6: {  	[sflag:s29] =	ssyncadd.s32 $0xFFFFFFFF  }
0xb7: {  	_ =	strace $0x90000048  }
0xb8: {  	_ =	sfence  }
0xb9: {  	s30 =	sld [smem:$0x0];
	_ =	sdelay $0x2  }
0xba: {  	s31 =	sshll.u32 s1, $0xD;
	s1 =	sshrl.u32 s1, $0x2  }
0xbb: {  	s3 =	sand.u32 $0x4000, s31;
	s1 =	sadd.s32 s1, s30  }
0xbc: {  	s0 =	sor.u32 s3, s0;
	s1 =	sshll.u32 s1, $0x11  }
0xbd: {  	s0 =	sor.u32 s1, s0  }
0xbe: {  	s0 =	sadd.s32 $0x8F2B, s0  }
0xbf: {  	[sflag:s0] =	ssyncadd.remote.s32 $0x1  }
0xc0: {  	_ =	sfence.sel $0xFFFF  }
0xc1: {  	[dreg:$0x0] =	wrdreg $0xFFFFFFFF;
	(pc) =	sbr.abs _section_cstart, $3  }
0xc2: {  	[dreg:$0x1] =	wrdreg $0xFFFFFFFF  }
0xc3: {  	_ =	task.clear_ibuf [dreg:s8], $0x2FFFF;
	_ =	strace $0x9FFFFFFF  }
0xc4: {  	(tm) =	ssettm $0x7FFFFFFF  }
0xc5: {  	_ =	shalt  }
tec
execute0_lowered:
.L_overlay_start_1:
0x0: {  	(tag) =	ssettag $0x1  }
0x1: {  	s0 =	rddreg [dreg:$0x0]  }
0x2: {  	s2 =	rddreg [dreg:$0x1]  }
0x3: {  	s1 =	rddreg [dreg:$0x2]  }
0x4: {  	s3 =	srdreg.scid;
	s10 =	stileid.u32  }
0x5: {  	s12 =	simm.s32 $0x1;
	s13 =	simm.s32 $0x280;
	s14 =	simm.s32 $0x80  }
0x6: {  	s15 =	simm.s32 $0x2280;
	s19 =	simm.s32 $0x600;
	s20 =	simm.s32 $0x700  }
0x7: {  	s21 =	simm.s32 $0x800;
	s22 =	simm.s32 $0x900;
	s23 =	simm.s32 $0xA00  }
0x8: {  	s28 =	simm.s32 $0xE00;
	s29 =	simm.s32 $0xF00;
	s30 =	simm.s32 $0x1000  }
0x9: {  	s31 =	simm.s32 $0x20;
	s4 =	sand.u32 $0x1, s3;
	s8 =	smul.u32 $0xA00, s10  }
0xa: {  	s3 =	simm.s32 $0x0;
	s24 =	smul.u32 $0x500, s10;
	s5 =	sshll.u32 s4, $0x4  }
0xb: {  	[smem:$0x7FF] =	sst s3;
	s6 =	ssub.s32 $0x2, s4;
	s25 =	sshll.u32 s4, $0x7  }
0xc: {  	s11 =	sor.u32 s10, s5;
	_ =	strace $0x80000047;
	s9 =	sshrl.u32 s6, $0x1  }
0xd: {  	s8 =	sshrl.u32 s8, $0x2;
	s26 =	sor.u32 s25, s24;
	s5 =	smul.u32 $0x4E, s11  }
0xe: {  	s24 =	simm.s32 $0xB00;
	s25 =	simm.s32 $0xC00;
	s7 =	smin.u32 s11, $0x4  }
0xf: {  	s9 =	ssub.s32 s6, s9;
	p0 =	sgt.u32 s11, $0x3;
	s5 =	sadd.s32 s7, s5  }
0x10: {  	s11 =	simm.s32 $0x0;
	s9 =	smax.u32 s9, $0x1;
	s5 =	sshll.u32 s5, $0x5  }
0x11: {  	s4 =	sadd.s32 s0, s5;
	s5 =	sadd.s32 s8, s1;
	s0 =	sshrl.u32 s26, $0x3  }
0x12: {  	s26 =	simm.s32 $0xD00;
	s6 =	sadd.s32 $0x800, s4;
	s7 =	sadd.s32 $0x9C0, s4  }
0x13: {  	v0 =	vimm.f32 $1.000000000e+00;
	v1 =	vimm.f32 $0.0e+00;
	s8 =	sadd.s32 s2, s0;
	s10 =	sadd.s32 $0x400, s4;
	s0 =	simm.s32 $0x10  }
.LBB2_1:
0x14: {  	[tilespmem:$0x2280] =	vst v0  }
0x15: {  	[tilespmem:$0x2290] =	vst v0  }
0x16: {  	[tilespmem:$0x22A0] =	vst v0  }
0x17: {  	[tilespmem:$0x22B0] =	vst v0  }
0x18: {  	[tilespmem:$0x22C0] =	vst v0  }
0x19: {  	[tilespmem:$0x22D0] =	vst v0  }
0x1a: {  	[tilespmem:$0x22E0] =	vst v0  }
0x1b: {  	[tilespmem:$0x22F0] =	vst v0  }
0x1c: {  	[tilespmem:$0x2300] =	vst v1  }
0x1d: {  	[tilespmem:$0x2310] =	vst v1  }
0x1e: {  	[tilespmem:$0x2320] =	vst v1  }
0x1f: {  	[tilespmem:$0x2330] =	vst v1  }
0x20: {  	[tilespmem:$0x2340] =	vst v1  }
0x21: {  	[tilespmem:$0x2350] =	vst v1  }
0x22: {  	[tilespmem:$0x2360] =	vst v1  }
0x23: {  	[tilespmem:$0x2370] =	vst v1  }
0x24: {  	[tilespmem:$0x2380] =	vst v1  }
0x25: {  	[tilespmem:$0x2390] =	vst v1  }
0x26: {  	[tilespmem:$0x23A0] =	vst v1  }
0x27: {  	[tilespmem:$0x23B0] =	vst v1  }
0x28: {  	[tilespmem:$0x23C0] =	vst v1  }
0x29: {  	[tilespmem:$0x23D0] =	vst v1  }
0x2a: {  	[tilespmem:$0x23E0] =	vst v1  }
0x2b: {  	[tilespmem:$0x23F0] =	vst v1  }
0x2c: {  	[tilespmem:$0x2400] =	vst v1  }
0x2d: {  	[tilespmem:$0x2410] =	vst v1  }
0x2e: {  	[tilespmem:$0x2420] =	vst v1  }
0x2f: {  	[tilespmem:$0x2430] =	vst v1  }
0x30: {  	[tilespmem:$0x2440] =	vst v1  }
0x31: {  	[tilespmem:$0x2450] =	vst v1  }
0x32: {  	[tilespmem:$0x2460] =	vst v1  }
0x33: {  	[tilespmem:$0x2470] =	vst v1  }
0x34: {  	[tilespmem:$0x2480] =	vst v1  }
0x35: {  	[tilespmem:$0x2490] =	vst v1  }
0x36: {  	[tilespmem:$0x24A0] =	vst v1  }
0x37: {  	[tilespmem:$0x24B0] =	vst v1  }
0x38: {  	[tilespmem:$0x24C0] =	vst v1  }
0x39: {  	[tilespmem:$0x24D0] =	vst v1  }
0x3a: {  	[tilespmem:$0x24E0] =	vst v1  }
0x3b: {  	[tilespmem:$0x24F0] =	vst v1  }
0x3c: {  	[tilespmem:$0x2500] =	vst v1  }
0x3d: {  	[tilespmem:$0x2510] =	vst v1  }
0x3e: {  	[tilespmem:$0x2520] =	vst v1  }
0x3f: {  	[tilespmem:$0x2530] =	vst v1  }
0x40: {  	[tilespmem:$0x2540] =	vst v1  }
0x41: {  	[tilespmem:$0x2550] =	vst v1  }
0x42: {  	[tilespmem:$0x2560] =	vst v1  }
0x43: {  	[tilespmem:$0x2570] =	vst v1;
	s2 =	simm.s32 $0x2300  }
0x44: {  	[spmem:s5] =	stream.linear.scatter [tilespmem:s2], [sflag:$0x1], $0x280, $0x38;
	[tilespmem:$0x2580] =	vst v63  }
0x45: {  	_ =	swait.ge [sflag:s12], $0x280  }
0x46: {  	[sflag:s12] =	ssyncset.done $0x0  }
0x47: {  	[sflag:s12] =	ssyncadd.s32 $0xFFFFFD80  }
0x48: {  	[bflag:$0x0] =	sbarrier.arrive $0xFFFF  }
0x49: {  	[tilespmem:s13], [sflag:$0x1] =	stream.linear.gather [hbm4b:s4+s3], $0x2000, $0x38;
	[tilespmem:$0x2580] =	vst v63  }
0x4a: {  	_ =	swait.ge [sflag:s12], $0x2000  }
0x4b: {  	[sflag:s12] =	ssyncset.done $0x0  }
0x4c: {  	s18 =	simm.s32 $0x300;
	[sflag:s12] =	ssyncadd.s32 $0xFFFFE000  }
0x4d: {  	[spmem:s1] =	stream.indirect.scatter.add.f32 [tilespmem:s15], [sflag:$0x1], $0x1, s18, s14, $0xb8;
	[tilespmem:$0x2580] =	vst v63  }
0x4e: {  	s2 =	simm.s32 $0x400;
	_ =	swait.ge [sflag:s12], $0x80  }
.LBB2_2:
0x4f: {  	s16 =	sshra.s32 s2, $0x2;
	[sflag:s12] =	ssyncset.done $0x0;
	p1 =	sne.s32 s2, $0x7C00  }
.Ltmp0:
0x50: {  	s16 =	sadd.s32 $0x300, s16;
	[sflag:s12] =	ssyncadd.s32 $0xFFFFFF80;
	(pc) =	sbr.rel @p1 .LBB2_2-.Ltmp0, $3  }
0x51: {  	[spmem:s1] =	stream.indirect.scatter.add.f32 [tilespmem:s15], [sflag:$0x1], $0x1, s16, s14, $0xb8;
	[tilespmem:$0x2580] =	vst v63  }
0x52: {  	s2 =	sadd.s32 $0x400, s2;
	_ =	sdelay $0x1  }
0x53: {  	_ =	swait.ge [sflag:s12], $0x80  }
0x54: {  	[sflag:s12] =	ssyncset.done $0x0  }
0x55: {  	s2 =	simm.s32 $0x0;
	[sflag:s12] =	ssyncadd.s32 $0xFFFFFF80  }
0x56: {  	[tilespmem:s13], [sflag:$0x1] =	stream.linear.gather [hbm4b:s10+s2], $0x2000, $0x38;
	[tilespmem:$0x2580] =	vst v63  }
0x57: {  	_ =	swait.ge [sflag:s12], $0x2000  }
0x58: {  	[sflag:s12] =	ssyncset.done $0x0  }
0x59: {  	s18 =	simm.s32 $0x300;
	[sflag:s12] =	ssyncadd.s32 $0xFFFFE000  }
0x5a: {  	[spmem:s1] =	stream.indirect.scatter.add.f32 [tilespmem:s15], [sflag:$0x1], $0x1, s18, s14, $0xb8;
	[tilespmem:$0x2580] =	vst v63  }
0x5b: {  	s2 =	simm.s32 $0x400;
	_ =	swait.ge [sflag:s12], $0x80  }
.LBB2_4:
0x5c: {  	s16 =	sshra.s32 s2, $0x2;
	[sflag:s12] =	ssyncset.done $0x0;
	p1 =	sne.s32 s2, $0x7C00  }
.Ltmp1:
0x5d: {  	s16 =	sadd.s32 $0x300, s16;
	[sflag:s12] =	ssyncadd.s32 $0xFFFFFF80;
	(pc) =	sbr.rel @p1 .LBB2_4-.Ltmp1, $3  }
0x5e: {  	[spmem:s1] =	stream.indirect.scatter.add.f32 [tilespmem:s15], [sflag:$0x1], $0x1, s16, s14, $0xb8;
	[tilespmem:$0x2580] =	vst v63  }
0x5f: {  	s2 =	sadd.s32 $0x400, s2;
	_ =	sdelay $0x1  }
0x60: {  	_ =	swait.ge [sflag:s12], $0x80  }
0x61: {  	[sflag:s12] =	ssyncset.done $0x0  }
0x62: {  	[sflag:s12] =	ssyncadd.s32 $0xFFFFFF80  }
0x63: {  	[tilespmem:s13], [sflag:$0x1] =	stream.linear.gather [hbm4b:s6+s3], $0xE00, $0x38;
	[tilespmem:$0x2580] =	vst v63  }
0x64: {  	_ =	swait.ge [sflag:s12], $0xE00  }
0x65: {  	[sflag:s12] =	ssyncset.done $0x0  }
0x66: {  	s2 =	simm.s32 $0x300;
	[sflag:s12] =	ssyncadd.s32 $0xFFFFF200  }
0x67: {  	[spmem:s1] =	stream.indirect.scatter.add.f32 [tilespmem:s15], [sflag:$0x1], $0x1, s2, s14, $0xb8;
	[tilespmem:$0x2580] =	vst v63  }
0x68: {  	_ =	swait.ge [sflag:s12], $0x80  }
0x69: {  	[sflag:s12] =	ssyncset.done $0x0  }
0x6a: {  	s18 =	simm.s32 $0x400;
	[sflag:s12] =	ssyncadd.s32 $0xFFFFFF80  }
0x6b: {  	[spmem:s1] =	stream.indirect.scatter.add.f32 [tilespmem:s15], [sflag:$0x1], $0x1, s18, s14, $0xb8;
	[tilespmem:$0x2580] =	vst v63  }
0x6c: {  	_ =	swait.ge [sflag:s12], $0x80  }
0x6d: {  	[sflag:s12] =	ssyncset.done $0x0  }
0x6e: {  	s16 =	simm.s32 $0x500;
	[sflag:s12] =	ssyncadd.s32 $0xFFFFFF80  }
0x6f: {  	[spmem:s1] =	stream.indirect.scatter.add.f32 [tilespmem:s15], [sflag:$0x1], $0x1, s16, s14, $0xb8;
	[tilespmem:$0x2580] =	vst v63  }
0x70: {  	_ =	swait.ge [sflag:s12], $0x80  }
0x71: {  	[sflag:s12] =	ssyncset.done $0x0  }
0x72: {  	[sflag:s12] =	ssyncadd.s32 $0xFFFFFF80  }
0x73: {  	[spmem:s1] =	stream.indirect.scatter.add.f32 [tilespmem:s15], [sflag:$0x1], $0x1, s19, s14, $0xb8;
	[tilespmem:$0x2580] =	vst v63  }
0x74: {  	_ =	swait.ge [sflag:s12], $0x80  }
0x75: {  	[sflag:s12] =	ssyncset.done $0x0  }
0x76: {  	[sflag:s12] =	ssyncadd.s32 $0xFFFFFF80  }
0x77: {  	[spmem:s1] =	stream.indirect.scatter.add.f32 [tilespmem:s15], [sflag:$0x1], $0x1, s20, s14, $0xb8;
	[tilespmem:$0x2580] =	vst v63  }
0x78: {  	_ =	swait.ge [sflag:s12], $0x80  }
0x79: {  	[sflag:s12] =	ssyncset.done $0x0  }
0x7a: {  	[sflag:s12] =	ssyncadd.s32 $0xFFFFFF80  }
0x7b: {  	[spmem:s1] =	stream.indirect.scatter.add.f32 [tilespmem:s15], [sflag:$0x1], $0x1, s21, s14, $0xb8;
	[tilespmem:$0x2580] =	vst v63  }
0x7c: {  	_ =	swait.ge [sflag:s12], $0x80  }
0x7d: {  	[sflag:s12] =	ssyncset.done $0x0  }
0x7e: {  	[sflag:s12] =	ssyncadd.s32 $0xFFFFFF80  }
0x7f: {  	[spmem:s1] =	stream.indirect.scatter.add.f32 [tilespmem:s15], [sflag:$0x1], $0x1, s22, s14, $0xb8;
	[tilespmem:$0x2580] =	vst v63  }
0x80: {  	_ =	swait.ge [sflag:s12], $0x80  }
0x81: {  	[sflag:s12] =	ssyncset.done $0x0  }
0x82: {  	[sflag:s12] =	ssyncadd.s32 $0xFFFFFF80  }
0x83: {  	[spmem:s1] =	stream.indirect.scatter.add.f32 [tilespmem:s15], [sflag:$0x1], $0x1, s23, s14, $0xb8;
	[tilespmem:$0x2580] =	vst v63  }
0x84: {  	_ =	swait.ge [sflag:s12], $0x80  }
0x85: {  	[sflag:s12] =	ssyncset.done $0x0  }
0x86: {  	[sflag:s12] =	ssyncadd.s32 $0xFFFFFF80  }
0x87: {  	[spmem:s1] =	stream.indirect.scatter.add.f32 [tilespmem:s15], [sflag:$0x1], $0x1, s24, s14, $0xb8;
	[tilespmem:$0x2580] =	vst v63  }
0x88: {  	_ =	swait.ge [sflag:s12], $0x80  }
0x89: {  	[sflag:s12] =	ssyncset.done $0x0  }
0x8a: {  	[sflag:s12] =	ssyncadd.s32 $0xFFFFFF80  }
0x8b: {  	[spmem:s1] =	stream.indirect.scatter.add.f32 [tilespmem:s15], [sflag:$0x1], $0x1, s25, s14, $0xb8;
	[tilespmem:$0x2580] =	vst v63  }
0x8c: {  	_ =	swait.ge [sflag:s12], $0x80  }
0x8d: {  	[sflag:s12] =	ssyncset.done $0x0  }
0x8e: {  	[sflag:s12] =	ssyncadd.s32 $0xFFFFFF80  }
0x8f: {  	[spmem:s1] =	stream.indirect.scatter.add.f32 [tilespmem:s15], [sflag:$0x1], $0x1, s26, s14, $0xb8;
	[tilespmem:$0x2580] =	vst v63  }
0x90: {  	_ =	swait.ge [sflag:s12], $0x80  }
0x91: {  	[sflag:s12] =	ssyncset.done $0x0  }
0x92: {  	[sflag:s12] =	ssyncadd.s32 $0xFFFFFF80  }
0x93: {  	[spmem:s1] =	stream.indirect.scatter.add.f32 [tilespmem:s15], [sflag:$0x1], $0x1, s28, s14, $0xb8;
	[tilespmem:$0x2580] =	vst v63  }
0x94: {  	_ =	swait.ge [sflag:s12], $0x80  }
0x95: {  	[sflag:s12] =	ssyncset.done $0x0  }
0x96: {  	[sflag:s12] =	ssyncadd.s32 $0xFFFFFF80  }
0x97: {  	[spmem:s1] =	stream.indirect.scatter.add.f32 [tilespmem:s15], [sflag:$0x1], $0x1, s29, s14, $0xb8;
	[tilespmem:$0x2580] =	vst v63  }
0x98: {  	_ =	swait.ge [sflag:s12], $0x80  }
0x99: {  	[sflag:s12] =	ssyncset.done $0x0  }
0x9a: {  	[sflag:s12] =	ssyncadd.s32 $0xFFFFFF80  }
0x9b: {  	[spmem:s1] =	stream.indirect.scatter.add.f32 [tilespmem:s15], [sflag:$0x1], $0x1, s30, s14, $0xb8;
	[tilespmem:$0x2580] =	vst v63  }
0x9c: {  	_ =	swait.ge [sflag:s12], $0x80  }
0x9d: {  	[sflag:s12] =	ssyncset.done $0x0  }
0x9e: {  	s2 =	simm.s32 @!p0 $0x0;
	s16 =	simm.s32 @!p0 $0x280;
	[sflag:s12] =	ssyncadd.s32 $0xFFFFFF80  }
0x9f: {  	[tilespmem:s16], [sflag:$0x1] =	stream.linear.gather @!p0 [hbm4b:s7+s2], $0x100, $0x38;
	[tilespmem:$0x2580] =	vst v63  }
0xa0: {  	s2 =	simm.s32 @!p0 $0x1  }
0xa1: {  	_ =	swait.ge @!p0 [sflag:s2], $0x100  }
0xa2: {  	s17 =	simm.s32 @!p0 $0x300;
	[sflag:s2] =	ssyncset.done @!p0 $0x0  }
0xa3: {  	s18 =	simm.s32 @!p0 $0x2280;
	s16 =	simm.s32 @!p0 $0x80;
	[sflag:s2] =	ssyncadd.s32 @!p0 $0xFFFFFF00  }
0xa4: {  	[spmem:s1] =	stream.indirect.scatter.add.f32 @!p0 [tilespmem:s18], [sflag:$0x1], $0x1, s17, s16, $0xb8;
	[tilespmem:$0x2580] =	vst v63  }
0xa5: {  	s11 =	sadd.s32 $0x1, s11;
	_ =	swait.ge @!p0 [sflag:s2], $0x80  }
0xa6: {  	p1 =	sne.s32 s11, s9;
	s17 =	stileid.u32;
	[sflag:s2] =	ssyncset.done @!p0 $0x0  }
0xa7: {  	s18 =	sshrl.u32 s5, $0x3;
	[sflag:s2] =	ssyncadd.s32 @!p0 $0xFFFFFF80;
	s2 =	sshll.u32 s17, $0x6  }
.Ltmp2:
0xa8: {  	[bflag:$0x0] =	sbarrier.arrive $0xFFFF;
	s2 =	sor.u32 $0x1C01, s2;
	(pc) =	sbr.rel @p1 .LBB2_1-.Ltmp2, $4  }
0xa9: {  	[hbm:s8@s31], [sflag:s2] =	dma.strided [spmem:s18@s0], $0x50, s12, $0x10   }
0xaa: {  	_ =	swait.ge [sflag:s12], $0x50  }
0xab: {  	[sflag:s12] =	ssyncset.done $0x0  }
0xac: {  	[sflag:s12] =	ssyncadd.s32 $0xFFFFFFB0  }
0xad: {  	_ =	sfence.sel $0x180000  }
0xae: {  	[bflag:$0x0] =	sbarrier.arrive $0xFFFF  }
0xaf: {  	_ =	strace $0x90000047  }
0xb0: {  	s0 =	stileid.u32;
	[bflag:$0x2] =	sbarrier.arrive $0xFFFF  }
0xb1: {  	p0 =	sne.s32 s0, $0x0;
	s0 =	rddreg [dreg:$0x3]  }
0xb2: {  	s0 =	sadd.s32 @!p0 $0x100000, s0  }
0xb3: {  	[sflag:s0] =	ssyncadd.tile.s32 @!p0 $0x1;
	_ =	shalt  }
.Lfunc_end2:
_tile_overlayer_lowered:
.L_overlay_start_2:
0xb4: {  	(tag) =	ssettag $0x2  }
0xb5: {  	s0 =	rddreg [dreg:$0x0];
	s2 =	stileid.u32  }
0xb6: {  	s1 =	rddreg [dreg:$0x1];
	p0 =	sne.s32 s2, $0x0  }
0xb7: {  	s3 =	rddreg [dreg:$0x2];
	[bflag:$0x3] =	sbarrier.arrive $0xFFFF;
	s2 =	simm.s32 @!p0 $0x1C01  }
0xb8: {  	[timem:s3], [sflag:s2] =	dma.local @!p0 [hbm:s0], s1  }
0xb9: {  	s0 =	simm.s32 @!p0 $0x1  }
0xba: {  	_ =	swait.ge @!p0 [sflag:s0], s1  }
0xbb: {  	s1 =	ssub.s32 @!p0 $0x0, s1;
	[sflag:s0] =	ssyncset.done @!p0 $0x0  }
0xbc: {  	[sflag:s0] =	ssyncadd.s32 @!p0 s1  }
0xbd: {  	[bflag:$0x3] =	sbarrier.arrive $0xFFFF  }
0xbe: {  	_ =	shalt  }

// kernel: kernel.14.cloned.1.call-start
scs
__scs_entry_jumppad:
0x0: {  	(pc) =	sbr.rel $0x88, $3  }
0x1: {  	(tag) =	ssettag $0x0;
	lr =	simm.s32 $0x1  }
0x2: {  	[smem:$0x3F99] =	sst lr;
	_ =	strace $0xD0000000  }
0x3: {  	_ = 	snop  }
0x4: {  	_ = 	snop  }
0x5: {  	_ = 	snop  }
0x6: {  	_ = 	snop  }
0x7: {  	_ = 	snop  }
__scs_overlays_trampoline_lowered:
0x8: {  	[smem:$0x3FA8] =	sst s0  }
0x9: {  	[smem:$0x3FA9] =	sst s1  }
0xa: {  	[smem:$0x3FAA] =	sst s2  }
0xb: {  	[smem:$0x3FAB] =	sst s3  }
0xc: {  	[smem:$0x3FAC] =	sst s4  }
0xd: {  	[smem:$0x3FAD] =	sst s5  }
0xe: {  	[smem:$0x3FAE] =	sst s6  }
0xf: {  	[smem:$0x3FAF] =	sst s7  }
0x10: {  	[smem:$0x3FB0] =	sst s8  }
0x11: {  	[smem:$0x3FB1] =	sst s9;
	s0 =	simm.s32 @!p0 $0x0  }
0x12: {  	s1 =	sld [smem:$0x3F97];
	s0 =	simm.s32 @p0 $0x1  }
0x13: {  	[smem:$0x3FB2] =	sst s0;
	s0 =	simm.s32 @!p1 $0x0  }
0x14: {  	s2 =	sld [smem:$0x3F96];
	s0 =	simm.s32 @p1 $0x1  }
0x15: {  	[smem:$0x3FB3] =	sst s0;
	s0 =	simm.s32 @!p2 $0x0  }
0x16: {  	s3 =	sld [smem:$0x3FDB];
	s0 =	simm.s32 @p2 $0x1  }
0x17: {  	s4 =	simm.s32 $0x1BF5;
	[smem:$0x3FB5] =	sst s0  }
0x18: {  	s0 =	sld [smem:$0x3F98];
	_ =	swait.ge [sflag:s4], $0x0  }
0x19: {  	s7 =	sld [smem:$0x3F99]  }
0x1a: {  	s8 =	sadd.s32 $0xFFFFE003, lr  }
0x1b: {  	s9 =	sadd.s32 $0xFFFFFEF7, lr;
	s5 =	simm.s32 $0xFFFFFFFF;
	p2 =	slt.u32 s8, $0xFFFFF086  }
0x1c: {  	p1 =	slt.u32 s9, $0xF7A;
	s5 =	simm.s32 @!p2 $0x0  }
0x1d: {  	s5 =	simm.s32 @p1 $0x1;
	p0 =	seq.s32 s7, s2  }
0x1e: {  	s7 =	smul.u32 @!p0 $0xF7A, s2;
	p2 =	seq.s32 @!p0 s5, $0x0  }
0x1f: {  	s9 =	smul.u32 $0xF7A, s1;
	s8 =	simm.s32 @!p0 $0x1BF5;
	p2 =	por !p2, p0  }
0x20: {  	[sflag:s8] =	ssyncset.s32 @!p0 $0xFFFFF086;
	s6 =	sadd.s32 @!p0 s3, s7;
	s7 =	simm.s32 @!p0 $0x108  }
0x21: {  	s3 =	sadd.s32 s3, s9;
	s6 =	sadd.s32 @!p0 $0x88, s6;
	s7 =	simm.s32 @p2 $0x1082  }
0x22: {  	[simem:s7], [sflag:s8] =	dma.local @!p0 [hbm:s6], $0xF7A  }
0x23: {  	s9 =	sor.u32 $0xD0000000, s2;
	s6 =	simm.s32 $0x108;
	_ =	swait.ge @!p0 [sflag:s8], $0x0  }
0x24: {  	s3 =	sadd.s32 $0x88, s3;
	s6 =	simm.s32 @!p1 $0x1082;
	[sflag:s4] =	ssyncset.s32 $0xFFFFF086  }
0x25: {  	[simem:s6], [sflag:s4] =	dma.local [hbm:s3], $0xF7A  }
0x26: {  	[smem:$0x3F99] =	sst s1;
	(tag) =	ssettag s2;
	_ =	strace s9  }
0x27: {  	s1 =	sld [smem:$0x3FA9]  }
0x28: {  	s2 =	sld [smem:$0x3FAA]  }
0x29: {  	s4 =	sld [smem:$0x3FAC]  }
0x2a: {  	p0 =	seq.s32 s5, $0x0;
	s5 =	sld [smem:$0x3FAD]  }
0x2b: {  	s6 =	sld [smem:$0x3FAE]  }
0x2c: {  	s7 =	sld [smem:$0x3FAF]  }
0x2d: {  	s3 =	simm.s32 $0x108;
	s8 =	sld [smem:$0x3FB0]  }
0x2e: {  	s3 =	simm.s32 @!p0 $0x1082;
	s9 =	sld [smem:$0x3FB1]  }
0x2f: {  	lr =	sadd.s32 s0, s3;
	s0 =	sld [smem:$0x3FA8]  }
0x30: {  	s3 =	sld [smem:$0x3FAB]  }
0x31: {  	[smem:$0x3FB4] =	sst s10  }
0x32: {  	s10 =	sld [smem:$0x3FB2];
	_ =	sdelay $0x3  }
0x33: {  	p0 =	seq.s32 s10, $0x1;
	s10 =	sld [smem:$0x3FB4];
	_ =	sdelay $0x3  }
0x34: {  	[smem:$0x3FB4] =	sst s10  }
0x35: {  	s10 =	sld [smem:$0x3FB3];
	_ =	sdelay $0x3  }
0x36: {  	p1 =	seq.s32 s10, $0x1;
	s10 =	sld [smem:$0x3FB4];
	_ =	sdelay $0x3  }
0x37: {  	[smem:$0x3FB4] =	sst s10  }
0x38: {  	s10 =	sld [smem:$0x3FB5]  }
0x39: {  	_ = 	snop;
	(pc) =	sbr.ind lr, $3  }
0x3a: {  	_ = 	snop  }
0x3b: {  	_ = 	snop  }
0x3c: {  	p2 =	seq.s32 s10, $0x1;
	s10 =	sld [smem:$0x3FB4]  }
0x3d: {  	_ =	shalt  }
0x3e: {  	_ =	shalt  }
0x3f: {  	_ =	shalt  }
0x40: {  	_ =	shalt  }
0x41: {  	_ =	shalt  }
0x42: {  	_ =	shalt  }
0x43: {  	_ =	shalt  }
0x44: {  	_ =	shalt  }
0x45: {  	_ =	shalt  }
0x46: {  	_ =	shalt  }
0x47: {  	_ =	shalt  }
0x48: {  	_ =	shalt  }
0x49: {  	_ =	shalt  }
0x4a: {  	_ =	shalt  }
0x4b: {  	_ =	shalt  }
0x4c: {  	_ =	shalt  }
0x4d: {  	_ =	shalt  }
0x4e: {  	_ =	shalt  }
0x4f: {  	_ =	shalt  }
0x50: {  	_ =	shalt  }
0x51: {  	_ =	shalt  }
0x52: {  	_ =	shalt  }
0x53: {  	_ =	shalt  }
0x54: {  	_ =	shalt  }
0x55: {  	_ =	shalt  }
0x56: {  	_ =	shalt  }
0x57: {  	_ =	shalt  }
0x58: {  	_ =	shalt  }
0x59: {  	_ =	shalt  }
0x5a: {  	_ =	shalt  }
0x5b: {  	_ =	shalt  }
0x5c: {  	_ =	shalt  }
0x5d: {  	_ =	shalt  }
0x5e: {  	_ =	shalt  }
0x5f: {  	_ =	shalt  }
0x60: {  	_ =	shalt  }
0x61: {  	_ =	shalt  }
0x62: {  	_ =	shalt  }
0x63: {  	_ =	shalt  }
0x64: {  	_ =	shalt  }
0x65: {  	_ =	shalt  }
0x66: {  	_ =	shalt  }
0x67: {  	_ =	shalt  }
0x68: {  	_ =	shalt  }
0x69: {  	_ =	shalt  }
0x6a: {  	_ =	shalt  }
0x6b: {  	_ =	shalt  }
0x6c: {  	_ =	shalt  }
0x6d: {  	_ =	shalt  }
0x6e: {  	_ =	shalt  }
0x6f: {  	_ =	shalt  }
0x70: {  	_ =	shalt  }
0x71: {  	_ =	shalt  }
0x72: {  	_ =	shalt  }
0x73: {  	_ =	shalt  }
0x74: {  	_ =	shalt  }
0x75: {  	_ =	shalt  }
0x76: {  	_ =	shalt  }
0x77: {  	_ =	shalt  }
0x78: {  	_ =	shalt  }
0x79: {  	_ =	shalt  }
0x7a: {  	_ =	shalt  }
0x7b: {  	_ =	shalt  }
0x7c: {  	_ =	shalt  }
0x7d: {  	_ =	shalt  }
0x7e: {  	_ =	shalt  }
0x7f: {  	_ =	shalt  }
0x80: {  	_ =	shalt  }
0x81: {  	_ =	shalt  }
0x82: {  	_ =	shalt  }
0x83: {  	_ =	shalt  }
0x84: {  	_ =	shalt  }
0x85: {  	_ =	shalt  }
0x86: {  	_ =	shalt  }
0x87: {  	_ =	shalt  }
.Lfunc_end0:
.L_simem_size_0:
called_computation.1_lowered:
.L_overlay_start_0:
0x88: {  	s2 =	sld [smem:$0x3FD9]  }
0x89: {  	s3 =	sld [smem:$0x3FFE];
	_ =	sdelay $0x1  }
0x8a: {  	s1 =	srdreg.scid  }
0x8b: {  	s0 =	sand.u32 $0x1, s1  }
0x8c: {  	s17 =	sshll.u32 s0, $0xA;
	s2 =	sadd.s32 s3, s2  }
0x8d: {  	s2 =	sadd.s32 s2, s17  }
0x8e: {  	[smem:$0x3FC0] =	sst s2  }
0x8f: {  	_ = 	snop  }
0x90: {  	s2 =	sld [smem:$0x3FC8];
	(tm) =	ssettm $0x1  }
0x91: {  	s18 =	sld [smem:$0x3FFB];
	_ =	sdelay $0x3  }
0x92: {  	_ =	strace s18  }
0x93: {  	s3 =	sld [smem:$0x3FFC];
	_ =	sdelay $0x3  }
0x94: {  	_ =	strace s3  }
0x95: {  	s3 =	sld [smem:$0x3FFD];
	_ =	sdelay $0x3  }
0x96: {  	_ =	strace s3  }
0x97: {  	_ =	strace $0x8FFFFFFF  }
0x98: {  	s19 =	sld [smem:$0x3FDB];
	_ =	sdelay $0x1  }
0x99: {  	s4 =	simm.s32 $_scs_section_size  }
0x9a: {  	s5 =	simm.s32 $_size__tile_overlayer_lowered;
	s6 =	simm.s32 $_tile_overlayer_lowered  }
0x9b: {  	s22 =	simm.s32 $0x1BFF;
	s21 =	sshll.u32 s6, $0x1;
	s3 =	sadd.s32 s4, s19  }
0x9c: {  	s7 =	simm.s32 $0x0;
	s20 =	sshll.u32 s5, $0x1;
	s5 =	sadd.s32 s21, s3  }
0x9d: {  	[timem:s7], [sflag:s22] =	dma.local [hbm:s5], s20  }
0x9e: {  	_ =	swait.ge [sflag:s22], s20  }
0x9f: {  	s4 =	ssub.s32 $0x0, s20;
	[sflag:s22] =	ssyncset.done $0x0  }
0xa0: {  	[sflag:s22] =	ssyncadd.s32 s4;
	_ =	sdelay $0x1  }
0xa1: {  	s23 =	simm.s32 $0x1B8B  }
0xa2: {  	_ =	swait.ge [sflag:s23], $0x1  }
0xa3: {  	[sflag:s23] =	ssyncset.done $0x0  }
0xa4: {  	s25 =	simm.s32 $0x1B8E;
	s24 =	sld [smem:$0x3FFE];
	[sflag:s23] =	ssyncadd.s32 $0xFFFFFFFF  }
0xa5: {  	s26 =	simm.s32 $execute0_lowered;
	[smem:$0x3FD2] =	sst s25  }
0xa6: {  	s5 =	sshll.u32 s26, $0x1;
	_ =	strace $0x80000049;
	[dreg:$0x1] =	wrdreg $0xFFFFFFFF  }
0xa7: {  	s28 =	simm.s32 $_size_execute0_lowered;
	s3 =	sadd.s32 s3, s5;
	[dreg:$0x0] =	wrdreg $0x0  }
0xa8: {  	s5 =	sshll.u32 s28, $0x1;
	[dreg:$0x2] =	wrdreg s3  }
0xa9: {  	[dreg:$0x3] =	wrdreg s5  }
0xaa: {  	[dreg:$0x4] =	wrdreg $0xC0  }
0xab: {  	_ =	task [dreg:s7], $0x5FFFF  }
0xac: {  	[dreg:$0x1] =	wrdreg $0xFFFFFFFF  }
0xad: {  	[dreg:$0x0] =	wrdreg $0x60  }
0xae: {  	[dreg:$0x2] =	wrdreg s24  }
0xaf: {  	[dreg:$0x3] =	wrdreg s2  }
0xb0: {  	[dreg:$0x4] =	wrdreg $0x0  }
0xb1: {  	[dreg:$0x5] =	wrdreg $0x9  }
0xb2: {  	_ =	task.clear_ibuf [dreg:s7], $0x6FFFF;
	_ =	strace $0x90000049  }
0xb3: {  	s29 =	simm.s32 $0x9;
	_ =	strace $0x8000004B  }
0xb4: {  	_ =	swait.ge [sflag:s29], $0x1  }
0xb5: {  	[sflag:s29] =	ssyncadd.s32 $0xFFFFFFFF  }
0xb6: {  	_ =	strace $0x9000004B  }
0xb7: {  	_ =	sfence  }
0xb8: {  	s30 =	sld [smem:$0x0];
	_ =	sdelay $0x2  }
0xb9: {  	s31 =	sshll.u32 s1, $0xD;
	s1 =	sshrl.u32 s1, $0x2  }
0xba: {  	s3 =	sand.u32 $0x4000, s31;
	s1 =	sadd.s32 s1, s30  }
0xbb: {  	s0 =	sor.u32 s3, s0;
	s1 =	sshll.u32 s1, $0x11  }
0xbc: {  	s0 =	sor.u32 s1, s0  }
0xbd: {  	s0 =	sadd.s32 $0x8F2B, s0  }
0xbe: {  	[sflag:s0] =	ssyncadd.remote.s32 $0x1  }
0xbf: {  	_ =	sfence.sel $0xFFFF  }
0xc0: {  	[dreg:$0x0] =	wrdreg $0xFFFFFFFF;
	(pc) =	sbr.abs _section_cstart, $3  }
0xc1: {  	[dreg:$0x1] =	wrdreg $0xFFFFFFFF  }
0xc2: {  	_ =	task.clear_ibuf [dreg:s7], $0x2FFFF;
	_ =	strace $0x9FFFFFFF  }
0xc3: {  	(tm) =	ssettm $0x7FFFFFFF  }
tec
execute0_lowered:
.L_overlay_start_1:
0x0: {  	(tag) =	ssettag $0x1  }
0x1: {  	s0 =	rddreg [dreg:$0x0]  }
0x2: {  	s2 =	rddreg [dreg:$0x1]  }
0x3: {  	s1 =	rddreg [dreg:$0x2]  }
0x4: {  	s3 =	srdreg.scid;
	s8 =	stileid.u32  }
0x5: {  	s16 =	simm.s32 $0x17C00;
	s17 =	simm.s32 $0x3;
	s18 =	simm.s32 $0x13C00  }
0x6: {  	s19 =	simm.s32 $0x4;
	s20 =	simm.s32 $0x80;
	s21 =	simm.s32 $0x1BC00  }
0x7: {  	s22 =	simm.s32 $0x1;
	s23 =	simm.s32 $0x2;
	s7 =	smul.u32 $0x13C00, s8  }
0x8: {  	s25 =	simm.s32 $0x0;
	s5 =	sand.u32 $0x1, s3;
	s28 =	smul.u32 $0x4F000, s8  }
0x9: {  	s3 =	simm.s32 $0x0;
	s4 =	sadd.s32 $0x2C00, s0;
	s6 =	smul.u32 $0x13C000, s5  }
0xa: {  	[smem:$0x7FF] =	sst s3;
	s26 =	sshll.u32 s5, $0x4;
	s5 =	ssub.s32 $0x2, s5  }
0xb: {  	_ =	strace $0x8000004A;
	s24 =	sor.u32 s8, s26;
	s30 =	sshrl.u32 s5, $0x1  }
0xc: {  	s6 =	sadd.s32 s7, s6;
	s29 =	smul.u32 $0x4E, s24;
	s9 =	smin.u32 s24, $0x4  }
0xd: {  	s7 =	sshrl.u32 s28, $0x2;
	s15 =	ssub.s32 s5, s30;
	p0 =	sgt.u32 s24, $0x3  }
0xe: {  	s6 =	sshrl.u32 s6, $0x3;
	s5 =	sadd.s32 s7, s1;
	s15 =	smax.u32 s15, $0x1  }
0xf: {  	s0 =	sadd.s32 s6, s0;
	s31 =	sadd.s32 s9, s29;
	s6 =	sadd.s32 $0x4000, s5  }
0x10: {  	s7 =	sadd.s32 $0x8000, s5;
	s8 =	sadd.s32 $0xC000, s5;
	s10 =	sshll.u32 s31, $0x5  }
0x11: {  	s9 =	sadd.s32 $0x10000, s5;
	s14 =	sadd.s32 $0x29E00, s0;
	s10 =	sadd.s32 s2, s10  }
0x12: {  	v0 =	vimm.f32 $0.0e+00;
	s11 =	sadd.s32 $0x400, s10;
	s12 =	sadd.s32 $0x800, s10;
	s13 =	sadd.s32 $0x9C0, s10  }
.LBB2_1:
0x13: {  	s2 =	sand.u32 $0xFE00, s3  }
0x14: {  	s26 =	sand.u32 $0x70, s3;
	s28 =	sshrl.u32 s2, $0x2  }
0x15: {  	s2 =	simm.s32 $0x40;
	s28 =	sor.u32 s26, s28;
	s26 =	simm.s32 $0x0  }
.LBB2_2:
0x16: {  	p1 =	sne.s32 s2, $0xFFC0  }
0x17: {  	[tilespmem:s28+$0x17C00] =	vst v0;
	s26 =	sadd.s32 $0x10, s26;
	s28 =	smov.u32 s2;
	s2 =	sadd.s32 $0x40, s2  }
.Ltmp0:
0x18: {  	(pc) =	sbr.rel @p1 .LBB2_2-.Ltmp0, $4  }
0x19: {  	_ = 	snop  }
0x1a: {  	s28 =	sand.u32 $0xFE00, s28  }
0x1b: {  	s29 =	sand.u32 $0x70, s26;
	s28 =	sshrl.u32 s28, $0x2  }
0x1c: {  	s28 =	sor.u32 s29, s28  }
0x1d: {  	[tilespmem:s28+$0x17C00] =	vst v0  }
0x1e: {  	[spmem:s5] =	stream.linear.scatter [tilespmem:s16], [sflag:$0x3], $0x4000, $0x38;
	[tilespmem:$0x1FC00] =	vst v63  }
0x1f: {  	_ = 	snop  }
0x20: {  	[spmem:s6] =	stream.linear.scatter [tilespmem:s16], [sflag:$0x3], $0x4000, $0x38;
	[tilespmem:$0x1FC00] =	vst v63  }
0x21: {  	_ = 	snop  }
0x22: {  	[spmem:s7] =	stream.linear.scatter [tilespmem:s16], [sflag:$0x3], $0x4000, $0x38;
	[tilespmem:$0x1FC00] =	vst v63  }
0x23: {  	_ = 	snop  }
0x24: {  	[spmem:s8] =	stream.linear.scatter [tilespmem:s16], [sflag:$0x3], $0x4000, $0x38;
	[tilespmem:$0x1FC00] =	vst v63  }
0x25: {  	_ = 	snop  }
0x26: {  	[spmem:s9] =	stream.linear.scatter [tilespmem:s16], [sflag:$0x3], $0x3C00, $0x38;
	[tilespmem:$0x1FC00] =	vst v63  }
0x27: {  	_ =	swait.ge [sflag:s17], $0x4000  }
0x28: {  	[sflag:s17] =	ssyncset.done $0x0  }
0x29: {  	[sflag:s17] =	ssyncadd.s32 $0xFFFFC000  }
0x2a: {  	_ =	swait.ge [sflag:s17], $0x4000  }
0x2b: {  	[sflag:s17] =	ssyncset.done $0x0  }
0x2c: {  	[sflag:s17] =	ssyncadd.s32 $0xFFFFC000  }
0x2d: {  	_ =	swait.ge [sflag:s17], $0x4000  }
0x2e: {  	[sflag:s17] =	ssyncset.done $0x0  }
0x2f: {  	[sflag:s17] =	ssyncadd.s32 $0xFFFFC000  }
0x30: {  	_ =	swait.ge [sflag:s17], $0x4000  }
0x31: {  	[sflag:s17] =	ssyncset.done $0x0  }
0x32: {  	[sflag:s17] =	ssyncadd.s32 $0xFFFFC000  }
0x33: {  	_ =	swait.ge [sflag:s17], $0x3C00  }
0x34: {  	[sflag:s17] =	ssyncset.done $0x0  }
0x35: {  	[sflag:s17] =	ssyncadd.s32 $0xFFFFC400  }
0x36: {  	s2 =	simm.s32 $0x0;
	[bflag:$0x0] =	sbarrier.arrive $0xFFFF  }
0x37: {  	[tilespmem:s18], [sflag:$0x4] =	stream.linear.gather [hbm4b:s10+s2], $0x2000, $0x38;
	[tilespmem:$0x1FC00] =	vst v63  }
0x38: {  	_ =	swait.ge [sflag:s19], $0x2000  }
0x39: {  	[sflag:s19] =	ssyncset.done $0x0  }
0x3a: {  	[sflag:s19] =	ssyncadd.s32 $0xFFFFE000  }
.LBB2_5:
0x3b: {  	p1 =	sne.s32 s2, $0x0  }
0x3c: {  	s26 =	simm.s32 @p1 $0x3  }
0x3d: {  	_ =	swait.ge @p1 [sflag:s26], $0x2000  }
0x3e: {  	[sflag:s26] =	ssyncset.done @p1 $0x0  }
0x3f: {  	s28 =	simm.s32 @p1 $0x13C00;
	[sflag:s26] =	ssyncadd.s32 @p1 $0xFFFFE000;
	s26 =	simm.s32 @p1 $0x0  }
0x40: {  	[tilespmem:s28], [sflag:$0x3] =	stream.linear.gather @p1 [hbm4b:s12+s26], $0xE00, $0x38;
	[tilespmem:$0x1FC00] =	vst v63  }
0x41: {  	s31 =	sshll.u32 s2, $0xF;
	s26 =	simm.s32 @!p1 $0x0;
	s28 =	simm.s32 @!p1 $0x15C00  }
0x42: {  	[tilespmem:s28], [sflag:$0x3] =	stream.linear.gather @!p1 [hbm4b:s11+s26], $0x2000, $0x38;
	[tilespmem:$0x1FC00] =	vst v63  }
0x43: {  	s26 =	sshra.s32 s31, $0x2  }
0x44: {  	s28 =	sadd.s32 $0x13C00, s26  }
0x45: {  	[tilespmem:s16], [sflag:$0x1] =	stream.indirect.gather [hbm4b:s4+s20], $0x80, s28, s20, $0xb8;
	[tilespmem:$0x1FC00] =	vst v63  }
0x46: {  	s29 =	sadd.s32 $0xFFFFE200, s28  }
0x47: {  	s0 =	sadd.s32 $0x1F00, s29  }
0x48: {  	[tilespmem:s21], [sflag:$0x2] =	stream.indirect.gather [hbm4b:s4+s20], $0x80, s0, s20, $0xb8;
	[tilespmem:$0x1FC00] =	vst v63  }
0x49: {  	_ =	swait.ge [sflag:s22], $0x4000  }
0x4a: {  	[sflag:s22] =	ssyncset.done $0x0  }
0x4b: {  	s24 =	sadd.s32 $0x1E80, s29;
	[sflag:s22] =	ssyncadd.s32 $0xFFFFC000  }
0x4c: {  	[spmem:s1] =	stream.indirect.scatter.add.f32 [tilespmem:s16], [sflag:$0x4], $0x80, s24, s20, $0xb8;
	[tilespmem:$0x1FC00] =	vst v63  }
0x4d: {  	_ =	swait.ge [sflag:s19], $0x4000  }
0x4e: {  	[sflag:s19] =	ssyncset.done $0x0  }
0x4f: {  	s31 =	sadd.s32 $0x2000, s29;
	[sflag:s19] =	ssyncadd.s32 $0xFFFFC000  }
0x50: {  	[tilespmem:s16], [sflag:$0x1] =	stream.indirect.gather [hbm4b:s4+s20], $0x80, s31, s20, $0xb8;
	[tilespmem:$0x1FC00] =	vst v63  }
0x51: {  	_ =	swait.ge [sflag:s23], $0x4000  }
0x52: {  	[sflag:s23] =	ssyncset.done $0x0  }
0x53: {  	s29 =	sadd.s32 $0x1F80, s29;
	[sflag:s23] =	ssyncadd.s32 $0xFFFFC000  }
0x54: {  	[spmem:s1] =	stream.indirect.scatter.add.f32 [tilespmem:s21], [sflag:$0x4], $0x80, s29, s20, $0xb8;
	[tilespmem:$0x1FC00] =	vst v63  }
0x55: {  	s30 =	simm.s32 $0xFFFF9800;
	s2 =	simm.s32 @!p1 $0x1;
	_ =	swait.ge [sflag:s19], $0x4000  }
0x56: {  	s2 =	simm.s32 @p1 $0x2;
	s29 =	sadd.s32 $0xFFFFE400, s28;
	[sflag:s19] =	ssyncset.done $0x0  }
.LBB2_6:
0x57: {  	s31 =	sadd.s32 $0x1F00, s29  }
0x58: {  	[sflag:s19] =	ssyncadd.s32 $0xFFFFC000;
	s0 =	smov.u32 s30;
	s24 =	sadd.s32 $0x800, s30  }
0x59: {  	[tilespmem:s21], [sflag:$0x2] =	stream.indirect.gather [hbm4b:s4+s20], $0x80, s31, s20, $0xb8;
	[tilespmem:$0x1FC00] =	vst v63  }
0x5a: {  	p2 =	seq.s32 s30, $0xFFFFF800;
	_ =	swait.ge [sflag:s22], $0x4000  }
0x5b: {  	[sflag:s22] =	ssyncset.done $0x0  }
0x5c: {  	s30 =	sadd.s32 $0x1E80, s29;
	[sflag:s22] =	ssyncadd.s32 $0xFFFFC000  }
0x5d: {  	[spmem:s1] =	stream.indirect.scatter.add.f32 [tilespmem:s16], [sflag:$0x4], $0x80, s30, s20, $0xb8;
	[tilespmem:$0x1FC00] =	vst v63  }
0x5e: {  	_ =	swait.ge [sflag:s19], $0x4000  }
0x5f: {  	[sflag:s19] =	ssyncset.done $0x0  }
0x60: {  	s30 =	sadd.s32 $0x2000, s29;
	[sflag:s19] =	ssyncadd.s32 $0xFFFFC000  }
0x61: {  	[tilespmem:s16], [sflag:$0x1] =	stream.indirect.gather [hbm4b:s4+s20], $0x80, s30, s20, $0xb8;
	[tilespmem:$0x1FC00] =	vst v63  }
0x62: {  	_ =	swait.ge [sflag:s23], $0x4000  }
.Ltmp1:
0x63: {  	[sflag:s23] =	ssyncset.done $0x0;
	(pc) =	sbr.rel @!p2 .LBB2_6-.Ltmp1, $4  }
0x64: {  	s29 =	sadd.s32 $0x1F80, s29;
	[sflag:s23] =	ssyncadd.s32 $0xFFFFC000  }
0x65: {  	[spmem:s1] =	stream.indirect.scatter.add.f32 [tilespmem:s21], [sflag:$0x4], $0x80, s29, s20, $0xb8;
	[tilespmem:$0x1FC00] =	vst v63  }
0x66: {  	s0 =	sshra.s32 s0, $0x2;
	_ =	swait.ge [sflag:s19], $0x4000  }
0x67: {  	s30 =	smov.u32 s24;
	s29 =	sadd.s32 s0, s28;
	[sflag:s19] =	ssyncset.done $0x0  }
0x68: {  	s0 =	sadd.s32 $0x1F00, s29;
	[sflag:s19] =	ssyncadd.s32 $0xFFFFC000  }
0x69: {  	[tilespmem:s21], [sflag:$0x2] =	stream.indirect.gather [hbm4b:s4+s20], $0x80, s0, s20, $0xb8;
	[tilespmem:$0x1FC00] =	vst v63  }
0x6a: {  	_ =	swait.ge [sflag:s22], $0x4000  }
0x6b: {  	[sflag:s22] =	ssyncset.done $0x0  }
0x6c: {  	s28 =	sadd.s32 $0x1E80, s29;
	[sflag:s22] =	ssyncadd.s32 $0xFFFFC000  }
0x6d: {  	[spmem:s1] =	stream.indirect.scatter.add.f32 [tilespmem:s16], [sflag:$0x4], $0x80, s28, s20, $0xb8;
	[tilespmem:$0x1FC00] =	vst v63  }
0x6e: {  	_ =	swait.ge [sflag:s19], $0x4000  }
0x6f: {  	[sflag:s19] =	ssyncset.done $0x0  }
0x70: {  	s30 =	sadd.s32 $0x2000, s29;
	[sflag:s19] =	ssyncadd.s32 $0xFFFFC000  }
0x71: {  	[tilespmem:s16], [sflag:$0x1] =	stream.indirect.gather [hbm4b:s4+s20], $0x80, s30, s20, $0xb8;
	[tilespmem:$0x1FC00] =	vst v63  }
0x72: {  	_ =	swait.ge [sflag:s23], $0x4000  }
0x73: {  	[sflag:s23] =	ssyncset.done $0x0  }
0x74: {  	s31 =	sadd.s32 $0x1F80, s29;
	[sflag:s23] =	ssyncadd.s32 $0xFFFFC000  }
0x75: {  	[spmem:s1] =	stream.indirect.scatter.add.f32 [tilespmem:s21], [sflag:$0x4], $0x80, s31, s20, $0xb8;
	[tilespmem:$0x1FC00] =	vst v63  }
0x76: {  	_ =	swait.ge [sflag:s19], $0x4000  }
0x77: {  	[sflag:s19] =	ssyncset.done $0x0  }
0x78: {  	[sflag:s19] =	ssyncadd.s32 $0xFFFFC000  }
0x79: {  	s28 =	sadd.s32 $0x15B00, s26  }
0x7a: {  	[tilespmem:s21], [sflag:$0x2] =	stream.indirect.gather [hbm4b:s4+s20], $0x80, s28, s20, $0xb8;
	[tilespmem:$0x1FC00] =	vst v63  }
0x7b: {  	_ =	swait.ge [sflag:s22], $0x4000  }
0x7c: {  	[sflag:s22] =	ssyncset.done $0x0  }
0x7d: {  	s30 =	sadd.s32 $0x15A80, s26;
	[sflag:s22] =	ssyncadd.s32 $0xFFFFC000  }
0x7e: {  	[spmem:s1] =	stream.indirect.scatter.add.f32 [tilespmem:s16], [sflag:$0x4], $0x80, s30, s20, $0xb8;
	[tilespmem:$0x1FC00] =	vst v63  }
0x7f: {  	_ =	swait.ge [sflag:s19], $0x4000  }
0x80: {  	[sflag:s19] =	ssyncset.done $0x0  }
0x81: {  	[sflag:s19] =	ssyncadd.s32 $0xFFFFC000  }
0x82: {  	_ =	swait.ge [sflag:s23], $0x4000  }
0x83: {  	[sflag:s23] =	ssyncset.done $0x0  }
.Ltmp2:
0x84: {  	s31 =	sadd.s32 $0x15B80, s26;
	[sflag:s23] =	ssyncadd.s32 $0xFFFFC000;
	(pc) =	sbr.rel @!p1 .LBB2_5-.Ltmp2, $4  }
0x85: {  	[spmem:s1] =	stream.indirect.scatter.add.f32 [tilespmem:s21], [sflag:$0x4], $0x80, s31, s20, $0xb8;
	[tilespmem:$0x1FC00] =	vst v63  }
0x86: {  	_ =	swait.ge [sflag:s19], $0x4000  }
0x87: {  	[sflag:s19] =	ssyncset.done $0x0  }
0x88: {  	[sflag:s19] =	ssyncadd.s32 $0xFFFFC000  }
0x89: {  	_ =	swait.ge [sflag:s17], $0xE00  }
0x8a: {  	[sflag:s17] =	ssyncset.done $0x0  }
0x8b: {  	[sflag:s17] =	ssyncadd.s32 $0xFFFFF200  }
0x8c: {  	[tilespmem:s16], [sflag:$0x1] =	stream.indirect.gather [hbm4b:s4+s20], $0x80, s18, s20, $0xb8;
	[tilespmem:$0x1FC00] =	vst v63  }
0x8d: {  	s0 =	simm.s32 $0x13D00  }
0x8e: {  	[tilespmem:s21], [sflag:$0x2] =	stream.indirect.gather [hbm4b:s4+s20], $0x80, s0, s20, $0xb8;
	[tilespmem:$0x1FC00] =	vst v63  }
0x8f: {  	_ =	swait.ge [sflag:s22], $0x4000  }
0x90: {  	[sflag:s22] =	ssyncset.done $0x0  }
0x91: {  	s2 =	simm.s32 $0x13C80;
	[sflag:s22] =	ssyncadd.s32 $0xFFFFC000  }
0x92: {  	[spmem:s1] =	stream.indirect.scatter.add.f32 [tilespmem:s16], [sflag:$0x4], $0x80, s2, s20, $0xb8;
	[tilespmem:$0x1FC00] =	vst v63  }
0x93: {  	_ =	swait.ge [sflag:s19], $0x4000  }
0x94: {  	[sflag:s19] =	ssyncset.done $0x0  }
0x95: {  	s24 =	simm.s32 $0x13E00;
	[sflag:s19] =	ssyncadd.s32 $0xFFFFC000  }
0x96: {  	[tilespmem:s16], [sflag:$0x1] =	stream.indirect.gather [hbm4b:s4+s20], $0x80, s24, s20, $0xb8;
	[tilespmem:$0x1FC00] =	vst v63  }
0x97: {  	_ =	swait.ge [sflag:s23], $0x4000  }
0x98: {  	[sflag:s23] =	ssyncset.done $0x0  }
0x99: {  	s26 =	simm.s32 $0x13D80;
	[sflag:s23] =	ssyncadd.s32 $0xFFFFC000  }
0x9a: {  	[spmem:s1] =	stream.indirect.scatter.add.f32 [tilespmem:s21], [sflag:$0x4], $0x80, s26, s20, $0xb8;
	[tilespmem:$0x1FC00] =	vst v63  }
0x9b: {  	_ =	swait.ge [sflag:s19], $0x4000  }
0x9c: {  	[sflag:s19] =	ssyncset.done $0x0  }
0x9d: {  	s28 =	simm.s32 $0x13F00;
	[sflag:s19] =	ssyncadd.s32 $0xFFFFC000  }
0x9e: {  	[tilespmem:s21], [sflag:$0x2] =	stream.indirect.gather [hbm4b:s4+s20], $0x80, s28, s20, $0xb8;
	[tilespmem:$0x1FC00] =	vst v63  }
0x9f: {  	_ =	swait.ge [sflag:s22], $0x4000  }
0xa0: {  	[sflag:s22] =	ssyncset.done $0x0  }
0xa1: {  	s29 =	simm.s32 $0x13E80;
	[sflag:s22] =	ssyncadd.s32 $0xFFFFC000  }
0xa2: {  	[spmem:s1] =	stream.indirect.scatter.add.f32 [tilespmem:s16], [sflag:$0x4], $0x80, s29, s20, $0xb8;
	[tilespmem:$0x1FC00] =	vst v63  }
0xa3: {  	_ =	swait.ge [sflag:s19], $0x4000  }
0xa4: {  	[sflag:s19] =	ssyncset.done $0x0  }
0xa5: {  	s30 =	simm.s32 $0x14000;
	[sflag:s19] =	ssyncadd.s32 $0xFFFFC000  }
0xa6: {  	[tilespmem:s16], [sflag:$0x1] =	stream.indirect.gather [hbm4b:s4+s20], $0x80, s30, s20, $0xb8;
	[tilespmem:$0x1FC00] =	vst v63  }
0xa7: {  	_ =	swait.ge [sflag:s23], $0x4000  }
0xa8: {  	[sflag:s23] =	ssyncset.done $0x0  }
0xa9: {  	s31 =	simm.s32 $0x13F80;
	[sflag:s23] =	ssyncadd.s32 $0xFFFFC000  }
0xaa: {  	[spmem:s1] =	stream.indirect.scatter.add.f32 [tilespmem:s21], [sflag:$0x4], $0x80, s31, s20, $0xb8;
	[tilespmem:$0x1FC00] =	vst v63  }
0xab: {  	_ =	swait.ge [sflag:s19], $0x4000  }
0xac: {  	[sflag:s19] =	ssyncset.done $0x0  }
0xad: {  	s2 =	simm.s32 $0x14100;
	[sflag:s19] =	ssyncadd.s32 $0xFFFFC000  }
0xae: {  	[tilespmem:s21], [sflag:$0x2] =	stream.indirect.gather [hbm4b:s4+s20], $0x80, s2, s20, $0xb8;
	[tilespmem:$0x1FC00] =	vst v63  }
0xaf: {  	_ =	swait.ge [sflag:s22], $0x4000  }
0xb0: {  	[sflag:s22] =	ssyncset.done $0x0  }
0xb1: {  	s24 =	simm.s32 $0x14080;
	[sflag:s22] =	ssyncadd.s32 $0xFFFFC000  }
0xb2: {  	[spmem:s1] =	stream.indirect.scatter.add.f32 [tilespmem:s16], [sflag:$0x4], $0x80, s24, s20, $0xb8;
	[tilespmem:$0x1FC00] =	vst v63  }
0xb3: {  	_ =	swait.ge [sflag:s19], $0x4000  }
0xb4: {  	[sflag:s19] =	ssyncset.done $0x0  }
0xb5: {  	s26 =	simm.s32 $0x14200;
	[sflag:s19] =	ssyncadd.s32 $0xFFFFC000  }
0xb6: {  	[tilespmem:s16], [sflag:$0x1] =	stream.indirect.gather [hbm4b:s4+s20], $0x80, s26, s20, $0xb8;
	[tilespmem:$0x1FC00] =	vst v63  }
0xb7: {  	_ =	swait.ge [sflag:s23], $0x4000  }
0xb8: {  	[sflag:s23] =	ssyncset.done $0x0  }
0xb9: {  	s28 =	simm.s32 $0x14180;
	[sflag:s23] =	ssyncadd.s32 $0xFFFFC000  }
0xba: {  	[spmem:s1] =	stream.indirect.scatter.add.f32 [tilespmem:s21], [sflag:$0x4], $0x80, s28, s20, $0xb8;
	[tilespmem:$0x1FC00] =	vst v63  }
0xbb: {  	_ =	swait.ge [sflag:s19], $0x4000  }
0xbc: {  	[sflag:s19] =	ssyncset.done $0x0  }
0xbd: {  	s29 =	simm.s32 $0x14300;
	[sflag:s19] =	ssyncadd.s32 $0xFFFFC000  }
0xbe: {  	[tilespmem:s21], [sflag:$0x2] =	stream.indirect.gather [hbm4b:s4+s20], $0x80, s29, s20, $0xb8;
	[tilespmem:$0x1FC00] =	vst v63  }
0xbf: {  	_ =	swait.ge [sflag:s22], $0x4000  }
0xc0: {  	[sflag:s22] =	ssyncset.done $0x0  }
0xc1: {  	s30 =	simm.s32 $0x14280;
	[sflag:s22] =	ssyncadd.s32 $0xFFFFC000  }
0xc2: {  	[spmem:s1] =	stream.indirect.scatter.add.f32 [tilespmem:s16], [sflag:$0x4], $0x80, s30, s20, $0xb8;
	[tilespmem:$0x1FC00] =	vst v63  }
0xc3: {  	_ =	swait.ge [sflag:s19], $0x4000  }
0xc4: {  	[sflag:s19] =	ssyncset.done $0x0  }
0xc5: {  	s31 =	simm.s32 $0x14400;
	[sflag:s19] =	ssyncadd.s32 $0xFFFFC000  }
0xc6: {  	[tilespmem:s16], [sflag:$0x1] =	stream.indirect.gather [hbm4b:s4+s20], $0x80, s31, s20, $0xb8;
	[tilespmem:$0x1FC00] =	vst v63  }
0xc7: {  	_ =	swait.ge [sflag:s23], $0x4000  }
0xc8: {  	[sflag:s23] =	ssyncset.done $0x0  }
0xc9: {  	s2 =	simm.s32 $0x14380;
	[sflag:s23] =	ssyncadd.s32 $0xFFFFC000  }
0xca: {  	[spmem:s1] =	stream.indirect.scatter.add.f32 [tilespmem:s21], [sflag:$0x4], $0x80, s2, s20, $0xb8;
	[tilespmem:$0x1FC00] =	vst v63  }
0xcb: {  	_ =	swait.ge [sflag:s19], $0x4000  }
0xcc: {  	[sflag:s19] =	ssyncset.done $0x0  }
0xcd: {  	s24 =	simm.s32 $0x14500;
	[sflag:s19] =	ssyncadd.s32 $0xFFFFC000  }
0xce: {  	[tilespmem:s21], [sflag:$0x2] =	stream.indirect.gather [hbm4b:s4+s20], $0x80, s24, s20, $0xb8;
	[tilespmem:$0x1FC00] =	vst v63  }
0xcf: {  	_ =	swait.ge [sflag:s22], $0x4000  }
0xd0: {  	[sflag:s22] =	ssyncset.done $0x0  }
0xd1: {  	s26 =	simm.s32 $0x14480;
	[sflag:s22] =	ssyncadd.s32 $0xFFFFC000  }
0xd2: {  	[spmem:s1] =	stream.indirect.scatter.add.f32 [tilespmem:s16], [sflag:$0x4], $0x80, s26, s20, $0xb8;
	[tilespmem:$0x1FC00] =	vst v63  }
0xd3: {  	_ =	swait.ge [sflag:s19], $0x4000  }
0xd4: {  	[sflag:s19] =	ssyncset.done $0x0  }
0xd5: {  	s28 =	simm.s32 $0x14600;
	[sflag:s19] =	ssyncadd.s32 $0xFFFFC000  }
0xd6: {  	[tilespmem:s16], [sflag:$0x1] =	stream.indirect.gather [hbm4b:s4+s20], $0x80, s28, s20, $0xb8;
	[tilespmem:$0x1FC00] =	vst v63  }
0xd7: {  	_ =	swait.ge [sflag:s23], $0x4000  }
0xd8: {  	[sflag:s23] =	ssyncset.done $0x0  }
0xd9: {  	s29 =	simm.s32 $0x14580;
	[sflag:s23] =	ssyncadd.s32 $0xFFFFC000  }
0xda: {  	[spmem:s1] =	stream.indirect.scatter.add.f32 [tilespmem:s21], [sflag:$0x4], $0x80, s29, s20, $0xb8;
	[tilespmem:$0x1FC00] =	vst v63  }
0xdb: {  	_ =	swait.ge [sflag:s19], $0x4000  }
0xdc: {  	[sflag:s19] =	ssyncset.done $0x0  }
0xdd: {  	s30 =	simm.s32 $0x14700;
	[sflag:s19] =	ssyncadd.s32 $0xFFFFC000  }
0xde: {  	[tilespmem:s21], [sflag:$0x2] =	stream.indirect.gather [hbm4b:s4+s20], $0x80, s30, s20, $0xb8;
	[tilespmem:$0x1FC00] =	vst v63  }
0xdf: {  	_ =	swait.ge [sflag:s22], $0x4000  }
0xe0: {  	[sflag:s22] =	ssyncset.done $0x0  }
0xe1: {  	s31 =	simm.s32 $0x14680;
	[sflag:s22] =	ssyncadd.s32 $0xFFFFC000  }
0xe2: {  	[spmem:s1] =	stream.indirect.scatter.add.f32 [tilespmem:s16], [sflag:$0x4], $0x80, s31, s20, $0xb8;
	[tilespmem:$0x1FC00] =	vst v63  }
0xe3: {  	_ =	swait.ge [sflag:s19], $0x4000  }
0xe4: {  	[sflag:s19] =	ssyncset.done $0x0  }
0xe5: {  	s2 =	simm.s32 $0x14800;
	[sflag:s19] =	ssyncadd.s32 $0xFFFFC000  }
0xe6: {  	[tilespmem:s16], [sflag:$0x1] =	stream.indirect.gather [hbm4b:s4+s20], $0x80, s2, s20, $0xb8;
	[tilespmem:$0x1FC00] =	vst v63  }
0xe7: {  	_ =	swait.ge [sflag:s23], $0x4000  }
0xe8: {  	[sflag:s23] =	ssyncset.done $0x0  }
0xe9: {  	s24 =	simm.s32 $0x14780;
	[sflag:s23] =	ssyncadd.s32 $0xFFFFC000  }
0xea: {  	[spmem:s1] =	stream.indirect.scatter.add.f32 [tilespmem:s21], [sflag:$0x4], $0x80, s24, s20, $0xb8;
	[tilespmem:$0x1FC00] =	vst v63  }
0xeb: {  	_ =	swait.ge [sflag:s19], $0x4000  }
0xec: {  	[sflag:s19] =	ssyncset.done $0x0  }
0xed: {  	s26 =	simm.s32 $0x14900;
	[sflag:s19] =	ssyncadd.s32 $0xFFFFC000  }
0xee: {  	[tilespmem:s21], [sflag:$0x2] =	stream.indirect.gather [hbm4b:s4+s20], $0x80, s26, s20, $0xb8;
	[tilespmem:$0x1FC00] =	vst v63  }
0xef: {  	_ =	swait.ge [sflag:s22], $0x4000  }
0xf0: {  	[sflag:s22] =	ssyncset.done $0x0  }
0xf1: {  	s28 =	simm.s32 $0x14880;
	[sflag:s22] =	ssyncadd.s32 $0xFFFFC000  }
0xf2: {  	[spmem:s1] =	stream.indirect.scatter.add.f32 [tilespmem:s16], [sflag:$0x4], $0x80, s28, s20, $0xb8;
	[tilespmem:$0x1FC00] =	vst v63  }
0xf3: {  	_ =	swait.ge [sflag:s19], $0x4000  }
0xf4: {  	[sflag:s19] =	ssyncset.done $0x0  }
0xf5: {  	[sflag:s19] =	ssyncadd.s32 $0xFFFFC000  }
0xf6: {  	_ =	swait.ge [sflag:s23], $0x4000  }
0xf7: {  	[sflag:s23] =	ssyncset.done $0x0  }
0xf8: {  	s29 =	simm.s32 $0x14980;
	[sflag:s23] =	ssyncadd.s32 $0xFFFFC000  }
0xf9: {  	[spmem:s1] =	stream.indirect.scatter.add.f32 [tilespmem:s21], [sflag:$0x4], $0x80, s29, s20, $0xb8;
	[tilespmem:$0x1FC00] =	vst v63  }
0xfa: {  	_ =	swait.ge [sflag:s19], $0x4000  }
0xfb: {  	[sflag:s19] =	ssyncset.done $0x0  }
0xfc: {  	s0 =	simm.s32 @!p0 $0x0;
	s2 =	simm.s32 @!p0 $0x13C00;
	[sflag:s19] =	ssyncadd.s32 $0xFFFFC000  }
0xfd: {  	[tilespmem:s2], [sflag:$0x4] =	stream.linear.gather @!p0 [hbm4b:s13+s0], $0x100, $0x38;
	[tilespmem:$0x1FC00] =	vst v63  }
0xfe: {  	s0 =	simm.s32 @!p0 $0x4  }
0xff: {  	_ =	swait.ge @!p0 [sflag:s0], $0x100  }
0x100: {  	[sflag:s0] =	ssyncset.done @!p0 $0x0  }
0x101: {  	s24 =	simm.s32 @!p0 $0x80;
	s26 =	simm.s32 @!p0 $0x17C00;
	[sflag:s0] =	ssyncadd.s32 @!p0 $0xFFFFFF00  }
0x102: {  	[tilespmem:s26], [sflag:$0x1] =	stream.indirect.gather @!p0 [hbm4b:s4+s24], $0x80, s2, s24, $0xb8;
	[tilespmem:$0x1FC00] =	vst v63  }
0x103: {  	s2 =	simm.s32 @!p0 $0x1  }
0x104: {  	_ =	swait.ge @!p0 [sflag:s2], $0x4000  }
0x105: {  	[sflag:s2] =	ssyncset.done @!p0 $0x0  }
0x106: {  	[sflag:s2] =	ssyncadd.s32 @!p0 $0xFFFFC000;
	s2 =	simm.s32 @!p0 $0x13C80  }
0x107: {  	[spmem:s1] =	stream.indirect.scatter.add.f32 @!p0 [tilespmem:s26], [sflag:$0x4], $0x80, s2, s24, $0xb8;
	[tilespmem:$0x1FC00] =	vst v63  }
0x108: {  	s25 =	sadd.s32 $0x1, s25;
	_ =	swait.ge @!p0 [sflag:s0], $0x4000  }
0x109: {  	p1 =	sne.s32 s25, s15;
	s30 =	stileid.u32;
	[sflag:s0] =	ssyncset.done @!p0 $0x0  }
0x10a: {  	s31 =	sshrl.u32 s5, $0x3;
	[sflag:s0] =	ssyncadd.s32 @!p0 $0xFFFFC000;
	s0 =	sshll.u32 s30, $0x6  }
.Ltmp3:
0x10b: {  	[bflag:$0x0] =	sbarrier.arrive $0xFFFF;
	s0 =	sor.u32 $0x1C04, s0;
	(pc) =	sbr.rel @p1 .LBB2_1-.Ltmp3, $4  }
0x10c: {  	[hbm:s14], [sflag:s0] =	dma.local [spmem:s31], $0x2780  }
0x10d: {  	_ =	swait.ge [sflag:s19], $0x2780  }
0x10e: {  	[sflag:s19] =	ssyncset.done $0x0  }
0x10f: {  	[sflag:s19] =	ssyncadd.s32 $0xFFFFD880  }
0x110: {  	_ =	sfence.sel $0x180000  }
0x111: {  	[bflag:$0x0] =	sbarrier.arrive $0xFFFF  }
0x112: {  	_ =	strace $0x9000004A  }
0x113: {  	s0 =	stileid.u32;
	[bflag:$0x2] =	sbarrier.arrive $0xFFFF  }
0x114: {  	p0 =	sne.s32 s0, $0x0;
	s0 =	rddreg [dreg:$0x3]  }
0x115: {  	s0 =	sadd.s32 @!p0 $0x100000, s0  }
0x116: {  	[sflag:s0] =	ssyncadd.tile.s32 @!p0 $0x1;
	_ =	shalt  }
.Lfunc_end2:
_tile_overlayer_lowered:
.L_overlay_start_2:
0x117: {  	(tag) =	ssettag $0x2  }
0x118: {  	s0 =	rddreg [dreg:$0x0];
	s2 =	stileid.u32  }
0x119: {  	s1 =	rddreg [dreg:$0x1];
	p0 =	sne.s32 s2, $0x0  }
0x11a: {  	s3 =	rddreg [dreg:$0x2];
	[bflag:$0x3] =	sbarrier.arrive $0xFFFF;
	s2 =	simm.s32 @!p0 $0x1C04  }
0x11b: {  	[timem:s3], [sflag:s2] =	dma.local @!p0 [hbm:s0], s1  }
0x11c: {  	s0 =	simm.s32 @!p0 $0x4  }
0x11d: {  	_ =	swait.ge @!p0 [sflag:s0], s1  }
0x11e: {  	s1 =	ssub.s32 @!p0 $0x0, s1;
	[sflag:s0] =	ssyncset.done @!p0 $0x0  }
0x11f: {  	[sflag:s0] =	ssyncadd.s32 @!p0 s1  }
0x120: {  	[bflag:$0x3] =	sbarrier.arrive $0xFFFF  }
0x121: {  	_ =	shalt  }

// kernel: kernel.17.cloned.1.call-start
scs
__scs_entry_jumppad:
0x0: {  	(pc) =	sbr.rel $0x88, $3  }
0x1: {  	(tag) =	ssettag $0x0;
	lr =	simm.s32 $0x1  }
0x2: {  	[smem:$0x3F99] =	sst lr;
	_ =	strace $0xD0000000  }
0x3: {  	_ = 	snop  }
0x4: {  	_ = 	snop  }
0x5: {  	_ = 	snop  }
0x6: {  	_ = 	snop  }
0x7: {  	_ = 	snop  }
__scs_overlays_trampoline_lowered:
0x8: {  	[smem:$0x3FA8] =	sst s0  }
0x9: {  	[smem:$0x3FA9] =	sst s1  }
0xa: {  	[smem:$0x3FAA] =	sst s2  }
0xb: {  	[smem:$0x3FAB] =	sst s3  }
0xc: {  	[smem:$0x3FAC] =	sst s4  }
0xd: {  	[smem:$0x3FAD] =	sst s5  }
0xe: {  	[smem:$0x3FAE] =	sst s6  }
0xf: {  	[smem:$0x3FAF] =	sst s7  }
0x10: {  	[smem:$0x3FB0] =	sst s8  }
0x11: {  	[smem:$0x3FB1] =	sst s9;
	s0 =	simm.s32 @!p0 $0x0  }
0x12: {  	s1 =	sld [smem:$0x3F97];
	s0 =	simm.s32 @p0 $0x1  }
0x13: {  	[smem:$0x3FB2] =	sst s0;
	s0 =	simm.s32 @!p1 $0x0  }
0x14: {  	s2 =	sld [smem:$0x3F96];
	s0 =	simm.s32 @p1 $0x1  }
0x15: {  	[smem:$0x3FB3] =	sst s0;
	s0 =	simm.s32 @!p2 $0x0  }
0x16: {  	s3 =	sld [smem:$0x3FDB];
	s0 =	simm.s32 @p2 $0x1  }
0x17: {  	s4 =	simm.s32 $0x1BF5;
	[smem:$0x3FB5] =	sst s0  }
0x18: {  	s0 =	sld [smem:$0x3F98];
	_ =	swait.ge [sflag:s4], $0x0  }
0x19: {  	s7 =	sld [smem:$0x3F99]  }
0x1a: {  	s8 =	sadd.s32 $0xFFFFE003, lr  }
0x1b: {  	s9 =	sadd.s32 $0xFFFFFEF7, lr;
	s5 =	simm.s32 $0xFFFFFFFF;
	p2 =	slt.u32 s8, $0xFFFFF086  }
0x1c: {  	p1 =	slt.u32 s9, $0xF7A;
	s5 =	simm.s32 @!p2 $0x0  }
0x1d: {  	s5 =	simm.s32 @p1 $0x1;
	p0 =	seq.s32 s7, s2  }
0x1e: {  	s7 =	smul.u32 @!p0 $0xF7A, s2;
	p2 =	seq.s32 @!p0 s5, $0x0  }
0x1f: {  	s9 =	smul.u32 $0xF7A, s1;
	s8 =	simm.s32 @!p0 $0x1BF5;
	p2 =	por !p2, p0  }
0x20: {  	[sflag:s8] =	ssyncset.s32 @!p0 $0xFFFFF086;
	s6 =	sadd.s32 @!p0 s3, s7;
	s7 =	simm.s32 @!p0 $0x108  }
0x21: {  	s3 =	sadd.s32 s3, s9;
	s6 =	sadd.s32 @!p0 $0x88, s6;
	s7 =	simm.s32 @p2 $0x1082  }
0x22: {  	[simem:s7], [sflag:s8] =	dma.local @!p0 [hbm:s6], $0xF7A  }
0x23: {  	s9 =	sor.u32 $0xD0000000, s2;
	s6 =	simm.s32 $0x108;
	_ =	swait.ge @!p0 [sflag:s8], $0x0  }
0x24: {  	s3 =	sadd.s32 $0x88, s3;
	s6 =	simm.s32 @!p1 $0x1082;
	[sflag:s4] =	ssyncset.s32 $0xFFFFF086  }
0x25: {  	[simem:s6], [sflag:s4] =	dma.local [hbm:s3], $0xF7A  }
0x26: {  	[smem:$0x3F99] =	sst s1;
	(tag) =	ssettag s2;
	_ =	strace s9  }
0x27: {  	s1 =	sld [smem:$0x3FA9]  }
0x28: {  	s2 =	sld [smem:$0x3FAA]  }
0x29: {  	s4 =	sld [smem:$0x3FAC]  }
0x2a: {  	p0 =	seq.s32 s5, $0x0;
	s5 =	sld [smem:$0x3FAD]  }
0x2b: {  	s6 =	sld [smem:$0x3FAE]  }
0x2c: {  	s7 =	sld [smem:$0x3FAF]  }
0x2d: {  	s3 =	simm.s32 $0x108;
	s8 =	sld [smem:$0x3FB0]  }
0x2e: {  	s3 =	simm.s32 @!p0 $0x1082;
	s9 =	sld [smem:$0x3FB1]  }
0x2f: {  	lr =	sadd.s32 s0, s3;
	s0 =	sld [smem:$0x3FA8]  }
0x30: {  	s3 =	sld [smem:$0x3FAB]  }
0x31: {  	[smem:$0x3FB4] =	sst s10  }
0x32: {  	s10 =	sld [smem:$0x3FB2];
	_ =	sdelay $0x3  }
0x33: {  	p0 =	seq.s32 s10, $0x1;
	s10 =	sld [smem:$0x3FB4];
	_ =	sdelay $0x3  }
0x34: {  	[smem:$0x3FB4] =	sst s10  }
0x35: {  	s10 =	sld [smem:$0x3FB3];
	_ =	sdelay $0x3  }
0x36: {  	p1 =	seq.s32 s10, $0x1;
	s10 =	sld [smem:$0x3FB4];
	_ =	sdelay $0x3  }
0x37: {  	[smem:$0x3FB4] =	sst s10  }
0x38: {  	s10 =	sld [smem:$0x3FB5]  }
0x39: {  	_ = 	snop;
	(pc) =	sbr.ind lr, $3  }
0x3a: {  	_ = 	snop  }
0x3b: {  	_ = 	snop  }
0x3c: {  	p2 =	seq.s32 s10, $0x1;
	s10 =	sld [smem:$0x3FB4]  }
0x3d: {  	_ =	shalt  }
0x3e: {  	_ =	shalt  }
0x3f: {  	_ =	shalt  }
0x40: {  	_ =	shalt  }
0x41: {  	_ =	shalt  }
0x42: {  	_ =	shalt  }
0x43: {  	_ =	shalt  }
0x44: {  	_ =	shalt  }
0x45: {  	_ =	shalt  }
0x46: {  	_ =	shalt  }
0x47: {  	_ =	shalt  }
0x48: {  	_ =	shalt  }
0x49: {  	_ =	shalt  }
0x4a: {  	_ =	shalt  }
0x4b: {  	_ =	shalt  }
0x4c: {  	_ =	shalt  }
0x4d: {  	_ =	shalt  }
0x4e: {  	_ =	shalt  }
0x4f: {  	_ =	shalt  }
0x50: {  	_ =	shalt  }
0x51: {  	_ =	shalt  }
0x52: {  	_ =	shalt  }
0x53: {  	_ =	shalt  }
0x54: {  	_ =	shalt  }
0x55: {  	_ =	shalt  }
0x56: {  	_ =	shalt  }
0x57: {  	_ =	shalt  }
0x58: {  	_ =	shalt  }
0x59: {  	_ =	shalt  }
0x5a: {  	_ =	shalt  }
0x5b: {  	_ =	shalt  }
0x5c: {  	_ =	shalt  }
0x5d: {  	_ =	shalt  }
0x5e: {  	_ =	shalt  }
0x5f: {  	_ =	shalt  }
0x60: {  	_ =	shalt  }
0x61: {  	_ =	shalt  }
0x62: {  	_ =	shalt  }
0x63: {  	_ =	shalt  }
0x64: {  	_ =	shalt  }
0x65: {  	_ =	shalt  }
0x66: {  	_ =	shalt  }
0x67: {  	_ =	shalt  }
0x68: {  	_ =	shalt  }
0x69: {  	_ =	shalt  }
0x6a: {  	_ =	shalt  }
0x6b: {  	_ =	shalt  }
0x6c: {  	_ =	shalt  }
0x6d: {  	_ =	shalt  }
0x6e: {  	_ =	shalt  }
0x6f: {  	_ =	shalt  }
0x70: {  	_ =	shalt  }
0x71: {  	_ =	shalt  }
0x72: {  	_ =	shalt  }
0x73: {  	_ =	shalt  }
0x74: {  	_ =	shalt  }
0x75: {  	_ =	shalt  }
0x76: {  	_ =	shalt  }
0x77: {  	_ =	shalt  }
0x78: {  	_ =	shalt  }
0x79: {  	_ =	shalt  }
0x7a: {  	_ =	shalt  }
0x7b: {  	_ =	shalt  }
0x7c: {  	_ =	shalt  }
0x7d: {  	_ =	shalt  }
0x7e: {  	_ =	shalt  }
0x7f: {  	_ =	shalt  }
0x80: {  	_ =	shalt  }
0x81: {  	_ =	shalt  }
0x82: {  	_ =	shalt  }
0x83: {  	_ =	shalt  }
0x84: {  	_ =	shalt  }
0x85: {  	_ =	shalt  }
0x86: {  	_ =	shalt  }
0x87: {  	_ =	shalt  }
.Lfunc_end0:
.L_simem_size_0:
called_computation.2_lowered:
.L_overlay_start_0:
0x88: {  	s2 =	sld [smem:$0x3FD9]  }
0x89: {  	s3 =	sld [smem:$0x3FFE];
	_ =	sdelay $0x1  }
0x8a: {  	s1 =	srdreg.scid  }
0x8b: {  	s0 =	sand.u32 $0x1, s1  }
0x8c: {  	s17 =	sshll.u32 s0, $0xA;
	s2 =	sadd.s32 s3, s2  }
0x8d: {  	s2 =	sadd.s32 s2, s17  }
0x8e: {  	[smem:$0x3FC0] =	sst s2  }
0x8f: {  	_ = 	snop  }
0x90: {  	s2 =	sld [smem:$0x3FC8];
	(tm) =	ssettm $0x1  }
0x91: {  	s18 =	sld [smem:$0x3FFB];
	_ =	sdelay $0x3  }
0x92: {  	_ =	strace s18  }
0x93: {  	s3 =	sld [smem:$0x3FFC];
	_ =	sdelay $0x3  }
0x94: {  	_ =	strace s3  }
0x95: {  	s3 =	sld [smem:$0x3FFD];
	_ =	sdelay $0x3  }
0x96: {  	_ =	strace s3  }
0x97: {  	_ =	strace $0x8FFFFFFF  }
0x98: {  	s19 =	sld [smem:$0x3FDB];
	_ =	sdelay $0x1  }
0x99: {  	s4 =	simm.s32 $_scs_section_size  }
0x9a: {  	s5 =	simm.s32 $_size__tile_overlayer_lowered;
	s6 =	simm.s32 $_tile_overlayer_lowered  }
0x9b: {  	s22 =	simm.s32 $0x1BFF;
	s21 =	sshll.u32 s6, $0x1;
	s3 =	sadd.s32 s4, s19  }
0x9c: {  	s7 =	simm.s32 $0x0;
	s20 =	sshll.u32 s5, $0x1;
	s5 =	sadd.s32 s21, s3  }
0x9d: {  	[timem:s7], [sflag:s22] =	dma.local [hbm:s5], s20  }
0x9e: {  	_ =	swait.ge [sflag:s22], s20  }
0x9f: {  	s4 =	ssub.s32 $0x0, s20;
	[sflag:s22] =	ssyncset.done $0x0  }
0xa0: {  	[sflag:s22] =	ssyncadd.s32 s4;
	_ =	sdelay $0x1  }
0xa1: {  	s23 =	simm.s32 $0x1B8B  }
0xa2: {  	_ =	swait.ge [sflag:s23], $0x1  }
0xa3: {  	[sflag:s23] =	ssyncset.done $0x0  }
0xa4: {  	s25 =	simm.s32 $0x1B8E;
	s24 =	sld [smem:$0x3FFE];
	[sflag:s23] =	ssyncadd.s32 $0xFFFFFFFF  }
0xa5: {  	s26 =	simm.s32 $execute0_lowered;
	[smem:$0x3FD2] =	sst s25  }
0xa6: {  	s5 =	sshll.u32 s26, $0x1;
	_ =	strace $0x8000004C;
	[dreg:$0x1] =	wrdreg $0xFFFFFFFF  }
0xa7: {  	s28 =	simm.s32 $_size_execute0_lowered;
	s3 =	sadd.s32 s3, s5;
	[dreg:$0x0] =	wrdreg $0x0  }
0xa8: {  	s5 =	sshll.u32 s28, $0x1;
	[dreg:$0x2] =	wrdreg s3  }
0xa9: {  	[dreg:$0x3] =	wrdreg s5  }
0xaa: {  	[dreg:$0x4] =	wrdreg $0xC0  }
0xab: {  	_ =	task [dreg:s7], $0x5FFFF  }
0xac: {  	[dreg:$0x1] =	wrdreg $0xFFFFFFFF  }
0xad: {  	[dreg:$0x0] =	wrdreg $0x60  }
0xae: {  	[dreg:$0x2] =	wrdreg s24  }
0xaf: {  	[dreg:$0x3] =	wrdreg s2  }
0xb0: {  	[dreg:$0x4] =	wrdreg $0x0  }
0xb1: {  	[dreg:$0x5] =	wrdreg $0x9  }
0xb2: {  	_ =	task.clear_ibuf [dreg:s7], $0x6FFFF;
	_ =	strace $0x9000004C  }
0xb3: {  	s29 =	simm.s32 $0x9;
	_ =	strace $0x8000004E  }
0xb4: {  	_ =	swait.ge [sflag:s29], $0x1  }
0xb5: {  	[sflag:s29] =	ssyncadd.s32 $0xFFFFFFFF  }
0xb6: {  	_ =	strace $0x9000004E  }
0xb7: {  	_ =	sfence  }
0xb8: {  	s30 =	sld [smem:$0x0];
	_ =	sdelay $0x2  }
0xb9: {  	s31 =	sshll.u32 s1, $0xD;
	s1 =	sshrl.u32 s1, $0x2  }
0xba: {  	s3 =	sand.u32 $0x4000, s31;
	s1 =	sadd.s32 s1, s30  }
0xbb: {  	s0 =	sor.u32 s3, s0;
	s1 =	sshll.u32 s1, $0x11  }
0xbc: {  	s0 =	sor.u32 s1, s0  }
0xbd: {  	s0 =	sadd.s32 $0x8F2B, s0  }
0xbe: {  	[sflag:s0] =	ssyncadd.remote.s32 $0x1  }
0xbf: {  	_ =	sfence.sel $0xFFFF  }
0xc0: {  	[dreg:$0x0] =	wrdreg $0xFFFFFFFF;
	(pc) =	sbr.abs _section_cstart, $3  }
0xc1: {  	[dreg:$0x1] =	wrdreg $0xFFFFFFFF  }
0xc2: {  	_ =	task.clear_ibuf [dreg:s7], $0x2FFFF;
	_ =	strace $0x9FFFFFFF  }
0xc3: {  	(tm) =	ssettm $0x7FFFFFFF  }
tec
execute0_lowered:
.L_overlay_start_1:
0x0: {  	(tag) =	ssettag $0x1  }
0x1: {  	s0 =	rddreg [dreg:$0x0]  }
0x2: {  	s2 =	rddreg [dreg:$0x1]  }
0x3: {  	s1 =	rddreg [dreg:$0x2]  }
0x4: {  	s3 =	srdreg.scid;
	s8 =	stileid.u32  }
0x5: {  	s16 =	simm.s32 $0x17C00;
	s17 =	simm.s32 $0x3;
	s18 =	simm.s32 $0x13C00  }
0x6: {  	s19 =	simm.s32 $0x4;
	s20 =	simm.s32 $0x80;
	s21 =	simm.s32 $0x1BC00  }
0x7: {  	s22 =	simm.s32 $0x1;
	s23 =	simm.s32 $0x2;
	s7 =	smul.u32 $0x13C00, s8  }
0x8: {  	s25 =	simm.s32 $0x0;
	s5 =	sand.u32 $0x1, s3;
	s28 =	smul.u32 $0x4F000, s8  }
0x9: {  	s3 =	simm.s32 $0x0;
	s4 =	sadd.s32 $0x2C00, s0;
	s6 =	smul.u32 $0x13C000, s5  }
0xa: {  	[smem:$0x7FF] =	sst s3;
	s26 =	sshll.u32 s5, $0x4;
	s5 =	ssub.s32 $0x2, s5  }
0xb: {  	_ =	strace $0x8000004D;
	s24 =	sor.u32 s8, s26;
	s30 =	sshrl.u32 s5, $0x1  }
0xc: {  	s6 =	sadd.s32 s7, s6;
	s29 =	smul.u32 $0x4E, s24;
	s9 =	smin.u32 s24, $0x4  }
0xd: {  	s7 =	sshrl.u32 s28, $0x2;
	s15 =	ssub.s32 s5, s30;
	p0 =	sgt.u32 s24, $0x3  }
0xe: {  	s6 =	sshrl.u32 s6, $0x3;
	s5 =	sadd.s32 s7, s1;
	s15 =	smax.u32 s15, $0x1  }
0xf: {  	s0 =	sadd.s32 s6, s0;
	s31 =	sadd.s32 s9, s29;
	s6 =	sadd.s32 $0x4000, s5  }
0x10: {  	s7 =	sadd.s32 $0x8000, s5;
	s8 =	sadd.s32 $0xC000, s5;
	s10 =	sshll.u32 s31, $0x5  }
0x11: {  	s9 =	sadd.s32 $0x10000, s5;
	s14 =	sadd.s32 $0x29E00, s0;
	s10 =	sadd.s32 s2, s10  }
0x12: {  	v0 =	vimm.f32 $0.0e+00;
	s11 =	sadd.s32 $0x400, s10;
	s12 =	sadd.s32 $0x800, s10;
	s13 =	sadd.s32 $0x9C0, s10  }
.LBB2_1:
0x13: {  	s2 =	sand.u32 $0xFE00, s3  }
0x14: {  	s26 =	sand.u32 $0x70, s3;
	s28 =	sshrl.u32 s2, $0x2  }
0x15: {  	s2 =	simm.s32 $0x40;
	s28 =	sor.u32 s26, s28;
	s26 =	simm.s32 $0x0  }
.LBB2_2:
0x16: {  	p1 =	sne.s32 s2, $0xFFC0  }
0x17: {  	[tilespmem:s28+$0x17C00] =	vst v0;
	s26 =	sadd.s32 $0x10, s26;
	s28 =	smov.u32 s2;
	s2 =	sadd.s32 $0x40, s2  }
.Ltmp0:
0x18: {  	(pc) =	sbr.rel @p1 .LBB2_2-.Ltmp0, $4  }
0x19: {  	_ = 	snop  }
0x1a: {  	s28 =	sand.u32 $0xFE00, s28  }
0x1b: {  	s29 =	sand.u32 $0x70, s26;
	s28 =	sshrl.u32 s28, $0x2  }
0x1c: {  	s28 =	sor.u32 s29, s28  }
0x1d: {  	[tilespmem:s28+$0x17C00] =	vst v0  }
0x1e: {  	[spmem:s5] =	stream.linear.scatter [tilespmem:s16], [sflag:$0x3], $0x4000, $0x38;
	[tilespmem:$0x1FC00] =	vst v63  }
0x1f: {  	_ = 	snop  }
0x20: {  	[spmem:s6] =	stream.linear.scatter [tilespmem:s16], [sflag:$0x3], $0x4000, $0x38;
	[tilespmem:$0x1FC00] =	vst v63  }
0x21: {  	_ = 	snop  }
0x22: {  	[spmem:s7] =	stream.linear.scatter [tilespmem:s16], [sflag:$0x3], $0x4000, $0x38;
	[tilespmem:$0x1FC00] =	vst v63  }
0x23: {  	_ = 	snop  }
0x24: {  	[spmem:s8] =	stream.linear.scatter [tilespmem:s16], [sflag:$0x3], $0x4000, $0x38;
	[tilespmem:$0x1FC00] =	vst v63  }
0x25: {  	_ = 	snop  }
0x26: {  	[spmem:s9] =	stream.linear.scatter [tilespmem:s16], [sflag:$0x3], $0x3C00, $0x38;
	[tilespmem:$0x1FC00] =	vst v63  }
0x27: {  	_ =	swait.ge [sflag:s17], $0x4000  }
0x28: {  	[sflag:s17] =	ssyncset.done $0x0  }
0x29: {  	[sflag:s17] =	ssyncadd.s32 $0xFFFFC000  }
0x2a: {  	_ =	swait.ge [sflag:s17], $0x4000  }
0x2b: {  	[sflag:s17] =	ssyncset.done $0x0  }
0x2c: {  	[sflag:s17] =	ssyncadd.s32 $0xFFFFC000  }
0x2d: {  	_ =	swait.ge [sflag:s17], $0x4000  }
0x2e: {  	[sflag:s17] =	ssyncset.done $0x0  }
0x2f: {  	[sflag:s17] =	ssyncadd.s32 $0xFFFFC000  }
0x30: {  	_ =	swait.ge [sflag:s17], $0x4000  }
0x31: {  	[sflag:s17] =	ssyncset.done $0x0  }
0x32: {  	[sflag:s17] =	ssyncadd.s32 $0xFFFFC000  }
0x33: {  	_ =	swait.ge [sflag:s17], $0x3C00  }
0x34: {  	[sflag:s17] =	ssyncset.done $0x0  }
0x35: {  	[sflag:s17] =	ssyncadd.s32 $0xFFFFC400  }
0x36: {  	s2 =	simm.s32 $0x0;
	[bflag:$0x0] =	sbarrier.arrive $0xFFFF  }
0x37: {  	[tilespmem:s18], [sflag:$0x4] =	stream.linear.gather [hbm4b:s10+s2], $0x2000, $0x38;
	[tilespmem:$0x1FC00] =	vst v63  }
0x38: {  	_ =	swait.ge [sflag:s19], $0x2000  }
0x39: {  	[sflag:s19] =	ssyncset.done $0x0  }
0x3a: {  	[sflag:s19] =	ssyncadd.s32 $0xFFFFE000  }
.LBB2_5:
0x3b: {  	p1 =	sne.s32 s2, $0x0  }
0x3c: {  	s26 =	simm.s32 @p1 $0x3  }
0x3d: {  	_ =	swait.ge @p1 [sflag:s26], $0x2000  }
0x3e: {  	[sflag:s26] =	ssyncset.done @p1 $0x0  }
0x3f: {  	s28 =	simm.s32 @p1 $0x13C00;
	[sflag:s26] =	ssyncadd.s32 @p1 $0xFFFFE000;
	s26 =	simm.s32 @p1 $0x0  }
0x40: {  	[tilespmem:s28], [sflag:$0x3] =	stream.linear.gather @p1 [hbm4b:s12+s26], $0xE00, $0x38;
	[tilespmem:$0x1FC00] =	vst v63  }
0x41: {  	s31 =	sshll.u32 s2, $0xF;
	s26 =	simm.s32 @!p1 $0x0;
	s28 =	simm.s32 @!p1 $0x15C00  }
0x42: {  	[tilespmem:s28], [sflag:$0x3] =	stream.linear.gather @!p1 [hbm4b:s11+s26], $0x2000, $0x38;
	[tilespmem:$0x1FC00] =	vst v63  }
0x43: {  	s26 =	sshra.s32 s31, $0x2  }
0x44: {  	s28 =	sadd.s32 $0x13C00, s26  }
0x45: {  	[tilespmem:s16], [sflag:$0x1] =	stream.indirect.gather [hbm4b:s4+s20], $0x80, s28, s20, $0xb8;
	[tilespmem:$0x1FC00] =	vst v63  }
0x46: {  	s29 =	sadd.s32 $0xFFFFE200, s28  }
0x47: {  	s0 =	sadd.s32 $0x1F00, s29  }
0x48: {  	[tilespmem:s21], [sflag:$0x2] =	stream.indirect.gather [hbm4b:s4+s20], $0x80, s0, s20, $0xb8;
	[tilespmem:$0x1FC00] =	vst v63  }
0x49: {  	_ =	swait.ge [sflag:s22], $0x4000  }
0x4a: {  	[sflag:s22] =	ssyncset.done $0x0  }
0x4b: {  	s24 =	sadd.s32 $0x1E80, s29;
	[sflag:s22] =	ssyncadd.s32 $0xFFFFC000  }
0x4c: {  	[spmem:s1] =	stream.indirect.scatter.add.f32 [tilespmem:s16], [sflag:$0x4], $0x80, s24, s20, $0xb8;
	[tilespmem:$0x1FC00] =	vst v63  }
0x4d: {  	_ =	swait.ge [sflag:s19], $0x4000  }
0x4e: {  	[sflag:s19] =	ssyncset.done $0x0  }
0x4f: {  	s31 =	sadd.s32 $0x2000, s29;
	[sflag:s19] =	ssyncadd.s32 $0xFFFFC000  }
0x50: {  	[tilespmem:s16], [sflag:$0x1] =	stream.indirect.gather [hbm4b:s4+s20], $0x80, s31, s20, $0xb8;
	[tilespmem:$0x1FC00] =	vst v63  }
0x51: {  	_ =	swait.ge [sflag:s23], $0x4000  }
0x52: {  	[sflag:s23] =	ssyncset.done $0x0  }
0x53: {  	s29 =	sadd.s32 $0x1F80, s29;
	[sflag:s23] =	ssyncadd.s32 $0xFFFFC000  }
0x54: {  	[spmem:s1] =	stream.indirect.scatter.add.f32 [tilespmem:s21], [sflag:$0x4], $0x80, s29, s20, $0xb8;
	[tilespmem:$0x1FC00] =	vst v63  }
0x55: {  	s30 =	simm.s32 $0xFFFF9800;
	s2 =	simm.s32 @!p1 $0x1;
	_ =	swait.ge [sflag:s19], $0x4000  }
0x56: {  	s2 =	simm.s32 @p1 $0x2;
	s29 =	sadd.s32 $0xFFFFE400, s28;
	[sflag:s19] =	ssyncset.done $0x0  }
.LBB2_6:
0x57: {  	s31 =	sadd.s32 $0x1F00, s29  }
0x58: {  	[sflag:s19] =	ssyncadd.s32 $0xFFFFC000;
	s0 =	smov.u32 s30;
	s24 =	sadd.s32 $0x800, s30  }
0x59: {  	[tilespmem:s21], [sflag:$0x2] =	stream.indirect.gather [hbm4b:s4+s20], $0x80, s31, s20, $0xb8;
	[tilespmem:$0x1FC00] =	vst v63  }
0x5a: {  	p2 =	seq.s32 s30, $0xFFFFF800;
	_ =	swait.ge [sflag:s22], $0x4000  }
0x5b: {  	[sflag:s22] =	ssyncset.done $0x0  }
0x5c: {  	s30 =	sadd.s32 $0x1E80, s29;
	[sflag:s22] =	ssyncadd.s32 $0xFFFFC000  }
0x5d: {  	[spmem:s1] =	stream.indirect.scatter.add.f32 [tilespmem:s16], [sflag:$0x4], $0x80, s30, s20, $0xb8;
	[tilespmem:$0x1FC00] =	vst v63  }
0x5e: {  	_ =	swait.ge [sflag:s19], $0x4000  }
0x5f: {  	[sflag:s19] =	ssyncset.done $0x0  }
0x60: {  	s30 =	sadd.s32 $0x2000, s29;
	[sflag:s19] =	ssyncadd.s32 $0xFFFFC000  }
0x61: {  	[tilespmem:s16], [sflag:$0x1] =	stream.indirect.gather [hbm4b:s4+s20], $0x80, s30, s20, $0xb8;
	[tilespmem:$0x1FC00] =	vst v63  }
0x62: {  	_ =	swait.ge [sflag:s23], $0x4000  }
.Ltmp1:
0x63: {  	[sflag:s23] =	ssyncset.done $0x0;
	(pc) =	sbr.rel @!p2 .LBB2_6-.Ltmp1, $4  }
0x64: {  	s29 =	sadd.s32 $0x1F80, s29;
	[sflag:s23] =	ssyncadd.s32 $0xFFFFC000  }
0x65: {  	[spmem:s1] =	stream.indirect.scatter.add.f32 [tilespmem:s21], [sflag:$0x4], $0x80, s29, s20, $0xb8;
	[tilespmem:$0x1FC00] =	vst v63  }
0x66: {  	s0 =	sshra.s32 s0, $0x2;
	_ =	swait.ge [sflag:s19], $0x4000  }
0x67: {  	s30 =	smov.u32 s24;
	s29 =	sadd.s32 s0, s28;
	[sflag:s19] =	ssyncset.done $0x0  }
0x68: {  	s0 =	sadd.s32 $0x1F00, s29;
	[sflag:s19] =	ssyncadd.s32 $0xFFFFC000  }
0x69: {  	[tilespmem:s21], [sflag:$0x2] =	stream.indirect.gather [hbm4b:s4+s20], $0x80, s0, s20, $0xb8;
	[tilespmem:$0x1FC00] =	vst v63  }
0x6a: {  	_ =	swait.ge [sflag:s22], $0x4000  }
0x6b: {  	[sflag:s22] =	ssyncset.done $0x0  }
0x6c: {  	s28 =	sadd.s32 $0x1E80, s29;
	[sflag:s22] =	ssyncadd.s32 $0xFFFFC000  }
0x6d: {  	[spmem:s1] =	stream.indirect.scatter.add.f32 [tilespmem:s16], [sflag:$0x4], $0x80, s28, s20, $0xb8;
	[tilespmem:$0x1FC00] =	vst v63  }
0x6e: {  	_ =	swait.ge [sflag:s19], $0x4000  }
0x6f: {  	[sflag:s19] =	ssyncset.done $0x0  }
0x70: {  	s30 =	sadd.s32 $0x2000, s29;
	[sflag:s19] =	ssyncadd.s32 $0xFFFFC000  }
0x71: {  	[tilespmem:s16], [sflag:$0x1] =	stream.indirect.gather [hbm4b:s4+s20], $0x80, s30, s20, $0xb8;
	[tilespmem:$0x1FC00] =	vst v63  }
0x72: {  	_ =	swait.ge [sflag:s23], $0x4000  }
0x73: {  	[sflag:s23] =	ssyncset.done $0x0  }
0x74: {  	s31 =	sadd.s32 $0x1F80, s29;
	[sflag:s23] =	ssyncadd.s32 $0xFFFFC000  }
0x75: {  	[spmem:s1] =	stream.indirect.scatter.add.f32 [tilespmem:s21], [sflag:$0x4], $0x80, s31, s20, $0xb8;
	[tilespmem:$0x1FC00] =	vst v63  }
0x76: {  	_ =	swait.ge [sflag:s19], $0x4000  }
0x77: {  	[sflag:s19] =	ssyncset.done $0x0  }
0x78: {  	[sflag:s19] =	ssyncadd.s32 $0xFFFFC000  }
0x79: {  	s28 =	sadd.s32 $0x15B00, s26  }
0x7a: {  	[tilespmem:s21], [sflag:$0x2] =	stream.indirect.gather [hbm4b:s4+s20], $0x80, s28, s20, $0xb8;
	[tilespmem:$0x1FC00] =	vst v63  }
0x7b: {  	_ =	swait.ge [sflag:s22], $0x4000  }
0x7c: {  	[sflag:s22] =	ssyncset.done $0x0  }
0x7d: {  	s30 =	sadd.s32 $0x15A80, s26;
	[sflag:s22] =	ssyncadd.s32 $0xFFFFC000  }
0x7e: {  	[spmem:s1] =	stream.indirect.scatter.add.f32 [tilespmem:s16], [sflag:$0x4], $0x80, s30, s20, $0xb8;
	[tilespmem:$0x1FC00] =	vst v63  }
0x7f: {  	_ =	swait.ge [sflag:s19], $0x4000  }
0x80: {  	[sflag:s19] =	ssyncset.done $0x0  }
0x81: {  	[sflag:s19] =	ssyncadd.s32 $0xFFFFC000  }
0x82: {  	_ =	swait.ge [sflag:s23], $0x4000  }
0x83: {  	[sflag:s23] =	ssyncset.done $0x0  }
.Ltmp2:
0x84: {  	s31 =	sadd.s32 $0x15B80, s26;
	[sflag:s23] =	ssyncadd.s32 $0xFFFFC000;
	(pc) =	sbr.rel @!p1 .LBB2_5-.Ltmp2, $4  }
0x85: {  	[spmem:s1] =	stream.indirect.scatter.add.f32 [tilespmem:s21], [sflag:$0x4], $0x80, s31, s20, $0xb8;
	[tilespmem:$0x1FC00] =	vst v63  }
0x86: {  	_ =	swait.ge [sflag:s19], $0x4000  }
0x87: {  	[sflag:s19] =	ssyncset.done $0x0  }
0x88: {  	[sflag:s19] =	ssyncadd.s32 $0xFFFFC000  }
0x89: {  	_ =	swait.ge [sflag:s17], $0xE00  }
0x8a: {  	[sflag:s17] =	ssyncset.done $0x0  }
0x8b: {  	[sflag:s17] =	ssyncadd.s32 $0xFFFFF200  }
0x8c: {  	[tilespmem:s16], [sflag:$0x1] =	stream.indirect.gather [hbm4b:s4+s20], $0x80, s18, s20, $0xb8;
	[tilespmem:$0x1FC00] =	vst v63  }
0x8d: {  	s0 =	simm.s32 $0x13D00  }
0x8e: {  	[tilespmem:s21], [sflag:$0x2] =	stream.indirect.gather [hbm4b:s4+s20], $0x80, s0, s20, $0xb8;
	[tilespmem:$0x1FC00] =	vst v63  }
0x8f: {  	_ =	swait.ge [sflag:s22], $0x4000  }
0x90: {  	[sflag:s22] =	ssyncset.done $0x0  }
0x91: {  	s2 =	simm.s32 $0x13C80;
	[sflag:s22] =	ssyncadd.s32 $0xFFFFC000  }
0x92: {  	[spmem:s1] =	stream.indirect.scatter.add.f32 [tilespmem:s16], [sflag:$0x4], $0x80, s2, s20, $0xb8;
	[tilespmem:$0x1FC00] =	vst v63  }
0x93: {  	_ =	swait.ge [sflag:s19], $0x4000  }
0x94: {  	[sflag:s19] =	ssyncset.done $0x0  }
0x95: {  	s24 =	simm.s32 $0x13E00;
	[sflag:s19] =	ssyncadd.s32 $0xFFFFC000  }
0x96: {  	[tilespmem:s16], [sflag:$0x1] =	stream.indirect.gather [hbm4b:s4+s20], $0x80, s24, s20, $0xb8;
	[tilespmem:$0x1FC00] =	vst v63  }
0x97: {  	_ =	swait.ge [sflag:s23], $0x4000  }
0x98: {  	[sflag:s23] =	ssyncset.done $0x0  }
0x99: {  	s26 =	simm.s32 $0x13D80;
	[sflag:s23] =	ssyncadd.s32 $0xFFFFC000  }
0x9a: {  	[spmem:s1] =	stream.indirect.scatter.add.f32 [tilespmem:s21], [sflag:$0x4], $0x80, s26, s20, $0xb8;
	[tilespmem:$0x1FC00] =	vst v63  }
0x9b: {  	_ =	swait.ge [sflag:s19], $0x4000  }
0x9c: {  	[sflag:s19] =	ssyncset.done $0x0  }
0x9d: {  	s28 =	simm.s32 $0x13F00;
	[sflag:s19] =	ssyncadd.s32 $0xFFFFC000  }
0x9e: {  	[tilespmem:s21], [sflag:$0x2] =	stream.indirect.gather [hbm4b:s4+s20], $0x80, s28, s20, $0xb8;
	[tilespmem:$0x1FC00] =	vst v63  }
0x9f: {  	_ =	swait.ge [sflag:s22], $0x4000  }
0xa0: {  	[sflag:s22] =	ssyncset.done $0x0  }
0xa1: {  	s29 =	simm.s32 $0x13E80;
	[sflag:s22] =	ssyncadd.s32 $0xFFFFC000  }
0xa2: {  	[spmem:s1] =	stream.indirect.scatter.add.f32 [tilespmem:s16], [sflag:$0x4], $0x80, s29, s20, $0xb8;
	[tilespmem:$0x1FC00] =	vst v63  }
0xa3: {  	_ =	swait.ge [sflag:s19], $0x4000  }
0xa4: {  	[sflag:s19] =	ssyncset.done $0x0  }
0xa5: {  	s30 =	simm.s32 $0x14000;
	[sflag:s19] =	ssyncadd.s32 $0xFFFFC000  }
0xa6: {  	[tilespmem:s16], [sflag:$0x1] =	stream.indirect.gather [hbm4b:s4+s20], $0x80, s30, s20, $0xb8;
	[tilespmem:$0x1FC00] =	vst v63  }
0xa7: {  	_ =	swait.ge [sflag:s23], $0x4000  }
0xa8: {  	[sflag:s23] =	ssyncset.done $0x0  }
0xa9: {  	s31 =	simm.s32 $0x13F80;
	[sflag:s23] =	ssyncadd.s32 $0xFFFFC000  }
0xaa: {  	[spmem:s1] =	stream.indirect.scatter.add.f32 [tilespmem:s21], [sflag:$0x4], $0x80, s31, s20, $0xb8;
	[tilespmem:$0x1FC00] =	vst v63  }
0xab: {  	_ =	swait.ge [sflag:s19], $0x4000  }
0xac: {  	[sflag:s19] =	ssyncset.done $0x0  }
0xad: {  	s2 =	simm.s32 $0x14100;
	[sflag:s19] =	ssyncadd.s32 $0xFFFFC000  }
0xae: {  	[tilespmem:s21], [sflag:$0x2] =	stream.indirect.gather [hbm4b:s4+s20], $0x80, s2, s20, $0xb8;
	[tilespmem:$0x1FC00] =	vst v63  }
0xaf: {  	_ =	swait.ge [sflag:s22], $0x4000  }
0xb0: {  	[sflag:s22] =	ssyncset.done $0x0  }
0xb1: {  	s24 =	simm.s32 $0x14080;
	[sflag:s22] =	ssyncadd.s32 $0xFFFFC000  }
0xb2: {  	[spmem:s1] =	stream.indirect.scatter.add.f32 [tilespmem:s16], [sflag:$0x4], $0x80, s24, s20, $0xb8;
	[tilespmem:$0x1FC00] =	vst v63  }
0xb3: {  	_ =	swait.ge [sflag:s19], $0x4000  }
0xb4: {  	[sflag:s19] =	ssyncset.done $0x0  }
0xb5: {  	s26 =	simm.s32 $0x14200;
	[sflag:s19] =	ssyncadd.s32 $0xFFFFC000  }
0xb6: {  	[tilespmem:s16], [sflag:$0x1] =	stream.indirect.gather [hbm4b:s4+s20], $0x80, s26, s20, $0xb8;
	[tilespmem:$0x1FC00] =	vst v63  }
0xb7: {  	_ =	swait.ge [sflag:s23], $0x4000  }
0xb8: {  	[sflag:s23] =	ssyncset.done $0x0  }
0xb9: {  	s28 =	simm.s32 $0x14180;
	[sflag:s23] =	ssyncadd.s32 $0xFFFFC000  }
0xba: {  	[spmem:s1] =	stream.indirect.scatter.add.f32 [tilespmem:s21], [sflag:$0x4], $0x80, s28, s20, $0xb8;
	[tilespmem:$0x1FC00] =	vst v63  }
0xbb: {  	_ =	swait.ge [sflag:s19], $0x4000  }
0xbc: {  	[sflag:s19] =	ssyncset.done $0x0  }
0xbd: {  	s29 =	simm.s32 $0x14300;
	[sflag:s19] =	ssyncadd.s32 $0xFFFFC000  }
0xbe: {  	[tilespmem:s21], [sflag:$0x2] =	stream.indirect.gather [hbm4b:s4+s20], $0x80, s29, s20, $0xb8;
	[tilespmem:$0x1FC00] =	vst v63  }
0xbf: {  	_ =	swait.ge [sflag:s22], $0x4000  }
0xc0: {  	[sflag:s22] =	ssyncset.done $0x0  }
0xc1: {  	s30 =	simm.s32 $0x14280;
	[sflag:s22] =	ssyncadd.s32 $0xFFFFC000  }
0xc2: {  	[spmem:s1] =	stream.indirect.scatter.add.f32 [tilespmem:s16], [sflag:$0x4], $0x80, s30, s20, $0xb8;
	[tilespmem:$0x1FC00] =	vst v63  }
0xc3: {  	_ =	swait.ge [sflag:s19], $0x4000  }
0xc4: {  	[sflag:s19] =	ssyncset.done $0x0  }
0xc5: {  	s31 =	simm.s32 $0x14400;
	[sflag:s19] =	ssyncadd.s32 $0xFFFFC000  }
0xc6: {  	[tilespmem:s16], [sflag:$0x1] =	stream.indirect.gather [hbm4b:s4+s20], $0x80, s31, s20, $0xb8;
	[tilespmem:$0x1FC00] =	vst v63  }
0xc7: {  	_ =	swait.ge [sflag:s23], $0x4000  }
0xc8: {  	[sflag:s23] =	ssyncset.done $0x0  }
0xc9: {  	s2 =	simm.s32 $0x14380;
	[sflag:s23] =	ssyncadd.s32 $0xFFFFC000  }
0xca: {  	[spmem:s1] =	stream.indirect.scatter.add.f32 [tilespmem:s21], [sflag:$0x4], $0x80, s2, s20, $0xb8;
	[tilespmem:$0x1FC00] =	vst v63  }
0xcb: {  	_ =	swait.ge [sflag:s19], $0x4000  }
0xcc: {  	[sflag:s19] =	ssyncset.done $0x0  }
0xcd: {  	s24 =	simm.s32 $0x14500;
	[sflag:s19] =	ssyncadd.s32 $0xFFFFC000  }
0xce: {  	[tilespmem:s21], [sflag:$0x2] =	stream.indirect.gather [hbm4b:s4+s20], $0x80, s24, s20, $0xb8;
	[tilespmem:$0x1FC00] =	vst v63  }
0xcf: {  	_ =	swait.ge [sflag:s22], $0x4000  }
0xd0: {  	[sflag:s22] =	ssyncset.done $0x0  }
0xd1: {  	s26 =	simm.s32 $0x14480;
	[sflag:s22] =	ssyncadd.s32 $0xFFFFC000  }
0xd2: {  	[spmem:s1] =	stream.indirect.scatter.add.f32 [tilespmem:s16], [sflag:$0x4], $0x80, s26, s20, $0xb8;
	[tilespmem:$0x1FC00] =	vst v63  }
0xd3: {  	_ =	swait.ge [sflag:s19], $0x4000  }
0xd4: {  	[sflag:s19] =	ssyncset.done $0x0  }
0xd5: {  	s28 =	simm.s32 $0x14600;
	[sflag:s19] =	ssyncadd.s32 $0xFFFFC000  }
0xd6: {  	[tilespmem:s16], [sflag:$0x1] =	stream.indirect.gather [hbm4b:s4+s20], $0x80, s28, s20, $0xb8;
	[tilespmem:$0x1FC00] =	vst v63  }
0xd7: {  	_ =	swait.ge [sflag:s23], $0x4000  }
0xd8: {  	[sflag:s23] =	ssyncset.done $0x0  }
0xd9: {  	s29 =	simm.s32 $0x14580;
	[sflag:s23] =	ssyncadd.s32 $0xFFFFC000  }
0xda: {  	[spmem:s1] =	stream.indirect.scatter.add.f32 [tilespmem:s21], [sflag:$0x4], $0x80, s29, s20, $0xb8;
	[tilespmem:$0x1FC00] =	vst v63  }
0xdb: {  	_ =	swait.ge [sflag:s19], $0x4000  }
0xdc: {  	[sflag:s19] =	ssyncset.done $0x0  }
0xdd: {  	s30 =	simm.s32 $0x14700;
	[sflag:s19] =	ssyncadd.s32 $0xFFFFC000  }
0xde: {  	[tilespmem:s21], [sflag:$0x2] =	stream.indirect.gather [hbm4b:s4+s20], $0x80, s30, s20, $0xb8;
	[tilespmem:$0x1FC00] =	vst v63  }
0xdf: {  	_ =	swait.ge [sflag:s22], $0x4000  }
0xe0: {  	[sflag:s22] =	ssyncset.done $0x0  }
0xe1: {  	s31 =	simm.s32 $0x14680;
	[sflag:s22] =	ssyncadd.s32 $0xFFFFC000  }
0xe2: {  	[spmem:s1] =	stream.indirect.scatter.add.f32 [tilespmem:s16], [sflag:$0x4], $0x80, s31, s20, $0xb8;
	[tilespmem:$0x1FC00] =	vst v63  }
0xe3: {  	_ =	swait.ge [sflag:s19], $0x4000  }
0xe4: {  	[sflag:s19] =	ssyncset.done $0x0  }
0xe5: {  	s2 =	simm.s32 $0x14800;
	[sflag:s19] =	ssyncadd.s32 $0xFFFFC000  }
0xe6: {  	[tilespmem:s16], [sflag:$0x1] =	stream.indirect.gather [hbm4b:s4+s20], $0x80, s2, s20, $0xb8;
	[tilespmem:$0x1FC00] =	vst v63  }
0xe7: {  	_ =	swait.ge [sflag:s23], $0x4000  }
0xe8: {  	[sflag:s23] =	ssyncset.done $0x0  }
0xe9: {  	s24 =	simm.s32 $0x14780;
	[sflag:s23] =	ssyncadd.s32 $0xFFFFC000  }
0xea: {  	[spmem:s1] =	stream.indirect.scatter.add.f32 [tilespmem:s21], [sflag:$0x4], $0x80, s24, s20, $0xb8;
	[tilespmem:$0x1FC00] =	vst v63  }
0xeb: {  	_ =	swait.ge [sflag:s19], $0x4000  }
0xec: {  	[sflag:s19] =	ssyncset.done $0x0  }
0xed: {  	s26 =	simm.s32 $0x14900;
	[sflag:s19] =	ssyncadd.s32 $0xFFFFC000  }
0xee: {  	[tilespmem:s21], [sflag:$0x2] =	stream.indirect.gather [hbm4b:s4+s20], $0x80, s26, s20, $0xb8;
	[tilespmem:$0x1FC00] =	vst v63  }
0xef: {  	_ =	swait.ge [sflag:s22], $0x4000  }
0xf0: {  	[sflag:s22] =	ssyncset.done $0x0  }
0xf1: {  	s28 =	simm.s32 $0x14880;
	[sflag:s22] =	ssyncadd.s32 $0xFFFFC000  }
0xf2: {  	[spmem:s1] =	stream.indirect.scatter.add.f32 [tilespmem:s16], [sflag:$0x4], $0x80, s28, s20, $0xb8;
	[tilespmem:$0x1FC00] =	vst v63  }
0xf3: {  	_ =	swait.ge [sflag:s19], $0x4000  }
0xf4: {  	[sflag:s19] =	ssyncset.done $0x0  }
0xf5: {  	[sflag:s19] =	ssyncadd.s32 $0xFFFFC000  }
0xf6: {  	_ =	swait.ge [sflag:s23], $0x4000  }
0xf7: {  	[sflag:s23] =	ssyncset.done $0x0  }
0xf8: {  	s29 =	simm.s32 $0x14980;
	[sflag:s23] =	ssyncadd.s32 $0xFFFFC000  }
0xf9: {  	[spmem:s1] =	stream.indirect.scatter.add.f32 [tilespmem:s21], [sflag:$0x4], $0x80, s29, s20, $0xb8;
	[tilespmem:$0x1FC00] =	vst v63  }
0xfa: {  	_ =	swait.ge [sflag:s19], $0x4000  }
0xfb: {  	[sflag:s19] =	ssyncset.done $0x0  }
0xfc: {  	s0 =	simm.s32 @!p0 $0x0;
	s2 =	simm.s32 @!p0 $0x13C00;
	[sflag:s19] =	ssyncadd.s32 $0xFFFFC000  }
0xfd: {  	[tilespmem:s2], [sflag:$0x4] =	stream.linear.gather @!p0 [hbm4b:s13+s0], $0x100, $0x38;
	[tilespmem:$0x1FC00] =	vst v63  }
0xfe: {  	s0 =	simm.s32 @!p0 $0x4  }
0xff: {  	_ =	swait.ge @!p0 [sflag:s0], $0x100  }
0x100: {  	[sflag:s0] =	ssyncset.done @!p0 $0x0  }
0x101: {  	s24 =	simm.s32 @!p0 $0x80;
	s26 =	simm.s32 @!p0 $0x17C00;
	[sflag:s0] =	ssyncadd.s32 @!p0 $0xFFFFFF00  }
0x102: {  	[tilespmem:s26], [sflag:$0x1] =	stream.indirect.gather @!p0 [hbm4b:s4+s24], $0x80, s2, s24, $0xb8;
	[tilespmem:$0x1FC00] =	vst v63  }
0x103: {  	s2 =	simm.s32 @!p0 $0x1  }
0x104: {  	_ =	swait.ge @!p0 [sflag:s2], $0x4000  }
0x105: {  	[sflag:s2] =	ssyncset.done @!p0 $0x0  }
0x106: {  	[sflag:s2] =	ssyncadd.s32 @!p0 $0xFFFFC000;
	s2 =	simm.s32 @!p0 $0x13C80  }
0x107: {  	[spmem:s1] =	stream.indirect.scatter.add.f32 @!p0 [tilespmem:s26], [sflag:$0x4], $0x80, s2, s24, $0xb8;
	[tilespmem:$0x1FC00] =	vst v63  }
0x108: {  	s25 =	sadd.s32 $0x1, s25;
	_ =	swait.ge @!p0 [sflag:s0], $0x4000  }
0x109: {  	p1 =	sne.s32 s25, s15;
	s30 =	stileid.u32;
	[sflag:s0] =	ssyncset.done @!p0 $0x0  }
0x10a: {  	s31 =	sshrl.u32 s5, $0x3;
	[sflag:s0] =	ssyncadd.s32 @!p0 $0xFFFFC000;
	s0 =	sshll.u32 s30, $0x6  }
.Ltmp3:
0x10b: {  	[bflag:$0x0] =	sbarrier.arrive $0xFFFF;
	s0 =	sor.u32 $0x1C04, s0;
	(pc) =	sbr.rel @p1 .LBB2_1-.Ltmp3, $4  }
0x10c: {  	[hbm:s14], [sflag:s0] =	dma.local [spmem:s31], $0x2780  }
0x10d: {  	_ =	swait.ge [sflag:s19], $0x2780  }
0x10e: {  	[sflag:s19] =	ssyncset.done $0x0  }
0x10f: {  	[sflag:s19] =	ssyncadd.s32 $0xFFFFD880  }
0x110: {  	_ =	sfence.sel $0x180000  }
0x111: {  	[bflag:$0x0] =	sbarrier.arrive $0xFFFF  }
0x112: {  	_ =	strace $0x9000004D  }
0x113: {  	s0 =	stileid.u32;
	[bflag:$0x2] =	sbarrier.arrive $0xFFFF  }
0x114: {  	p0 =	sne.s32 s0, $0x0;
	s0 =	rddreg [dreg:$0x3]  }
0x115: {  	s0 =	sadd.s32 @!p0 $0x100000, s0  }
0x116: {  	[sflag:s0] =	ssyncadd.tile.s32 @!p0 $0x1;
	_ =	shalt  }
.Lfunc_end2:
_tile_overlayer_lowered:
.L_overlay_start_2:
0x117: {  	(tag) =	ssettag $0x2  }
0x118: {  	s0 =	rddreg [dreg:$0x0];
	s2 =	stileid.u32  }
0x119: {  	s1 =	rddreg [dreg:$0x1];
	p0 =	sne.s32 s2, $0x0  }
0x11a: {  	s3 =	rddreg [dreg:$0x2];
	[bflag:$0x3] =	sbarrier.arrive $0xFFFF;
	s2 =	simm.s32 @!p0 $0x1C04  }
0x11b: {  	[timem:s3], [sflag:s2] =	dma.local @!p0 [hbm:s0], s1  }
0x11c: {  	s0 =	simm.s32 @!p0 $0x4  }
0x11d: {  	_ =	swait.ge @!p0 [sflag:s0], s1  }
0x11e: {  	s1 =	ssub.s32 @!p0 $0x0, s1;
	[sflag:s0] =	ssyncset.done @!p0 $0x0  }
0x11f: {  	[sflag:s0] =	ssyncadd.s32 @!p0 s1  }
0x120: {  	[bflag:$0x3] =	sbarrier.arrive $0xFFFF  }
0x121: {  	_ =	shalt  }

// kernel: kernel.20.cloned.1.call-start
scs
__scs_entry_jumppad:
0x0: {  	(pc) =	sbr.rel $0x88, $3  }
0x1: {  	(tag) =	ssettag $0x0;
	lr =	simm.s32 $0x1  }
0x2: {  	[smem:$0x3F99] =	sst lr;
	_ =	strace $0xD0000000  }
0x3: {  	_ = 	snop  }
0x4: {  	_ = 	snop  }
0x5: {  	_ = 	snop  }
0x6: {  	_ = 	snop  }
0x7: {  	_ = 	snop  }
__scs_overlays_trampoline_lowered:
0x8: {  	[smem:$0x3FA8] =	sst s0  }
0x9: {  	[smem:$0x3FA9] =	sst s1  }
0xa: {  	[smem:$0x3FAA] =	sst s2  }
0xb: {  	[smem:$0x3FAB] =	sst s3  }
0xc: {  	[smem:$0x3FAC] =	sst s4  }
0xd: {  	[smem:$0x3FAD] =	sst s5  }
0xe: {  	[smem:$0x3FAE] =	sst s6  }
0xf: {  	[smem:$0x3FAF] =	sst s7  }
0x10: {  	[smem:$0x3FB0] =	sst s8  }
0x11: {  	[smem:$0x3FB1] =	sst s9;
	s0 =	simm.s32 @!p0 $0x0  }
0x12: {  	s1 =	sld [smem:$0x3F97];
	s0 =	simm.s32 @p0 $0x1  }
0x13: {  	[smem:$0x3FB2] =	sst s0;
	s0 =	simm.s32 @!p1 $0x0  }
0x14: {  	s2 =	sld [smem:$0x3F96];
	s0 =	simm.s32 @p1 $0x1  }
0x15: {  	[smem:$0x3FB3] =	sst s0;
	s0 =	simm.s32 @!p2 $0x0  }
0x16: {  	s3 =	sld [smem:$0x3FDB];
	s0 =	simm.s32 @p2 $0x1  }
0x17: {  	s4 =	simm.s32 $0x1BF5;
	[smem:$0x3FB5] =	sst s0  }
0x18: {  	s0 =	sld [smem:$0x3F98];
	_ =	swait.ge [sflag:s4], $0x0  }
0x19: {  	s7 =	sld [smem:$0x3F99]  }
0x1a: {  	s8 =	sadd.s32 $0xFFFFE003, lr  }
0x1b: {  	s9 =	sadd.s32 $0xFFFFFEF7, lr;
	s5 =	simm.s32 $0xFFFFFFFF;
	p2 =	slt.u32 s8, $0xFFFFF086  }
0x1c: {  	p1 =	slt.u32 s9, $0xF7A;
	s5 =	simm.s32 @!p2 $0x0  }
0x1d: {  	s5 =	simm.s32 @p1 $0x1;
	p0 =	seq.s32 s7, s2  }
0x1e: {  	s7 =	smul.u32 @!p0 $0xF7A, s2;
	p2 =	seq.s32 @!p0 s5, $0x0  }
0x1f: {  	s9 =	smul.u32 $0xF7A, s1;
	s8 =	simm.s32 @!p0 $0x1BF5;
	p2 =	por !p2, p0  }
0x20: {  	[sflag:s8] =	ssyncset.s32 @!p0 $0xFFFFF086;
	s6 =	sadd.s32 @!p0 s3, s7;
	s7 =	simm.s32 @!p0 $0x108  }
0x21: {  	s3 =	sadd.s32 s3, s9;
	s6 =	sadd.s32 @!p0 $0x88, s6;
	s7 =	simm.s32 @p2 $0x1082  }
0x22: {  	[simem:s7], [sflag:s8] =	dma.local @!p0 [hbm:s6], $0xF7A  }
0x23: {  	s9 =	sor.u32 $0xD0000000, s2;
	s6 =	simm.s32 $0x108;
	_ =	swait.ge @!p0 [sflag:s8], $0x0  }
0x24: {  	s3 =	sadd.s32 $0x88, s3;
	s6 =	simm.s32 @!p1 $0x1082;
	[sflag:s4] =	ssyncset.s32 $0xFFFFF086  }
0x25: {  	[simem:s6], [sflag:s4] =	dma.local [hbm:s3], $0xF7A  }
0x26: {  	[smem:$0x3F99] =	sst s1;
	(tag) =	ssettag s2;
	_ =	strace s9  }
0x27: {  	s1 =	sld [smem:$0x3FA9]  }
0x28: {  	s2 =	sld [smem:$0x3FAA]  }
0x29: {  	s4 =	sld [smem:$0x3FAC]  }
0x2a: {  	p0 =	seq.s32 s5, $0x0;
	s5 =	sld [smem:$0x3FAD]  }
0x2b: {  	s6 =	sld [smem:$0x3FAE]  }
0x2c: {  	s7 =	sld [smem:$0x3FAF]  }
0x2d: {  	s3 =	simm.s32 $0x108;
	s8 =	sld [smem:$0x3FB0]  }
0x2e: {  	s3 =	simm.s32 @!p0 $0x1082;
	s9 =	sld [smem:$0x3FB1]  }
0x2f: {  	lr =	sadd.s32 s0, s3;
	s0 =	sld [smem:$0x3FA8]  }
0x30: {  	s3 =	sld [smem:$0x3FAB]  }
0x31: {  	[smem:$0x3FB4] =	sst s10  }
0x32: {  	s10 =	sld [smem:$0x3FB2];
	_ =	sdelay $0x3  }
0x33: {  	p0 =	seq.s32 s10, $0x1;
	s10 =	sld [smem:$0x3FB4];
	_ =	sdelay $0x3  }
0x34: {  	[smem:$0x3FB4] =	sst s10  }
0x35: {  	s10 =	sld [smem:$0x3FB3];
	_ =	sdelay $0x3  }
0x36: {  	p1 =	seq.s32 s10, $0x1;
	s10 =	sld [smem:$0x3FB4];
	_ =	sdelay $0x3  }
0x37: {  	[smem:$0x3FB4] =	sst s10  }
0x38: {  	s10 =	sld [smem:$0x3FB5]  }
0x39: {  	_ = 	snop;
	(pc) =	sbr.ind lr, $3  }
0x3a: {  	_ = 	snop  }
0x3b: {  	_ = 	snop  }
0x3c: {  	p2 =	seq.s32 s10, $0x1;
	s10 =	sld [smem:$0x3FB4]  }
0x3d: {  	_ =	shalt  }
0x3e: {  	_ =	shalt  }
0x3f: {  	_ =	shalt  }
0x40: {  	_ =	shalt  }
0x41: {  	_ =	shalt  }
0x42: {  	_ =	shalt  }
0x43: {  	_ =	shalt  }
0x44: {  	_ =	shalt  }
0x45: {  	_ =	shalt  }
0x46: {  	_ =	shalt  }
0x47: {  	_ =	shalt  }
0x48: {  	_ =	shalt  }
0x49: {  	_ =	shalt  }
0x4a: {  	_ =	shalt  }
0x4b: {  	_ =	shalt  }
0x4c: {  	_ =	shalt  }
0x4d: {  	_ =	shalt  }
0x4e: {  	_ =	shalt  }
0x4f: {  	_ =	shalt  }
0x50: {  	_ =	shalt  }
0x51: {  	_ =	shalt  }
0x52: {  	_ =	shalt  }
0x53: {  	_ =	shalt  }
0x54: {  	_ =	shalt  }
0x55: {  	_ =	shalt  }
0x56: {  	_ =	shalt  }
0x57: {  	_ =	shalt  }
0x58: {  	_ =	shalt  }
0x59: {  	_ =	shalt  }
0x5a: {  	_ =	shalt  }
0x5b: {  	_ =	shalt  }
0x5c: {  	_ =	shalt  }
0x5d: {  	_ =	shalt  }
0x5e: {  	_ =	shalt  }
0x5f: {  	_ =	shalt  }
0x60: {  	_ =	shalt  }
0x61: {  	_ =	shalt  }
0x62: {  	_ =	shalt  }
0x63: {  	_ =	shalt  }
0x64: {  	_ =	shalt  }
0x65: {  	_ =	shalt  }
0x66: {  	_ =	shalt  }
0x67: {  	_ =	shalt  }
0x68: {  	_ =	shalt  }
0x69: {  	_ =	shalt  }
0x6a: {  	_ =	shalt  }
0x6b: {  	_ =	shalt  }
0x6c: {  	_ =	shalt  }
0x6d: {  	_ =	shalt  }
0x6e: {  	_ =	shalt  }
0x6f: {  	_ =	shalt  }
0x70: {  	_ =	shalt  }
0x71: {  	_ =	shalt  }
0x72: {  	_ =	shalt  }
0x73: {  	_ =	shalt  }
0x74: {  	_ =	shalt  }
0x75: {  	_ =	shalt  }
0x76: {  	_ =	shalt  }
0x77: {  	_ =	shalt  }
0x78: {  	_ =	shalt  }
0x79: {  	_ =	shalt  }
0x7a: {  	_ =	shalt  }
0x7b: {  	_ =	shalt  }
0x7c: {  	_ =	shalt  }
0x7d: {  	_ =	shalt  }
0x7e: {  	_ =	shalt  }
0x7f: {  	_ =	shalt  }
0x80: {  	_ =	shalt  }
0x81: {  	_ =	shalt  }
0x82: {  	_ =	shalt  }
0x83: {  	_ =	shalt  }
0x84: {  	_ =	shalt  }
0x85: {  	_ =	shalt  }
0x86: {  	_ =	shalt  }
0x87: {  	_ =	shalt  }
.Lfunc_end0:
.L_simem_size_0:
called_computation.3_lowered:
.L_overlay_start_0:
0x88: {  	s2 =	sld [smem:$0x3FD9]  }
0x89: {  	s3 =	sld [smem:$0x3FFE];
	_ =	sdelay $0x1  }
0x8a: {  	s1 =	srdreg.scid  }
0x8b: {  	s0 =	sand.u32 $0x1, s1  }
0x8c: {  	s17 =	sshll.u32 s0, $0xA;
	s2 =	sadd.s32 s3, s2  }
0x8d: {  	s2 =	sadd.s32 s2, s17  }
0x8e: {  	[smem:$0x3FC0] =	sst s2  }
0x8f: {  	_ = 	snop  }
0x90: {  	s2 =	sld [smem:$0x3FC8];
	(tm) =	ssettm $0x1  }
0x91: {  	s18 =	sld [smem:$0x3FFB];
	_ =	sdelay $0x3  }
0x92: {  	_ =	strace s18  }
0x93: {  	s3 =	sld [smem:$0x3FFC];
	_ =	sdelay $0x3  }
0x94: {  	_ =	strace s3  }
0x95: {  	s3 =	sld [smem:$0x3FFD];
	_ =	sdelay $0x3  }
0x96: {  	_ =	strace s3  }
0x97: {  	_ =	strace $0x8FFFFFFF  }
0x98: {  	s19 =	sld [smem:$0x3FDB];
	_ =	sdelay $0x1  }
0x99: {  	s4 =	simm.s32 $_scs_section_size  }
0x9a: {  	s5 =	simm.s32 $_size__tile_overlayer_lowered;
	s6 =	simm.s32 $_tile_overlayer_lowered  }
0x9b: {  	s22 =	simm.s32 $0x1BFF;
	s21 =	sshll.u32 s6, $0x1;
	s3 =	sadd.s32 s4, s19  }
0x9c: {  	s7 =	simm.s32 $0x0;
	s20 =	sshll.u32 s5, $0x1;
	s5 =	sadd.s32 s21, s3  }
0x9d: {  	[timem:s7], [sflag:s22] =	dma.local [hbm:s5], s20  }
0x9e: {  	_ =	swait.ge [sflag:s22], s20  }
0x9f: {  	s4 =	ssub.s32 $0x0, s20;
	[sflag:s22] =	ssyncset.done $0x0  }
0xa0: {  	[sflag:s22] =	ssyncadd.s32 s4;
	_ =	sdelay $0x1  }
0xa1: {  	s23 =	simm.s32 $0x1B8B  }
0xa2: {  	_ =	swait.ge [sflag:s23], $0x1  }
0xa3: {  	[sflag:s23] =	ssyncset.done $0x0  }
0xa4: {  	s25 =	simm.s32 $0x1B8E;
	s24 =	sld [smem:$0x3FFE];
	[sflag:s23] =	ssyncadd.s32 $0xFFFFFFFF  }
0xa5: {  	s26 =	simm.s32 $execute0_lowered;
	[smem:$0x3FD2] =	sst s25  }
0xa6: {  	s5 =	sshll.u32 s26, $0x1;
	_ =	strace $0x8000004F;
	[dreg:$0x1] =	wrdreg $0xFFFFFFFF  }
0xa7: {  	s28 =	simm.s32 $_size_execute0_lowered;
	s3 =	sadd.s32 s3, s5;
	[dreg:$0x0] =	wrdreg $0x0  }
0xa8: {  	s5 =	sshll.u32 s28, $0x1;
	[dreg:$0x2] =	wrdreg s3  }
0xa9: {  	[dreg:$0x3] =	wrdreg s5  }
0xaa: {  	[dreg:$0x4] =	wrdreg $0xC0  }
0xab: {  	_ =	task [dreg:s7], $0x5FFFF  }
0xac: {  	[dreg:$0x1] =	wrdreg $0xFFFFFFFF  }
0xad: {  	[dreg:$0x0] =	wrdreg $0x60  }
0xae: {  	[dreg:$0x2] =	wrdreg s24  }
0xaf: {  	[dreg:$0x3] =	wrdreg s2  }
0xb0: {  	[dreg:$0x4] =	wrdreg $0x0  }
0xb1: {  	[dreg:$0x5] =	wrdreg $0x9  }
0xb2: {  	_ =	task.clear_ibuf [dreg:s7], $0x6FFFF;
	_ =	strace $0x9000004F  }
0xb3: {  	s29 =	simm.s32 $0x9;
	_ =	strace $0x80000051  }
0xb4: {  	_ =	swait.ge [sflag:s29], $0x1  }
0xb5: {  	[sflag:s29] =	ssyncadd.s32 $0xFFFFFFFF  }
0xb6: {  	_ =	strace $0x90000051  }
0xb7: {  	_ =	sfence  }
0xb8: {  	s30 =	sld [smem:$0x0];
	_ =	sdelay $0x2  }
0xb9: {  	s31 =	sshll.u32 s1, $0xD;
	s1 =	sshrl.u32 s1, $0x2  }
0xba: {  	s3 =	sand.u32 $0x4000, s31;
	s1 =	sadd.s32 s1, s30  }
0xbb: {  	s0 =	sor.u32 s3, s0;
	s1 =	sshll.u32 s1, $0x11  }
0xbc: {  	s0 =	sor.u32 s1, s0  }
0xbd: {  	s0 =	sadd.s32 $0x8F2B, s0  }
0xbe: {  	[sflag:s0] =	ssyncadd.remote.s32 $0x1  }
0xbf: {  	_ =	sfence.sel $0xFFFF  }
0xc0: {  	[dreg:$0x0] =	wrdreg $0xFFFFFFFF;
	(pc) =	sbr.abs _section_cstart, $3  }
0xc1: {  	[dreg:$0x1] =	wrdreg $0xFFFFFFFF  }
0xc2: {  	_ =	task.clear_ibuf [dreg:s7], $0x2FFFF;
	_ =	strace $0x9FFFFFFF  }
0xc3: {  	(tm) =	ssettm $0x7FFFFFFF  }
tec
execute0_lowered:
.L_overlay_start_1:
0x0: {  	(tag) =	ssettag $0x1  }
0x1: {  	s0 =	rddreg [dreg:$0x0]  }
0x2: {  	s2 =	rddreg [dreg:$0x1]  }
0x3: {  	s1 =	rddreg [dreg:$0x2]  }
0x4: {  	s3 =	srdreg.scid;
	s8 =	stileid.u32  }
0x5: {  	s16 =	simm.s32 $0x17C00;
	s17 =	simm.s32 $0x3;
	s18 =	simm.s32 $0x13C00  }
0x6: {  	s19 =	simm.s32 $0x4;
	s20 =	simm.s32 $0x80;
	s21 =	simm.s32 $0x1BC00  }
0x7: {  	s22 =	simm.s32 $0x1;
	s23 =	simm.s32 $0x2;
	s7 =	smul.u32 $0x13C00, s8  }
0x8: {  	s25 =	simm.s32 $0x0;
	s5 =	sand.u32 $0x1, s3;
	s28 =	smul.u32 $0x4F000, s8  }
0x9: {  	s3 =	simm.s32 $0x0;
	s4 =	sadd.s32 $0x2C00, s0;
	s6 =	smul.u32 $0x13C000, s5  }
0xa: {  	[smem:$0x7FF] =	sst s3;
	s26 =	sshll.u32 s5, $0x4;
	s5 =	ssub.s32 $0x2, s5  }
0xb: {  	_ =	strace $0x80000050;
	s24 =	sor.u32 s8, s26;
	s30 =	sshrl.u32 s5, $0x1  }
0xc: {  	s6 =	sadd.s32 s7, s6;
	s29 =	smul.u32 $0x4E, s24;
	s9 =	smin.u32 s24, $0x4  }
0xd: {  	s7 =	sshrl.u32 s28, $0x2;
	s15 =	ssub.s32 s5, s30;
	p0 =	sgt.u32 s24, $0x3  }
0xe: {  	s6 =	sshrl.u32 s6, $0x3;
	s5 =	sadd.s32 s7, s1;
	s15 =	smax.u32 s15, $0x1  }
0xf: {  	s0 =	sadd.s32 s6, s0;
	s31 =	sadd.s32 s9, s29;
	s6 =	sadd.s32 $0x4000, s5  }
0x10: {  	s7 =	sadd.s32 $0x8000, s5;
	s8 =	sadd.s32 $0xC000, s5;
	s10 =	sshll.u32 s31, $0x5  }
0x11: {  	s9 =	sadd.s32 $0x10000, s5;
	s14 =	sadd.s32 $0x29E00, s0;
	s10 =	sadd.s32 s2, s10  }
0x12: {  	v0 =	vimm.f32 $0.0e+00;
	s11 =	sadd.s32 $0x400, s10;
	s12 =	sadd.s32 $0x800, s10;
	s13 =	sadd.s32 $0x9C0, s10  }
.LBB2_1:
0x13: {  	s2 =	sand.u32 $0xFE00, s3  }
0x14: {  	s26 =	sand.u32 $0x70, s3;
	s28 =	sshrl.u32 s2, $0x2  }
0x15: {  	s2 =	simm.s32 $0x40;
	s28 =	sor.u32 s26, s28;
	s26 =	simm.s32 $0x0  }
.LBB2_2:
0x16: {  	p1 =	sne.s32 s2, $0xFFC0  }
0x17: {  	[tilespmem:s28+$0x17C00] =	vst v0;
	s26 =	sadd.s32 $0x10, s26;
	s28 =	smov.u32 s2;
	s2 =	sadd.s32 $0x40, s2  }
.Ltmp0:
0x18: {  	(pc) =	sbr.rel @p1 .LBB2_2-.Ltmp0, $4  }
0x19: {  	_ = 	snop  }
0x1a: {  	s28 =	sand.u32 $0xFE00, s28  }
0x1b: {  	s29 =	sand.u32 $0x70, s26;
	s28 =	sshrl.u32 s28, $0x2  }
0x1c: {  	s28 =	sor.u32 s29, s28  }
0x1d: {  	[tilespmem:s28+$0x17C00] =	vst v0  }
0x1e: {  	[spmem:s5] =	stream.linear.scatter [tilespmem:s16], [sflag:$0x3], $0x4000, $0x38;
	[tilespmem:$0x1FC00] =	vst v63  }
0x1f: {  	_ = 	snop  }
0x20: {  	[spmem:s6] =	stream.linear.scatter [tilespmem:s16], [sflag:$0x3], $0x4000, $0x38;
	[tilespmem:$0x1FC00] =	vst v63  }
0x21: {  	_ = 	snop  }
0x22: {  	[spmem:s7] =	stream.linear.scatter [tilespmem:s16], [sflag:$0x3], $0x4000, $0x38;
	[tilespmem:$0x1FC00] =	vst v63  }
0x23: {  	_ = 	snop  }
0x24: {  	[spmem:s8] =	stream.linear.scatter [tilespmem:s16], [sflag:$0x3], $0x4000, $0x38;
	[tilespmem:$0x1FC00] =	vst v63  }
0x25: {  	_ = 	snop  }
0x26: {  	[spmem:s9] =	stream.linear.scatter [tilespmem:s16], [sflag:$0x3], $0x3C00, $0x38;
	[tilespmem:$0x1FC00] =	vst v63  }
0x27: {  	_ =	swait.ge [sflag:s17], $0x4000  }
0x28: {  	[sflag:s17] =	ssyncset.done $0x0  }
0x29: {  	[sflag:s17] =	ssyncadd.s32 $0xFFFFC000  }
0x2a: {  	_ =	swait.ge [sflag:s17], $0x4000  }
0x2b: {  	[sflag:s17] =	ssyncset.done $0x0  }
0x2c: {  	[sflag:s17] =	ssyncadd.s32 $0xFFFFC000  }
0x2d: {  	_ =	swait.ge [sflag:s17], $0x4000  }
0x2e: {  	[sflag:s17] =	ssyncset.done $0x0  }
0x2f: {  	[sflag:s17] =	ssyncadd.s32 $0xFFFFC000  }
0x30: {  	_ =	swait.ge [sflag:s17], $0x4000  }
0x31: {  	[sflag:s17] =	ssyncset.done $0x0  }
0x32: {  	[sflag:s17] =	ssyncadd.s32 $0xFFFFC000  }
0x33: {  	_ =	swait.ge [sflag:s17], $0x3C00  }
0x34: {  	[sflag:s17] =	ssyncset.done $0x0  }
0x35: {  	[sflag:s17] =	ssyncadd.s32 $0xFFFFC400  }
0x36: {  	s2 =	simm.s32 $0x0;
	[bflag:$0x0] =	sbarrier.arrive $0xFFFF  }
0x37: {  	[tilespmem:s18], [sflag:$0x4] =	stream.linear.gather [hbm4b:s10+s2], $0x2000, $0x38;
	[tilespmem:$0x1FC00] =	vst v63  }
0x38: {  	_ =	swait.ge [sflag:s19], $0x2000  }
0x39: {  	[sflag:s19] =	ssyncset.done $0x0  }
0x3a: {  	[sflag:s19] =	ssyncadd.s32 $0xFFFFE000  }
.LBB2_5:
0x3b: {  	p1 =	sne.s32 s2, $0x0  }
0x3c: {  	s26 =	simm.s32 @p1 $0x3  }
0x3d: {  	_ =	swait.ge @p1 [sflag:s26], $0x2000  }
0x3e: {  	[sflag:s26] =	ssyncset.done @p1 $0x0  }
0x3f: {  	s28 =	simm.s32 @p1 $0x13C00;
	[sflag:s26] =	ssyncadd.s32 @p1 $0xFFFFE000;
	s26 =	simm.s32 @p1 $0x0  }
0x40: {  	[tilespmem:s28], [sflag:$0x3] =	stream.linear.gather @p1 [hbm4b:s12+s26], $0xE00, $0x38;
	[tilespmem:$0x1FC00] =	vst v63  }
0x41: {  	s31 =	sshll.u32 s2, $0xF;
	s26 =	simm.s32 @!p1 $0x0;
	s28 =	simm.s32 @!p1 $0x15C00  }
0x42: {  	[tilespmem:s28], [sflag:$0x3] =	stream.linear.gather @!p1 [hbm4b:s11+s26], $0x2000, $0x38;
	[tilespmem:$0x1FC00] =	vst v63  }
0x43: {  	s26 =	sshra.s32 s31, $0x2  }
0x44: {  	s28 =	sadd.s32 $0x13C00, s26  }
0x45: {  	[tilespmem:s16], [sflag:$0x1] =	stream.indirect.gather [hbm4b:s4+s20], $0x80, s28, s20, $0xb8;
	[tilespmem:$0x1FC00] =	vst v63  }
0x46: {  	s29 =	sadd.s32 $0xFFFFE200, s28  }
0x47: {  	s0 =	sadd.s32 $0x1F00, s29  }
0x48: {  	[tilespmem:s21], [sflag:$0x2] =	stream.indirect.gather [hbm4b:s4+s20], $0x80, s0, s20, $0xb8;
	[tilespmem:$0x1FC00] =	vst v63  }
0x49: {  	_ =	swait.ge [sflag:s22], $0x4000  }
0x4a: {  	[sflag:s22] =	ssyncset.done $0x0  }
0x4b: {  	s24 =	sadd.s32 $0x1E80, s29;
	[sflag:s22] =	ssyncadd.s32 $0xFFFFC000  }
0x4c: {  	[spmem:s1] =	stream.indirect.scatter.add.f32 [tilespmem:s16], [sflag:$0x4], $0x80, s24, s20, $0xb8;
	[tilespmem:$0x1FC00] =	vst v63  }
0x4d: {  	_ =	swait.ge [sflag:s19], $0x4000  }
0x4e: {  	[sflag:s19] =	ssyncset.done $0x0  }
0x4f: {  	s31 =	sadd.s32 $0x2000, s29;
	[sflag:s19] =	ssyncadd.s32 $0xFFFFC000  }
0x50: {  	[tilespmem:s16], [sflag:$0x1] =	stream.indirect.gather [hbm4b:s4+s20], $0x80, s31, s20, $0xb8;
	[tilespmem:$0x1FC00] =	vst v63  }
0x51: {  	_ =	swait.ge [sflag:s23], $0x4000  }
0x52: {  	[sflag:s23] =	ssyncset.done $0x0  }
0x53: {  	s29 =	sadd.s32 $0x1F80, s29;
	[sflag:s23] =	ssyncadd.s32 $0xFFFFC000  }
0x54: {  	[spmem:s1] =	stream.indirect.scatter.add.f32 [tilespmem:s21], [sflag:$0x4], $0x80, s29, s20, $0xb8;
	[tilespmem:$0x1FC00] =	vst v63  }
0x55: {  	s30 =	simm.s32 $0xFFFF9800;
	s2 =	simm.s32 @!p1 $0x1;
	_ =	swait.ge [sflag:s19], $0x4000  }
0x56: {  	s2 =	simm.s32 @p1 $0x2;
	s29 =	sadd.s32 $0xFFFFE400, s28;
	[sflag:s19] =	ssyncset.done $0x0  }
.LBB2_6:
0x57: {  	s31 =	sadd.s32 $0x1F00, s29  }
0x58: {  	[sflag:s19] =	ssyncadd.s32 $0xFFFFC000;
	s0 =	smov.u32 s30;
	s24 =	sadd.s32 $0x800, s30  }
0x59: {  	[tilespmem:s21], [sflag:$0x2] =	stream.indirect.gather [hbm4b:s4+s20], $0x80, s31, s20, $0xb8;
	[tilespmem:$0x1FC00] =	vst v63  }
0x5a: {  	p2 =	seq.s32 s30, $0xFFFFF800;
	_ =	swait.ge [sflag:s22], $0x4000  }
0x5b: {  	[sflag:s22] =	ssyncset.done $0x0  }
0x5c: {  	s30 =	sadd.s32 $0x1E80, s29;
	[sflag:s22] =	ssyncadd.s32 $0xFFFFC000  }
0x5d: {  	[spmem:s1] =	stream.indirect.scatter.add.f32 [tilespmem:s16], [sflag:$0x4], $0x80, s30, s20, $0xb8;
	[tilespmem:$0x1FC00] =	vst v63  }
0x5e: {  	_ =	swait.ge [sflag:s19], $0x4000  }
0x5f: {  	[sflag:s19] =	ssyncset.done $0x0  }
0x60: {  	s30 =	sadd.s32 $0x2000, s29;
	[sflag:s19] =	ssyncadd.s32 $0xFFFFC000  }
0x61: {  	[tilespmem:s16], [sflag:$0x1] =	stream.indirect.gather [hbm4b:s4+s20], $0x80, s30, s20, $0xb8;
	[tilespmem:$0x1FC00] =	vst v63  }
0x62: {  	_ =	swait.ge [sflag:s23], $0x4000  }
.Ltmp1:
0x63: {  	[sflag:s23] =	ssyncset.done $0x0;
	(pc) =	sbr.rel @!p2 .LBB2_6-.Ltmp1, $4  }
0x64: {  	s29 =	sadd.s32 $0x1F80, s29;
	[sflag:s23] =	ssyncadd.s32 $0xFFFFC000  }
0x65: {  	[spmem:s1] =	stream.indirect.scatter.add.f32 [tilespmem:s21], [sflag:$0x4], $0x80, s29, s20, $0xb8;
	[tilespmem:$0x1FC00] =	vst v63  }
0x66: {  	s0 =	sshra.s32 s0, $0x2;
	_ =	swait.ge [sflag:s19], $0x4000  }
0x67: {  	s30 =	smov.u32 s24;
	s29 =	sadd.s32 s0, s28;
	[sflag:s19] =	ssyncset.done $0x0  }
0x68: {  	s0 =	sadd.s32 $0x1F00, s29;
	[sflag:s19] =	ssyncadd.s32 $0xFFFFC000  }
0x69: {  	[tilespmem:s21], [sflag:$0x2] =	stream.indirect.gather [hbm4b:s4+s20], $0x80, s0, s20, $0xb8;
	[tilespmem:$0x1FC00] =	vst v63  }
0x6a: {  	_ =	swait.ge [sflag:s22], $0x4000  }
0x6b: {  	[sflag:s22] =	ssyncset.done $0x0  }
0x6c: {  	s28 =	sadd.s32 $0x1E80, s29;
	[sflag:s22] =	ssyncadd.s32 $0xFFFFC000  }
0x6d: {  	[spmem:s1] =	stream.indirect.scatter.add.f32 [tilespmem:s16], [sflag:$0x4], $0x80, s28, s20, $0xb8;
	[tilespmem:$0x1FC00] =	vst v63  }
0x6e: {  	_ =	swait.ge [sflag:s19], $0x4000  }
0x6f: {  	[sflag:s19] =	ssyncset.done $0x0  }
0x70: {  	s30 =	sadd.s32 $0x2000, s29;
	[sflag:s19] =	ssyncadd.s32 $0xFFFFC000  }
0x71: {  	[tilespmem:s16], [sflag:$0x1] =	stream.indirect.gather [hbm4b:s4+s20], $0x80, s30, s20, $0xb8;
	[tilespmem:$0x1FC00] =	vst v63  }
0x72: {  	_ =	swait.ge [sflag:s23], $0x4000  }
0x73: {  	[sflag:s23] =	ssyncset.done $0x0  }
0x74: {  	s31 =	sadd.s32 $0x1F80, s29;
	[sflag:s23] =	ssyncadd.s32 $0xFFFFC000  }
0x75: {  	[spmem:s1] =	stream.indirect.scatter.add.f32 [tilespmem:s21], [sflag:$0x4], $0x80, s31, s20, $0xb8;
	[tilespmem:$0x1FC00] =	vst v63  }
0x76: {  	_ =	swait.ge [sflag:s19], $0x4000  }
0x77: {  	[sflag:s19] =	ssyncset.done $0x0  }
0x78: {  	[sflag:s19] =	ssyncadd.s32 $0xFFFFC000  }
0x79: {  	s28 =	sadd.s32 $0x15B00, s26  }
0x7a: {  	[tilespmem:s21], [sflag:$0x2] =	stream.indirect.gather [hbm4b:s4+s20], $0x80, s28, s20, $0xb8;
	[tilespmem:$0x1FC00] =	vst v63  }
0x7b: {  	_ =	swait.ge [sflag:s22], $0x4000  }
0x7c: {  	[sflag:s22] =	ssyncset.done $0x0  }
0x7d: {  	s30 =	sadd.s32 $0x15A80, s26;
	[sflag:s22] =	ssyncadd.s32 $0xFFFFC000  }
0x7e: {  	[spmem:s1] =	stream.indirect.scatter.add.f32 [tilespmem:s16], [sflag:$0x4], $0x80, s30, s20, $0xb8;
	[tilespmem:$0x1FC00] =	vst v63  }
0x7f: {  	_ =	swait.ge [sflag:s19], $0x4000  }
0x80: {  	[sflag:s19] =	ssyncset.done $0x0  }
0x81: {  	[sflag:s19] =	ssyncadd.s32 $0xFFFFC000  }
0x82: {  	_ =	swait.ge [sflag:s23], $0x4000  }
0x83: {  	[sflag:s23] =	ssyncset.done $0x0  }
.Ltmp2:
0x84: {  	s31 =	sadd.s32 $0x15B80, s26;
	[sflag:s23] =	ssyncadd.s32 $0xFFFFC000;
	(pc) =	sbr.rel @!p1 .LBB2_5-.Ltmp2, $4  }
0x85: {  	[spmem:s1] =	stream.indirect.scatter.add.f32 [tilespmem:s21], [sflag:$0x4], $0x80, s31, s20, $0xb8;
	[tilespmem:$0x1FC00] =	vst v63  }
0x86: {  	_ =	swait.ge [sflag:s19], $0x4000  }
0x87: {  	[sflag:s19] =	ssyncset.done $0x0  }
0x88: {  	[sflag:s19] =	ssyncadd.s32 $0xFFFFC000  }
0x89: {  	_ =	swait.ge [sflag:s17], $0xE00  }
0x8a: {  	[sflag:s17] =	ssyncset.done $0x0  }
0x8b: {  	[sflag:s17] =	ssyncadd.s32 $0xFFFFF200  }
0x8c: {  	[tilespmem:s16], [sflag:$0x1] =	stream.indirect.gather [hbm4b:s4+s20], $0x80, s18, s20, $0xb8;
	[tilespmem:$0x1FC00] =	vst v63  }
0x8d: {  	s0 =	simm.s32 $0x13D00  }
0x8e: {  	[tilespmem:s21], [sflag:$0x2] =	stream.indirect.gather [hbm4b:s4+s20], $0x80, s0, s20, $0xb8;
	[tilespmem:$0x1FC00] =	vst v63  }
0x8f: {  	_ =	swait.ge [sflag:s22], $0x4000  }
0x90: {  	[sflag:s22] =	ssyncset.done $0x0  }
0x91: {  	s2 =	simm.s32 $0x13C80;
	[sflag:s22] =	ssyncadd.s32 $0xFFFFC000  }
0x92: {  	[spmem:s1] =	stream.indirect.scatter.add.f32 [tilespmem:s16], [sflag:$0x4], $0x80, s2, s20, $0xb8;
	[tilespmem:$0x1FC00] =	vst v63  }
0x93: {  	_ =	swait.ge [sflag:s19], $0x4000  }
0x94: {  	[sflag:s19] =	ssyncset.done $0x0  }
0x95: {  	s24 =	simm.s32 $0x13E00;
	[sflag:s19] =	ssyncadd.s32 $0xFFFFC000  }
0x96: {  	[tilespmem:s16], [sflag:$0x1] =	stream.indirect.gather [hbm4b:s4+s20], $0x80, s24, s20, $0xb8;
	[tilespmem:$0x1FC00] =	vst v63  }
0x97: {  	_ =	swait.ge [sflag:s23], $0x4000  }
0x98: {  	[sflag:s23] =	ssyncset.done $0x0  }
0x99: {  	s26 =	simm.s32 $0x13D80;
	[sflag:s23] =	ssyncadd.s32 $0xFFFFC000  }
0x9a: {  	[spmem:s1] =	stream.indirect.scatter.add.f32 [tilespmem:s21], [sflag:$0x4], $0x80, s26, s20, $0xb8;
	[tilespmem:$0x1FC00] =	vst v63  }
0x9b: {  	_ =	swait.ge [sflag:s19], $0x4000  }
0x9c: {  	[sflag:s19] =	ssyncset.done $0x0  }
0x9d: {  	s28 =	simm.s32 $0x13F00;
	[sflag:s19] =	ssyncadd.s32 $0xFFFFC000  }
0x9e: {  	[tilespmem:s21], [sflag:$0x2] =	stream.indirect.gather [hbm4b:s4+s20], $0x80, s28, s20, $0xb8;
	[tilespmem:$0x1FC00] =	vst v63  }
0x9f: {  	_ =	swait.ge [sflag:s22], $0x4000  }
0xa0: {  	[sflag:s22] =	ssyncset.done $0x0  }
0xa1: {  	s29 =	simm.s32 $0x13E80;
	[sflag:s22] =	ssyncadd.s32 $0xFFFFC000  }
0xa2: {  	[spmem:s1] =	stream.indirect.scatter.add.f32 [tilespmem:s16], [sflag:$0x4], $0x80, s29, s20, $0xb8;
	[tilespmem:$0x1FC00] =	vst v63  }
0xa3: {  	_ =	swait.ge [sflag:s19], $0x4000  }
0xa4: {  	[sflag:s19] =	ssyncset.done $0x0  }
0xa5: {  	s30 =	simm.s32 $0x14000;
	[sflag:s19] =	ssyncadd.s32 $0xFFFFC000  }
0xa6: {  	[tilespmem:s16], [sflag:$0x1] =	stream.indirect.gather [hbm4b:s4+s20], $0x80, s30, s20, $0xb8;
	[tilespmem:$0x1FC00] =	vst v63  }
0xa7: {  	_ =	swait.ge [sflag:s23], $0x4000  }
0xa8: {  	[sflag:s23] =	ssyncset.done $0x0  }
0xa9: {  	s31 =	simm.s32 $0x13F80;
	[sflag:s23] =	ssyncadd.s32 $0xFFFFC000  }
0xaa: {  	[spmem:s1] =	stream.indirect.scatter.add.f32 [tilespmem:s21], [sflag:$0x4], $0x80, s31, s20, $0xb8;
	[tilespmem:$0x1FC00] =	vst v63  }
0xab: {  	_ =	swait.ge [sflag:s19], $0x4000  }
0xac: {  	[sflag:s19] =	ssyncset.done $0x0  }
0xad: {  	s2 =	simm.s32 $0x14100;
	[sflag:s19] =	ssyncadd.s32 $0xFFFFC000  }
0xae: {  	[tilespmem:s21], [sflag:$0x2] =	stream.indirect.gather [hbm4b:s4+s20], $0x80, s2, s20, $0xb8;
	[tilespmem:$0x1FC00] =	vst v63  }
0xaf: {  	_ =	swait.ge [sflag:s22], $0x4000  }
0xb0: {  	[sflag:s22] =	ssyncset.done $0x0  }
0xb1: {  	s24 =	simm.s32 $0x14080;
	[sflag:s22] =	ssyncadd.s32 $0xFFFFC000  }
0xb2: {  	[spmem:s1] =	stream.indirect.scatter.add.f32 [tilespmem:s16], [sflag:$0x4], $0x80, s24, s20, $0xb8;
	[tilespmem:$0x1FC00] =	vst v63  }
0xb3: {  	_ =	swait.ge [sflag:s19], $0x4000  }
0xb4: {  	[sflag:s19] =	ssyncset.done $0x0  }
0xb5: {  	s26 =	simm.s32 $0x14200;
	[sflag:s19] =	ssyncadd.s32 $0xFFFFC000  }
0xb6: {  	[tilespmem:s16], [sflag:$0x1] =	stream.indirect.gather [hbm4b:s4+s20], $0x80, s26, s20, $0xb8;
	[tilespmem:$0x1FC00] =	vst v63  }
0xb7: {  	_ =	swait.ge [sflag:s23], $0x4000  }
0xb8: {  	[sflag:s23] =	ssyncset.done $0x0  }
0xb9: {  	s28 =	simm.s32 $0x14180;
	[sflag:s23] =	ssyncadd.s32 $0xFFFFC000  }
0xba: {  	[spmem:s1] =	stream.indirect.scatter.add.f32 [tilespmem:s21], [sflag:$0x4], $0x80, s28, s20, $0xb8;
	[tilespmem:$0x1FC00] =	vst v63  }
0xbb: {  	_ =	swait.ge [sflag:s19], $0x4000  }
0xbc: {  	[sflag:s19] =	ssyncset.done $0x0  }
0xbd: {  	s29 =	simm.s32 $0x14300;
	[sflag:s19] =	ssyncadd.s32 $0xFFFFC000  }
0xbe: {  	[tilespmem:s21], [sflag:$0x2] =	stream.indirect.gather [hbm4b:s4+s20], $0x80, s29, s20, $0xb8;
	[tilespmem:$0x1FC00] =	vst v63  }
0xbf: {  	_ =	swait.ge [sflag:s22], $0x4000  }
0xc0: {  	[sflag:s22] =	ssyncset.done $0x0  }
0xc1: {  	s30 =	simm.s32 $0x14280;
	[sflag:s22] =	ssyncadd.s32 $0xFFFFC000  }
0xc2: {  	[spmem:s1] =	stream.indirect.scatter.add.f32 [tilespmem:s16], [sflag:$0x4], $0x80, s30, s20, $0xb8;
	[tilespmem:$0x1FC00] =	vst v63  }
0xc3: {  	_ =	swait.ge [sflag:s19], $0x4000  }
0xc4: {  	[sflag:s19] =	ssyncset.done $0x0  }
0xc5: {  	s31 =	simm.s32 $0x14400;
	[sflag:s19] =	ssyncadd.s32 $0xFFFFC000  }
0xc6: {  	[tilespmem:s16], [sflag:$0x1] =	stream.indirect.gather [hbm4b:s4+s20], $0x80, s31, s20, $0xb8;
	[tilespmem:$0x1FC00] =	vst v63  }
0xc7: {  	_ =	swait.ge [sflag:s23], $0x4000  }
0xc8: {  	[sflag:s23] =	ssyncset.done $0x0  }
0xc9: {  	s2 =	simm.s32 $0x14380;
	[sflag:s23] =	ssyncadd.s32 $0xFFFFC000  }
0xca: {  	[spmem:s1] =	stream.indirect.scatter.add.f32 [tilespmem:s21], [sflag:$0x4], $0x80, s2, s20, $0xb8;
	[tilespmem:$0x1FC00] =	vst v63  }
0xcb: {  	_ =	swait.ge [sflag:s19], $0x4000  }
0xcc: {  	[sflag:s19] =	ssyncset.done $0x0  }
0xcd: {  	s24 =	simm.s32 $0x14500;
	[sflag:s19] =	ssyncadd.s32 $0xFFFFC000  }
0xce: {  	[tilespmem:s21], [sflag:$0x2] =	stream.indirect.gather [hbm4b:s4+s20], $0x80, s24, s20, $0xb8;
	[tilespmem:$0x1FC00] =	vst v63  }
0xcf: {  	_ =	swait.ge [sflag:s22], $0x4000  }
0xd0: {  	[sflag:s22] =	ssyncset.done $0x0  }
0xd1: {  	s26 =	simm.s32 $0x14480;
	[sflag:s22] =	ssyncadd.s32 $0xFFFFC000  }
0xd2: {  	[spmem:s1] =	stream.indirect.scatter.add.f32 [tilespmem:s16], [sflag:$0x4], $0x80, s26, s20, $0xb8;
	[tilespmem:$0x1FC00] =	vst v63  }
0xd3: {  	_ =	swait.ge [sflag:s19], $0x4000  }
0xd4: {  	[sflag:s19] =	ssyncset.done $0x0  }
0xd5: {  	s28 =	simm.s32 $0x14600;
	[sflag:s19] =	ssyncadd.s32 $0xFFFFC000  }
0xd6: {  	[tilespmem:s16], [sflag:$0x1] =	stream.indirect.gather [hbm4b:s4+s20], $0x80, s28, s20, $0xb8;
	[tilespmem:$0x1FC00] =	vst v63  }
0xd7: {  	_ =	swait.ge [sflag:s23], $0x4000  }
0xd8: {  	[sflag:s23] =	ssyncset.done $0x0  }
0xd9: {  	s29 =	simm.s32 $0x14580;
	[sflag:s23] =	ssyncadd.s32 $0xFFFFC000  }
0xda: {  	[spmem:s1] =	stream.indirect.scatter.add.f32 [tilespmem:s21], [sflag:$0x4], $0x80, s29, s20, $0xb8;
	[tilespmem:$0x1FC00] =	vst v63  }
0xdb: {  	_ =	swait.ge [sflag:s19], $0x4000  }
0xdc: {  	[sflag:s19] =	ssyncset.done $0x0  }
0xdd: {  	s30 =	simm.s32 $0x14700;
	[sflag:s19] =	ssyncadd.s32 $0xFFFFC000  }
0xde: {  	[tilespmem:s21], [sflag:$0x2] =	stream.indirect.gather [hbm4b:s4+s20], $0x80, s30, s20, $0xb8;
	[tilespmem:$0x1FC00] =	vst v63  }
0xdf: {  	_ =	swait.ge [sflag:s22], $0x4000  }
0xe0: {  	[sflag:s22] =	ssyncset.done $0x0  }
0xe1: {  	s31 =	simm.s32 $0x14680;
	[sflag:s22] =	ssyncadd.s32 $0xFFFFC000  }
0xe2: {  	[spmem:s1] =	stream.indirect.scatter.add.f32 [tilespmem:s16], [sflag:$0x4], $0x80, s31, s20, $0xb8;
	[tilespmem:$0x1FC00] =	vst v63  }
0xe3: {  	_ =	swait.ge [sflag:s19], $0x4000  }
0xe4: {  	[sflag:s19] =	ssyncset.done $0x0  }
0xe5: {  	s2 =	simm.s32 $0x14800;
	[sflag:s19] =	ssyncadd.s32 $0xFFFFC000  }
0xe6: {  	[tilespmem:s16], [sflag:$0x1] =	stream.indirect.gather [hbm4b:s4+s20], $0x80, s2, s20, $0xb8;
	[tilespmem:$0x1FC00] =	vst v63  }
0xe7: {  	_ =	swait.ge [sflag:s23], $0x4000  }
0xe8: {  	[sflag:s23] =	ssyncset.done $0x0  }
0xe9: {  	s24 =	simm.s32 $0x14780;
	[sflag:s23] =	ssyncadd.s32 $0xFFFFC000  }
0xea: {  	[spmem:s1] =	stream.indirect.scatter.add.f32 [tilespmem:s21], [sflag:$0x4], $0x80, s24, s20, $0xb8;
	[tilespmem:$0x1FC00] =	vst v63  }
0xeb: {  	_ =	swait.ge [sflag:s19], $0x4000  }
0xec: {  	[sflag:s19] =	ssyncset.done $0x0  }
0xed: {  	s26 =	simm.s32 $0x14900;
	[sflag:s19] =	ssyncadd.s32 $0xFFFFC000  }
0xee: {  	[tilespmem:s21], [sflag:$0x2] =	stream.indirect.gather [hbm4b:s4+s20], $0x80, s26, s20, $0xb8;
	[tilespmem:$0x1FC00] =	vst v63  }
0xef: {  	_ =	swait.ge [sflag:s22], $0x4000  }
0xf0: {  	[sflag:s22] =	ssyncset.done $0x0  }
0xf1: {  	s28 =	simm.s32 $0x14880;
	[sflag:s22] =	ssyncadd.s32 $0xFFFFC000  }
0xf2: {  	[spmem:s1] =	stream.indirect.scatter.add.f32 [tilespmem:s16], [sflag:$0x4], $0x80, s28, s20, $0xb8;
	[tilespmem:$0x1FC00] =	vst v63  }
0xf3: {  	_ =	swait.ge [sflag:s19], $0x4000  }
0xf4: {  	[sflag:s19] =	ssyncset.done $0x0  }
0xf5: {  	[sflag:s19] =	ssyncadd.s32 $0xFFFFC000  }
0xf6: {  	_ =	swait.ge [sflag:s23], $0x4000  }
0xf7: {  	[sflag:s23] =	ssyncset.done $0x0  }
0xf8: {  	s29 =	simm.s32 $0x14980;
	[sflag:s23] =	ssyncadd.s32 $0xFFFFC000  }
0xf9: {  	[spmem:s1] =	stream.indirect.scatter.add.f32 [tilespmem:s21], [sflag:$0x4], $0x80, s29, s20, $0xb8;
	[tilespmem:$0x1FC00] =	vst v63  }
0xfa: {  	_ =	swait.ge [sflag:s19], $0x4000  }
0xfb: {  	[sflag:s19] =	ssyncset.done $0x0  }
0xfc: {  	s0 =	simm.s32 @!p0 $0x0;
	s2 =	simm.s32 @!p0 $0x13C00;
	[sflag:s19] =	ssyncadd.s32 $0xFFFFC000  }
0xfd: {  	[tilespmem:s2], [sflag:$0x4] =	stream.linear.gather @!p0 [hbm4b:s13+s0], $0x100, $0x38;
	[tilespmem:$0x1FC00] =	vst v63  }
0xfe: {  	s0 =	simm.s32 @!p0 $0x4  }
0xff: {  	_ =	swait.ge @!p0 [sflag:s0], $0x100  }
0x100: {  	[sflag:s0] =	ssyncset.done @!p0 $0x0  }
0x101: {  	s24 =	simm.s32 @!p0 $0x80;
	s26 =	simm.s32 @!p0 $0x17C00;
	[sflag:s0] =	ssyncadd.s32 @!p0 $0xFFFFFF00  }
0x102: {  	[tilespmem:s26], [sflag:$0x1] =	stream.indirect.gather @!p0 [hbm4b:s4+s24], $0x80, s2, s24, $0xb8;
	[tilespmem:$0x1FC00] =	vst v63  }
0x103: {  	s2 =	simm.s32 @!p0 $0x1  }
0x104: {  	_ =	swait.ge @!p0 [sflag:s2], $0x4000  }
0x105: {  	[sflag:s2] =	ssyncset.done @!p0 $0x0  }
0x106: {  	[sflag:s2] =	ssyncadd.s32 @!p0 $0xFFFFC000;
	s2 =	simm.s32 @!p0 $0x13C80  }
0x107: {  	[spmem:s1] =	stream.indirect.scatter.add.f32 @!p0 [tilespmem:s26], [sflag:$0x4], $0x80, s2, s24, $0xb8;
	[tilespmem:$0x1FC00] =	vst v63  }
0x108: {  	s25 =	sadd.s32 $0x1, s25;
	_ =	swait.ge @!p0 [sflag:s0], $0x4000  }
0x109: {  	p1 =	sne.s32 s25, s15;
	s30 =	stileid.u32;
	[sflag:s0] =	ssyncset.done @!p0 $0x0  }
0x10a: {  	s31 =	sshrl.u32 s5, $0x3;
	[sflag:s0] =	ssyncadd.s32 @!p0 $0xFFFFC000;
	s0 =	sshll.u32 s30, $0x6  }
.Ltmp3:
0x10b: {  	[bflag:$0x0] =	sbarrier.arrive $0xFFFF;
	s0 =	sor.u32 $0x1C04, s0;
	(pc) =	sbr.rel @p1 .LBB2_1-.Ltmp3, $4  }
0x10c: {  	[hbm:s14], [sflag:s0] =	dma.local [spmem:s31], $0x2780  }
0x10d: {  	_ =	swait.ge [sflag:s19], $0x2780  }
0x10e: {  	[sflag:s19] =	ssyncset.done $0x0  }
0x10f: {  	[sflag:s19] =	ssyncadd.s32 $0xFFFFD880  }
0x110: {  	_ =	sfence.sel $0x180000  }
0x111: {  	[bflag:$0x0] =	sbarrier.arrive $0xFFFF  }
0x112: {  	_ =	strace $0x90000050  }
0x113: {  	s0 =	stileid.u32;
	[bflag:$0x2] =	sbarrier.arrive $0xFFFF  }
0x114: {  	p0 =	sne.s32 s0, $0x0;
	s0 =	rddreg [dreg:$0x3]  }
0x115: {  	s0 =	sadd.s32 @!p0 $0x100000, s0  }
0x116: {  	[sflag:s0] =	ssyncadd.tile.s32 @!p0 $0x1;
	_ =	shalt  }
.Lfunc_end2:
_tile_overlayer_lowered:
.L_overlay_start_2:
0x117: {  	(tag) =	ssettag $0x2  }
0x118: {  	s0 =	rddreg [dreg:$0x0];
	s2 =	stileid.u32  }
0x119: {  	s1 =	rddreg [dreg:$0x1];
	p0 =	sne.s32 s2, $0x0  }
0x11a: {  	s3 =	rddreg [dreg:$0x2];
	[bflag:$0x3] =	sbarrier.arrive $0xFFFF;
	s2 =	simm.s32 @!p0 $0x1C04  }
0x11b: {  	[timem:s3], [sflag:s2] =	dma.local @!p0 [hbm:s0], s1  }
0x11c: {  	s0 =	simm.s32 @!p0 $0x4  }
0x11d: {  	_ =	swait.ge @!p0 [sflag:s0], s1  }
0x11e: {  	s1 =	ssub.s32 @!p0 $0x0, s1;
	[sflag:s0] =	ssyncset.done @!p0 $0x0  }
0x11f: {  	[sflag:s0] =	ssyncadd.s32 @!p0 s1  }
0x120: {  	[bflag:$0x3] =	sbarrier.arrive $0xFFFF  }
0x121: {  	_ =	shalt  }

</sc_bundles>
